<compile_context>
chip_gen: v7x
topology: tpu7x:2x2x1
jax: 0.10.2.dev20260603
libtpu: 0.0.44.dev20260713+nightly
codegen_flags: <defaults>
</compile_context>

<pallas_src>
import functools

import jax
import jax.numpy as jnp
import numpy as np
from jax import lax
from jax.experimental import pallas as pl
from jax.experimental.pallas import tpu as pltpu
from jax.experimental.pallas import tpu_sc as plsc

_G = 64
_NPG = 32
_N = _G * _NPG
_EPG = 512
_E = _G * _EPG
_FEA = 128
_C = 256
_L = 4
_T = 10
_H = 8
_DH = _C // _H
_PED = 20
_BH = 64
_MINR = 0.1

_NB = 8
_GPB = _G // _NB
_R = _GPB * _NPG
_W = 128

_dot = functools.partial(lax.dot_general, preferred_element_type=jnp.float32,
                         precision=lax.Precision.HIGHEST)
_dot_fast = functools.partial(lax.dot_general, preferred_element_type=jnp.float32)

_NW = 32
_GPW = _G // _NW
_EPW = _GPW * _EPG
_BINS = _GPW * _NPG * _NPG
_HALF = 16 * _BINS
_IR = 8
_IC = _EPW // _IR


def _hist_body(src_hbm, dst_hbm, out_hbm, src_v, dst_v, idx_v, ones_v,
               zero_v, shared):
    c = lax.axis_index("c")
    s = lax.axis_index("s")
    w = c * 16 + s
    pltpu.sync_copy(src_hbm.at[pl.ds(w * _EPW, _EPW)], src_v)
    pltpu.sync_copy(dst_hbm.at[pl.ds(w * _EPW, _EPW)], dst_v)
    zeros16 = jnp.zeros((16,), jnp.float32)
    ones16 = jnp.ones((16,), jnp.float32)

    def zfill(t, carry):
        zero_v[pl.ds(t * 16, 16)] = zeros16
        return carry

    lax.fori_loop(0, _BINS // 16, zfill, 0)

    def ofill(t, carry):
        ones_v[pl.ds(t * 16, 16)] = ones16
        return carry

    lax.fori_loop(0, _IC // 16, ofill, 0)

    base_row = c * (16 * _GPW * _NPG)
    for r in range(_IR):
        def cbody(k, carry, _r=r):
            sv = src_v[pl.ds(_r * _IC + k * 16, 16)]
            dv = dst_v[pl.ds(_r * _IC + k * 16, 16)]
            idx_v[_r, pl.ds(k * 16, 16)] = ((dv - base_row) * _NPG
                                            + (sv & (_NPG - 1)))
            return carry

        lax.fori_loop(0, _IC // 16, cbody, 0)

    pltpu.sync_copy(zero_v, shared.at[pl.ds(s * _BINS, _BINS)])
    plsc.subcore_barrier()
    for r in range(_IR):
        pltpu.sync_copy(ones_v, shared.at[idx_v.at[r]], add=True)
    plsc.subcore_barrier()
    pltpu.sync_copy(shared.at[pl.ds(s * _BINS, _BINS)],
                    out_hbm.at[pl.ds(c * _HALF + s * _BINS, _BINS)])


def _edge_counts(src, dst):
    mesh = plsc.VectorSubcoreMesh(core_axis_name="c", subcore_axis_name="s")
    run = pl.kernel(
        _hist_body,
        mesh=mesh,
        out_type=jax.ShapeDtypeStruct((2 * _HALF,), jnp.float32),
        scratch_types=[
            pltpu.VMEM((_EPW,), jnp.int32),
            pltpu.VMEM((_EPW,), jnp.int32),
            pltpu.VMEM((_IR, _IC), jnp.int32),
            pltpu.VMEM((_IC,), jnp.float32),
            pltpu.VMEM((_BINS,), jnp.float32),
            pltpu.VMEM_SHARED((_HALF,), jnp.float32),
        ],
    )
    return run(src, dst).reshape(_N, _NPG)


_BF = jnp.bfloat16
_CT = (((1,), (0,)), ((), ()))
_CTT = (((1,), (1,)), ((), ()))


def _sp(a):
    hi = a.astype(_BF)
    lo = (a - hi.astype(jnp.float32)).astype(_BF)
    return hi, lo


def _d3(ahi, alo, whi, wlo, dims=_CT):
    return (_dot_fast(ahi, whi, dims) + _dot_fast(ahi, wlo, dims)
            + _dot_fast(alo, whi, dims))


def _fused_body(xh_ref, xl_ref, peh_ref, pel_ref, cnt_ref,
                embw_ref, embb_ref, pew_ref, peb_ref,
                bw1_ref, bb1_ref, bw2_ref, bb2_ref,
                g1w_ref, g1b_ref, g2w_ref, g2b_ref, eps_ref,
                sw_ref,
                wq_ref, bq_ref, wk_ref, bk_ref, wv_ref, bv_ref,
                wo_ref, bo_ref,
                linw_ref, linb_ref,
                logits_ref, tr_ref, lg_ref):
    f32 = jnp.float32

    row_id = lax.broadcasted_iota(jnp.int32, (_R, _R), 0)
    col_id = lax.broadcasted_iota(jnp.int32, (_R, _R), 1)
    same = (row_id // _NPG) == (col_id // _NPG)
    same_f = same.astype(f32)
    same_b = same.astype(_BF)
    ones_rr = jnp.ones((_R, _R), f32)
    p_sum = ((lax.broadcasted_iota(jnp.int32, (_GPB, _R), 1) // _NPG)
             == lax.broadcasted_iota(jnp.int32, (_GPB, _R), 0)).astype(f32)
    lane_w = lax.broadcasted_iota(jnp.int32, (1, _W), 1)

    ones_b = ones_rr.astype(_BF)
    eye_f = (row_id == col_id).astype(f32)

    def _bc_exact(col):
        d = eye_f * col
        hi = d.astype(_BF)
        r1 = d - hi.astype(jnp.float32)
        mid = r1.astype(_BF)
        lo = (r1 - mid.astype(jnp.float32)).astype(_BF)
        return ((_dot_fast(ones_b, hi, _CT) + _dot_fast(ones_b, mid, _CT))
                + _dot_fast(ones_b, lo, _CT))

    def _bc_int(col):
        return _dot_fast(ones_b, (eye_f * col).astype(_BF), _CT)

    def _bc_approx(col):
        d = eye_f * col
        hi = d.astype(_BF)
        lo = (d - hi.astype(jnp.float32)).astype(_BF)
        return _dot_fast(ones_b, hi, _CT) + _dot_fast(ones_b, lo, _CT)

    h = (_d3(xh_ref[...], xl_ref[...], embw_ref[0], embw_ref[1]) + embb_ref[...]
         + _d3(peh_ref[...], pel_ref[...], pew_ref[0], pew_ref[1])
         + peb_ref[...])

    h_hi, h_lo = _sp(h)
    pooled = (_dot_fast(same_b, h_hi, _CT)
              + _dot_fast(same_b, h_lo, _CT)) * (1.0 / _NPG)
    hid = jnp.maximum(
        _d3(*_sp(pooled), bw1_ref[0], bw1_ref[1]) + bb1_ref[...], 0.0)
    bd = _d3(*_sp(hid), bw2_ref[0], bw2_ref[1]) + bb2_ref[...]
    trs = _MINR + (1.0 - _MINR) * jax.nn.sigmoid(bd)
    lgs = jax.nn.sigmoid(bd)
    tr_ref[...] = (_dot(p_sum, trs, _CT) * (1.0 / _NPG))[None]
    lg_ref[...] = (_dot(p_sum, lgs, _CT) * (1.0 / _NPG))[None]

    tmat = ((lax.broadcasted_iota(jnp.int32, (_NPG, _R), 1) % _NPG)
            == lax.broadcasted_iota(jnp.int32, (_NPG, _R), 0)).astype(_BF)
    cnt_hi, cnt_lo = _sp(cnt_ref[...])
    adj = (_dot_fast(cnt_hi, tmat, _CT)
           + _dot_fast(cnt_lo, tmat, _CT)) * same_f
    adj_hi, adj_lo = _sp(adj)

    neg = jnp.float32(-1e30)
    inv_sqrt = jnp.float32(1.0 / np.sqrt(_DH))

    for l in range(_L):
        agg = _d3(adj_hi, adj_lo, h_hi, h_lo)
        eps = eps_ref[0:1, l:l + 1]
        z = h + eps * h + agg
        t1 = jnp.maximum(
            _d3(*_sp(z), g1w_ref[0, l], g1w_ref[1, l]) + g1b_ref[l], 0.0)
        h_local = (h + _d3(*_sp(t1), g2w_ref[0, l], g2w_ref[1, l])
                   + g2b_ref[l])

        s_col = jnp.sum(h * sw_ref[l], axis=1, keepdims=True)
        smat = _bc_exact(s_col)
        lt = smat < s_col
        eq = smat == s_col
        rank_col = jnp.sum(
            (same & (lt | (eq & (col_id < row_id)))).astype(f32),
            axis=1, keepdims=True)

        trl = jnp.sum(trs * (lane_w == l).astype(f32), axis=1, keepdims=True)
        lgl = jnp.sum(lgs * (lane_w == (_L + l)).astype(f32), axis=1, keepdims=True)
        idx_col = jnp.clip(jnp.floor((1.0 - trl) * float(_NPG - 1)),
                           0.0, float(_NPG - 1))
        dmat = _bc_int(rank_col - idx_col)
        selmat = (dmat == 0.0).astype(f32)
        thr_col = jnp.sum(same_f * smat * selmat, axis=1, keepdims=True)
        m_col = jax.nn.sigmoid(s_col - thr_col)

        bias = jnp.where(same, _bc_approx(jnp.log(m_col + 1e-6)), neg)
        q = _d3(h_hi, h_lo, wq_ref[0, l], wq_ref[1, l]) + bq_ref[l]
        k = _d3(h_hi, h_lo, wk_ref[0, l], wk_ref[1, l]) + bk_ref[l]
        v = _d3(h_hi, h_lo, wv_ref[0, l], wv_ref[1, l]) + bv_ref[l]
        q_hi, q_lo = _sp(q)
        k_hi, k_lo = _sp(k)
        v_hi, v_lo = _sp(v)
        ovs = []
        for hh in range(_H):
            sl = slice(hh * _DH, (hh + 1) * _DH)
            sc = (_dot_fast(q_hi[:, sl], k_hi[:, sl], _CTT)
                  + _dot_fast(q_hi[:, sl], k_lo[:, sl], _CTT)
                  + _dot_fast(q_lo[:, sl], k_hi[:, sl], _CTT)) * inv_sqrt + bias
            p = jax.nn.softmax(sc, axis=-1)
            p_hi, p_lo = _sp(p)
            ovs.append(_dot_fast(p_hi, v_hi[:, sl], _CT)
                       + _dot_fast(p_hi, v_lo[:, sl], _CT)
                       + _dot_fast(p_lo, v_hi[:, sl], _CT))
        o_mat = jnp.concatenate(ovs, axis=1)
        o = (_d3(*_sp(o_mat), wo_ref[0, l], wo_ref[1, l])
             + bo_ref[l]) * m_col
        hsum = h_local + h + lgl * o
        mu = jnp.mean(hsum, axis=-1, keepdims=True)
        d = hsum - mu
        var = jnp.mean(d * d, axis=-1, keepdims=True)
        h = d / jnp.sqrt(var + 1e-5)
        h_hi, h_lo = _sp(h)

    out = _d3(h_hi, h_lo, linw_ref[0], linw_ref[1])
    logits_ref[...] = (_dot(p_sum, out, _CT) + linb_ref[...])[None]


def _full(shape):
    nd = len(shape)
    return pl.BlockSpec(shape, lambda i, _nd=nd: (0,) * _nd)


def _pad_lanes(a, w=_W):
    return jnp.pad(a, ((0, 0),) * (a.ndim - 1) + ((0, w - a.shape[-1]),))


def _split2(a):
    hi = a.astype(_BF)
    lo = (a - hi.astype(jnp.float32)).astype(_BF)
    return jnp.stack([hi, lo])


def kernel(x, pe, edge_index, edge_attr, batch, params):
    del edge_attr, batch
    f32 = jnp.float32
    lyr = params['layers']

    embw, embb = params['node_emb']
    pew, peb = params['pe_lin']
    bw1, bb1 = params['budget_w1']
    bw2, bb2 = params['budget_w2']
    linw, linb = params['lin']

    x_hi = x.astype(_BF)
    x_lo = (x - x_hi.astype(f32)).astype(_BF)
    pe_p = _pad_lanes(pe)
    pe_hi = pe_p.astype(_BF)
    pe_lo = (pe_p - pe_hi.astype(f32)).astype(_BF)
    pew_p = jnp.pad(pew, ((0, 128 - _PED), (0, 0)))
    counts = _edge_counts(edge_index[0], edge_index[1])

    bw1_p = _pad_lanes(bw1)
    bb1_p = _pad_lanes(bb1[None, :])
    bw2_p = jnp.pad(bw2, ((0, _W - _BH), (0, _W - 2 * _L)))
    bb2_p = _pad_lanes(bb2[None, :])
    linw_p = _pad_lanes(linw)
    linb_p = _pad_lanes(linb[None, :])

    g1w = jnp.stack([lp['gin_w1'][0] for lp in lyr])
    g1b = jnp.stack([lp['gin_w1'][1] for lp in lyr])[:, None, :]
    g2w = jnp.stack([lp['gin_w2'][0] for lp in lyr])
    g2b = jnp.stack([lp['gin_w2'][1] for lp in lyr])[:, None, :]
    eps = jnp.stack([lp['eps'] for lp in lyr]).reshape(1, _L)
    sw = jnp.stack([lp['score'][0][:, 0] for lp in lyr])[:, None, :]

    wq = jnp.stack([lp['wq'][0] for lp in lyr])
    bq = jnp.stack([lp['wq'][1] for lp in lyr])[:, None, :]
    wk = jnp.stack([lp['wk'][0] for lp in lyr])
    bk = jnp.stack([lp['wk'][1] for lp in lyr])[:, None, :]
    wv = jnp.stack([lp['wv'][0] for lp in lyr])
    bv = jnp.stack([lp['wv'][1] for lp in lyr])[:, None, :]
    wo = jnp.stack([lp['wo'][0] for lp in lyr])
    bo = jnp.stack([lp['wo'][1] for lp in lyr])[:, None, :]

    operands = (
        x_hi, x_lo, pe_hi, pe_lo, counts,
        _split2(embw), embb[None, :], _split2(pew_p), peb[None, :],
        _split2(bw1_p), bb1_p, _split2(bw2_p), bb2_p,
        _split2(g1w), g1b, _split2(g2w), g2b, eps,
        sw,
        _split2(wq), bq, _split2(wk), bk, _split2(wv), bv,
        _split2(wo), bo,
        _split2(linw_p), linb_p,
    )

    in_specs = [
        pl.BlockSpec((_R, _FEA), lambda i: (i, 0)),
        pl.BlockSpec((_R, _FEA), lambda i: (i, 0)),
        pl.BlockSpec((_R, 128), lambda i: (i, 0)),
        pl.BlockSpec((_R, 128), lambda i: (i, 0)),
        pl.BlockSpec((_R, _NPG), lambda i: (i, 0)),
    ] + [_full(op.shape) for op in operands[5:]]

    out_shape = (
        jax.ShapeDtypeStruct((_NB, _GPB, _W), f32),
        jax.ShapeDtypeStruct((_NB, _GPB, _W), f32),
        jax.ShapeDtypeStruct((_NB, _GPB, _W), f32),
    )
    out_specs = (
        pl.BlockSpec((1, _GPB, _W), lambda i: (i, 0, 0)),
        pl.BlockSpec((1, _GPB, _W), lambda i: (i, 0, 0)),
        pl.BlockSpec((1, _GPB, _W), lambda i: (i, 0, 0)),
    )

    logits_p, tr_p, lg_p = pl.pallas_call(
        _fused_body,
        grid=(_NB,),
        in_specs=in_specs,
        out_specs=out_specs,
        out_shape=out_shape,
    )(*operands)

    logits = logits_p.reshape(_G, _W)[:, :_T]
    tr = tr_p.reshape(_G, _W)[:, :_L]
    lg = lg_p.reshape(_G, _W)[:, _L:2 * _L]

    costs = [tr[:, l].mean() ** 2 * lg[:, l].mean() for l in range(_L)]
    dense_macs = float(_G * _H * _NPG * _NPG * _DH * 2 + 6 * _N * _C * _C)
    avg_compute = sum(costs) / float(_L)
    total_actual = sum(costs) * dense_macs
    total_dense = jnp.float32(dense_macs * _L)
    return (logits, avg_compute, tr, lg, total_actual, total_dense)

# --- scband reference (transcript-rebuilt; emitter-appended) ---
"""Pipeline reference for scband-adaptive-gps-17772574671583 (READ-ONLY COPY).

The authoritative reference and input builder live on the scoring server;
editing this copy changes nothing except your own understanding.
"""

import jax, jax.numpy as jnp
import numpy as np

G = 64
NPG = 32
N = G * NPG
EPG = 512
E = G * EPG
FEA = 128
C = 256
L = 4
T = 10
H = 8
DH = C // H
PED = 20
BH = 64
MINR = 0.1

def _lin(k, i, o):
    return (jax.random.normal(k, (i, o), dtype=jnp.float32) / np.sqrt(i), jnp.zeros((o,), dtype=jnp.float32))

def _init_params(key):
    ks = jax.random.split(key, 5 + L)
    p = {}
    p['node_emb'] = _lin(ks[0], FEA, C)
    p['pe_lin'] = _lin(ks[1], PED, C)
    p['budget_w1'] = _lin(ks[2], C, BH)
    p['budget_w2'] = _lin(ks[3], BH, 2 * L)
    p['lin'] = _lin(ks[4], C, T)
    layers = []
    for l in range(L):
        kk = jax.random.split(ks[5 + l], 7)
        layers.append({
            'gin_w1': _lin(kk[0], C, C),
            'gin_w2': _lin(kk[1], C, C),
            'eps': jnp.zeros((), dtype=jnp.float32),
            'wq': _lin(kk[2], C, C),
            'wk': _lin(kk[3], C, C),
            'wv': _lin(kk[4], C, C),
            'wo': _lin(kk[5], C, C),
            'score': _lin(kk[6], C, 1),
        })
    p['layers'] = layers
    return p

def _ln(h):
    mu = h.mean(-1, keepdims=True)
    v = h.var(-1, keepdims=True)
    return (h - mu) / jnp.sqrt(v + 1e-5)

def _forward(x, pe, edge_index, edge_attr, batch, params, tau=1.0):
    W, b = params['node_emb']
    h = x @ W + b
    W, b = params['pe_lin']
    h = h + pe @ W + b
    pooled = jax.ops.segment_sum(h, batch, num_segments=G) / float(NPG)
    W1, b1 = params['budget_w1']
    W2, b2 = params['budget_w2']
    bd = jax.nn.relu(pooled @ W1 + b1) @ W2 + b2
    token_ratios = MINR + (1.0 - MINR) * jax.nn.sigmoid(bd[:, :L])
    layer_gates = jax.nn.sigmoid(bd[:, L:])
    src, dst = edge_index[0], edge_index[1]
    compute_costs = []
    total_actual = jnp.float32(0.0)
    total_dense = 0.0
    for i, lp in enumerate(params['layers']):
        tr = token_ratios[:, i]
        lg = layer_gates[:, i]
        agg = jax.ops.segment_sum(h[src], dst, num_segments=N)
        W1g, b1g = lp['gin_w1']
        W2g, b2g = lp['gin_w2']
        z = (1.0 + lp['eps']) * h + agg
        h_local = h + (jax.nn.relu(z @ W1g + b1g) @ W2g + b2g)
        hg = h.reshape(G, NPG, C)
        Ws, bs = lp['score']
        s = (hg @ Ws + bs)[..., 0]
        s_sorted = jnp.sort(s, axis=1)
        idx = jnp.clip(jnp.floor((1.0 - tr) * (NPG - 1)).astype(jnp.int32), 0, NPG - 1)
        thr = jnp.take_along_axis(s_sorted, idx[:, None], axis=1)
        m = jax.nn.sigmoid((s - thr) / tau)
        def _proj(wb):
            Wp, bp = wb
            return (hg @ Wp + bp).reshape(G, NPG, H, DH).transpose(0, 2, 1, 3)
        q = _proj(lp['wq'])
        k = _proj(lp['wk'])
        v = _proj(lp['wv'])
        scores = q @ k.transpose(0, 1, 3, 2) / np.sqrt(DH) + jnp.log(m + 1e-6)[:, None, None, :]
        attn = jax.nn.softmax(scores, axis=-1)
        o = (attn @ v).transpose(0, 2, 1, 3).reshape(G, NPG, C)
        Wo, bo = lp['wo']
        o = (o @ Wo + bo) * m[..., None]
        h_attn = h + (lg[:, None, None] * o).reshape(N, C)
        h = _ln(h_local + h_attn)
        cost = tr.mean() ** 2 * lg.mean()
        compute_costs.append(cost)
        dense_macs = float(G * H * NPG * NPG * DH * 2 + 6 * N * C * C)
        total_dense += dense_macs
        total_actual = total_actual + dense_macs * cost
    pooled_out = jax.ops.segment_sum(h, batch, num_segments=G)
    Wl, bl = params['lin']
    logits = pooled_out @ Wl + bl
    avg_compute = sum(compute_costs) / float(L)
    return (logits, avg_compute, token_ratios, layer_gates, total_actual, jnp.float32(total_dense))

def setup_inputs(seed: int = 0):
    key = jax.random.key(seed)
    kx, kpe, kea, ke1, ke2, kp = jax.random.split(key, 6)
    x = jax.random.normal(kx, (N, FEA), dtype=jnp.float32)
    pe = jax.random.normal(kpe, (N, PED), dtype=jnp.float32)
    edge_attr = jax.random.normal(kea, (E, 16), dtype=jnp.float32)
    offs = jnp.repeat(jnp.arange(G, dtype=jnp.int32) * NPG, EPG)
    src = offs + jax.random.randint(ke1, (E,), 0, NPG, dtype=jnp.int32)
    dst = offs + jax.random.randint(ke2, (E,), 0, NPG, dtype=jnp.int32)
    edge_index = jnp.stack([src, dst])
    batch = jnp.repeat(jnp.arange(G, dtype=jnp.int32), NPG)
    params = _init_params(kp)
    return {'x': x, 'pe': pe, 'edge_index': edge_index, 'edge_attr': edge_attr, 'batch': batch, 'params': params}

def reference(x, pe, edge_index, edge_attr, batch, params):
    return _forward(x, pe, edge_index, edge_attr, batch, params)

if __name__ == "__main__":
    import jax
    _d = setup_inputs()
    print(jax.jit(kernel)(*tuple(_d.values())))

</pallas_src>

<mosaic_0001>
#map = affine_map<(d0, d1) -> (0)>
module attributes {stable_mosaic.version = 14 : i64} {
  func.func @_hist_body(%arg0: i32, %arg1: i32, %arg2: memref<32768xi32, #tpu.memory_space<hbm>>, %arg3: memref<32768xi32, #tpu.memory_space<hbm>>, %arg4: memref<65536xf32, #tpu.memory_space<hbm>>, %arg5: memref<1024xi32, #tpu.memory_space<vmem>>, %arg6: memref<1024xi32, #tpu.memory_space<vmem>>, %arg7: memref<8x128xi32, #tpu.memory_space<vmem>>, %arg8: memref<128xf32, #tpu.memory_space<vmem>>, %arg9: memref<2048xf32, #tpu.memory_space<vmem>>, %arg10: memref<32768xf32, #tpu.memory_space<vmem_shared>>) attributes {dimension_semantics = [#tpu.dimension_semantics<core_parallel>, #tpu.dimension_semantics<subcore_parallel>], iteration_bounds = array<i64: 2, 16>, scalar_prefetch = 0 : i64, scratch_operands = 6 : i64, tpu.core_type = #tpu.core_type<sc_vector_subcore>, window_params = [{transform_indices = #map}, {transform_indices = #map}, {transform_indices = #map}]} {
    %mul3A = arith.constant 16 : i32
    %mul3A_0 = arith.muli %arg0, %mul3A : i32
    %add3A = arith.addi %mul3A_0, %arg1 : i32
    %mul3A_1 = arith.constant 1024 : i32
    %mul3A_2 = arith.muli %add3A, %mul3A_1 : i32
    "tpu.region"() ({
      %run_scoped3A_86 = tpu.sem_alloc : memref<!tpu.dma_semaphore, #tpu.memory_space<semaphore_mem>>
      %dma_start3A = tpu.memref_slice %arg2[%mul3A_2] : memref<32768xi32, #tpu.memory_space<hbm>> -> memref<1024xi32, #tpu.memory_space<hbm>>
      %dma_start3A_87 = tpu.memref_slice %arg2[%mul3A_2] : memref<32768xi32, #tpu.memory_space<hbm>> -> memref<1024xi32, #tpu.memory_space<hbm>>
      tpu.enqueue_dma source(%dma_start3A_87 : memref<1024xi32, #tpu.memory_space<hbm>>) target(%arg5 : memref<1024xi32, #tpu.memory_space<vmem>>) target_semaphore(%run_scoped3A_86 : memref<!tpu.dma_semaphore, #tpu.memory_space<semaphore_mem>>)
      %dma_wait3A = tpu.memref_slice %arg2[%mul3A_2] : memref<32768xi32, #tpu.memory_space<hbm>> -> memref<1024xi32, #tpu.memory_space<hbm>>
      %dma_wait3A_88 = tpu.memref_slice %arg2[%mul3A_2] : memref<32768xi32, #tpu.memory_space<hbm>> -> memref<1024xi32, #tpu.memory_space<hbm>>
      tpu.wait_dma2 semaphore(%run_scoped3A_86 : memref<!tpu.dma_semaphore, #tpu.memory_space<semaphore_mem>>) src(%dma_wait3A_88 : memref<1024xi32, #tpu.memory_space<hbm>>) dst(%arg5 : memref<1024xi32, #tpu.memory_space<vmem>>)
      tpu.yield
    }) : () -> ()
    %mul3A_3 = arith.constant 1024 : i32
    %mul3A_4 = arith.muli %add3A, %mul3A_3 : i32
    "tpu.region"() ({
      %run_scoped3A_86 = tpu.sem_alloc : memref<!tpu.dma_semaphore, #tpu.memory_space<semaphore_mem>>
      %dma_start3A = tpu.memref_slice %arg3[%mul3A_4] : memref<32768xi32, #tpu.memory_space<hbm>> -> memref<1024xi32, #tpu.memory_space<hbm>>
      %dma_start3A_87 = tpu.memref_slice %arg3[%mul3A_4] : memref<32768xi32, #tpu.memory_space<hbm>> -> memref<1024xi32, #tpu.memory_space<hbm>>
      tpu.enqueue_dma source(%dma_start3A_87 : memref<1024xi32, #tpu.memory_space<hbm>>) target(%arg6 : memref<1024xi32, #tpu.memory_space<vmem>>) target_semaphore(%run_scoped3A_86 : memref<!tpu.dma_semaphore, #tpu.memory_space<semaphore_mem>>)
      %dma_wait3A = tpu.memref_slice %arg3[%mul3A_4] : memref<32768xi32, #tpu.memory_space<hbm>> -> memref<1024xi32, #tpu.memory_space<hbm>>
      %dma_wait3A_88 = tpu.memref_slice %arg3[%mul3A_4] : memref<32768xi32, #tpu.memory_space<hbm>> -> memref<1024xi32, #tpu.memory_space<hbm>>
      tpu.wait_dma2 semaphore(%run_scoped3A_86 : memref<!tpu.dma_semaphore, #tpu.memory_space<semaphore_mem>>) src(%dma_wait3A_88 : memref<1024xi32, #tpu.memory_space<hbm>>) dst(%arg6 : memref<1024xi32, #tpu.memory_space<vmem>>)
      tpu.yield
    }) : () -> ()
    %broadcast_in_dim3A = arith.constant 0.000000e+00 : f32
    %broadcast_in_dim3A_5 = vector.broadcast %broadcast_in_dim3A : f32 to vector<16xf32>
    %broadcast_in_dim3A_6 = arith.constant 1.000000e+00 : f32
    %broadcast_in_dim3A_7 = vector.broadcast %broadcast_in_dim3A_6 : f32 to vector<16xf32>
    %scan3A = arith.constant 0 : i32
    %scan3A_8 = arith.constant 0 : i32
    %scan3A_9 = arith.constant 128 : i32
    %scan3A_10 = arith.addi %scan3A_8, %scan3A_9 : i32
    %scan3A_11 = arith.constant 1 : i32
    scf.for %scan3A_86 = %scan3A_8 to %scan3A_10 step %scan3A_11  : i32 {
      %mul3A_87 = arith.constant 16 : i32
      %mul3A_88 = arith.muli %scan3A_86, %mul3A_87 : i32
      %swap3A = arith.index_cast %mul3A_88 : i32 to index
      %swap3A_89 = tpu.vector_load %arg9[%swap3A] {strides = array<i32>} : memref<2048xf32, #tpu.memory_space<vmem>>, vector<16xf32>,
      %swap3A_90 = vector.shape_cast %swap3A_89 : vector<16xf32> to vector<16xf32>
      %swap3A_91 = vector.shape_cast %broadcast_in_dim3A_5 : vector<16xf32> to vector<16xf32>
      tpu.vector_store %arg9[%swap3A], %swap3A_91 {strides = array<i32>} : memref<2048xf32, #tpu.memory_space<vmem>>, vector<16xf32>,
    }
    %scan3A_12 = arith.constant 128 : i32
    %scan3A_13 = arith.constant 0 : i32
    %scan3A_14 = arith.constant 0 : i32
    %scan3A_15 = arith.constant 8 : i32
    %scan3A_16 = arith.addi %scan3A_14, %scan3A_15 : i32
    %scan3A_17 = arith.constant 1 : i32
    scf.for %scan3A_86 = %scan3A_14 to %scan3A_16 step %scan3A_17  : i32 {
      %mul3A_87 = arith.constant 16 : i32
      %mul3A_88 = arith.muli %scan3A_86, %mul3A_87 : i32
      %swap3A = arith.index_cast %mul3A_88 : i32 to index
      %swap3A_89 = tpu.vector_load %arg8[%swap3A] {strides = array<i32>} : memref<128xf32, #tpu.memory_space<vmem>>, vector<16xf32>,
      %swap3A_90 = vector.shape_cast %swap3A_89 : vector<16xf32> to vector<16xf32>
      %swap3A_91 = vector.shape_cast %broadcast_in_dim3A_7 : vector<16xf32> to vector<16xf32>
      tpu.vector_store %arg8[%swap3A], %swap3A_91 {strides = array<i32>} : memref<128xf32, #tpu.memory_space<vmem>>, vector<16xf32>,
    }
    %scan3A_18 = arith.constant 8 : i32
    %mul3A_19 = arith.constant 1024 : i32
    %mul3A_20 = arith.muli %arg0, %mul3A_19 : i32
    %scan3A_21 = arith.constant 0 : i32
    %scan3A_22 = arith.constant 0 : i32
    %scan3A_23 = arith.constant 8 : i32
    %scan3A_24 = arith.addi %scan3A_22, %scan3A_23 : i32
    %scan3A_25 = arith.constant 1 : i32
    scf.for %scan3A_86 = %scan3A_22 to %scan3A_24 step %scan3A_25  : i32 {
      %mul3A_87 = arith.constant 16 : i32
      %mul3A_88 = arith.muli %scan3A_86, %mul3A_87 : i32
      %add3A_89 = arith.constant 0 : i32
      %add3A_90 = arith.addi %add3A_89, %mul3A_88 : i32
      %get3A = arith.index_cast %add3A_90 : i32 to index
      %get3A_91 = tpu.vector_load %arg5[%get3A] {strides = array<i32>} : memref<1024xi32, #tpu.memory_space<vmem>>, vector<16xi32>,
      %get3A_92 = vector.shape_cast %get3A_91 : vector<16xi32> to vector<16xi32>
      %mul3A_93 = arith.constant 16 : i32
      %mul3A_94 = arith.muli %scan3A_86, %mul3A_93 : i32
      %add3A_95 = arith.constant 0 : i32
      %add3A_96 = arith.addi %add3A_95, %mul3A_94 : i32
      %get3A_97 = arith.index_cast %add3A_96 : i32 to index
      %get3A_98 = tpu.vector_load %arg6[%get3A_97] {strides = array<i32>} : memref<1024xi32, #tpu.memory_space<vmem>>, vector<16xi32>,
      %get3A_99 = vector.shape_cast %get3A_98 : vector<16xi32> to vector<16xi32>
      %sub3A = vector.broadcast %mul3A_20 : i32 to vector<16xi32>
      %sub3A_100 = arith.subi %get3A_99, %sub3A : vector<16xi32>
      %mul3A_101 = arith.constant 32 : i32
      %mul3A_102 = vector.broadcast %mul3A_101 : i32 to vector<16xi32>
      %mul3A_103 = arith.muli %sub3A_100, %mul3A_102 : vector<16xi32>
      %and3A = arith.constant 31 : i32
      %and3A_104 = vector.broadcast %and3A : i32 to vector<16xi32>
      %and3A_105 = arith.andi %get3A_92, %and3A_104 : vector<16xi32>
      %add3A_106 = arith.addi %mul3A_103, %and3A_105 : vector<16xi32>
      %mul3A_107 = arith.constant 16 : i32
      %mul3A_108 = arith.muli %scan3A_86, %mul3A_107 : i32
      %swap3A = arith.constant 0 : i32
      %swap3A_109 = arith.index_cast %swap3A : i32 to index
      %swap3A_110 = arith.index_cast %mul3A_108 : i32 to index
      %swap3A_111 = tpu.vector_load %arg7[%swap3A_109, %swap3A_110] {strides = array<i32>} : memref<8x128xi32, #tpu.memory_space<vmem>>, vector<1x16xi32>,
      %swap3A_112 = vector.shape_cast %swap3A_111 : vector<1x16xi32> to vector<16xi32>
      %swap3A_113 = vector.shape_cast %add3A_106 : vector<16xi32> to vector<1x16xi32>
      tpu.vector_store %arg7[%swap3A_109, %swap3A_110], %swap3A_113 {strides = array<i32>} : memref<8x128xi32, #tpu.memory_space<vmem>>, vector<1x16xi32>,
    }
    %scan3A_26 = arith.constant 8 : i32
    %scan3A_27 = arith.constant 0 : i32
    %scan3A_28 = arith.constant 0 : i32
    %scan3A_29 = arith.constant 8 : i32
    %scan3A_30 = arith.addi %scan3A_28, %scan3A_29 : i32
    %scan3A_31 = arith.constant 1 : i32
    scf.for %scan3A_86 = %scan3A_28 to %scan3A_30 step %scan3A_31  : i32 {
      %mul3A_87 = arith.constant 16 : i32
      %mul3A_88 = arith.muli %scan3A_86, %mul3A_87 : i32
      %add3A_89 = arith.constant 128 : i32
      %add3A_90 = arith.addi %add3A_89, %mul3A_88 : i32
      %get3A = arith.index_cast %add3A_90 : i32 to index
      %get3A_91 = tpu.vector_load %arg5[%get3A] {strides = array<i32>} : memref<1024xi32, #tpu.memory_space<vmem>>, vector<16xi32>,
      %get3A_92 = vector.shape_cast %get3A_91 : vector<16xi32> to vector<16xi32>
      %mul3A_93 = arith.constant 16 : i32
      %mul3A_94 = arith.muli %scan3A_86, %mul3A_93 : i32
      %add3A_95 = arith.constant 128 : i32
      %add3A_96 = arith.addi %add3A_95, %mul3A_94 : i32
      %get3A_97 = arith.index_cast %add3A_96 : i32 to index
      %get3A_98 = tpu.vector_load %arg6[%get3A_97] {strides = array<i32>} : memref<1024xi32, #tpu.memory_space<vmem>>, vector<16xi32>,
      %get3A_99 = vector.shape_cast %get3A_98 : vector<16xi32> to vector<16xi32>
      %sub3A = vector.broadcast %mul3A_20 : i32 to vector<16xi32>
      %sub3A_100 = arith.subi %get3A_99, %sub3A : vector<16xi32>
      %mul3A_101 = arith.constant 32 : i32
      %mul3A_102 = vector.broadcast %mul3A_101 : i32 to vector<16xi32>
      %mul3A_103 = arith.muli %sub3A_100, %mul3A_102 : vector<16xi32>
      %and3A = arith.constant 31 : i32
      %and3A_104 = vector.broadcast %and3A : i32 to vector<16xi32>
      %and3A_105 = arith.andi %get3A_92, %and3A_104 : vector<16xi32>
      %add3A_106 = arith.addi %mul3A_103, %and3A_105 : vector<16xi32>
      %mul3A_107 = arith.constant 16 : i32
      %mul3A_108 = arith.muli %scan3A_86, %mul3A_107 : i32
      %swap3A = arith.constant 1 : i32
      %swap3A_109 = arith.index_cast %swap3A : i32 to index
      %swap3A_110 = arith.index_cast %mul3A_108 : i32 to index
      %swap3A_111 = tpu.vector_load %arg7[%swap3A_109, %swap3A_110] {strides = array<i32>} : memref<8x128xi32, #tpu.memory_space<vmem>>, vector<1x16xi32>,
      %swap3A_112 = vector.shape_cast %swap3A_111 : vector<1x16xi32> to vector<16xi32>
      %swap3A_113 = vector.shape_cast %add3A_106 : vector<16xi32> to vector<1x16xi32>
      tpu.vector_store %arg7[%swap3A_109, %swap3A_110], %swap3A_113 {strides = array<i32>} : memref<8x128xi32, #tpu.memory_space<vmem>>, vector<1x16xi32>,
    }
    %scan3A_32 = arith.constant 8 : i32
    %scan3A_33 = arith.constant 0 : i32
    %scan3A_34 = arith.constant 0 : i32
    %scan3A_35 = arith.constant 8 : i32
    %scan3A_36 = arith.addi %scan3A_34, %scan3A_35 : i32
    %scan3A_37 = arith.constant 1 : i32
    scf.for %scan3A_86 = %scan3A_34 to %scan3A_36 step %scan3A_37  : i32 {
      %mul3A_87 = arith.constant 16 : i32
      %mul3A_88 = arith.muli %scan3A_86, %mul3A_87 : i32
      %add3A_89 = arith.constant 256 : i32
      %add3A_90 = arith.addi %add3A_89, %mul3A_88 : i32
      %get3A = arith.index_cast %add3A_90 : i32 to index
      %get3A_91 = tpu.vector_load %arg5[%get3A] {strides = array<i32>} : memref<1024xi32, #tpu.memory_space<vmem>>, vector<16xi32>,
      %get3A_92 = vector.shape_cast %get3A_91 : vector<16xi32> to vector<16xi32>
      %mul3A_93 = arith.constant 16 : i32
      %mul3A_94 = arith.muli %scan3A_86, %mul3A_93 : i32
      %add3A_95 = arith.constant 256 : i32
      %add3A_96 = arith.addi %add3A_95, %mul3A_94 : i32
      %get3A_97 = arith.index_cast %add3A_96 : i32 to index
      %get3A_98 = tpu.vector_load %arg6[%get3A_97] {strides = array<i32>} : memref<1024xi32, #tpu.memory_space<vmem>>, vector<16xi32>,
      %get3A_99 = vector.shape_cast %get3A_98 : vector<16xi32> to vector<16xi32>
      %sub3A = vector.broadcast %mul3A_20 : i32 to vector<16xi32>
      %sub3A_100 = arith.subi %get3A_99, %sub3A : vector<16xi32>
      %mul3A_101 = arith.constant 32 : i32
      %mul3A_102 = vector.broadcast %mul3A_101 : i32 to vector<16xi32>
      %mul3A_103 = arith.muli %sub3A_100, %mul3A_102 : vector<16xi32>
      %and3A = arith.constant 31 : i32
      %and3A_104 = vector.broadcast %and3A : i32 to vector<16xi32>
      %and3A_105 = arith.andi %get3A_92, %and3A_104 : vector<16xi32>
      %add3A_106 = arith.addi %mul3A_103, %and3A_105 : vector<16xi32>
      %mul3A_107 = arith.constant 16 : i32
      %mul3A_108 = arith.muli %scan3A_86, %mul3A_107 : i32
      %swap3A = arith.constant 2 : i32
      %swap3A_109 = arith.index_cast %swap3A : i32 to index
      %swap3A_110 = arith.index_cast %mul3A_108 : i32 to index
      %swap3A_111 = tpu.vector_load %arg7[%swap3A_109, %swap3A_110] {strides = array<i32>} : memref<8x128xi32, #tpu.memory_space<vmem>>, vector<1x16xi32>,
      %swap3A_112 = vector.shape_cast %swap3A_111 : vector<1x16xi32> to vector<16xi32>
      %swap3A_113 = vector.shape_cast %add3A_106 : vector<16xi32> to vector<1x16xi32>
      tpu.vector_store %arg7[%swap3A_109, %swap3A_110], %swap3A_113 {strides = array<i32>} : memref<8x128xi32, #tpu.memory_space<vmem>>, vector<1x16xi32>,
    }
    %scan3A_38 = arith.constant 8 : i32
    %scan3A_39 = arith.constant 0 : i32
    %scan3A_40 = arith.constant 0 : i32
    %scan3A_41 = arith.constant 8 : i32
    %scan3A_42 = arith.addi %scan3A_40, %scan3A_41 : i32
    %scan3A_43 = arith.constant 1 : i32
    scf.for %scan3A_86 = %scan3A_40 to %scan3A_42 step %scan3A_43  : i32 {
      %mul3A_87 = arith.constant 16 : i32
      %mul3A_88 = arith.muli %scan3A_86, %mul3A_87 : i32
      %add3A_89 = arith.constant 384 : i32
      %add3A_90 = arith.addi %add3A_89, %mul3A_88 : i32
      %get3A = arith.index_cast %add3A_90 : i32 to index
      %get3A_91 = tpu.vector_load %arg5[%get3A] {strides = array<i32>} : memref<1024xi32, #tpu.memory_space<vmem>>, vector<16xi32>,
      %get3A_92 = vector.shape_cast %get3A_91 : vector<16xi32> to vector<16xi32>
      %mul3A_93 = arith.constant 16 : i32
      %mul3A_94 = arith.muli %scan3A_86, %mul3A_93 : i32
      %add3A_95 = arith.constant 384 : i32
      %add3A_96 = arith.addi %add3A_95, %mul3A_94 : i32
      %get3A_97 = arith.index_cast %add3A_96 : i32 to index
      %get3A_98 = tpu.vector_load %arg6[%get3A_97] {strides = array<i32>} : memref<1024xi32, #tpu.memory_space<vmem>>, vector<16xi32>,
      %get3A_99 = vector.shape_cast %get3A_98 : vector<16xi32> to vector<16xi32>
      %sub3A = vector.broadcast %mul3A_20 : i32 to vector<16xi32>
      %sub3A_100 = arith.subi %get3A_99, %sub3A : vector<16xi32>
      %mul3A_101 = arith.constant 32 : i32
      %mul3A_102 = vector.broadcast %mul3A_101 : i32 to vector<16xi32>
      %mul3A_103 = arith.muli %sub3A_100, %mul3A_102 : vector<16xi32>
      %and3A = arith.constant 31 : i32
      %and3A_104 = vector.broadcast %and3A : i32 to vector<16xi32>
      %and3A_105 = arith.andi %get3A_92, %and3A_104 : vector<16xi32>
      %add3A_106 = arith.addi %mul3A_103, %and3A_105 : vector<16xi32>
      %mul3A_107 = arith.constant 16 : i32
      %mul3A_108 = arith.muli %scan3A_86, %mul3A_107 : i32
      %swap3A = arith.constant 3 : i32
      %swap3A_109 = arith.index_cast %swap3A : i32 to index
      %swap3A_110 = arith.index_cast %mul3A_108 : i32 to index
      %swap3A_111 = tpu.vector_load %arg7[%swap3A_109, %swap3A_110] {strides = array<i32>} : memref<8x128xi32, #tpu.memory_space<vmem>>, vector<1x16xi32>,
      %swap3A_112 = vector.shape_cast %swap3A_111 : vector<1x16xi32> to vector<16xi32>
      %swap3A_113 = vector.shape_cast %add3A_106 : vector<16xi32> to vector<1x16xi32>
      tpu.vector_store %arg7[%swap3A_109, %swap3A_110], %swap3A_113 {strides = array<i32>} : memref<8x128xi32, #tpu.memory_space<vmem>>, vector<1x16xi32>,
    }
    %scan3A_44 = arith.constant 8 : i32
    %scan3A_45 = arith.constant 0 : i32
    %scan3A_46 = arith.constant 0 : i32
    %scan3A_47 = arith.constant 8 : i32
    %scan3A_48 = arith.addi %scan3A_46, %scan3A_47 : i32
    %scan3A_49 = arith.constant 1 : i32
    scf.for %scan3A_86 = %scan3A_46 to %scan3A_48 step %scan3A_49  : i32 {
      %mul3A_87 = arith.constant 16 : i32
      %mul3A_88 = arith.muli %scan3A_86, %mul3A_87 : i32
      %add3A_89 = arith.constant 512 : i32
      %add3A_90 = arith.addi %add3A_89, %mul3A_88 : i32
      %get3A = arith.index_cast %add3A_90 : i32 to index
      %get3A_91 = tpu.vector_load %arg5[%get3A] {strides = array<i32>} : memref<1024xi32, #tpu.memory_space<vmem>>, vector<16xi32>,
      %get3A_92 = vector.shape_cast %get3A_91 : vector<16xi32> to vector<16xi32>
      %mul3A_93 = arith.constant 16 : i32
      %mul3A_94 = arith.muli %scan3A_86, %mul3A_93 : i32
      %add3A_95 = arith.constant 512 : i32
      %add3A_96 = arith.addi %add3A_95, %mul3A_94 : i32
      %get3A_97 = arith.index_cast %add3A_96 : i32 to index
      %get3A_98 = tpu.vector_load %arg6[%get3A_97] {strides = array<i32>} : memref<1024xi32, #tpu.memory_space<vmem>>, vector<16xi32>,
      %get3A_99 = vector.shape_cast %get3A_98 : vector<16xi32> to vector<16xi32>
      %sub3A = vector.broadcast %mul3A_20 : i32 to vector<16xi32>
      %sub3A_100 = arith.subi %get3A_99, %sub3A : vector<16xi32>
      %mul3A_101 = arith.constant 32 : i32
      %mul3A_102 = vector.broadcast %mul3A_101 : i32 to vector<16xi32>
      %mul3A_103 = arith.muli %sub3A_100, %mul3A_102 : vector<16xi32>
      %and3A = arith.constant 31 : i32
      %and3A_104 = vector.broadcast %and3A : i32 to vector<16xi32>
      %and3A_105 = arith.andi %get3A_92, %and3A_104 : vector<16xi32>
      %add3A_106 = arith.addi %mul3A_103, %and3A_105 : vector<16xi32>
      %mul3A_107 = arith.constant 16 : i32
      %mul3A_108 = arith.muli %scan3A_86, %mul3A_107 : i32
      %swap3A = arith.constant 4 : i32
      %swap3A_109 = arith.index_cast %swap3A : i32 to index
      %swap3A_110 = arith.index_cast %mul3A_108 : i32 to index
      %swap3A_111 = tpu.vector_load %arg7[%swap3A_109, %swap3A_110] {strides = array<i32>} : memref<8x128xi32, #tpu.memory_space<vmem>>, vector<1x16xi32>,
      %swap3A_112 = vector.shape_cast %swap3A_111 : vector<1x16xi32> to vector<16xi32>
      %swap3A_113 = vector.shape_cast %add3A_106 : vector<16xi32> to vector<1x16xi32>
      tpu.vector_store %arg7[%swap3A_109, %swap3A_110], %swap3A_113 {strides = array<i32>} : memref<8x128xi32, #tpu.memory_space<vmem>>, vector<1x16xi32>,
    }
    %scan3A_50 = arith.constant 8 : i32
    %scan3A_51 = arith.constant 0 : i32
    %scan3A_52 = arith.constant 0 : i32
    %scan3A_53 = arith.constant 8 : i32
    %scan3A_54 = arith.addi %scan3A_52, %scan3A_53 : i32
    %scan3A_55 = arith.constant 1 : i32
    scf.for %scan3A_86 = %scan3A_52 to %scan3A_54 step %scan3A_55  : i32 {
      %mul3A_87 = arith.constant 16 : i32
      %mul3A_88 = arith.muli %scan3A_86, %mul3A_87 : i32
      %add3A_89 = arith.constant 640 : i32
      %add3A_90 = arith.addi %add3A_89, %mul3A_88 : i32
      %get3A = arith.index_cast %add3A_90 : i32 to index
      %get3A_91 = tpu.vector_load %arg5[%get3A] {strides = array<i32>} : memref<1024xi32, #tpu.memory_space<vmem>>, vector<16xi32>,
      %get3A_92 = vector.shape_cast %get3A_91 : vector<16xi32> to vector<16xi32>
      %mul3A_93 = arith.constant 16 : i32
      %mul3A_94 = arith.muli %scan3A_86, %mul3A_93 : i32
      %add3A_95 = arith.constant 640 : i32
      %add3A_96 = arith.addi %add3A_95, %mul3A_94 : i32
      %get3A_97 = arith.index_cast %add3A_96 : i32 to index
      %get3A_98 = tpu.vector_load %arg6[%get3A_97] {strides = array<i32>} : memref<1024xi32, #tpu.memory_space<vmem>>, vector<16xi32>,
      %get3A_99 = vector.shape_cast %get3A_98 : vector<16xi32> to vector<16xi32>
      %sub3A = vector.broadcast %mul3A_20 : i32 to vector<16xi32>
      %sub3A_100 = arith.subi %get3A_99, %sub3A : vector<16xi32>
      %mul3A_101 = arith.constant 32 : i32
      %mul3A_102 = vector.broadcast %mul3A_101 : i32 to vector<16xi32>
      %mul3A_103 = arith.muli %sub3A_100, %mul3A_102 : vector<16xi32>
      %and3A = arith.constant 31 : i32
      %and3A_104 = vector.broadcast %and3A : i32 to vector<16xi32>
      %and3A_105 = arith.andi %get3A_92, %and3A_104 : vector<16xi32>
      %add3A_106 = arith.addi %mul3A_103, %and3A_105 : vector<16xi32>
      %mul3A_107 = arith.constant 16 : i32
      %mul3A_108 = arith.muli %scan3A_86, %mul3A_107 : i32
      %swap3A = arith.constant 5 : i32
      %swap3A_109 = arith.index_cast %swap3A : i32 to index
      %swap3A_110 = arith.index_cast %mul3A_108 : i32 to index
      %swap3A_111 = tpu.vector_load %arg7[%swap3A_109, %swap3A_110] {strides = array<i32>} : memref<8x128xi32, #tpu.memory_space<vmem>>, vector<1x16xi32>,
      %swap3A_112 = vector.shape_cast %swap3A_111 : vector<1x16xi32> to vector<16xi32>
      %swap3A_113 = vector.shape_cast %add3A_106 : vector<16xi32> to vector<1x16xi32>
      tpu.vector_store %arg7[%swap3A_109, %swap3A_110], %swap3A_113 {strides = array<i32>} : memref<8x128xi32, #tpu.memory_space<vmem>>, vector<1x16xi32>,
    }
    %scan3A_56 = arith.constant 8 : i32
    %scan3A_57 = arith.constant 0 : i32
    %scan3A_58 = arith.constant 0 : i32
    %scan3A_59 = arith.constant 8 : i32
    %scan3A_60 = arith.addi %scan3A_58, %scan3A_59 : i32
    %scan3A_61 = arith.constant 1 : i32
    scf.for %scan3A_86 = %scan3A_58 to %scan3A_60 step %scan3A_61  : i32 {
      %mul3A_87 = arith.constant 16 : i32
      %mul3A_88 = arith.muli %scan3A_86, %mul3A_87 : i32
      %add3A_89 = arith.constant 768 : i32
      %add3A_90 = arith.addi %add3A_89, %mul3A_88 : i32
      %get3A = arith.index_cast %add3A_90 : i32 to index
      %get3A_91 = tpu.vector_load %arg5[%get3A] {strides = array<i32>} : memref<1024xi32, #tpu.memory_space<vmem>>, vector<16xi32>,
      %get3A_92 = vector.shape_cast %get3A_91 : vector<16xi32> to vector<16xi32>
      %mul3A_93 = arith.constant 16 : i32
      %mul3A_94 = arith.muli %scan3A_86, %mul3A_93 : i32
      %add3A_95 = arith.constant 768 : i32
      %add3A_96 = arith.addi %add3A_95, %mul3A_94 : i32
      %get3A_97 = arith.index_cast %add3A_96 : i32 to index
      %get3A_98 = tpu.vector_load %arg6[%get3A_97] {strides = array<i32>} : memref<1024xi32, #tpu.memory_space<vmem>>, vector<16xi32>,
      %get3A_99 = vector.shape_cast %get3A_98 : vector<16xi32> to vector<16xi32>
      %sub3A = vector.broadcast %mul3A_20 : i32 to vector<16xi32>
      %sub3A_100 = arith.subi %get3A_99, %sub3A : vector<16xi32>
      %mul3A_101 = arith.constant 32 : i32
      %mul3A_102 = vector.broadcast %mul3A_101 : i32 to vector<16xi32>
      %mul3A_103 = arith.muli %sub3A_100, %mul3A_102 : vector<16xi32>
      %and3A = arith.constant 31 : i32
      %and3A_104 = vector.broadcast %and3A : i32 to vector<16xi32>
      %and3A_105 = arith.andi %get3A_92, %and3A_104 : vector<16xi32>
      %add3A_106 = arith.addi %mul3A_103, %and3A_105 : vector<16xi32>
      %mul3A_107 = arith.constant 16 : i32
      %mul3A_108 = arith.muli %scan3A_86, %mul3A_107 : i32
      %swap3A = arith.constant 6 : i32
      %swap3A_109 = arith.index_cast %swap3A : i32 to index
      %swap3A_110 = arith.index_cast %mul3A_108 : i32 to index
      %swap3A_111 = tpu.vector_load %arg7[%swap3A_109, %swap3A_110] {strides = array<i32>} : memref<8x128xi32, #tpu.memory_space<vmem>>, vector<1x16xi32>,
      %swap3A_112 = vector.shape_cast %swap3A_111 : vector<1x16xi32> to vector<16xi32>
      %swap3A_113 = vector.shape_cast %add3A_106 : vector<16xi32> to vector<1x16xi32>
      tpu.vector_store %arg7[%swap3A_109, %swap3A_110], %swap3A_113 {strides = array<i32>} : memref<8x128xi32, #tpu.memory_space<vmem>>, vector<1x16xi32>,
    }
    %scan3A_62 = arith.constant 8 : i32
    %scan3A_63 = arith.constant 0 : i32
    %scan3A_64 = arith.constant 0 : i32
    %scan3A_65 = arith.constant 8 : i32
    %scan3A_66 = arith.addi %scan3A_64, %scan3A_65 : i32
    %scan3A_67 = arith.constant 1 : i32
    scf.for %scan3A_86 = %scan3A_64 to %scan3A_66 step %scan3A_67  : i32 {
      %mul3A_87 = arith.constant 16 : i32
      %mul3A_88 = arith.muli %scan3A_86, %mul3A_87 : i32
      %add3A_89 = arith.constant 896 : i32
      %add3A_90 = arith.addi %add3A_89, %mul3A_88 : i32
      %get3A = arith.index_cast %add3A_90 : i32 to index
      %get3A_91 = tpu.vector_load %arg5[%get3A] {strides = array<i32>} : memref<1024xi32, #tpu.memory_space<vmem>>, vector<16xi32>,
      %get3A_92 = vector.shape_cast %get3A_91 : vector<16xi32> to vector<16xi32>
      %mul3A_93 = arith.constant 16 : i32
      %mul3A_94 = arith.muli %scan3A_86, %mul3A_93 : i32
      %add3A_95 = arith.constant 896 : i32
      %add3A_96 = arith.addi %add3A_95, %mul3A_94 : i32
      %get3A_97 = arith.index_cast %add3A_96 : i32 to index
      %get3A_98 = tpu.vector_load %arg6[%get3A_97] {strides = array<i32>} : memref<1024xi32, #tpu.memory_space<vmem>>, vector<16xi32>,
      %get3A_99 = vector.shape_cast %get3A_98 : vector<16xi32> to vector<16xi32>
      %sub3A = vector.broadcast %mul3A_20 : i32 to vector<16xi32>
      %sub3A_100 = arith.subi %get3A_99, %sub3A : vector<16xi32>
      %mul3A_101 = arith.constant 32 : i32
      %mul3A_102 = vector.broadcast %mul3A_101 : i32 to vector<16xi32>
      %mul3A_103 = arith.muli %sub3A_100, %mul3A_102 : vector<16xi32>
      %and3A = arith.constant 31 : i32
      %and3A_104 = vector.broadcast %and3A : i32 to vector<16xi32>
      %and3A_105 = arith.andi %get3A_92, %and3A_104 : vector<16xi32>
      %add3A_106 = arith.addi %mul3A_103, %and3A_105 : vector<16xi32>
      %mul3A_107 = arith.constant 16 : i32
      %mul3A_108 = arith.muli %scan3A_86, %mul3A_107 : i32
      %swap3A = arith.constant 7 : i32
      %swap3A_109 = arith.index_cast %swap3A : i32 to index
      %swap3A_110 = arith.index_cast %mul3A_108 : i32 to index
      %swap3A_111 = tpu.vector_load %arg7[%swap3A_109, %swap3A_110] {strides = array<i32>} : memref<8x128xi32, #tpu.memory_space<vmem>>, vector<1x16xi32>,
      %swap3A_112 = vector.shape_cast %swap3A_111 : vector<1x16xi32> to vector<16xi32>
      %swap3A_113 = vector.shape_cast %add3A_106 : vector<16xi32> to vector<1x16xi32>
      tpu.vector_store %arg7[%swap3A_109, %swap3A_110], %swap3A_113 {strides = array<i32>} : memref<8x128xi32, #tpu.memory_space<vmem>>, vector<1x16xi32>,
    }
    %scan3A_68 = arith.constant 8 : i32
    %mul3A_69 = arith.constant 2048 : i32
    %mul3A_70 = arith.muli %arg1, %mul3A_69 : i32
    "tpu.region"() ({
      %run_scoped3A_86 = tpu.sem_alloc : memref<!tpu.dma_semaphore, #tpu.memory_space<semaphore_mem>>
      %dma_start3A = tpu.memref_slice %arg10[%mul3A_70] : memref<32768xf32, #tpu.memory_space<vmem_shared>> -> memref<2048xf32, #tpu.memory_space<vmem_shared>>
      %dma_start3A_87 = tpu.memref_slice %arg10[%mul3A_70] : memref<32768xf32, #tpu.memory_space<vmem_shared>> -> memref<2048xf32, #tpu.memory_space<vmem_shared>>
      tpu.enqueue_dma source(%arg9 : memref<2048xf32, #tpu.memory_space<vmem>>) target(%dma_start3A_87 : memref<2048xf32, #tpu.memory_space<vmem_shared>>) target_semaphore(%run_scoped3A_86 : memref<!tpu.dma_semaphore, #tpu.memory_space<semaphore_mem>>)
      %dma_wait3A = tpu.memref_slice %arg10[%mul3A_70] : memref<32768xf32, #tpu.memory_space<vmem_shared>> -> memref<2048xf32, #tpu.memory_space<vmem_shared>>
      %dma_wait3A_88 = tpu.memref_slice %arg10[%mul3A_70] : memref<32768xf32, #tpu.memory_space<vmem_shared>> -> memref<2048xf32, #tpu.memory_space<vmem_shared>>
      tpu.wait_dma2 semaphore(%run_scoped3A_86 : memref<!tpu.dma_semaphore, #tpu.memory_space<semaphore_mem>>) src(%arg9 : memref<2048xf32, #tpu.memory_space<vmem>>) dst(%dma_wait3A_88 : memref<2048xf32, #tpu.memory_space<vmem_shared>>)
      tpu.yield
    }) : () -> ()
    %barrier3A = arith.constant 0 : index
    tpu.barrier barrier_id(%barrier3A)
    %run_scoped3A = arith.constant 0 : i32
    "tpu.region"() ({
      %run_scoped3A_86 = tpu.sem_alloc : memref<!tpu.dma_semaphore, #tpu.memory_space<semaphore_mem>>
      %dma_start3A = arith.constant 0 : i32
      %dma_start3A_87 = tpu.memref_slice %arg7[%run_scoped3A, %dma_start3A] : memref<8x128xi32, #tpu.memory_space<vmem>> -> memref<1x128xi32, #tpu.memory_space<vmem>>
      %dma_start3A_88 = tpu.memref_squeeze %dma_start3A_87 : memref<1x128xi32, #tpu.memory_space<vmem>> -> memref<128xi32, #tpu.memory_space<vmem>>
      %dma_start3A_89 = arith.constant 0 : i32
      %dma_start3A_90 = tpu.memref_slice %arg10[%dma_start3A_89] : memref<32768xf32, #tpu.memory_space<vmem_shared>> -> memref<32768xf32, #tpu.memory_space<vmem_shared>>
      tpu.enqueue_indirect_dma source(%arg8 : memref<128xf32, #tpu.memory_space<vmem>>) target(%dma_start3A_90 : memref<32768xf32, #tpu.memory_space<vmem_shared>>) offsets(%dma_start3A_88 : memref<128xi32, #tpu.memory_space<vmem>>) semaphore(%run_scoped3A_86 : memref<!tpu.dma_semaphore, #tpu.memory_space<semaphore_mem>>) {add = true}
      %dma_wait3A = arith.constant 0 : i32
      %dma_wait3A_91 = tpu.memref_slice %arg7[%run_scoped3A, %dma_wait3A] : memref<8x128xi32, #tpu.memory_space<vmem>> -> memref<1x128xi32, #tpu.memory_space<vmem>>
      %dma_wait3A_92 = tpu.memref_squeeze %dma_wait3A_91 : memref<1x128xi32, #tpu.memory_space<vmem>> -> memref<128xi32, #tpu.memory_space<vmem>>
      %dma_wait3A_93 = arith.constant 0 : i32
      %dma_wait3A_94 = tpu.memref_slice %arg10[%dma_wait3A_93] : memref<32768xf32, #tpu.memory_space<vmem_shared>> -> memref<32768xf32, #tpu.memory_space<vmem_shared>>
      tpu.wait_indirect_dma semaphore(%run_scoped3A_86 : memref<!tpu.dma_semaphore, #tpu.memory_space<semaphore_mem>>) src(%arg8 : memref<128xf32, #tpu.memory_space<vmem>>) dst(%dma_wait3A_94 : memref<32768xf32, #tpu.memory_space<vmem_shared>>)
      tpu.yield
    }) : () -> ()
    %run_scoped3A_71 = arith.constant 1 : i32
    "tpu.region"() ({
      %run_scoped3A_86 = tpu.sem_alloc : memref<!tpu.dma_semaphore, #tpu.memory_space<semaphore_mem>>
      %dma_start3A = arith.constant 0 : i32
      %dma_start3A_87 = tpu.memref_slice %arg7[%run_scoped3A_71, %dma_start3A] : memref<8x128xi32, #tpu.memory_space<vmem>> -> memref<1x128xi32, #tpu.memory_space<vmem>>
      %dma_start3A_88 = tpu.memref_squeeze %dma_start3A_87 : memref<1x128xi32, #tpu.memory_space<vmem>> -> memref<128xi32, #tpu.memory_space<vmem>>
      %dma_start3A_89 = arith.constant 0 : i32
      %dma_start3A_90 = tpu.memref_slice %arg10[%dma_start3A_89] : memref<32768xf32, #tpu.memory_space<vmem_shared>> -> memref<32768xf32, #tpu.memory_space<vmem_shared>>
      tpu.enqueue_indirect_dma source(%arg8 : memref<128xf32, #tpu.memory_space<vmem>>) target(%dma_start3A_90 : memref<32768xf32, #tpu.memory_space<vmem_shared>>) offsets(%dma_start3A_88 : memref<128xi32, #tpu.memory_space<vmem>>) semaphore(%run_scoped3A_86 : memref<!tpu.dma_semaphore, #tpu.memory_space<semaphore_mem>>) {add = true}
      %dma_wait3A = arith.constant 0 : i32
      %dma_wait3A_91 = tpu.memref_slice %arg7[%run_scoped3A_71, %dma_wait3A] : memref<8x128xi32, #tpu.memory_space<vmem>> -> memref<1x128xi32, #tpu.memory_space<vmem>>
      %dma_wait3A_92 = tpu.memref_squeeze %dma_wait3A_91 : memref<1x128xi32, #tpu.memory_space<vmem>> -> memref<128xi32, #tpu.memory_space<vmem>>
      %dma_wait3A_93 = arith.constant 0 : i32
      %dma_wait3A_94 = tpu.memref_slice %arg10[%dma_wait3A_93] : memref<32768xf32, #tpu.memory_space<vmem_shared>> -> memref<32768xf32, #tpu.memory_space<vmem_shared>>
      tpu.wait_indirect_dma semaphore(%run_scoped3A_86 : memref<!tpu.dma_semaphore, #tpu.memory_space<semaphore_mem>>) src(%arg8 : memref<128xf32, #tpu.memory_space<vmem>>) dst(%dma_wait3A_94 : memref<32768xf32, #tpu.memory_space<vmem_shared>>)
      tpu.yield
    }) : () -> ()
    %run_scoped3A_72 = arith.constant 2 : i32
    "tpu.region"() ({
      %run_scoped3A_86 = tpu.sem_alloc : memref<!tpu.dma_semaphore, #tpu.memory_space<semaphore_mem>>
      %dma_start3A = arith.constant 0 : i32
      %dma_start3A_87 = tpu.memref_slice %arg7[%run_scoped3A_72, %dma_start3A] : memref<8x128xi32, #tpu.memory_space<vmem>> -> memref<1x128xi32, #tpu.memory_space<vmem>>
      %dma_start3A_88 = tpu.memref_squeeze %dma_start3A_87 : memref<1x128xi32, #tpu.memory_space<vmem>> -> memref<128xi32, #tpu.memory_space<vmem>>
      %dma_start3A_89 = arith.constant 0 : i32
      %dma_start3A_90 = tpu.memref_slice %arg10[%dma_start3A_89] : memref<32768xf32, #tpu.memory_space<vmem_shared>> -> memref<32768xf32, #tpu.memory_space<vmem_shared>>
      tpu.enqueue_indirect_dma source(%arg8 : memref<128xf32, #tpu.memory_space<vmem>>) target(%dma_start3A_90 : memref<32768xf32, #tpu.memory_space<vmem_shared>>) offsets(%dma_start3A_88 : memref<128xi32, #tpu.memory_space<vmem>>) semaphore(%run_scoped3A_86 : memref<!tpu.dma_semaphore, #tpu.memory_space<semaphore_mem>>) {add = true}
      %dma_wait3A = arith.constant 0 : i32
      %dma_wait3A_91 = tpu.memref_slice %arg7[%run_scoped3A_72, %dma_wait3A] : memref<8x128xi32, #tpu.memory_space<vmem>> -> memref<1x128xi32, #tpu.memory_space<vmem>>
      %dma_wait3A_92 = tpu.memref_squeeze %dma_wait3A_91 : memref<1x128xi32, #tpu.memory_space<vmem>> -> memref<128xi32, #tpu.memory_space<vmem>>
      %dma_wait3A_93 = arith.constant 0 : i32
      %dma_wait3A_94 = tpu.memref_slice %arg10[%dma_wait3A_93] : memref<32768xf32, #tpu.memory_space<vmem_shared>> -> memref<32768xf32, #tpu.memory_space<vmem_shared>>
      tpu.wait_indirect_dma semaphore(%run_scoped3A_86 : memref<!tpu.dma_semaphore, #tpu.memory_space<semaphore_mem>>) src(%arg8 : memref<128xf32, #tpu.memory_space<vmem>>) dst(%dma_wait3A_94 : memref<32768xf32, #tpu.memory_space<vmem_shared>>)
      tpu.yield
    }) : () -> ()
    %run_scoped3A_73 = arith.constant 3 : i32
    "tpu.region"() ({
      %run_scoped3A_86 = tpu.sem_alloc : memref<!tpu.dma_semaphore, #tpu.memory_space<semaphore_mem>>
      %dma_start3A = arith.constant 0 : i32
      %dma_start3A_87 = tpu.memref_slice %arg7[%run_scoped3A_73, %dma_start3A] : memref<8x128xi32, #tpu.memory_space<vmem>> -> memref<1x128xi32, #tpu.memory_space<vmem>>
      %dma_start3A_88 = tpu.memref_squeeze %dma_start3A_87 : memref<1x128xi32, #tpu.memory_space<vmem>> -> memref<128xi32, #tpu.memory_space<vmem>>
      %dma_start3A_89 = arith.constant 0 : i32
      %dma_start3A_90 = tpu.memref_slice %arg10[%dma_start3A_89] : memref<32768xf32, #tpu.memory_space<vmem_shared>> -> memref<32768xf32, #tpu.memory_space<vmem_shared>>
      tpu.enqueue_indirect_dma source(%arg8 : memref<128xf32, #tpu.memory_space<vmem>>) target(%dma_start3A_90 : memref<32768xf32, #tpu.memory_space<vmem_shared>>) offsets(%dma_start3A_88 : memref<128xi32, #tpu.memory_space<vmem>>) semaphore(%run_scoped3A_86 : memref<!tpu.dma_semaphore, #tpu.memory_space<semaphore_mem>>) {add = true}
      %dma_wait3A = arith.constant 0 : i32
      %dma_wait3A_91 = tpu.memref_slice %arg7[%run_scoped3A_73, %dma_wait3A] : memref<8x128xi32, #tpu.memory_space<vmem>> -> memref<1x128xi32, #tpu.memory_space<vmem>>
      %dma_wait3A_92 = tpu.memref_squeeze %dma_wait3A_91 : memref<1x128xi32, #tpu.memory_space<vmem>> -> memref<128xi32, #tpu.memory_space<vmem>>
      %dma_wait3A_93 = arith.constant 0 : i32
      %dma_wait3A_94 = tpu.memref_slice %arg10[%dma_wait3A_93] : memref<32768xf32, #tpu.memory_space<vmem_shared>> -> memref<32768xf32, #tpu.memory_space<vmem_shared>>
      tpu.wait_indirect_dma semaphore(%run_scoped3A_86 : memref<!tpu.dma_semaphore, #tpu.memory_space<semaphore_mem>>) src(%arg8 : memref<128xf32, #tpu.memory_space<vmem>>) dst(%dma_wait3A_94 : memref<32768xf32, #tpu.memory_space<vmem_shared>>)
      tpu.yield
    }) : () -> ()
    %run_scoped3A_74 = arith.constant 4 : i32
    "tpu.region"() ({
      %run_scoped3A_86 = tpu.sem_alloc : memref<!tpu.dma_semaphore, #tpu.memory_space<semaphore_mem>>
      %dma_start3A = arith.constant 0 : i32
      %dma_start3A_87 = tpu.memref_slice %arg7[%run_scoped3A_74, %dma_start3A] : memref<8x128xi32, #tpu.memory_space<vmem>> -> memref<1x128xi32, #tpu.memory_space<vmem>>
      %dma_start3A_88 = tpu.memref_squeeze %dma_start3A_87 : memref<1x128xi32, #tpu.memory_space<vmem>> -> memref<128xi32, #tpu.memory_space<vmem>>
      %dma_start3A_89 = arith.constant 0 : i32
      %dma_start3A_90 = tpu.memref_slice %arg10[%dma_start3A_89] : memref<32768xf32, #tpu.memory_space<vmem_shared>> -> memref<32768xf32, #tpu.memory_space<vmem_shared>>
      tpu.enqueue_indirect_dma source(%arg8 : memref<128xf32, #tpu.memory_space<vmem>>) target(%dma_start3A_90 : memref<32768xf32, #tpu.memory_space<vmem_shared>>) offsets(%dma_start3A_88 : memref<128xi32, #tpu.memory_space<vmem>>) semaphore(%run_scoped3A_86 : memref<!tpu.dma_semaphore, #tpu.memory_space<semaphore_mem>>) {add = true}
      %dma_wait3A = arith.constant 0 : i32
      %dma_wait3A_91 = tpu.memref_slice %arg7[%run_scoped3A_74, %dma_wait3A] : memref<8x128xi32, #tpu.memory_space<vmem>> -> memref<1x128xi32, #tpu.memory_space<vmem>>
      %dma_wait3A_92 = tpu.memref_squeeze %dma_wait3A_91 : memref<1x128xi32, #tpu.memory_space<vmem>> -> memref<128xi32, #tpu.memory_space<vmem>>
      %dma_wait3A_93 = arith.constant 0 : i32
      %dma_wait3A_94 = tpu.memref_slice %arg10[%dma_wait3A_93] : memref<32768xf32, #tpu.memory_space<vmem_shared>> -> memref<32768xf32, #tpu.memory_space<vmem_shared>>
      tpu.wait_indirect_dma semaphore(%run_scoped3A_86 : memref<!tpu.dma_semaphore, #tpu.memory_space<semaphore_mem>>) src(%arg8 : memref<128xf32, #tpu.memory_space<vmem>>) dst(%dma_wait3A_94 : memref<32768xf32, #tpu.memory_space<vmem_shared>>)
      tpu.yield
    }) : () -> ()
    %run_scoped3A_75 = arith.constant 5 : i32
    "tpu.region"() ({
      %run_scoped3A_86 = tpu.sem_alloc : memref<!tpu.dma_semaphore, #tpu.memory_space<semaphore_mem>>
      %dma_start3A = arith.constant 0 : i32
      %dma_start3A_87 = tpu.memref_slice %arg7[%run_scoped3A_75, %dma_start3A] : memref<8x128xi32, #tpu.memory_space<vmem>> -> memref<1x128xi32, #tpu.memory_space<vmem>>
      %dma_start3A_88 = tpu.memref_squeeze %dma_start3A_87 : memref<1x128xi32, #tpu.memory_space<vmem>> -> memref<128xi32, #tpu.memory_space<vmem>>
      %dma_start3A_89 = arith.constant 0 : i32
      %dma_start3A_90 = tpu.memref_slice %arg10[%dma_start3A_89] : memref<32768xf32, #tpu.memory_space<vmem_shared>> -> memref<32768xf32, #tpu.memory_space<vmem_shared>>
      tpu.enqueue_indirect_dma source(%arg8 : memref<128xf32, #tpu.memory_space<vmem>>) target(%dma_start3A_90 : memref<32768xf32, #tpu.memory_space<vmem_shared>>) offsets(%dma_start3A_88 : memref<128xi32, #tpu.memory_space<vmem>>) semaphore(%run_scoped3A_86 : memref<!tpu.dma_semaphore, #tpu.memory_space<semaphore_mem>>) {add = true}
      %dma_wait3A = arith.constant 0 : i32
      %dma_wait3A_91 = tpu.memref_slice %arg7[%run_scoped3A_75, %dma_wait3A] : memref<8x128xi32, #tpu.memory_space<vmem>> -> memref<1x128xi32, #tpu.memory_space<vmem>>
      %dma_wait3A_92 = tpu.memref_squeeze %dma_wait3A_91 : memref<1x128xi32, #tpu.memory_space<vmem>> -> memref<128xi32, #tpu.memory_space<vmem>>
      %dma_wait3A_93 = arith.constant 0 : i32
      %dma_wait3A_94 = tpu.memref_slice %arg10[%dma_wait3A_93] : memref<32768xf32, #tpu.memory_space<vmem_shared>> -> memref<32768xf32, #tpu.memory_space<vmem_shared>>
      tpu.wait_indirect_dma semaphore(%run_scoped3A_86 : memref<!tpu.dma_semaphore, #tpu.memory_space<semaphore_mem>>) src(%arg8 : memref<128xf32, #tpu.memory_space<vmem>>) dst(%dma_wait3A_94 : memref<32768xf32, #tpu.memory_space<vmem_shared>>)
      tpu.yield
    }) : () -> ()
    %run_scoped3A_76 = arith.constant 6 : i32
    "tpu.region"() ({
      %run_scoped3A_86 = tpu.sem_alloc : memref<!tpu.dma_semaphore, #tpu.memory_space<semaphore_mem>>
      %dma_start3A = arith.constant 0 : i32
      %dma_start3A_87 = tpu.memref_slice %arg7[%run_scoped3A_76, %dma_start3A] : memref<8x128xi32, #tpu.memory_space<vmem>> -> memref<1x128xi32, #tpu.memory_space<vmem>>
      %dma_start3A_88 = tpu.memref_squeeze %dma_start3A_87 : memref<1x128xi32, #tpu.memory_space<vmem>> -> memref<128xi32, #tpu.memory_space<vmem>>
      %dma_start3A_89 = arith.constant 0 : i32
      %dma_start3A_90 = tpu.memref_slice %arg10[%dma_start3A_89] : memref<32768xf32, #tpu.memory_space<vmem_shared>> -> memref<32768xf32, #tpu.memory_space<vmem_shared>>
      tpu.enqueue_indirect_dma source(%arg8 : memref<128xf32, #tpu.memory_space<vmem>>) target(%dma_start3A_90 : memref<32768xf32, #tpu.memory_space<vmem_shared>>) offsets(%dma_start3A_88 : memref<128xi32, #tpu.memory_space<vmem>>) semaphore(%run_scoped3A_86 : memref<!tpu.dma_semaphore, #tpu.memory_space<semaphore_mem>>) {add = true}
      %dma_wait3A = arith.constant 0 : i32
      %dma_wait3A_91 = tpu.memref_slice %arg7[%run_scoped3A_76, %dma_wait3A] : memref<8x128xi32, #tpu.memory_space<vmem>> -> memref<1x128xi32, #tpu.memory_space<vmem>>
      %dma_wait3A_92 = tpu.memref_squeeze %dma_wait3A_91 : memref<1x128xi32, #tpu.memory_space<vmem>> -> memref<128xi32, #tpu.memory_space<vmem>>
      %dma_wait3A_93 = arith.constant 0 : i32
      %dma_wait3A_94 = tpu.memref_slice %arg10[%dma_wait3A_93] : memref<32768xf32, #tpu.memory_space<vmem_shared>> -> memref<32768xf32, #tpu.memory_space<vmem_shared>>
      tpu.wait_indirect_dma semaphore(%run_scoped3A_86 : memref<!tpu.dma_semaphore, #tpu.memory_space<semaphore_mem>>) src(%arg8 : memref<128xf32, #tpu.memory_space<vmem>>) dst(%dma_wait3A_94 : memref<32768xf32, #tpu.memory_space<vmem_shared>>)
      tpu.yield
    }) : () -> ()
    %run_scoped3A_77 = arith.constant 7 : i32
    "tpu.region"() ({
      %run_scoped3A_86 = tpu.sem_alloc : memref<!tpu.dma_semaphore, #tpu.memory_space<semaphore_mem>>
      %dma_start3A = arith.constant 0 : i32
      %dma_start3A_87 = tpu.memref_slice %arg7[%run_scoped3A_77, %dma_start3A] : memref<8x128xi32, #tpu.memory_space<vmem>> -> memref<1x128xi32, #tpu.memory_space<vmem>>
      %dma_start3A_88 = tpu.memref_squeeze %dma_start3A_87 : memref<1x128xi32, #tpu.memory_space<vmem>> -> memref<128xi32, #tpu.memory_space<vmem>>
      %dma_start3A_89 = arith.constant 0 : i32
      %dma_start3A_90 = tpu.memref_slice %arg10[%dma_start3A_89] : memref<32768xf32, #tpu.memory_space<vmem_shared>> -> memref<32768xf32, #tpu.memory_space<vmem_shared>>
      tpu.enqueue_indirect_dma source(%arg8 : memref<128xf32, #tpu.memory_space<vmem>>) target(%dma_start3A_90 : memref<32768xf32, #tpu.memory_space<vmem_shared>>) offsets(%dma_start3A_88 : memref<128xi32, #tpu.memory_space<vmem>>) semaphore(%run_scoped3A_86 : memref<!tpu.dma_semaphore, #tpu.memory_space<semaphore_mem>>) {add = true}
      %dma_wait3A = arith.constant 0 : i32
      %dma_wait3A_91 = tpu.memref_slice %arg7[%run_scoped3A_77, %dma_wait3A] : memref<8x128xi32, #tpu.memory_space<vmem>> -> memref<1x128xi32, #tpu.memory_space<vmem>>
      %dma_wait3A_92 = tpu.memref_squeeze %dma_wait3A_91 : memref<1x128xi32, #tpu.memory_space<vmem>> -> memref<128xi32, #tpu.memory_space<vmem>>
      %dma_wait3A_93 = arith.constant 0 : i32
      %dma_wait3A_94 = tpu.memref_slice %arg10[%dma_wait3A_93] : memref<32768xf32, #tpu.memory_space<vmem_shared>> -> memref<32768xf32, #tpu.memory_space<vmem_shared>>
      tpu.wait_indirect_dma semaphore(%run_scoped3A_86 : memref<!tpu.dma_semaphore, #tpu.memory_space<semaphore_mem>>) src(%arg8 : memref<128xf32, #tpu.memory_space<vmem>>) dst(%dma_wait3A_94 : memref<32768xf32, #tpu.memory_space<vmem_shared>>)
      tpu.yield
    }) : () -> ()
    %barrier3A_78 = arith.constant 0 : index
    tpu.barrier barrier_id(%barrier3A_78)
    %mul3A_79 = arith.constant 2048 : i32
    %mul3A_80 = arith.muli %arg1, %mul3A_79 : i32
    %mul3A_81 = arith.constant 32768 : i32
    %mul3A_82 = arith.muli %arg0, %mul3A_81 : i32
    %mul3A_83 = arith.constant 2048 : i32
    %mul3A_84 = arith.muli %arg1, %mul3A_83 : i32
    %add3A_85 = arith.addi %mul3A_82, %mul3A_84 : i32
    "tpu.region"() ({
      %run_scoped3A_86 = tpu.sem_alloc : memref<!tpu.dma_semaphore, #tpu.memory_space<semaphore_mem>>
      %dma_start3A = tpu.memref_slice %arg4[%add3A_85] : memref<65536xf32, #tpu.memory_space<hbm>> -> memref<2048xf32, #tpu.memory_space<hbm>>
      %dma_start3A_87 = tpu.memref_slice %arg10[%mul3A_80] : memref<32768xf32, #tpu.memory_space<vmem_shared>> -> memref<2048xf32, #tpu.memory_space<vmem_shared>>
      tpu.enqueue_dma source(%dma_start3A_87 : memref<2048xf32, #tpu.memory_space<vmem_shared>>) target(%dma_start3A : memref<2048xf32, #tpu.memory_space<hbm>>) target_semaphore(%run_scoped3A_86 : memref<!tpu.dma_semaphore, #tpu.memory_space<semaphore_mem>>)
      %dma_wait3A = tpu.memref_slice %arg4[%add3A_85] : memref<65536xf32, #tpu.memory_space<hbm>> -> memref<2048xf32, #tpu.memory_space<hbm>>
      %dma_wait3A_88 = tpu.memref_slice %arg10[%mul3A_80] : memref<32768xf32, #tpu.memory_space<vmem_shared>> -> memref<2048xf32, #tpu.memory_space<vmem_shared>>
      tpu.wait_dma2 semaphore(%run_scoped3A_86 : memref<!tpu.dma_semaphore, #tpu.memory_space<semaphore_mem>>) src(%dma_wait3A_88 : memref<2048xf32, #tpu.memory_space<vmem_shared>>) dst(%dma_wait3A : memref<2048xf32, #tpu.memory_space<hbm>>)
      tpu.yield
    }) : () -> ()
    return
  }
}

module attributes {stable_mosaic.version = 14 : i64} {
  func.func @_fused_body(%arg0: i32, %arg1: memref<256x128xbf16, #tpu.memory_space<vmem>>, %arg2: memref<256x128xbf16, #tpu.memory_space<vmem>>, %arg3: memref<256x128xbf16, #tpu.memory_space<vmem>>, %arg4: memref<256x128xbf16, #tpu.memory_space<vmem>>, %arg5: memref<256x32xf32, #tpu.memory_space<vmem>>, %arg6: memref<2x128x256xbf16, #tpu.memory_space<vmem>>, %arg7: memref<1x256xf32, #tpu.memory_space<vmem>>, %arg8: memref<2x128x256xbf16, #tpu.memory_space<vmem>>, %arg9: memref<1x256xf32, #tpu.memory_space<vmem>>, %arg10: memref<2x256x128xbf16, #tpu.memory_space<vmem>>, %arg11: memref<1x128xf32, #tpu.memory_space<vmem>>, %arg12: memref<2x128x128xbf16, #tpu.memory_space<vmem>>, %arg13: memref<1x128xf32, #tpu.memory_space<vmem>>, %arg14: memref<2x4x256x256xbf16, #tpu.memory_space<vmem>>, %arg15: memref<4x1x256xf32, #tpu.memory_space<vmem>>, %arg16: memref<2x4x256x256xbf16, #tpu.memory_space<vmem>>, %arg17: memref<4x1x256xf32, #tpu.memory_space<vmem>>, %arg18: memref<1x4xf32, #tpu.memory_space<vmem>>, %arg19: memref<4x1x256xf32, #tpu.memory_space<vmem>>, %arg20: memref<2x4x256x256xbf16, #tpu.memory_space<vmem>>, %arg21: memref<4x1x256xf32, #tpu.memory_space<vmem>>, %arg22: memref<2x4x256x256xbf16, #tpu.memory_space<vmem>>, %arg23: memref<4x1x256xf32, #tpu.memory_space<vmem>>, %arg24: memref<2x4x256x256xbf16, #tpu.memory_space<vmem>>, %arg25: memref<4x1x256xf32, #tpu.memory_space<vmem>>, %arg26: memref<2x4x256x256xbf16, #tpu.memory_space<vmem>>, %arg27: memref<4x1x256xf32, #tpu.memory_space<vmem>>, %arg28: memref<2x256x128xbf16, #tpu.memory_space<vmem>>, %arg29: memref<1x128xf32, #tpu.memory_space<vmem>>, %arg30: memref<1x8x128xf32, #tpu.memory_space<vmem>>, %arg31: memref<1x8x128xf32, #tpu.memory_space<vmem>>, %arg32: memref<1x8x128xf32, #tpu.memory_space<vmem>>) attributes {dimension_semantics = [#tpu.dimension_semantics<arbitrary>], iteration_bounds = array<i64: 8>, scalar_prefetch = 0 : i64, scratch_operands = 0 : i64, tpu.core_type = #tpu.core_type<tc>, window_params = [{transform_indices = @transform_0, window_bounds = array<i64: 256, 128>}, {transform_indices = @transform_1, window_bounds = array<i64: 256, 128>}, {transform_indices = @transform_2, window_bounds = array<i64: 256, 128>}, {transform_indices = @transform_3, window_bounds = array<i64: 256, 128>}, {transform_indices = @transform_4, window_bounds = array<i64: 256, 32>}, {pipeline_mode = #tpu.pipeline_mode<synchronous>, transform_indices = @transform_5, window_bounds = array<i64: 2, 128, 256>}, {pipeline_mode = #tpu.pipeline_mode<synchronous>, transform_indices = @transform_6, window_bounds = array<i64: 1, 256>}, {pipeline_mode = #tpu.pipeline_mode<synchronous>, transform_indices = @transform_7, window_bounds = array<i64: 2, 128, 256>}, {pipeline_mode = #tpu.pipeline_mode<synchronous>, transform_indices = @transform_8, window_bounds = array<i64: 1, 256>}, {pipeline_mode = #tpu.pipeline_mode<synchronous>, transform_indices = @transform_9, window_bounds = array<i64: 2, 256, 128>}, {pipeline_mode = #tpu.pipeline_mode<synchronous>, transform_indices = @transform_10, window_bounds = array<i64: 1, 128>}, {pipeline_mode = #tpu.pipeline_mode<synchronous>, transform_indices = @transform_11, window_bounds = array<i64: 2, 128, 128>}, {pipeline_mode = #tpu.pipeline_mode<synchronous>, transform_indices = @transform_12, window_bounds = array<i64: 1, 128>}, {pipeline_mode = #tpu.pipeline_mode<synchronous>, transform_indices = @transform_13, window_bounds = array<i64: 2, 4, 256, 256>}, {pipeline_mode = #tpu.pipeline_mode<synchronous>, transform_indices = @transform_14, window_bounds = array<i64: 4, 1, 256>}, {pipeline_mode = #tpu.pipeline_mode<synchronous>, transform_indices = @transform_15, window_bounds = array<i64: 2, 4, 256, 256>}, {pipeline_mode = #tpu.pipeline_mode<synchronous>, transform_indices = @transform_16, window_bounds = array<i64: 4, 1, 256>}, {pipeline_mode = #tpu.pipeline_mode<synchronous>, transform_indices = @transform_17, window_bounds = array<i64: 1, 4>}, {pipeline_mode = #tpu.pipeline_mode<synchronous>, transform_indices = @transform_18, window_bounds = array<i64: 4, 1, 256>}, {pipeline_mode = #tpu.pipeline_mode<synchronous>, transform_indices = @transform_19, window_bounds = array<i64: 2, 4, 256, 256>}, {pipeline_mode = #tpu.pipeline_mode<synchronous>, transform_indices = @transform_20, window_bounds = array<i64: 4, 1, 256>}, {pipeline_mode = #tpu.pipeline_mode<synchronous>, transform_indices = @transform_21, window_bounds = array<i64: 2, 4, 256, 256>}, {pipeline_mode = #tpu.pipeline_mode<synchronous>, transform_indices = @transform_22, window_bounds = array<i64: 4, 1, 256>}, {pipeline_mode = #tpu.pipeline_mode<synchronous>, transform_indices = @transform_23, window_bounds = array<i64: 2, 4, 256, 256>}, {pipeline_mode = #tpu.pipeline_mode<synchronous>, transform_indices = @transform_24, window_bounds = array<i64: 4, 1, 256>}, {pipeline_mode = #tpu.pipeline_mode<synchronous>, transform_indices = @transform_25, window_bounds = array<i64: 2, 4, 256, 256>}, {pipeline_mode = #tpu.pipeline_mode<synchronous>, transform_indices = @transform_26, window_bounds = array<i64: 4, 1, 256>}, {pipeline_mode = #tpu.pipeline_mode<synchronous>, transform_indices = @transform_27, window_bounds = array<i64: 2, 256, 128>}, {pipeline_mode = #tpu.pipeline_mode<synchronous>, transform_indices = @transform_28, window_bounds = array<i64: 1, 128>}, {transform_indices = @transform_29, window_bounds = array<i64: 1, 8, 128>}, {transform_indices = @transform_30, window_bounds = array<i64: 1, 8, 128>}, {transform_indices = @transform_31, window_bounds = array<i64: 1, 8, 128>}]} {
    %iota3A = tpu.iota {dimensions = array<i32: 0>} : vector<256x256xi32>
    %iota3A_0 = tpu.iota {dimensions = array<i32: 1>} : vector<256x256xi32>
    %jit3A = arith.constant 32 : i32
    %div3A = vector.broadcast %jit3A : i32 to vector<256x256xi32>
    %div3A_1 = arith.divsi %iota3A, %div3A : vector<256x256xi32>
    %sign3A = arith.constant 0 : i32
    %sign3A_2 = vector.broadcast %sign3A : i32 to vector<256x256xi32>
    %sign3A_3 = arith.cmpi sgt, %iota3A, %sign3A_2 : vector<256x256xi32>
    %sign3A_4 = arith.extui %sign3A_3 : vector<256x256xi1> to vector<256x256xi32>
    %sign3A_5 = arith.constant 0 : i32
    %sign3A_6 = vector.broadcast %sign3A_5 : i32 to vector<256x256xi32>
    %sign3A_7 = arith.cmpi slt, %iota3A, %sign3A_6 : vector<256x256xi32>
    %sign3A_8 = arith.extui %sign3A_7 : vector<256x256xi1> to vector<256x256xi32>
    %sign3A_9 = arith.subi %sign3A_4, %sign3A_8 : vector<256x256xi32>
    %sign3A_10 = arith.constant 0 : i32
    %sign3A_11 = arith.cmpi sgt, %jit3A, %sign3A_10 : i32
    %sign3A_12 = arith.extui %sign3A_11 : i1 to i32
    %sign3A_13 = arith.constant 0 : i32
    %sign3A_14 = arith.cmpi slt, %jit3A, %sign3A_13 : i32
    %sign3A_15 = arith.extui %sign3A_14 : i1 to i32
    %sign3A_16 = arith.subi %sign3A_12, %sign3A_15 : i32
    %ne3A = vector.broadcast %sign3A_16 : i32 to vector<256x256xi32>
    %ne3A_17 = arith.cmpi ne, %sign3A_9, %ne3A : vector<256x256xi32>
    %rem3A = vector.broadcast %jit3A : i32 to vector<256x256xi32>
    %rem3A_18 = arith.remsi %iota3A, %rem3A : vector<256x256xi32>
    %ne3A_19 = arith.constant 0 : i32
    %ne3A_20 = vector.broadcast %ne3A_19 : i32 to vector<256x256xi32>
    %ne3A_21 = arith.cmpi ne, %rem3A_18, %ne3A_20 : vector<256x256xi32>
    %and3A = arith.andi %ne3A_17, %ne3A_21 : vector<256x256xi1>
    %sub3A = arith.constant 1 : i32
    %sub3A_22 = vector.broadcast %sub3A : i32 to vector<256x256xi32>
    %sub3A_23 = arith.subi %div3A_1, %sub3A_22 : vector<256x256xi32>
    %select_n3A = arith.select %and3A, %sub3A_23, %div3A_1 : vector<256x256xi1>, vector<256x256xi32>
    %jit3A_24 = arith.constant 32 : i32
    %div3A_25 = vector.broadcast %jit3A_24 : i32 to vector<256x256xi32>
    %div3A_26 = arith.divsi %iota3A_0, %div3A_25 : vector<256x256xi32>
    %sign3A_27 = arith.constant 0 : i32
    %sign3A_28 = vector.broadcast %sign3A_27 : i32 to vector<256x256xi32>
    %sign3A_29 = arith.cmpi sgt, %iota3A_0, %sign3A_28 : vector<256x256xi32>
    %sign3A_30 = arith.extui %sign3A_29 : vector<256x256xi1> to vector<256x256xi32>
    %sign3A_31 = arith.constant 0 : i32
    %sign3A_32 = vector.broadcast %sign3A_31 : i32 to vector<256x256xi32>
    %sign3A_33 = arith.cmpi slt, %iota3A_0, %sign3A_32 : vector<256x256xi32>
    %sign3A_34 = arith.extui %sign3A_33 : vector<256x256xi1> to vector<256x256xi32>
    %sign3A_35 = arith.subi %sign3A_30, %sign3A_34 : vector<256x256xi32>
    %sign3A_36 = arith.constant 0 : i32
    %sign3A_37 = arith.cmpi sgt, %jit3A_24, %sign3A_36 : i32
    %sign3A_38 = arith.extui %sign3A_37 : i1 to i32
    %sign3A_39 = arith.constant 0 : i32
    %sign3A_40 = arith.cmpi slt, %jit3A_24, %sign3A_39 : i32
    %sign3A_41 = arith.extui %sign3A_40 : i1 to i32
    %sign3A_42 = arith.subi %sign3A_38, %sign3A_41 : i32
    %ne3A_43 = vector.broadcast %sign3A_42 : i32 to vector<256x256xi32>
    %ne3A_44 = arith.cmpi ne, %sign3A_35, %ne3A_43 : vector<256x256xi32>
    %rem3A_45 = vector.broadcast %jit3A_24 : i32 to vector<256x256xi32>
    %rem3A_46 = arith.remsi %iota3A_0, %rem3A_45 : vector<256x256xi32>
    %ne3A_47 = arith.constant 0 : i32
    %ne3A_48 = vector.broadcast %ne3A_47 : i32 to vector<256x256xi32>
    %ne3A_49 = arith.cmpi ne, %rem3A_46, %ne3A_48 : vector<256x256xi32>
    %and3A_50 = arith.andi %ne3A_44, %ne3A_49 : vector<256x256xi1>
    %sub3A_51 = arith.constant 1 : i32
    %sub3A_52 = vector.broadcast %sub3A_51 : i32 to vector<256x256xi32>
    %sub3A_53 = arith.subi %div3A_26, %sub3A_52 : vector<256x256xi32>
    %select_n3A_54 = arith.select %and3A_50, %sub3A_53, %div3A_26 : vector<256x256xi1>, vector<256x256xi32>
    %eq3A = arith.cmpi eq, %select_n3A, %select_n3A_54 : vector<256x256xi32>
    %convert_element_type3A = arith.extui %eq3A : vector<256x256xi1> to vector<256x256xi32>
    %convert_element_type3A_55 = arith.sitofp %convert_element_type3A : vector<256x256xi32> to vector<256x256xf32>
    %convert_element_type3A_56 = arith.extui %eq3A : vector<256x256xi1> to vector<256x256xi32>
    %convert_element_type3A_57 = arith.sitofp %convert_element_type3A_56 : vector<256x256xi32> to vector<256x256xf32>
    %convert_element_type3A_58 = arith.truncf %convert_element_type3A_57 : vector<256x256xf32> to vector<256x256xbf16>
    %broadcast_in_dim3A = arith.constant 1.000000e+00 : f32
    %broadcast_in_dim3A_59 = vector.broadcast %broadcast_in_dim3A : f32 to vector<256x256xf32>
    %iota3A_60 = tpu.iota {dimensions = array<i32: 1>} : vector<8x256xi32>
    %jit3A_61 = arith.constant 32 : i32
    %div3A_62 = vector.broadcast %jit3A_61 : i32 to vector<8x256xi32>
    %div3A_63 = arith.divsi %iota3A_60, %div3A_62 : vector<8x256xi32>
    %sign3A_64 = arith.constant 0 : i32
    %sign3A_65 = vector.broadcast %sign3A_64 : i32 to vector<8x256xi32>
    %sign3A_66 = arith.cmpi sgt, %iota3A_60, %sign3A_65 : vector<8x256xi32>
    %sign3A_67 = arith.extui %sign3A_66 : vector<8x256xi1> to vector<8x256xi32>
    %sign3A_68 = arith.constant 0 : i32
    %sign3A_69 = vector.broadcast %sign3A_68 : i32 to vector<8x256xi32>
    %sign3A_70 = arith.cmpi slt, %iota3A_60, %sign3A_69 : vector<8x256xi32>
    %sign3A_71 = arith.extui %sign3A_70 : vector<8x256xi1> to vector<8x256xi32>
    %sign3A_72 = arith.subi %sign3A_67, %sign3A_71 : vector<8x256xi32>
    %sign3A_73 = arith.constant 0 : i32
    %sign3A_74 = arith.cmpi sgt, %jit3A_61, %sign3A_73 : i32
    %sign3A_75 = arith.extui %sign3A_74 : i1 to i32
    %sign3A_76 = arith.constant 0 : i32
    %sign3A_77 = arith.cmpi slt, %jit3A_61, %sign3A_76 : i32
    %sign3A_78 = arith.extui %sign3A_77 : i1 to i32
    %sign3A_79 = arith.subi %sign3A_75, %sign3A_78 : i32
    %ne3A_80 = vector.broadcast %sign3A_79 : i32 to vector<8x256xi32>
    %ne3A_81 = arith.cmpi ne, %sign3A_72, %ne3A_80 : vector<8x256xi32>
    %rem3A_82 = vector.broadcast %jit3A_61 : i32 to vector<8x256xi32>
    %rem3A_83 = arith.remsi %iota3A_60, %rem3A_82 : vector<8x256xi32>
    %ne3A_84 = arith.constant 0 : i32
    %ne3A_85 = vector.broadcast %ne3A_84 : i32 to vector<8x256xi32>
    %ne3A_86 = arith.cmpi ne, %rem3A_83, %ne3A_85 : vector<8x256xi32>
    %and3A_87 = arith.andi %ne3A_81, %ne3A_86 : vector<8x256xi1>
    %sub3A_88 = arith.constant 1 : i32
    %sub3A_89 = vector.broadcast %sub3A_88 : i32 to vector<8x256xi32>
    %sub3A_90 = arith.subi %div3A_63, %sub3A_89 : vector<8x256xi32>
    %select_n3A_91 = arith.select %and3A_87, %sub3A_90, %div3A_63 : vector<8x256xi1>, vector<8x256xi32>
    %iota3A_92 = tpu.iota {dimensions = array<i32: 0>} : vector<8x256xi32>
    %eq3A_93 = arith.cmpi eq, %select_n3A_91, %iota3A_92 : vector<8x256xi32>
    %convert_element_type3A_94 = arith.extui %eq3A_93 : vector<8x256xi1> to vector<8x256xi32>
    %convert_element_type3A_95 = arith.sitofp %convert_element_type3A_94 : vector<8x256xi32> to vector<8x256xf32>
    %iota3A_96 = tpu.iota {dimensions = array<i32: 1>} : vector<1x128xi32>
    %convert_element_type3A_97 = arith.truncf %broadcast_in_dim3A_59 : vector<256x256xf32> to vector<256x256xbf16>
    %eq3A_98 = arith.cmpi eq, %iota3A, %iota3A_0 : vector<256x256xi32>
    %convert_element_type3A_99 = arith.extui %eq3A_98 : vector<256x256xi1> to vector<256x256xi32>
    %convert_element_type3A_100 = arith.sitofp %convert_element_type3A_99 : vector<256x256xi32> to vector<256x256xf32>
    %get3A = arith.constant 0 : index
    %get3A_101 = arith.constant 0 : index
    %get3A_102 = vector.load %arg1[%get3A, %get3A_101] : memref<256x128xbf16, #tpu.memory_space<vmem>>, vector<256x128xbf16>
    %get3A_103 = arith.constant 0 : index
    %get3A_104 = arith.constant 0 : index
    %get3A_105 = vector.load %arg2[%get3A_103, %get3A_104] : memref<256x128xbf16, #tpu.memory_space<vmem>>, vector<256x128xbf16>
    %get3A_106 = arith.constant 0 : index
    %get3A_107 = arith.constant 0 : index
    %get3A_108 = arith.constant 0 : index
    %get3A_109 = vector.load %arg6[%get3A_106, %get3A_107, %get3A_108] : memref<2x128x256xbf16, #tpu.memory_space<vmem>>, vector<1x128x256xbf16>
    %get3A_110 = vector.shape_cast %get3A_109 : vector<1x128x256xbf16> to vector<128x256xbf16>
    %get3A_111 = arith.constant 1 : index
    %get3A_112 = arith.constant 0 : index
    %get3A_113 = arith.constant 0 : index
    %get3A_114 = vector.load %arg6[%get3A_111, %get3A_112, %get3A_113] : memref<2x128x256xbf16, #tpu.memory_space<vmem>>, vector<1x128x256xbf16>
    %get3A_115 = vector.shape_cast %get3A_114 : vector<1x128x256xbf16> to vector<128x256xbf16>
    %dot_general3A = arith.constant dense<0.000000e+00> : vector<256x256xf32>
    %dot_general3A_116 = tpu.matmul %get3A_102, %get3A_110, %dot_general3A {dimension_numbers = #tpu.dot_dimension_numbers<[1], [0], [0], [1], [0, 0, 1, 1], [], []>, transpose_lhs_hint = false} : vector<256x128xbf16>, vector<128x256xbf16>, vector<256x256xf32> -> vector<256x256xf32>
    %dot_general3A_117 = arith.constant dense<0.000000e+00> : vector<256x256xf32>
    %dot_general3A_118 = tpu.matmul %get3A_102, %get3A_115, %dot_general3A_117 {dimension_numbers = #tpu.dot_dimension_numbers<[1], [0], [0], [1], [0, 0, 1, 1], [], []>, transpose_lhs_hint = false} : vector<256x128xbf16>, vector<128x256xbf16>, vector<256x256xf32> -> vector<256x256xf32>
    %add3A = arith.addf %dot_general3A_116, %dot_general3A_118 : vector<256x256xf32>
    %dot_general3A_119 = arith.constant dense<0.000000e+00> : vector<256x256xf32>
    %dot_general3A_120 = tpu.matmul %get3A_105, %get3A_110, %dot_general3A_119 {dimension_numbers = #tpu.dot_dimension_numbers<[1], [0], [0], [1], [0, 0, 1, 1], [], []>, transpose_lhs_hint = false} : vector<256x128xbf16>, vector<128x256xbf16>, vector<256x256xf32> -> vector<256x256xf32>
    %add3A_121 = arith.addf %add3A, %dot_general3A_120 : vector<256x256xf32>
    %get3A_122 = arith.constant 0 : index
    %get3A_123 = arith.constant 0 : index
    %get3A_124 = vector.load %arg7[%get3A_122, %get3A_123] : memref<1x256xf32, #tpu.memory_space<vmem>>, vector<1x256xf32>
    %add3A_125 = vector.broadcast %get3A_124 : vector<1x256xf32> to vector<256x256xf32>
    %add3A_126 = arith.addf %add3A_121, %add3A_125 : vector<256x256xf32>
    %get3A_127 = arith.constant 0 : index
    %get3A_128 = arith.constant 0 : index
    %get3A_129 = vector.load %arg3[%get3A_127, %get3A_128] : memref<256x128xbf16, #tpu.memory_space<vmem>>, vector<256x128xbf16>
    %get3A_130 = arith.constant 0 : index
    %get3A_131 = arith.constant 0 : index
    %get3A_132 = vector.load %arg4[%get3A_130, %get3A_131] : memref<256x128xbf16, #tpu.memory_space<vmem>>, vector<256x128xbf16>
    %get3A_133 = arith.constant 0 : index
    %get3A_134 = arith.constant 0 : index
    %get3A_135 = arith.constant 0 : index
    %get3A_136 = vector.load %arg8[%get3A_133, %get3A_134, %get3A_135] : memref<2x128x256xbf16, #tpu.memory_space<vmem>>, vector<1x128x256xbf16>
    %get3A_137 = vector.shape_cast %get3A_136 : vector<1x128x256xbf16> to vector<128x256xbf16>
    %get3A_138 = arith.constant 1 : index
    %get3A_139 = arith.constant 0 : index
    %get3A_140 = arith.constant 0 : index
    %get3A_141 = vector.load %arg8[%get3A_138, %get3A_139, %get3A_140] : memref<2x128x256xbf16, #tpu.memory_space<vmem>>, vector<1x128x256xbf16>
    %get3A_142 = vector.shape_cast %get3A_141 : vector<1x128x256xbf16> to vector<128x256xbf16>
    %dot_general3A_143 = arith.constant dense<0.000000e+00> : vector<256x256xf32>
    %dot_general3A_144 = tpu.matmul %get3A_129, %get3A_137, %dot_general3A_143 {dimension_numbers = #tpu.dot_dimension_numbers<[1], [0], [0], [1], [0, 0, 1, 1], [], []>, transpose_lhs_hint = false} : vector<256x128xbf16>, vector<128x256xbf16>, vector<256x256xf32> -> vector<256x256xf32>
    %dot_general3A_145 = arith.constant dense<0.000000e+00> : vector<256x256xf32>
    %dot_general3A_146 = tpu.matmul %get3A_129, %get3A_142, %dot_general3A_145 {dimension_numbers = #tpu.dot_dimension_numbers<[1], [0], [0], [1], [0, 0, 1, 1], [], []>, transpose_lhs_hint = false} : vector<256x128xbf16>, vector<128x256xbf16>, vector<256x256xf32> -> vector<256x256xf32>
    %add3A_147 = arith.addf %dot_general3A_144, %dot_general3A_146 : vector<256x256xf32>
    %dot_general3A_148 = arith.constant dense<0.000000e+00> : vector<256x256xf32>
    %dot_general3A_149 = tpu.matmul %get3A_132, %get3A_137, %dot_general3A_148 {dimension_numbers = #tpu.dot_dimension_numbers<[1], [0], [0], [1], [0, 0, 1, 1], [], []>, transpose_lhs_hint = false} : vector<256x128xbf16>, vector<128x256xbf16>, vector<256x256xf32> -> vector<256x256xf32>
    %add3A_150 = arith.addf %add3A_147, %dot_general3A_149 : vector<256x256xf32>
    %add3A_151 = arith.addf %add3A_126, %add3A_150 : vector<256x256xf32>
    %get3A_152 = arith.constant 0 : index
    %get3A_153 = arith.constant 0 : index
    %get3A_154 = vector.load %arg9[%get3A_152, %get3A_153] : memref<1x256xf32, #tpu.memory_space<vmem>>, vector<1x256xf32>
    %add3A_155 = vector.broadcast %get3A_154 : vector<1x256xf32> to vector<256x256xf32>
    %add3A_156 = arith.addf %add3A_151, %add3A_155 : vector<256x256xf32>
    %convert_element_type3A_157 = arith.truncf %add3A_156 : vector<256x256xf32> to vector<256x256xbf16>
    %convert_element_type3A_158 = arith.extf %convert_element_type3A_157 : vector<256x256xbf16> to vector<256x256xf32>
    %sub3A_159 = arith.subf %add3A_156, %convert_element_type3A_158 : vector<256x256xf32>
    %convert_element_type3A_160 = arith.truncf %sub3A_159 : vector<256x256xf32> to vector<256x256xbf16>
    %dot_general3A_161 = arith.constant dense<0.000000e+00> : vector<256x256xf32>
    %dot_general3A_162 = tpu.matmul %convert_element_type3A_58, %convert_element_type3A_157, %dot_general3A_161 {dimension_numbers = #tpu.dot_dimension_numbers<[1], [0], [0], [1], [0, 0, 1, 1], [], []>, transpose_lhs_hint = false} : vector<256x256xbf16>, vector<256x256xbf16>, vector<256x256xf32> -> vector<256x256xf32>
    %dot_general3A_163 = arith.constant dense<0.000000e+00> : vector<256x256xf32>
    %dot_general3A_164 = tpu.matmul %convert_element_type3A_58, %convert_element_type3A_160, %dot_general3A_163 {dimension_numbers = #tpu.dot_dimension_numbers<[1], [0], [0], [1], [0, 0, 1, 1], [], []>, transpose_lhs_hint = false} : vector<256x256xbf16>, vector<256x256xbf16>, vector<256x256xf32> -> vector<256x256xf32>
    %add3A_165 = arith.addf %dot_general3A_162, %dot_general3A_164 : vector<256x256xf32>
    %mul3A = arith.constant 3.125000e-02 : f32
    %mul3A_166 = vector.broadcast %mul3A : f32 to vector<256x256xf32>
    %mul3A_167 = arith.mulf %add3A_165, %mul3A_166 : vector<256x256xf32>
    %convert_element_type3A_168 = arith.truncf %mul3A_167 : vector<256x256xf32> to vector<256x256xbf16>
    %convert_element_type3A_169 = arith.extf %convert_element_type3A_168 : vector<256x256xbf16> to vector<256x256xf32>
    %sub3A_170 = arith.subf %mul3A_167, %convert_element_type3A_169 : vector<256x256xf32>
    %convert_element_type3A_171 = arith.truncf %sub3A_170 : vector<256x256xf32> to vector<256x256xbf16>
    %get3A_172 = arith.constant 0 : index
    %get3A_173 = arith.constant 0 : index
    %get3A_174 = arith.constant 0 : index
    %get3A_175 = vector.load %arg10[%get3A_172, %get3A_173, %get3A_174] : memref<2x256x128xbf16, #tpu.memory_space<vmem>>, vector<1x256x128xbf16>
    %get3A_176 = vector.shape_cast %get3A_175 : vector<1x256x128xbf16> to vector<256x128xbf16>
    %get3A_177 = arith.constant 1 : index
    %get3A_178 = arith.constant 0 : index
    %get3A_179 = arith.constant 0 : index
    %get3A_180 = vector.load %arg10[%get3A_177, %get3A_178, %get3A_179] : memref<2x256x128xbf16, #tpu.memory_space<vmem>>, vector<1x256x128xbf16>
    %get3A_181 = vector.shape_cast %get3A_180 : vector<1x256x128xbf16> to vector<256x128xbf16>
    %dot_general3A_182 = arith.constant dense<0.000000e+00> : vector<256x128xf32>
    %dot_general3A_183 = tpu.matmul %convert_element_type3A_168, %get3A_176, %dot_general3A_182 {dimension_numbers = #tpu.dot_dimension_numbers<[1], [0], [0], [1], [0, 0, 1, 1], [], []>, transpose_lhs_hint = false} : vector<256x256xbf16>, vector<256x128xbf16>, vector<256x128xf32> -> vector<256x128xf32>
    %dot_general3A_184 = arith.constant dense<0.000000e+00> : vector<256x128xf32>
    %dot_general3A_185 = tpu.matmul %convert_element_type3A_168, %get3A_181, %dot_general3A_184 {dimension_numbers = #tpu.dot_dimension_numbers<[1], [0], [0], [1], [0, 0, 1, 1], [], []>, transpose_lhs_hint = false} : vector<256x256xbf16>, vector<256x128xbf16>, vector<256x128xf32> -> vector<256x128xf32>
    %add3A_186 = arith.addf %dot_general3A_183, %dot_general3A_185 : vector<256x128xf32>
    %dot_general3A_187 = arith.constant dense<0.000000e+00> : vector<256x128xf32>
    %dot_general3A_188 = tpu.matmul %convert_element_type3A_171, %get3A_176, %dot_general3A_187 {dimension_numbers = #tpu.dot_dimension_numbers<[1], [0], [0], [1], [0, 0, 1, 1], [], []>, transpose_lhs_hint = false} : vector<256x256xbf16>, vector<256x128xbf16>, vector<256x128xf32> -> vector<256x128xf32>
    %add3A_189 = arith.addf %add3A_186, %dot_general3A_188 : vector<256x128xf32>
    %get3A_190 = arith.constant 0 : index
    %get3A_191 = arith.constant 0 : index
    %get3A_192 = vector.load %arg11[%get3A_190, %get3A_191] : memref<1x128xf32, #tpu.memory_space<vmem>>, vector<1x128xf32>
    %add3A_193 = vector.broadcast %get3A_192 : vector<1x128xf32> to vector<256x128xf32>
    %add3A_194 = arith.addf %add3A_189, %add3A_193 : vector<256x128xf32>
    %max3A = arith.constant 0.000000e+00 : f32
    %max3A_195 = vector.broadcast %max3A : f32 to vector<256x128xf32>
    %max3A_196 = arith.maximumf %add3A_194, %max3A_195 : vector<256x128xf32>
    %convert_element_type3A_197 = arith.truncf %max3A_196 : vector<256x128xf32> to vector<256x128xbf16>
    %convert_element_type3A_198 = arith.extf %convert_element_type3A_197 : vector<256x128xbf16> to vector<256x128xf32>
    %sub3A_199 = arith.subf %max3A_196, %convert_element_type3A_198 : vector<256x128xf32>
    %convert_element_type3A_200 = arith.truncf %sub3A_199 : vector<256x128xf32> to vector<256x128xbf16>
    %get3A_201 = arith.constant 0 : index
    %get3A_202 = arith.constant 0 : index
    %get3A_203 = arith.constant 0 : index
    %get3A_204 = vector.load %arg12[%get3A_201, %get3A_202, %get3A_203] : memref<2x128x128xbf16, #tpu.memory_space<vmem>>, vector<1x128x128xbf16>
    %get3A_205 = vector.shape_cast %get3A_204 : vector<1x128x128xbf16> to vector<128x128xbf16>
    %get3A_206 = arith.constant 1 : index
    %get3A_207 = arith.constant 0 : index
    %get3A_208 = arith.constant 0 : index
    %get3A_209 = vector.load %arg12[%get3A_206, %get3A_207, %get3A_208] : memref<2x128x128xbf16, #tpu.memory_space<vmem>>, vector<1x128x128xbf16>
    %get3A_210 = vector.shape_cast %get3A_209 : vector<1x128x128xbf16> to vector<128x128xbf16>
    %dot_general3A_211 = arith.constant dense<0.000000e+00> : vector<256x128xf32>
    %dot_general3A_212 = tpu.matmul %convert_element_type3A_197, %get3A_205, %dot_general3A_211 {dimension_numbers = #tpu.dot_dimension_numbers<[1], [0], [0], [1], [0, 0, 1, 1], [], []>, transpose_lhs_hint = false} : vector<256x128xbf16>, vector<128x128xbf16>, vector<256x128xf32> -> vector<256x128xf32>
    %dot_general3A_213 = arith.constant dense<0.000000e+00> : vector<256x128xf32>
    %dot_general3A_214 = tpu.matmul %convert_element_type3A_197, %get3A_210, %dot_general3A_213 {dimension_numbers = #tpu.dot_dimension_numbers<[1], [0], [0], [1], [0, 0, 1, 1], [], []>, transpose_lhs_hint = false} : vector<256x128xbf16>, vector<128x128xbf16>, vector<256x128xf32> -> vector<256x128xf32>
    %add3A_215 = arith.addf %dot_general3A_212, %dot_general3A_214 : vector<256x128xf32>
    %dot_general3A_216 = arith.constant dense<0.000000e+00> : vector<256x128xf32>
    %dot_general3A_217 = tpu.matmul %convert_element_type3A_200, %get3A_205, %dot_general3A_216 {dimension_numbers = #tpu.dot_dimension_numbers<[1], [0], [0], [1], [0, 0, 1, 1], [], []>, transpose_lhs_hint = false} : vector<256x128xbf16>, vector<128x128xbf16>, vector<256x128xf32> -> vector<256x128xf32>
    %add3A_218 = arith.addf %add3A_215, %dot_general3A_217 : vector<256x128xf32>
    %get3A_219 = arith.constant 0 : index
    %get3A_220 = arith.constant 0 : index
    %get3A_221 = vector.load %arg13[%get3A_219, %get3A_220] : memref<1x128xf32, #tpu.memory_space<vmem>>, vector<1x128xf32>
    %add3A_222 = vector.broadcast %get3A_221 : vector<1x128xf32> to vector<256x128xf32>
    %add3A_223 = arith.addf %add3A_218, %add3A_222 : vector<256x128xf32>
    %logistic3A = arith.negf %add3A_223 : vector<256x128xf32>
    %logistic3A_224 = math.exp %logistic3A : vector<256x128xf32>
    %logistic3A_225 = arith.constant 1.000000e+00 : f32
    %logistic3A_226 = vector.broadcast %logistic3A_225 : f32 to vector<256x128xf32>
    %logistic3A_227 = arith.addf %logistic3A_226, %logistic3A_224 : vector<256x128xf32>
    %logistic3A_228 = arith.divf %logistic3A_226, %logistic3A_227 : vector<256x128xf32>
    %mul3A_229 = arith.constant 0.899999976 : f32
    %mul3A_230 = vector.broadcast %mul3A_229 : f32 to vector<256x128xf32>
    %mul3A_231 = arith.mulf %mul3A_230, %logistic3A_228 : vector<256x128xf32>
    %add3A_232 = arith.constant 1.000000e-01 : f32
    %add3A_233 = vector.broadcast %add3A_232 : f32 to vector<256x128xf32>
    %add3A_234 = arith.addf %add3A_233, %mul3A_231 : vector<256x128xf32>
    %logistic3A_235 = arith.negf %add3A_223 : vector<256x128xf32>
    %logistic3A_236 = math.exp %logistic3A_235 : vector<256x128xf32>
    %logistic3A_237 = arith.constant 1.000000e+00 : f32
    %logistic3A_238 = vector.broadcast %logistic3A_237 : f32 to vector<256x128xf32>
    %logistic3A_239 = arith.addf %logistic3A_238, %logistic3A_236 : vector<256x128xf32>
    %logistic3A_240 = arith.divf %logistic3A_238, %logistic3A_239 : vector<256x128xf32>
    %dot_general3A_241 = arith.constant dense<0.000000e+00> : vector<8x128xf32>
    %dot_general3A_242 = tpu.matmul %convert_element_type3A_95, %add3A_234, %dot_general3A_241 {dimension_numbers = #tpu.dot_dimension_numbers<[1], [0], [0], [1], [0, 0, 1, 1], [], []>, precision = #tpu.contract_precision<fp32>, transpose_lhs_hint = false} : vector<8x256xf32>, vector<256x128xf32>, vector<8x128xf32> -> vector<8x128xf32>
    %mul3A_243 = arith.constant 3.125000e-02 : f32
    %mul3A_244 = vector.broadcast %mul3A_243 : f32 to vector<8x128xf32>
    %mul3A_245 = arith.mulf %dot_general3A_242, %mul3A_244 : vector<8x128xf32>
    %broadcast_in_dim3A_246 = vector.shape_cast %mul3A_245 : vector<8x128xf32> to vector<1x8x128xf32>
    %swap3A = arith.constant 0 : index
    %swap3A_247 = arith.constant 0 : index
    %swap3A_248 = arith.constant 0 : index
    %swap3A_249 = vector.load %arg31[%swap3A, %swap3A_247, %swap3A_248] : memref<1x8x128xf32, #tpu.memory_space<vmem>>, vector<1x8x128xf32>
    tpu.vector_store %arg31[%swap3A, %swap3A_247, %swap3A_248], %broadcast_in_dim3A_246 {strides = array<i32>} : memref<1x8x128xf32, #tpu.memory_space<vmem>>, vector<1x8x128xf32>,
    %dot_general3A_250 = arith.constant dense<0.000000e+00> : vector<8x128xf32>
    %dot_general3A_251 = tpu.matmul %convert_element_type3A_95, %logistic3A_240, %dot_general3A_250 {dimension_numbers = #tpu.dot_dimension_numbers<[1], [0], [0], [1], [0, 0, 1, 1], [], []>, precision = #tpu.contract_precision<fp32>, transpose_lhs_hint = false} : vector<8x256xf32>, vector<256x128xf32>, vector<8x128xf32> -> vector<8x128xf32>
    %mul3A_252 = arith.constant 3.125000e-02 : f32
    %mul3A_253 = vector.broadcast %mul3A_252 : f32 to vector<8x128xf32>
    %mul3A_254 = arith.mulf %dot_general3A_251, %mul3A_253 : vector<8x128xf32>
    %broadcast_in_dim3A_255 = vector.shape_cast %mul3A_254 : vector<8x128xf32> to vector<1x8x128xf32>
    %swap3A_256 = arith.constant 0 : index
    %swap3A_257 = arith.constant 0 : index
    %swap3A_258 = arith.constant 0 : index
    %swap3A_259 = vector.load %arg32[%swap3A_256, %swap3A_257, %swap3A_258] : memref<1x8x128xf32, #tpu.memory_space<vmem>>, vector<1x8x128xf32>
    tpu.vector_store %arg32[%swap3A_256, %swap3A_257, %swap3A_258], %broadcast_in_dim3A_255 {strides = array<i32>} : memref<1x8x128xf32, #tpu.memory_space<vmem>>, vector<1x8x128xf32>,
    %iota3A_260 = tpu.iota {dimensions = array<i32: 1>} : vector<32x256xi32>
    %jit3A_261 = arith.constant 32 : i32
    %eq3A_262 = arith.constant 0 : i32
    %eq3A_263 = arith.cmpi eq, %jit3A_261, %eq3A_262 : i32
    %jit3A_264 = arith.constant 1 : i32
    %select_n3A_265 = arith.select %eq3A_263, %jit3A_264, %jit3A_261 : i32
    %rem3A_266 = vector.broadcast %select_n3A_265 : i32 to vector<32x256xi32>
    %rem3A_267 = arith.remsi %iota3A_260, %rem3A_266 : vector<32x256xi32>
    %ne3A_268 = arith.constant 0 : i32
    %ne3A_269 = vector.broadcast %ne3A_268 : i32 to vector<32x256xi32>
    %ne3A_270 = arith.cmpi ne, %rem3A_267, %ne3A_269 : vector<32x256xi32>
    %lt3A = arith.constant 0 : i32
    %lt3A_271 = vector.broadcast %lt3A : i32 to vector<32x256xi32>
    %lt3A_272 = arith.cmpi slt, %rem3A_267, %lt3A_271 : vector<32x256xi32>
    %lt3A_273 = arith.constant 0 : i32
    %lt3A_274 = arith.cmpi slt, %select_n3A_265, %lt3A_273 : i32
    %ne3A_275 = vector.broadcast %lt3A_274 : i1 to vector<32x256xi1>
    %ne3A_276 = vector.broadcast %ne3A_275 : vector<32x256xi1> to vector<32x256xi1>
    %ne3A_277 = arith.xori %lt3A_272, %ne3A_276 : vector<32x256xi1>
    %and3A_278 = arith.andi %ne3A_277, %ne3A_270 : vector<32x256xi1>
    %add3A_279 = vector.broadcast %select_n3A_265 : i32 to vector<32x256xi32>
    %add3A_280 = arith.addi %rem3A_267, %add3A_279 : vector<32x256xi32>
    %select_n3A_281 = arith.select %and3A_278, %add3A_280, %rem3A_267 : vector<32x256xi1>, vector<32x256xi32>
    %iota3A_282 = tpu.iota {dimensions = array<i32: 0>} : vector<32x256xi32>
    %eq3A_283 = arith.cmpi eq, %select_n3A_281, %iota3A_282 : vector<32x256xi32>
    %convert_element_type3A_284 = arith.extui %eq3A_283 : vector<32x256xi1> to vector<32x256xi32>
    %convert_element_type3A_285 = arith.sitofp %convert_element_type3A_284 : vector<32x256xi32> to vector<32x256xf32>
    %convert_element_type3A_286 = arith.truncf %convert_element_type3A_285 : vector<32x256xf32> to vector<32x256xbf16>
    %get3A_287 = arith.constant 0 : index
    %get3A_288 = arith.constant 0 : index
    %get3A_289 = vector.load %arg5[%get3A_287, %get3A_288] : memref<256x32xf32, #tpu.memory_space<vmem>>, vector<256x32xf32>
    %convert_element_type3A_290 = arith.truncf %get3A_289 : vector<256x32xf32> to vector<256x32xbf16>
    %convert_element_type3A_291 = arith.extf %convert_element_type3A_290 : vector<256x32xbf16> to vector<256x32xf32>
    %sub3A_292 = arith.subf %get3A_289, %convert_element_type3A_291 : vector<256x32xf32>
    %convert_element_type3A_293 = arith.truncf %sub3A_292 : vector<256x32xf32> to vector<256x32xbf16>
    %dot_general3A_294 = arith.constant dense<0.000000e+00> : vector<256x256xf32>
    %dot_general3A_295 = tpu.matmul %convert_element_type3A_290, %convert_element_type3A_286, %dot_general3A_294 {dimension_numbers = #tpu.dot_dimension_numbers<[1], [0], [0], [1], [0, 0, 1, 1], [], []>, transpose_lhs_hint = false} : vector<256x32xbf16>, vector<32x256xbf16>, vector<256x256xf32> -> vector<256x256xf32>
    %dot_general3A_296 = arith.constant dense<0.000000e+00> : vector<256x256xf32>
    %dot_general3A_297 = tpu.matmul %convert_element_type3A_293, %convert_element_type3A_286, %dot_general3A_296 {dimension_numbers = #tpu.dot_dimension_numbers<[1], [0], [0], [1], [0, 0, 1, 1], [], []>, transpose_lhs_hint = false} : vector<256x32xbf16>, vector<32x256xbf16>, vector<256x256xf32> -> vector<256x256xf32>
    %add3A_298 = arith.addf %dot_general3A_295, %dot_general3A_297 : vector<256x256xf32>
    %mul3A_299 = arith.mulf %add3A_298, %convert_element_type3A_55 : vector<256x256xf32>
    %convert_element_type3A_300 = arith.truncf %mul3A_299 : vector<256x256xf32> to vector<256x256xbf16>
    %convert_element_type3A_301 = arith.extf %convert_element_type3A_300 : vector<256x256xbf16> to vector<256x256xf32>
    %sub3A_302 = arith.subf %mul3A_299, %convert_element_type3A_301 : vector<256x256xf32>
    %convert_element_type3A_303 = arith.truncf %sub3A_302 : vector<256x256xf32> to vector<256x256xbf16>
    %dot_general3A_304 = arith.constant dense<0.000000e+00> : vector<256x256xf32>
    %dot_general3A_305 = tpu.matmul %convert_element_type3A_300, %convert_element_type3A_157, %dot_general3A_304 {dimension_numbers = #tpu.dot_dimension_numbers<[1], [0], [0], [1], [0, 0, 1, 1], [], []>, transpose_lhs_hint = false} : vector<256x256xbf16>, vector<256x256xbf16>, vector<256x256xf32> -> vector<256x256xf32>
    %dot_general3A_306 = arith.constant dense<0.000000e+00> : vector<256x256xf32>
    %dot_general3A_307 = tpu.matmul %convert_element_type3A_300, %convert_element_type3A_160, %dot_general3A_306 {dimension_numbers = #tpu.dot_dimension_numbers<[1], [0], [0], [1], [0, 0, 1, 1], [], []>, transpose_lhs_hint = false} : vector<256x256xbf16>, vector<256x256xbf16>, vector<256x256xf32> -> vector<256x256xf32>
    %add3A_308 = arith.addf %dot_general3A_305, %dot_general3A_307 : vector<256x256xf32>
    %dot_general3A_309 = arith.constant dense<0.000000e+00> : vector<256x256xf32>
    %dot_general3A_310 = tpu.matmul %convert_element_type3A_303, %convert_element_type3A_157, %dot_general3A_309 {dimension_numbers = #tpu.dot_dimension_numbers<[1], [0], [0], [1], [0, 0, 1, 1], [], []>, transpose_lhs_hint = false} : vector<256x256xbf16>, vector<256x256xbf16>, vector<256x256xf32> -> vector<256x256xf32>
    %add3A_311 = arith.addf %add3A_308, %dot_general3A_310 : vector<256x256xf32>
    %get3A_312 = arith.constant 0 : index
    %get3A_313 = arith.constant 0 : index
    %get3A_314 = vector.load %arg18[%get3A_312, %get3A_313] : memref<1x4xf32, #tpu.memory_space<vmem>>, vector<1x1xf32>
    %mul3A_315 = vector.broadcast %get3A_314 : vector<1x1xf32> to vector<256x256xf32>
    %mul3A_316 = arith.mulf %mul3A_315, %add3A_156 : vector<256x256xf32>
    %add3A_317 = arith.addf %add3A_156, %mul3A_316 : vector<256x256xf32>
    %add3A_318 = arith.addf %add3A_317, %add3A_311 : vector<256x256xf32>
    %convert_element_type3A_319 = arith.truncf %add3A_318 : vector<256x256xf32> to vector<256x256xbf16>
    %convert_element_type3A_320 = arith.extf %convert_element_type3A_319 : vector<256x256xbf16> to vector<256x256xf32>
    %sub3A_321 = arith.subf %add3A_318, %convert_element_type3A_320 : vector<256x256xf32>
    %convert_element_type3A_322 = arith.truncf %sub3A_321 : vector<256x256xf32> to vector<256x256xbf16>
    %get3A_323 = arith.constant 0 : index
    %get3A_324 = arith.constant 0 : index
    %get3A_325 = arith.constant 0 : index
    %get3A_326 = arith.constant 0 : index
    %get3A_327 = vector.load %arg14[%get3A_323, %get3A_324, %get3A_325, %get3A_326] : memref<2x4x256x256xbf16, #tpu.memory_space<vmem>>, vector<1x1x256x256xbf16>
    %get3A_328 = vector.shape_cast %get3A_327 : vector<1x1x256x256xbf16> to vector<256x256xbf16>
    %get3A_329 = arith.constant 1 : index
    %get3A_330 = arith.constant 0 : index
    %get3A_331 = arith.constant 0 : index
    %get3A_332 = arith.constant 0 : index
    %get3A_333 = vector.load %arg14[%get3A_329, %get3A_330, %get3A_331, %get3A_332] : memref<2x4x256x256xbf16, #tpu.memory_space<vmem>>, vector<1x1x256x256xbf16>
    %get3A_334 = vector.shape_cast %get3A_333 : vector<1x1x256x256xbf16> to vector<256x256xbf16>
    %dot_general3A_335 = arith.constant dense<0.000000e+00> : vector<256x256xf32>
    %dot_general3A_336 = tpu.matmul %convert_element_type3A_319, %get3A_328, %dot_general3A_335 {dimension_numbers = #tpu.dot_dimension_numbers<[1], [0], [0], [1], [0, 0, 1, 1], [], []>, transpose_lhs_hint = false} : vector<256x256xbf16>, vector<256x256xbf16>, vector<256x256xf32> -> vector<256x256xf32>
    %dot_general3A_337 = arith.constant dense<0.000000e+00> : vector<256x256xf32>
    %dot_general3A_338 = tpu.matmul %convert_element_type3A_319, %get3A_334, %dot_general3A_337 {dimension_numbers = #tpu.dot_dimension_numbers<[1], [0], [0], [1], [0, 0, 1, 1], [], []>, transpose_lhs_hint = false} : vector<256x256xbf16>, vector<256x256xbf16>, vector<256x256xf32> -> vector<256x256xf32>
    %add3A_339 = arith.addf %dot_general3A_336, %dot_general3A_338 : vector<256x256xf32>
    %dot_general3A_340 = arith.constant dense<0.000000e+00> : vector<256x256xf32>
    %dot_general3A_341 = tpu.matmul %convert_element_type3A_322, %get3A_328, %dot_general3A_340 {dimension_numbers = #tpu.dot_dimension_numbers<[1], [0], [0], [1], [0, 0, 1, 1], [], []>, transpose_lhs_hint = false} : vector<256x256xbf16>, vector<256x256xbf16>, vector<256x256xf32> -> vector<256x256xf32>
    %add3A_342 = arith.addf %add3A_339, %dot_general3A_341 : vector<256x256xf32>
    %get3A_343 = arith.constant 0 : index
    %get3A_344 = arith.constant 0 : index
    %get3A_345 = arith.constant 0 : index
    %get3A_346 = vector.load %arg15[%get3A_343, %get3A_344, %get3A_345] : memref<4x1x256xf32, #tpu.memory_space<vmem>>, vector<1x1x256xf32>
    %get3A_347 = vector.shape_cast %get3A_346 : vector<1x1x256xf32> to vector<1x256xf32>
    %add3A_348 = vector.broadcast %get3A_347 : vector<1x256xf32> to vector<256x256xf32>
    %add3A_349 = arith.addf %add3A_342, %add3A_348 : vector<256x256xf32>
    %max3A_350 = arith.constant 0.000000e+00 : f32
    %max3A_351 = vector.broadcast %max3A_350 : f32 to vector<256x256xf32>
    %max3A_352 = arith.maximumf %add3A_349, %max3A_351 : vector<256x256xf32>
    %convert_element_type3A_353 = arith.truncf %max3A_352 : vector<256x256xf32> to vector<256x256xbf16>
    %convert_element_type3A_354 = arith.extf %convert_element_type3A_353 : vector<256x256xbf16> to vector<256x256xf32>
    %sub3A_355 = arith.subf %max3A_352, %convert_element_type3A_354 : vector<256x256xf32>
    %convert_element_type3A_356 = arith.truncf %sub3A_355 : vector<256x256xf32> to vector<256x256xbf16>
    %get3A_357 = arith.constant 0 : index
    %get3A_358 = arith.constant 0 : index
    %get3A_359 = arith.constant 0 : index
    %get3A_360 = arith.constant 0 : index
    %get3A_361 = vector.load %arg16[%get3A_357, %get3A_358, %get3A_359, %get3A_360] : memref<2x4x256x256xbf16, #tpu.memory_space<vmem>>, vector<1x1x256x256xbf16>
    %get3A_362 = vector.shape_cast %get3A_361 : vector<1x1x256x256xbf16> to vector<256x256xbf16>
    %get3A_363 = arith.constant 1 : index
    %get3A_364 = arith.constant 0 : index
    %get3A_365 = arith.constant 0 : index
    %get3A_366 = arith.constant 0 : index
    %get3A_367 = vector.load %arg16[%get3A_363, %get3A_364, %get3A_365, %get3A_366] : memref<2x4x256x256xbf16, #tpu.memory_space<vmem>>, vector<1x1x256x256xbf16>
    %get3A_368 = vector.shape_cast %get3A_367 : vector<1x1x256x256xbf16> to vector<256x256xbf16>
    %dot_general3A_369 = arith.constant dense<0.000000e+00> : vector<256x256xf32>
    %dot_general3A_370 = tpu.matmul %convert_element_type3A_353, %get3A_362, %dot_general3A_369 {dimension_numbers = #tpu.dot_dimension_numbers<[1], [0], [0], [1], [0, 0, 1, 1], [], []>, transpose_lhs_hint = false} : vector<256x256xbf16>, vector<256x256xbf16>, vector<256x256xf32> -> vector<256x256xf32>
    %dot_general3A_371 = arith.constant dense<0.000000e+00> : vector<256x256xf32>
    %dot_general3A_372 = tpu.matmul %convert_element_type3A_353, %get3A_368, %dot_general3A_371 {dimension_numbers = #tpu.dot_dimension_numbers<[1], [0], [0], [1], [0, 0, 1, 1], [], []>, transpose_lhs_hint = false} : vector<256x256xbf16>, vector<256x256xbf16>, vector<256x256xf32> -> vector<256x256xf32>
    %add3A_373 = arith.addf %dot_general3A_370, %dot_general3A_372 : vector<256x256xf32>
    %dot_general3A_374 = arith.constant dense<0.000000e+00> : vector<256x256xf32>
    %dot_general3A_375 = tpu.matmul %convert_element_type3A_356, %get3A_362, %dot_general3A_374 {dimension_numbers = #tpu.dot_dimension_numbers<[1], [0], [0], [1], [0, 0, 1, 1], [], []>, transpose_lhs_hint = false} : vector<256x256xbf16>, vector<256x256xbf16>, vector<256x256xf32> -> vector<256x256xf32>
    %add3A_376 = arith.addf %add3A_373, %dot_general3A_375 : vector<256x256xf32>
    %add3A_377 = arith.addf %add3A_156, %add3A_376 : vector<256x256xf32>
    %get3A_378 = arith.constant 0 : index
    %get3A_379 = arith.constant 0 : index
    %get3A_380 = arith.constant 0 : index
    %get3A_381 = vector.load %arg17[%get3A_378, %get3A_379, %get3A_380] : memref<4x1x256xf32, #tpu.memory_space<vmem>>, vector<1x1x256xf32>
    %get3A_382 = vector.shape_cast %get3A_381 : vector<1x1x256xf32> to vector<1x256xf32>
    %add3A_383 = vector.broadcast %get3A_382 : vector<1x256xf32> to vector<256x256xf32>
    %add3A_384 = arith.addf %add3A_377, %add3A_383 : vector<256x256xf32>
    %get3A_385 = arith.constant 0 : index
    %get3A_386 = arith.constant 0 : index
    %get3A_387 = arith.constant 0 : index
    %get3A_388 = vector.load %arg19[%get3A_385, %get3A_386, %get3A_387] : memref<4x1x256xf32, #tpu.memory_space<vmem>>, vector<1x1x256xf32>
    %get3A_389 = vector.shape_cast %get3A_388 : vector<1x1x256xf32> to vector<1x256xf32>
    %mul3A_390 = vector.broadcast %get3A_389 : vector<1x256xf32> to vector<256x256xf32>
    %mul3A_391 = arith.mulf %add3A_156, %mul3A_390 : vector<256x256xf32>
    %reduce_sum3A = arith.constant dense<0.000000e+00> : vector<256xf32>
    %reduce_sum3A_392 = vector.multi_reduction <add>, %mul3A_391, %reduce_sum3A [1] : vector<256x256xf32> to vector<256xf32>
    %broadcast_in_dim3A_393 = vector.shape_cast %reduce_sum3A_392 : vector<256xf32> to vector<256x1xf32>
    %mul3A_394 = vector.broadcast %broadcast_in_dim3A_393 : vector<256x1xf32> to vector<256x256xf32>
    %mul3A_395 = arith.mulf %convert_element_type3A_100, %mul3A_394 : vector<256x256xf32>
    %convert_element_type3A_396 = arith.truncf %mul3A_395 : vector<256x256xf32> to vector<256x256xbf16>
    %convert_element_type3A_397 = arith.extf %convert_element_type3A_396 : vector<256x256xbf16> to vector<256x256xf32>
    %sub3A_398 = arith.subf %mul3A_395, %convert_element_type3A_397 : vector<256x256xf32>
    %convert_element_type3A_399 = arith.truncf %sub3A_398 : vector<256x256xf32> to vector<256x256xbf16>
    %convert_element_type3A_400 = arith.extf %convert_element_type3A_399 : vector<256x256xbf16> to vector<256x256xf32>
    %sub3A_401 = arith.subf %sub3A_398, %convert_element_type3A_400 : vector<256x256xf32>
    %convert_element_type3A_402 = arith.truncf %sub3A_401 : vector<256x256xf32> to vector<256x256xbf16>
    %dot_general3A_403 = arith.constant dense<0.000000e+00> : vector<256x256xf32>
    %dot_general3A_404 = tpu.matmul %convert_element_type3A_97, %convert_element_type3A_396, %dot_general3A_403 {dimension_numbers = #tpu.dot_dimension_numbers<[1], [0], [0], [1], [0, 0, 1, 1], [], []>, transpose_lhs_hint = false} : vector<256x256xbf16>, vector<256x256xbf16>, vector<256x256xf32> -> vector<256x256xf32>
    %dot_general3A_405 = arith.constant dense<0.000000e+00> : vector<256x256xf32>
    %dot_general3A_406 = tpu.matmul %convert_element_type3A_97, %convert_element_type3A_399, %dot_general3A_405 {dimension_numbers = #tpu.dot_dimension_numbers<[1], [0], [0], [1], [0, 0, 1, 1], [], []>, transpose_lhs_hint = false} : vector<256x256xbf16>, vector<256x256xbf16>, vector<256x256xf32> -> vector<256x256xf32>
    %add3A_407 = arith.addf %dot_general3A_404, %dot_general3A_406 : vector<256x256xf32>
    %dot_general3A_408 = arith.constant dense<0.000000e+00> : vector<256x256xf32>
    %dot_general3A_409 = tpu.matmul %convert_element_type3A_97, %convert_element_type3A_402, %dot_general3A_408 {dimension_numbers = #tpu.dot_dimension_numbers<[1], [0], [0], [1], [0, 0, 1, 1], [], []>, transpose_lhs_hint = false} : vector<256x256xbf16>, vector<256x256xbf16>, vector<256x256xf32> -> vector<256x256xf32>
    %add3A_410 = arith.addf %add3A_407, %dot_general3A_409 : vector<256x256xf32>
    %lt3A_411 = vector.broadcast %broadcast_in_dim3A_393 : vector<256x1xf32> to vector<256x256xf32>
    %lt3A_412 = arith.cmpf olt, %add3A_410, %lt3A_411 : vector<256x256xf32>
    %eq3A_413 = vector.broadcast %broadcast_in_dim3A_393 : vector<256x1xf32> to vector<256x256xf32>
    %eq3A_414 = arith.cmpf oeq, %add3A_410, %eq3A_413 : vector<256x256xf32>
    %lt3A_415 = arith.cmpi slt, %iota3A_0, %iota3A : vector<256x256xi32>
    %and3A_416 = arith.andi %eq3A_414, %lt3A_415 : vector<256x256xi1>
    %or3A = arith.ori %lt3A_412, %and3A_416 : vector<256x256xi1>
    %and3A_417 = arith.andi %eq3A, %or3A : vector<256x256xi1>
    %convert_element_type3A_418 = arith.extui %and3A_417 : vector<256x256xi1> to vector<256x256xi32>
    %convert_element_type3A_419 = arith.sitofp %convert_element_type3A_418 : vector<256x256xi32> to vector<256x256xf32>
    %reduce_sum3A_420 = arith.constant dense<0.000000e+00> : vector<256xf32>
    %reduce_sum3A_421 = vector.multi_reduction <add>, %convert_element_type3A_419, %reduce_sum3A_420 [1] : vector<256x256xf32> to vector<256xf32>
    %broadcast_in_dim3A_422 = vector.shape_cast %reduce_sum3A_421 : vector<256xf32> to vector<256x1xf32>
    %eq3A_423 = arith.constant 0 : i32
    %eq3A_424 = vector.broadcast %eq3A_423 : i32 to vector<1x128xi32>
    %eq3A_425 = arith.cmpi eq, %iota3A_96, %eq3A_424 : vector<1x128xi32>
    %convert_element_type3A_426 = arith.extui %eq3A_425 : vector<1x128xi1> to vector<1x128xi32>
    %convert_element_type3A_427 = arith.sitofp %convert_element_type3A_426 : vector<1x128xi32> to vector<1x128xf32>
    %mul3A_428 = vector.broadcast %convert_element_type3A_427 : vector<1x128xf32> to vector<256x128xf32>
    %mul3A_429 = arith.mulf %add3A_234, %mul3A_428 : vector<256x128xf32>
    %reduce_sum3A_430 = arith.constant dense<0.000000e+00> : vector<256xf32>
    %reduce_sum3A_431 = vector.multi_reduction <add>, %mul3A_429, %reduce_sum3A_430 [1] : vector<256x128xf32> to vector<256xf32>
    %broadcast_in_dim3A_432 = vector.shape_cast %reduce_sum3A_431 : vector<256xf32> to vector<256x1xf32>
    %eq3A_433 = arith.constant 4 : i32
    %eq3A_434 = vector.broadcast %eq3A_433 : i32 to vector<1x128xi32>
    %eq3A_435 = arith.cmpi eq, %iota3A_96, %eq3A_434 : vector<1x128xi32>
    %convert_element_type3A_436 = arith.extui %eq3A_435 : vector<1x128xi1> to vector<1x128xi32>
    %convert_element_type3A_437 = arith.sitofp %convert_element_type3A_436 : vector<1x128xi32> to vector<1x128xf32>
    %mul3A_438 = vector.broadcast %convert_element_type3A_437 : vector<1x128xf32> to vector<256x128xf32>
    %mul3A_439 = arith.mulf %logistic3A_240, %mul3A_438 : vector<256x128xf32>
    %reduce_sum3A_440 = arith.constant dense<0.000000e+00> : vector<256xf32>
    %reduce_sum3A_441 = vector.multi_reduction <add>, %mul3A_439, %reduce_sum3A_440 [1] : vector<256x128xf32> to vector<256xf32>
    %broadcast_in_dim3A_442 = vector.shape_cast %reduce_sum3A_441 : vector<256xf32> to vector<256x1xf32>
    %sub3A_443 = arith.constant 1.000000e+00 : f32
    %sub3A_444 = vector.broadcast %sub3A_443 : f32 to vector<256x1xf32>
    %sub3A_445 = arith.subf %sub3A_444, %broadcast_in_dim3A_432 : vector<256x1xf32>
    %mul3A_446 = arith.constant 3.100000e+01 : f32
    %mul3A_447 = vector.broadcast %mul3A_446 : f32 to vector<256x1xf32>
    %mul3A_448 = arith.mulf %sub3A_445, %mul3A_447 : vector<256x1xf32>
    %floor3A = math.floor %mul3A_448 : vector<256x1xf32>
    %jit3A_449 = arith.constant 0.000000e+00 : f32
    %jit3A_450 = arith.constant 3.100000e+01 : f32
    %max3A_451 = vector.broadcast %jit3A_449 : f32 to vector<256x1xf32>
    %max3A_452 = arith.maximumf %max3A_451, %floor3A : vector<256x1xf32>
    %min3A = vector.broadcast %jit3A_450 : f32 to vector<256x1xf32>
    %min3A_453 = arith.minimumf %min3A, %max3A_452 : vector<256x1xf32>
    %sub3A_454 = arith.subf %broadcast_in_dim3A_422, %min3A_453 : vector<256x1xf32>
    %mul3A_455 = vector.broadcast %sub3A_454 : vector<256x1xf32> to vector<256x256xf32>
    %mul3A_456 = arith.mulf %convert_element_type3A_100, %mul3A_455 : vector<256x256xf32>
    %convert_element_type3A_457 = arith.truncf %mul3A_456 : vector<256x256xf32> to vector<256x256xbf16>
    %dot_general3A_458 = arith.constant dense<0.000000e+00> : vector<256x256xf32>
    %dot_general3A_459 = tpu.matmul %convert_element_type3A_97, %convert_element_type3A_457, %dot_general3A_458 {dimension_numbers = #tpu.dot_dimension_numbers<[1], [0], [0], [1], [0, 0, 1, 1], [], []>, transpose_lhs_hint = false} : vector<256x256xbf16>, vector<256x256xbf16>, vector<256x256xf32> -> vector<256x256xf32>
    %eq3A_460 = arith.constant 0.000000e+00 : f32
    %eq3A_461 = vector.broadcast %eq3A_460 : f32 to vector<256x256xf32>
    %eq3A_462 = arith.cmpf oeq, %dot_general3A_459, %eq3A_461 : vector<256x256xf32>
    %convert_element_type3A_463 = arith.extui %eq3A_462 : vector<256x256xi1> to vector<256x256xi32>
    %convert_element_type3A_464 = arith.sitofp %convert_element_type3A_463 : vector<256x256xi32> to vector<256x256xf32>
    %mul3A_465 = arith.mulf %convert_element_type3A_55, %add3A_410 : vector<256x256xf32>
    %mul3A_466 = arith.mulf %mul3A_465, %convert_element_type3A_464 : vector<256x256xf32>
    %reduce_sum3A_467 = arith.constant dense<0.000000e+00> : vector<256xf32>
    %reduce_sum3A_468 = vector.multi_reduction <add>, %mul3A_466, %reduce_sum3A_467 [1] : vector<256x256xf32> to vector<256xf32>
    %broadcast_in_dim3A_469 = vector.shape_cast %reduce_sum3A_468 : vector<256xf32> to vector<256x1xf32>
    %sub3A_470 = arith.subf %broadcast_in_dim3A_393, %broadcast_in_dim3A_469 : vector<256x1xf32>
    %logistic3A_471 = arith.negf %sub3A_470 : vector<256x1xf32>
    %logistic3A_472 = math.exp %logistic3A_471 : vector<256x1xf32>
    %logistic3A_473 = arith.constant 1.000000e+00 : f32
    %logistic3A_474 = vector.broadcast %logistic3A_473 : f32 to vector<256x1xf32>
    %logistic3A_475 = arith.addf %logistic3A_474, %logistic3A_472 : vector<256x1xf32>
    %logistic3A_476 = arith.divf %logistic3A_474, %logistic3A_475 : vector<256x1xf32>
    %add3A_477 = arith.constant 9.99999997E-7 : f32
    %add3A_478 = vector.broadcast %add3A_477 : f32 to vector<256x1xf32>
    %add3A_479 = arith.addf %logistic3A_476, %add3A_478 : vector<256x1xf32>
    %log3A = math.log %add3A_479 : vector<256x1xf32>
    %mul3A_480 = vector.broadcast %log3A : vector<256x1xf32> to vector<256x256xf32>
    %mul3A_481 = arith.mulf %convert_element_type3A_100, %mul3A_480 : vector<256x256xf32>
    %convert_element_type3A_482 = arith.truncf %mul3A_481 : vector<256x256xf32> to vector<256x256xbf16>
    %convert_element_type3A_483 = arith.extf %convert_element_type3A_482 : vector<256x256xbf16> to vector<256x256xf32>
    %sub3A_484 = arith.subf %mul3A_481, %convert_element_type3A_483 : vector<256x256xf32>
    %convert_element_type3A_485 = arith.truncf %sub3A_484 : vector<256x256xf32> to vector<256x256xbf16>
    %dot_general3A_486 = arith.constant dense<0.000000e+00> : vector<256x256xf32>
    %dot_general3A_487 = tpu.matmul %convert_element_type3A_97, %convert_element_type3A_482, %dot_general3A_486 {dimension_numbers = #tpu.dot_dimension_numbers<[1], [0], [0], [1], [0, 0, 1, 1], [], []>, transpose_lhs_hint = false} : vector<256x256xbf16>, vector<256x256xbf16>, vector<256x256xf32> -> vector<256x256xf32>
    %dot_general3A_488 = arith.constant dense<0.000000e+00> : vector<256x256xf32>
    %dot_general3A_489 = tpu.matmul %convert_element_type3A_97, %convert_element_type3A_485, %dot_general3A_488 {dimension_numbers = #tpu.dot_dimension_numbers<[1], [0], [0], [1], [0, 0, 1, 1], [], []>, transpose_lhs_hint = false} : vector<256x256xbf16>, vector<256x256xbf16>, vector<256x256xf32> -> vector<256x256xf32>
    %add3A_490 = arith.addf %dot_general3A_487, %dot_general3A_489 : vector<256x256xf32>
    %jit3A_491 = arith.constant -1.000000e+30 : f32
    %broadcast_in_dim3A_492 = vector.broadcast %jit3A_491 : f32 to vector<256x256xf32>
    %select_n3A_493 = arith.select %eq3A, %add3A_490, %broadcast_in_dim3A_492 : vector<256x256xi1>, vector<256x256xf32>
    %get3A_494 = arith.constant 0 : index
    %get3A_495 = arith.constant 0 : index
    %get3A_496 = arith.constant 0 : index
    %get3A_497 = arith.constant 0 : index
    %get3A_498 = vector.load %arg20[%get3A_494, %get3A_495, %get3A_496, %get3A_497] : memref<2x4x256x256xbf16, #tpu.memory_space<vmem>>, vector<1x1x256x256xbf16>
    %get3A_499 = vector.shape_cast %get3A_498 : vector<1x1x256x256xbf16> to vector<256x256xbf16>
    %get3A_500 = arith.constant 1 : index
    %get3A_501 = arith.constant 0 : index
    %get3A_502 = arith.constant 0 : index
    %get3A_503 = arith.constant 0 : index
    %get3A_504 = vector.load %arg20[%get3A_500, %get3A_501, %get3A_502, %get3A_503] : memref<2x4x256x256xbf16, #tpu.memory_space<vmem>>, vector<1x1x256x256xbf16>
    %get3A_505 = vector.shape_cast %get3A_504 : vector<1x1x256x256xbf16> to vector<256x256xbf16>
    %dot_general3A_506 = arith.constant dense<0.000000e+00> : vector<256x256xf32>
    %dot_general3A_507 = tpu.matmul %convert_element_type3A_157, %get3A_499, %dot_general3A_506 {dimension_numbers = #tpu.dot_dimension_numbers<[1], [0], [0], [1], [0, 0, 1, 1], [], []>, transpose_lhs_hint = false} : vector<256x256xbf16>, vector<256x256xbf16>, vector<256x256xf32> -> vector<256x256xf32>
    %dot_general3A_508 = arith.constant dense<0.000000e+00> : vector<256x256xf32>
    %dot_general3A_509 = tpu.matmul %convert_element_type3A_157, %get3A_505, %dot_general3A_508 {dimension_numbers = #tpu.dot_dimension_numbers<[1], [0], [0], [1], [0, 0, 1, 1], [], []>, transpose_lhs_hint = false} : vector<256x256xbf16>, vector<256x256xbf16>, vector<256x256xf32> -> vector<256x256xf32>
    %add3A_510 = arith.addf %dot_general3A_507, %dot_general3A_509 : vector<256x256xf32>
    %dot_general3A_511 = arith.constant dense<0.000000e+00> : vector<256x256xf32>
    %dot_general3A_512 = tpu.matmul %convert_element_type3A_160, %get3A_499, %dot_general3A_511 {dimension_numbers = #tpu.dot_dimension_numbers<[1], [0], [0], [1], [0, 0, 1, 1], [], []>, transpose_lhs_hint = false} : vector<256x256xbf16>, vector<256x256xbf16>, vector<256x256xf32> -> vector<256x256xf32>
    %add3A_513 = arith.addf %add3A_510, %dot_general3A_512 : vector<256x256xf32>
    %get3A_514 = arith.constant 0 : index
    %get3A_515 = arith.constant 0 : index
    %get3A_516 = arith.constant 0 : index
    %get3A_517 = vector.load %arg21[%get3A_514, %get3A_515, %get3A_516] : memref<4x1x256xf32, #tpu.memory_space<vmem>>, vector<1x1x256xf32>
    %get3A_518 = vector.shape_cast %get3A_517 : vector<1x1x256xf32> to vector<1x256xf32>
    %add3A_519 = vector.broadcast %get3A_518 : vector<1x256xf32> to vector<256x256xf32>
    %add3A_520 = arith.addf %add3A_513, %add3A_519 : vector<256x256xf32>
    %get3A_521 = arith.constant 0 : index
    %get3A_522 = arith.constant 0 : index
    %get3A_523 = arith.constant 0 : index
    %get3A_524 = arith.constant 0 : index
    %get3A_525 = vector.load %arg22[%get3A_521, %get3A_522, %get3A_523, %get3A_524] : memref<2x4x256x256xbf16, #tpu.memory_space<vmem>>, vector<1x1x256x256xbf16>
    %get3A_526 = vector.shape_cast %get3A_525 : vector<1x1x256x256xbf16> to vector<256x256xbf16>
    %get3A_527 = arith.constant 1 : index
    %get3A_528 = arith.constant 0 : index
    %get3A_529 = arith.constant 0 : index
    %get3A_530 = arith.constant 0 : index
    %get3A_531 = vector.load %arg22[%get3A_527, %get3A_528, %get3A_529, %get3A_530] : memref<2x4x256x256xbf16, #tpu.memory_space<vmem>>, vector<1x1x256x256xbf16>
    %get3A_532 = vector.shape_cast %get3A_531 : vector<1x1x256x256xbf16> to vector<256x256xbf16>
    %dot_general3A_533 = arith.constant dense<0.000000e+00> : vector<256x256xf32>
    %dot_general3A_534 = tpu.matmul %convert_element_type3A_157, %get3A_526, %dot_general3A_533 {dimension_numbers = #tpu.dot_dimension_numbers<[1], [0], [0], [1], [0, 0, 1, 1], [], []>, transpose_lhs_hint = false} : vector<256x256xbf16>, vector<256x256xbf16>, vector<256x256xf32> -> vector<256x256xf32>
    %dot_general3A_535 = arith.constant dense<0.000000e+00> : vector<256x256xf32>
    %dot_general3A_536 = tpu.matmul %convert_element_type3A_157, %get3A_532, %dot_general3A_535 {dimension_numbers = #tpu.dot_dimension_numbers<[1], [0], [0], [1], [0, 0, 1, 1], [], []>, transpose_lhs_hint = false} : vector<256x256xbf16>, vector<256x256xbf16>, vector<256x256xf32> -> vector<256x256xf32>
    %add3A_537 = arith.addf %dot_general3A_534, %dot_general3A_536 : vector<256x256xf32>
    %dot_general3A_538 = arith.constant dense<0.000000e+00> : vector<256x256xf32>
    %dot_general3A_539 = tpu.matmul %convert_element_type3A_160, %get3A_526, %dot_general3A_538 {dimension_numbers = #tpu.dot_dimension_numbers<[1], [0], [0], [1], [0, 0, 1, 1], [], []>, transpose_lhs_hint = false} : vector<256x256xbf16>, vector<256x256xbf16>, vector<256x256xf32> -> vector<256x256xf32>
    %add3A_540 = arith.addf %add3A_537, %dot_general3A_539 : vector<256x256xf32>
    %get3A_541 = arith.constant 0 : index
    %get3A_542 = arith.constant 0 : index
    %get3A_543 = arith.constant 0 : index
    %get3A_544 = vector.load %arg23[%get3A_541, %get3A_542, %get3A_543] : memref<4x1x256xf32, #tpu.memory_space<vmem>>, vector<1x1x256xf32>
    %get3A_545 = vector.shape_cast %get3A_544 : vector<1x1x256xf32> to vector<1x256xf32>
    %add3A_546 = vector.broadcast %get3A_545 : vector<1x256xf32> to vector<256x256xf32>
    %add3A_547 = arith.addf %add3A_540, %add3A_546 : vector<256x256xf32>
    %get3A_548 = arith.constant 0 : index
    %get3A_549 = arith.constant 0 : index
    %get3A_550 = arith.constant 0 : index
    %get3A_551 = arith.constant 0 : index
    %get3A_552 = vector.load %arg24[%get3A_548, %get3A_549, %get3A_550, %get3A_551] : memref<2x4x256x256xbf16, #tpu.memory_space<vmem>>, vector<1x1x256x256xbf16>
    %get3A_553 = vector.shape_cast %get3A_552 : vector<1x1x256x256xbf16> to vector<256x256xbf16>
    %get3A_554 = arith.constant 1 : index
    %get3A_555 = arith.constant 0 : index
    %get3A_556 = arith.constant 0 : index
    %get3A_557 = arith.constant 0 : index
    %get3A_558 = vector.load %arg24[%get3A_554, %get3A_555, %get3A_556, %get3A_557] : memref<2x4x256x256xbf16, #tpu.memory_space<vmem>>, vector<1x1x256x256xbf16>
    %get3A_559 = vector.shape_cast %get3A_558 : vector<1x1x256x256xbf16> to vector<256x256xbf16>
    %dot_general3A_560 = arith.constant dense<0.000000e+00> : vector<256x256xf32>
    %dot_general3A_561 = tpu.matmul %convert_element_type3A_157, %get3A_553, %dot_general3A_560 {dimension_numbers = #tpu.dot_dimension_numbers<[1], [0], [0], [1], [0, 0, 1, 1], [], []>, transpose_lhs_hint = false} : vector<256x256xbf16>, vector<256x256xbf16>, vector<256x256xf32> -> vector<256x256xf32>
    %dot_general3A_562 = arith.constant dense<0.000000e+00> : vector<256x256xf32>
    %dot_general3A_563 = tpu.matmul %convert_element_type3A_157, %get3A_559, %dot_general3A_562 {dimension_numbers = #tpu.dot_dimension_numbers<[1], [0], [0], [1], [0, 0, 1, 1], [], []>, transpose_lhs_hint = false} : vector<256x256xbf16>, vector<256x256xbf16>, vector<256x256xf32> -> vector<256x256xf32>
    %add3A_564 = arith.addf %dot_general3A_561, %dot_general3A_563 : vector<256x256xf32>
    %dot_general3A_565 = arith.constant dense<0.000000e+00> : vector<256x256xf32>
    %dot_general3A_566 = tpu.matmul %convert_element_type3A_160, %get3A_553, %dot_general3A_565 {dimension_numbers = #tpu.dot_dimension_numbers<[1], [0], [0], [1], [0, 0, 1, 1], [], []>, transpose_lhs_hint = false} : vector<256x256xbf16>, vector<256x256xbf16>, vector<256x256xf32> -> vector<256x256xf32>
    %add3A_567 = arith.addf %add3A_564, %dot_general3A_566 : vector<256x256xf32>
    %get3A_568 = arith.constant 0 : index
    %get3A_569 = arith.constant 0 : index
    %get3A_570 = arith.constant 0 : index
    %get3A_571 = vector.load %arg25[%get3A_568, %get3A_569, %get3A_570] : memref<4x1x256xf32, #tpu.memory_space<vmem>>, vector<1x1x256xf32>
    %get3A_572 = vector.shape_cast %get3A_571 : vector<1x1x256xf32> to vector<1x256xf32>
    %add3A_573 = vector.broadcast %get3A_572 : vector<1x256xf32> to vector<256x256xf32>
    %add3A_574 = arith.addf %add3A_567, %add3A_573 : vector<256x256xf32>
    %convert_element_type3A_575 = arith.truncf %add3A_520 : vector<256x256xf32> to vector<256x256xbf16>
    %convert_element_type3A_576 = arith.extf %convert_element_type3A_575 : vector<256x256xbf16> to vector<256x256xf32>
    %sub3A_577 = arith.subf %add3A_520, %convert_element_type3A_576 : vector<256x256xf32>
    %convert_element_type3A_578 = arith.truncf %sub3A_577 : vector<256x256xf32> to vector<256x256xbf16>
    %convert_element_type3A_579 = arith.truncf %add3A_547 : vector<256x256xf32> to vector<256x256xbf16>
    %convert_element_type3A_580 = arith.extf %convert_element_type3A_579 : vector<256x256xbf16> to vector<256x256xf32>
    %sub3A_581 = arith.subf %add3A_547, %convert_element_type3A_580 : vector<256x256xf32>
    %convert_element_type3A_582 = arith.truncf %sub3A_581 : vector<256x256xf32> to vector<256x256xbf16>
    %convert_element_type3A_583 = arith.truncf %add3A_574 : vector<256x256xf32> to vector<256x256xbf16>
    %convert_element_type3A_584 = arith.extf %convert_element_type3A_583 : vector<256x256xbf16> to vector<256x256xf32>
    %sub3A_585 = arith.subf %add3A_574, %convert_element_type3A_584 : vector<256x256xf32>
    %convert_element_type3A_586 = arith.truncf %sub3A_585 : vector<256x256xf32> to vector<256x256xbf16>
    %slice3A = vector.extract_strided_slice %convert_element_type3A_575 {offsets = [0, 0], sizes = [256, 32], strides = [1, 1]} : vector<256x256xbf16> to vector<256x32xbf16>
    %slice3A_587 = vector.extract_strided_slice %convert_element_type3A_579 {offsets = [0, 0], sizes = [256, 32], strides = [1, 1]} : vector<256x256xbf16> to vector<256x32xbf16>
    %dot_general3A_588 = arith.constant dense<0.000000e+00> : vector<256x256xf32>
    %dot_general3A_589 = tpu.matmul %slice3A, %slice3A_587, %dot_general3A_588 {dimension_numbers = #tpu.dot_dimension_numbers<[1], [1], [0], [0], [0, 0, 1, 0], [], []>, transpose_lhs_hint = false} : vector<256x32xbf16>, vector<256x32xbf16>, vector<256x256xf32> -> vector<256x256xf32>
    %slice3A_590 = vector.extract_strided_slice %convert_element_type3A_575 {offsets = [0, 0], sizes = [256, 32], strides = [1, 1]} : vector<256x256xbf16> to vector<256x32xbf16>
    %slice3A_591 = vector.extract_strided_slice %convert_element_type3A_582 {offsets = [0, 0], sizes = [256, 32], strides = [1, 1]} : vector<256x256xbf16> to vector<256x32xbf16>
    %dot_general3A_592 = arith.constant dense<0.000000e+00> : vector<256x256xf32>
    %dot_general3A_593 = tpu.matmul %slice3A_590, %slice3A_591, %dot_general3A_592 {dimension_numbers = #tpu.dot_dimension_numbers<[1], [1], [0], [0], [0, 0, 1, 0], [], []>, transpose_lhs_hint = false} : vector<256x32xbf16>, vector<256x32xbf16>, vector<256x256xf32> -> vector<256x256xf32>
    %add3A_594 = arith.addf %dot_general3A_589, %dot_general3A_593 : vector<256x256xf32>
    %slice3A_595 = vector.extract_strided_slice %convert_element_type3A_578 {offsets = [0, 0], sizes = [256, 32], strides = [1, 1]} : vector<256x256xbf16> to vector<256x32xbf16>
    %slice3A_596 = vector.extract_strided_slice %convert_element_type3A_579 {offsets = [0, 0], sizes = [256, 32], strides = [1, 1]} : vector<256x256xbf16> to vector<256x32xbf16>
    %dot_general3A_597 = arith.constant dense<0.000000e+00> : vector<256x256xf32>
    %dot_general3A_598 = tpu.matmul %slice3A_595, %slice3A_596, %dot_general3A_597 {dimension_numbers = #tpu.dot_dimension_numbers<[1], [1], [0], [0], [0, 0, 1, 0], [], []>, transpose_lhs_hint = false} : vector<256x32xbf16>, vector<256x32xbf16>, vector<256x256xf32> -> vector<256x256xf32>
    %add3A_599 = arith.addf %add3A_594, %dot_general3A_598 : vector<256x256xf32>
    %mul3A_600 = arith.constant 0.176776692 : f32
    %mul3A_601 = vector.broadcast %mul3A_600 : f32 to vector<256x256xf32>
    %mul3A_602 = arith.mulf %add3A_599, %mul3A_601 : vector<256x256xf32>
    %add3A_603 = arith.addf %mul3A_602, %select_n3A_493 : vector<256x256xf32>
    %reduce_max3A = arith.constant dense<0xFF800000> : vector<256xf32>
    %reduce_max3A_604 = vector.multi_reduction <maximumf>, %add3A_603, %reduce_max3A [1] : vector<256x256xf32> to vector<256xf32>
    %max3A_605 = arith.constant 0xFF800000 : f32
    %max3A_606 = vector.broadcast %max3A_605 : f32 to vector<256xf32>
    %max3A_607 = arith.maximumf %max3A_606, %reduce_max3A_604 : vector<256xf32>
    %broadcast_in_dim3A_608 = vector.shape_cast %max3A_607 : vector<256xf32> to vector<256x1xf32>
    %sub3A_609 = vector.broadcast %broadcast_in_dim3A_608 : vector<256x1xf32> to vector<256x256xf32>
    %sub3A_610 = arith.subf %add3A_603, %sub3A_609 : vector<256x256xf32>
    %exp3A = math.exp %sub3A_610 : vector<256x256xf32>
    %reduce_sum3A_611 = arith.constant dense<0.000000e+00> : vector<256xf32>
    %reduce_sum3A_612 = vector.multi_reduction <add>, %exp3A, %reduce_sum3A_611 [1] : vector<256x256xf32> to vector<256xf32>
    %broadcast_in_dim3A_613 = vector.shape_cast %reduce_sum3A_612 : vector<256xf32> to vector<256x1xf32>
    %div3A_614 = vector.broadcast %broadcast_in_dim3A_613 : vector<256x1xf32> to vector<256x256xf32>
    %div3A_615 = arith.divf %exp3A, %div3A_614 : vector<256x256xf32>
    %convert_element_type3A_616 = arith.truncf %div3A_615 : vector<256x256xf32> to vector<256x256xbf16>
    %convert_element_type3A_617 = arith.extf %convert_element_type3A_616 : vector<256x256xbf16> to vector<256x256xf32>
    %sub3A_618 = arith.subf %div3A_615, %convert_element_type3A_617 : vector<256x256xf32>
    %convert_element_type3A_619 = arith.truncf %sub3A_618 : vector<256x256xf32> to vector<256x256xbf16>
    %slice3A_620 = vector.extract_strided_slice %convert_element_type3A_583 {offsets = [0, 0], sizes = [256, 32], strides = [1, 1]} : vector<256x256xbf16> to vector<256x32xbf16>
    %dot_general3A_621 = arith.constant dense<0.000000e+00> : vector<256x32xf32>
    %dot_general3A_622 = tpu.matmul %convert_element_type3A_616, %slice3A_620, %dot_general3A_621 {dimension_numbers = #tpu.dot_dimension_numbers<[1], [0], [0], [1], [0, 0, 1, 1], [], []>, transpose_lhs_hint = false} : vector<256x256xbf16>, vector<256x32xbf16>, vector<256x32xf32> -> vector<256x32xf32>
    %slice3A_623 = vector.extract_strided_slice %convert_element_type3A_586 {offsets = [0, 0], sizes = [256, 32], strides = [1, 1]} : vector<256x256xbf16> to vector<256x32xbf16>
    %dot_general3A_624 = arith.constant dense<0.000000e+00> : vector<256x32xf32>
    %dot_general3A_625 = tpu.matmul %convert_element_type3A_616, %slice3A_623, %dot_general3A_624 {dimension_numbers = #tpu.dot_dimension_numbers<[1], [0], [0], [1], [0, 0, 1, 1], [], []>, transpose_lhs_hint = false} : vector<256x256xbf16>, vector<256x32xbf16>, vector<256x32xf32> -> vector<256x32xf32>
    %add3A_626 = arith.addf %dot_general3A_622, %dot_general3A_625 : vector<256x32xf32>
    %slice3A_627 = vector.extract_strided_slice %convert_element_type3A_583 {offsets = [0, 0], sizes = [256, 32], strides = [1, 1]} : vector<256x256xbf16> to vector<256x32xbf16>
    %dot_general3A_628 = arith.constant dense<0.000000e+00> : vector<256x32xf32>
    %dot_general3A_629 = tpu.matmul %convert_element_type3A_619, %slice3A_627, %dot_general3A_628 {dimension_numbers = #tpu.dot_dimension_numbers<[1], [0], [0], [1], [0, 0, 1, 1], [], []>, transpose_lhs_hint = false} : vector<256x256xbf16>, vector<256x32xbf16>, vector<256x32xf32> -> vector<256x32xf32>
    %add3A_630 = arith.addf %add3A_626, %dot_general3A_629 : vector<256x32xf32>
    %slice3A_631 = vector.extract_strided_slice %convert_element_type3A_575 {offsets = [0, 32], sizes = [256, 32], strides = [1, 1]} : vector<256x256xbf16> to vector<256x32xbf16>
    %slice3A_632 = vector.extract_strided_slice %convert_element_type3A_579 {offsets = [0, 32], sizes = [256, 32], strides = [1, 1]} : vector<256x256xbf16> to vector<256x32xbf16>
    %dot_general3A_633 = arith.constant dense<0.000000e+00> : vector<256x256xf32>
    %dot_general3A_634 = tpu.matmul %slice3A_631, %slice3A_632, %dot_general3A_633 {dimension_numbers = #tpu.dot_dimension_numbers<[1], [1], [0], [0], [0, 0, 1, 0], [], []>, transpose_lhs_hint = false} : vector<256x32xbf16>, vector<256x32xbf16>, vector<256x256xf32> -> vector<256x256xf32>
    %slice3A_635 = vector.extract_strided_slice %convert_element_type3A_575 {offsets = [0, 32], sizes = [256, 32], strides = [1, 1]} : vector<256x256xbf16> to vector<256x32xbf16>
    %slice3A_636 = vector.extract_strided_slice %convert_element_type3A_582 {offsets = [0, 32], sizes = [256, 32], strides = [1, 1]} : vector<256x256xbf16> to vector<256x32xbf16>
    %dot_general3A_637 = arith.constant dense<0.000000e+00> : vector<256x256xf32>
    %dot_general3A_638 = tpu.matmul %slice3A_635, %slice3A_636, %dot_general3A_637 {dimension_numbers = #tpu.dot_dimension_numbers<[1], [1], [0], [0], [0, 0, 1, 0], [], []>, transpose_lhs_hint = false} : vector<256x32xbf16>, vector<256x32xbf16>, vector<256x256xf32> -> vector<256x256xf32>
    %add3A_639 = arith.addf %dot_general3A_634, %dot_general3A_638 : vector<256x256xf32>
    %slice3A_640 = vector.extract_strided_slice %convert_element_type3A_578 {offsets = [0, 32], sizes = [256, 32], strides = [1, 1]} : vector<256x256xbf16> to vector<256x32xbf16>
    %slice3A_641 = vector.extract_strided_slice %convert_element_type3A_579 {offsets = [0, 32], sizes = [256, 32], strides = [1, 1]} : vector<256x256xbf16> to vector<256x32xbf16>
    %dot_general3A_642 = arith.constant dense<0.000000e+00> : vector<256x256xf32>
    %dot_general3A_643 = tpu.matmul %slice3A_640, %slice3A_641, %dot_general3A_642 {dimension_numbers = #tpu.dot_dimension_numbers<[1], [1], [0], [0], [0, 0, 1, 0], [], []>, transpose_lhs_hint = false} : vector<256x32xbf16>, vector<256x32xbf16>, vector<256x256xf32> -> vector<256x256xf32>
    %add3A_644 = arith.addf %add3A_639, %dot_general3A_643 : vector<256x256xf32>
    %mul3A_645 = arith.constant 0.176776692 : f32
    %mul3A_646 = vector.broadcast %mul3A_645 : f32 to vector<256x256xf32>
    %mul3A_647 = arith.mulf %add3A_644, %mul3A_646 : vector<256x256xf32>
    %add3A_648 = arith.addf %mul3A_647, %select_n3A_493 : vector<256x256xf32>
    %reduce_max3A_649 = arith.constant dense<0xFF800000> : vector<256xf32>
    %reduce_max3A_650 = vector.multi_reduction <maximumf>, %add3A_648, %reduce_max3A_649 [1] : vector<256x256xf32> to vector<256xf32>
    %max3A_651 = arith.constant 0xFF800000 : f32
    %max3A_652 = vector.broadcast %max3A_651 : f32 to vector<256xf32>
    %max3A_653 = arith.maximumf %max3A_652, %reduce_max3A_650 : vector<256xf32>
    %broadcast_in_dim3A_654 = vector.shape_cast %max3A_653 : vector<256xf32> to vector<256x1xf32>
    %sub3A_655 = vector.broadcast %broadcast_in_dim3A_654 : vector<256x1xf32> to vector<256x256xf32>
    %sub3A_656 = arith.subf %add3A_648, %sub3A_655 : vector<256x256xf32>
    %exp3A_657 = math.exp %sub3A_656 : vector<256x256xf32>
    %reduce_sum3A_658 = arith.constant dense<0.000000e+00> : vector<256xf32>
    %reduce_sum3A_659 = vector.multi_reduction <add>, %exp3A_657, %reduce_sum3A_658 [1] : vector<256x256xf32> to vector<256xf32>
    %broadcast_in_dim3A_660 = vector.shape_cast %reduce_sum3A_659 : vector<256xf32> to vector<256x1xf32>
    %div3A_661 = vector.broadcast %broadcast_in_dim3A_660 : vector<256x1xf32> to vector<256x256xf32>
    %div3A_662 = arith.divf %exp3A_657, %div3A_661 : vector<256x256xf32>
    %convert_element_type3A_663 = arith.truncf %div3A_662 : vector<256x256xf32> to vector<256x256xbf16>
    %convert_element_type3A_664 = arith.extf %convert_element_type3A_663 : vector<256x256xbf16> to vector<256x256xf32>
    %sub3A_665 = arith.subf %div3A_662, %convert_element_type3A_664 : vector<256x256xf32>
    %convert_element_type3A_666 = arith.truncf %sub3A_665 : vector<256x256xf32> to vector<256x256xbf16>
    %slice3A_667 = vector.extract_strided_slice %convert_element_type3A_583 {offsets = [0, 32], sizes = [256, 32], strides = [1, 1]} : vector<256x256xbf16> to vector<256x32xbf16>
    %dot_general3A_668 = arith.constant dense<0.000000e+00> : vector<256x32xf32>
    %dot_general3A_669 = tpu.matmul %convert_element_type3A_663, %slice3A_667, %dot_general3A_668 {dimension_numbers = #tpu.dot_dimension_numbers<[1], [0], [0], [1], [0, 0, 1, 1], [], []>, transpose_lhs_hint = false} : vector<256x256xbf16>, vector<256x32xbf16>, vector<256x32xf32> -> vector<256x32xf32>
    %slice3A_670 = vector.extract_strided_slice %convert_element_type3A_586 {offsets = [0, 32], sizes = [256, 32], strides = [1, 1]} : vector<256x256xbf16> to vector<256x32xbf16>
    %dot_general3A_671 = arith.constant dense<0.000000e+00> : vector<256x32xf32>
    %dot_general3A_672 = tpu.matmul %convert_element_type3A_663, %slice3A_670, %dot_general3A_671 {dimension_numbers = #tpu.dot_dimension_numbers<[1], [0], [0], [1], [0, 0, 1, 1], [], []>, transpose_lhs_hint = false} : vector<256x256xbf16>, vector<256x32xbf16>, vector<256x32xf32> -> vector<256x32xf32>
    %add3A_673 = arith.addf %dot_general3A_669, %dot_general3A_672 : vector<256x32xf32>
    %slice3A_674 = vector.extract_strided_slice %convert_element_type3A_583 {offsets = [0, 32], sizes = [256, 32], strides = [1, 1]} : vector<256x256xbf16> to vector<256x32xbf16>
    %dot_general3A_675 = arith.constant dense<0.000000e+00> : vector<256x32xf32>
    %dot_general3A_676 = tpu.matmul %convert_element_type3A_666, %slice3A_674, %dot_general3A_675 {dimension_numbers = #tpu.dot_dimension_numbers<[1], [0], [0], [1], [0, 0, 1, 1], [], []>, transpose_lhs_hint = false} : vector<256x256xbf16>, vector<256x32xbf16>, vector<256x32xf32> -> vector<256x32xf32>
    %add3A_677 = arith.addf %add3A_673, %dot_general3A_676 : vector<256x32xf32>
    %slice3A_678 = vector.extract_strided_slice %convert_element_type3A_575 {offsets = [0, 64], sizes = [256, 32], strides = [1, 1]} : vector<256x256xbf16> to vector<256x32xbf16>
    %slice3A_679 = vector.extract_strided_slice %convert_element_type3A_579 {offsets = [0, 64], sizes = [256, 32], strides = [1, 1]} : vector<256x256xbf16> to vector<256x32xbf16>
    %dot_general3A_680 = arith.constant dense<0.000000e+00> : vector<256x256xf32>
    %dot_general3A_681 = tpu.matmul %slice3A_678, %slice3A_679, %dot_general3A_680 {dimension_numbers = #tpu.dot_dimension_numbers<[1], [1], [0], [0], [0, 0, 1, 0], [], []>, transpose_lhs_hint = false} : vector<256x32xbf16>, vector<256x32xbf16>, vector<256x256xf32> -> vector<256x256xf32>
    %slice3A_682 = vector.extract_strided_slice %convert_element_type3A_575 {offsets = [0, 64], sizes = [256, 32], strides = [1, 1]} : vector<256x256xbf16> to vector<256x32xbf16>
    %slice3A_683 = vector.extract_strided_slice %convert_element_type3A_582 {offsets = [0, 64], sizes = [256, 32], strides = [1, 1]} : vector<256x256xbf16> to vector<256x32xbf16>
    %dot_general3A_684 = arith.constant dense<0.000000e+00> : vector<256x256xf32>
    %dot_general3A_685 = tpu.matmul %slice3A_682, %slice3A_683, %dot_general3A_684 {dimension_numbers = #tpu.dot_dimension_numbers<[1], [1], [0], [0], [0, 0, 1, 0], [], []>, transpose_lhs_hint = false} : vector<256x32xbf16>, vector<256x32xbf16>, vector<256x256xf32> -> vector<256x256xf32>
    %add3A_686 = arith.addf %dot_general3A_681, %dot_general3A_685 : vector<256x256xf32>
    %slice3A_687 = vector.extract_strided_slice %convert_element_type3A_578 {offsets = [0, 64], sizes = [256, 32], strides = [1, 1]} : vector<256x256xbf16> to vector<256x32xbf16>
    %slice3A_688 = vector.extract_strided_slice %convert_element_type3A_579 {offsets = [0, 64], sizes = [256, 32], strides = [1, 1]} : vector<256x256xbf16> to vector<256x32xbf16>
    %dot_general3A_689 = arith.constant dense<0.000000e+00> : vector<256x256xf32>
    %dot_general3A_690 = tpu.matmul %slice3A_687, %slice3A_688, %dot_general3A_689 {dimension_numbers = #tpu.dot_dimension_numbers<[1], [1], [0], [0], [0, 0, 1, 0], [], []>, transpose_lhs_hint = false} : vector<256x32xbf16>, vector<256x32xbf16>, vector<256x256xf32> -> vector<256x256xf32>
    %add3A_691 = arith.addf %add3A_686, %dot_general3A_690 : vector<256x256xf32>
    %mul3A_692 = arith.constant 0.176776692 : f32
    %mul3A_693 = vector.broadcast %mul3A_692 : f32 to vector<256x256xf32>
    %mul3A_694 = arith.mulf %add3A_691, %mul3A_693 : vector<256x256xf32>
    %add3A_695 = arith.addf %mul3A_694, %select_n3A_493 : vector<256x256xf32>
    %reduce_max3A_696 = arith.constant dense<0xFF800000> : vector<256xf32>
    %reduce_max3A_697 = vector.multi_reduction <maximumf>, %add3A_695, %reduce_max3A_696 [1] : vector<256x256xf32> to vector<256xf32>
    %max3A_698 = arith.constant 0xFF800000 : f32
    %max3A_699 = vector.broadcast %max3A_698 : f32 to vector<256xf32>
    %max3A_700 = arith.maximumf %max3A_699, %reduce_max3A_697 : vector<256xf32>
    %broadcast_in_dim3A_701 = vector.shape_cast %max3A_700 : vector<256xf32> to vector<256x1xf32>
    %sub3A_702 = vector.broadcast %broadcast_in_dim3A_701 : vector<256x1xf32> to vector<256x256xf32>
    %sub3A_703 = arith.subf %add3A_695, %sub3A_702 : vector<256x256xf32>
    %exp3A_704 = math.exp %sub3A_703 : vector<256x256xf32>
    %reduce_sum3A_705 = arith.constant dense<0.000000e+00> : vector<256xf32>
    %reduce_sum3A_706 = vector.multi_reduction <add>, %exp3A_704, %reduce_sum3A_705 [1] : vector<256x256xf32> to vector<256xf32>
    %broadcast_in_dim3A_707 = vector.shape_cast %reduce_sum3A_706 : vector<256xf32> to vector<256x1xf32>
    %div3A_708 = vector.broadcast %broadcast_in_dim3A_707 : vector<256x1xf32> to vector<256x256xf32>
    %div3A_709 = arith.divf %exp3A_704, %div3A_708 : vector<256x256xf32>
    %convert_element_type3A_710 = arith.truncf %div3A_709 : vector<256x256xf32> to vector<256x256xbf16>
    %convert_element_type3A_711 = arith.extf %convert_element_type3A_710 : vector<256x256xbf16> to vector<256x256xf32>
    %sub3A_712 = arith.subf %div3A_709, %convert_element_type3A_711 : vector<256x256xf32>
    %convert_element_type3A_713 = arith.truncf %sub3A_712 : vector<256x256xf32> to vector<256x256xbf16>
    %slice3A_714 = vector.extract_strided_slice %convert_element_type3A_583 {offsets = [0, 64], sizes = [256, 32], strides = [1, 1]} : vector<256x256xbf16> to vector<256x32xbf16>
    %dot_general3A_715 = arith.constant dense<0.000000e+00> : vector<256x32xf32>
    %dot_general3A_716 = tpu.matmul %convert_element_type3A_710, %slice3A_714, %dot_general3A_715 {dimension_numbers = #tpu.dot_dimension_numbers<[1], [0], [0], [1], [0, 0, 1, 1], [], []>, transpose_lhs_hint = false} : vector<256x256xbf16>, vector<256x32xbf16>, vector<256x32xf32> -> vector<256x32xf32>
    %slice3A_717 = vector.extract_strided_slice %convert_element_type3A_586 {offsets = [0, 64], sizes = [256, 32], strides = [1, 1]} : vector<256x256xbf16> to vector<256x32xbf16>
    %dot_general3A_718 = arith.constant dense<0.000000e+00> : vector<256x32xf32>
    %dot_general3A_719 = tpu.matmul %convert_element_type3A_710, %slice3A_717, %dot_general3A_718 {dimension_numbers = #tpu.dot_dimension_numbers<[1], [0], [0], [1], [0, 0, 1, 1], [], []>, transpose_lhs_hint = false} : vector<256x256xbf16>, vector<256x32xbf16>, vector<256x32xf32> -> vector<256x32xf32>
    %add3A_720 = arith.addf %dot_general3A_716, %dot_general3A_719 : vector<256x32xf32>
    %slice3A_721 = vector.extract_strided_slice %convert_element_type3A_583 {offsets = [0, 64], sizes = [256, 32], strides = [1, 1]} : vector<256x256xbf16> to vector<256x32xbf16>
    %dot_general3A_722 = arith.constant dense<0.000000e+00> : vector<256x32xf32>
    %dot_general3A_723 = tpu.matmul %convert_element_type3A_713, %slice3A_721, %dot_general3A_722 {dimension_numbers = #tpu.dot_dimension_numbers<[1], [0], [0], [1], [0, 0, 1, 1], [], []>, transpose_lhs_hint = false} : vector<256x256xbf16>, vector<256x32xbf16>, vector<256x32xf32> -> vector<256x32xf32>
    %add3A_724 = arith.addf %add3A_720, %dot_general3A_723 : vector<256x32xf32>
    %slice3A_725 = vector.extract_strided_slice %convert_element_type3A_575 {offsets = [0, 96], sizes = [256, 32], strides = [1, 1]} : vector<256x256xbf16> to vector<256x32xbf16>
    %slice3A_726 = vector.extract_strided_slice %convert_element_type3A_579 {offsets = [0, 96], sizes = [256, 32], strides = [1, 1]} : vector<256x256xbf16> to vector<256x32xbf16>
    %dot_general3A_727 = arith.constant dense<0.000000e+00> : vector<256x256xf32>
    %dot_general3A_728 = tpu.matmul %slice3A_725, %slice3A_726, %dot_general3A_727 {dimension_numbers = #tpu.dot_dimension_numbers<[1], [1], [0], [0], [0, 0, 1, 0], [], []>, transpose_lhs_hint = false} : vector<256x32xbf16>, vector<256x32xbf16>, vector<256x256xf32> -> vector<256x256xf32>
    %slice3A_729 = vector.extract_strided_slice %convert_element_type3A_575 {offsets = [0, 96], sizes = [256, 32], strides = [1, 1]} : vector<256x256xbf16> to vector<256x32xbf16>
    %slice3A_730 = vector.extract_strided_slice %convert_element_type3A_582 {offsets = [0, 96], sizes = [256, 32], strides = [1, 1]} : vector<256x256xbf16> to vector<256x32xbf16>
    %dot_general3A_731 = arith.constant dense<0.000000e+00> : vector<256x256xf32>
    %dot_general3A_732 = tpu.matmul %slice3A_729, %slice3A_730, %dot_general3A_731 {dimension_numbers = #tpu.dot_dimension_numbers<[1], [1], [0], [0], [0, 0, 1, 0], [], []>, transpose_lhs_hint = false} : vector<256x32xbf16>, vector<256x32xbf16>, vector<256x256xf32> -> vector<256x256xf32>
    %add3A_733 = arith.addf %dot_general3A_728, %dot_general3A_732 : vector<256x256xf32>
    %slice3A_734 = vector.extract_strided_slice %convert_element_type3A_578 {offsets = [0, 96], sizes = [256, 32], strides = [1, 1]} : vector<256x256xbf16> to vector<256x32xbf16>
    %slice3A_735 = vector.extract_strided_slice %convert_element_type3A_579 {offsets = [0, 96], sizes = [256, 32], strides = [1, 1]} : vector<256x256xbf16> to vector<256x32xbf16>
    %dot_general3A_736 = arith.constant dense<0.000000e+00> : vector<256x256xf32>
    %dot_general3A_737 = tpu.matmul %slice3A_734, %slice3A_735, %dot_general3A_736 {dimension_numbers = #tpu.dot_dimension_numbers<[1], [1], [0], [0], [0, 0, 1, 0], [], []>, transpose_lhs_hint = false} : vector<256x32xbf16>, vector<256x32xbf16>, vector<256x256xf32> -> vector<256x256xf32>
    %add3A_738 = arith.addf %add3A_733, %dot_general3A_737 : vector<256x256xf32>
    %mul3A_739 = arith.constant 0.176776692 : f32
    %mul3A_740 = vector.broadcast %mul3A_739 : f32 to vector<256x256xf32>
    %mul3A_741 = arith.mulf %add3A_738, %mul3A_740 : vector<256x256xf32>
    %add3A_742 = arith.addf %mul3A_741, %select_n3A_493 : vector<256x256xf32>
    %reduce_max3A_743 = arith.constant dense<0xFF800000> : vector<256xf32>
    %reduce_max3A_744 = vector.multi_reduction <maximumf>, %add3A_742, %reduce_max3A_743 [1] : vector<256x256xf32> to vector<256xf32>
    %max3A_745 = arith.constant 0xFF800000 : f32
    %max3A_746 = vector.broadcast %max3A_745 : f32 to vector<256xf32>
    %max3A_747 = arith.maximumf %max3A_746, %reduce_max3A_744 : vector<256xf32>
    %broadcast_in_dim3A_748 = vector.shape_cast %max3A_747 : vector<256xf32> to vector<256x1xf32>
    %sub3A_749 = vector.broadcast %broadcast_in_dim3A_748 : vector<256x1xf32> to vector<256x256xf32>
    %sub3A_750 = arith.subf %add3A_742, %sub3A_749 : vector<256x256xf32>
    %exp3A_751 = math.exp %sub3A_750 : vector<256x256xf32>
    %reduce_sum3A_752 = arith.constant dense<0.000000e+00> : vector<256xf32>
    %reduce_sum3A_753 = vector.multi_reduction <add>, %exp3A_751, %reduce_sum3A_752 [1] : vector<256x256xf32> to vector<256xf32>
    %broadcast_in_dim3A_754 = vector.shape_cast %reduce_sum3A_753 : vector<256xf32> to vector<256x1xf32>
    %div3A_755 = vector.broadcast %broadcast_in_dim3A_754 : vector<256x1xf32> to vector<256x256xf32>
    %div3A_756 = arith.divf %exp3A_751, %div3A_755 : vector<256x256xf32>
    %convert_element_type3A_757 = arith.truncf %div3A_756 : vector<256x256xf32> to vector<256x256xbf16>
    %convert_element_type3A_758 = arith.extf %convert_element_type3A_757 : vector<256x256xbf16> to vector<256x256xf32>
    %sub3A_759 = arith.subf %div3A_756, %convert_element_type3A_758 : vector<256x256xf32>
    %convert_element_type3A_760 = arith.truncf %sub3A_759 : vector<256x256xf32> to vector<256x256xbf16>
    %slice3A_761 = vector.extract_strided_slice %convert_element_type3A_583 {offsets = [0, 96], sizes = [256, 32], strides = [1, 1]} : vector<256x256xbf16> to vector<256x32xbf16>
    %dot_general3A_762 = arith.constant dense<0.000000e+00> : vector<256x32xf32>
    %dot_general3A_763 = tpu.matmul %convert_element_type3A_757, %slice3A_761, %dot_general3A_762 {dimension_numbers = #tpu.dot_dimension_numbers<[1], [0], [0], [1], [0, 0, 1, 1], [], []>, transpose_lhs_hint = false} : vector<256x256xbf16>, vector<256x32xbf16>, vector<256x32xf32> -> vector<256x32xf32>
    %slice3A_764 = vector.extract_strided_slice %convert_element_type3A_586 {offsets = [0, 96], sizes = [256, 32], strides = [1, 1]} : vector<256x256xbf16> to vector<256x32xbf16>
    %dot_general3A_765 = arith.constant dense<0.000000e+00> : vector<256x32xf32>
    %dot_general3A_766 = tpu.matmul %convert_element_type3A_757, %slice3A_764, %dot_general3A_765 {dimension_numbers = #tpu.dot_dimension_numbers<[1], [0], [0], [1], [0, 0, 1, 1], [], []>, transpose_lhs_hint = false} : vector<256x256xbf16>, vector<256x32xbf16>, vector<256x32xf32> -> vector<256x32xf32>
    %add3A_767 = arith.addf %dot_general3A_763, %dot_general3A_766 : vector<256x32xf32>
    %slice3A_768 = vector.extract_strided_slice %convert_element_type3A_583 {offsets = [0, 96], sizes = [256, 32], strides = [1, 1]} : vector<256x256xbf16> to vector<256x32xbf16>
    %dot_general3A_769 = arith.constant dense<0.000000e+00> : vector<256x32xf32>
    %dot_general3A_770 = tpu.matmul %convert_element_type3A_760, %slice3A_768, %dot_general3A_769 {dimension_numbers = #tpu.dot_dimension_numbers<[1], [0], [0], [1], [0, 0, 1, 1], [], []>, transpose_lhs_hint = false} : vector<256x256xbf16>, vector<256x32xbf16>, vector<256x32xf32> -> vector<256x32xf32>
    %add3A_771 = arith.addf %add3A_767, %dot_general3A_770 : vector<256x32xf32>
    %slice3A_772 = vector.extract_strided_slice %convert_element_type3A_575 {offsets = [0, 128], sizes = [256, 32], strides = [1, 1]} : vector<256x256xbf16> to vector<256x32xbf16>
    %slice3A_773 = vector.extract_strided_slice %convert_element_type3A_579 {offsets = [0, 128], sizes = [256, 32], strides = [1, 1]} : vector<256x256xbf16> to vector<256x32xbf16>
    %dot_general3A_774 = arith.constant dense<0.000000e+00> : vector<256x256xf32>
    %dot_general3A_775 = tpu.matmul %slice3A_772, %slice3A_773, %dot_general3A_774 {dimension_numbers = #tpu.dot_dimension_numbers<[1], [1], [0], [0], [0, 0, 1, 0], [], []>, transpose_lhs_hint = false} : vector<256x32xbf16>, vector<256x32xbf16>, vector<256x256xf32> -> vector<256x256xf32>
    %slice3A_776 = vector.extract_strided_slice %convert_element_type3A_575 {offsets = [0, 128], sizes = [256, 32], strides = [1, 1]} : vector<256x256xbf16> to vector<256x32xbf16>
    %slice3A_777 = vector.extract_strided_slice %convert_element_type3A_582 {offsets = [0, 128], sizes = [256, 32], strides = [1, 1]} : vector<256x256xbf16> to vector<256x32xbf16>
    %dot_general3A_778 = arith.constant dense<0.000000e+00> : vector<256x256xf32>
    %dot_general3A_779 = tpu.matmul %slice3A_776, %slice3A_777, %dot_general3A_778 {dimension_numbers = #tpu.dot_dimension_numbers<[1], [1], [0], [0], [0, 0, 1, 0], [], []>, transpose_lhs_hint = false} : vector<256x32xbf16>, vector<256x32xbf16>, vector<256x256xf32> -> vector<256x256xf32>
    %add3A_780 = arith.addf %dot_general3A_775, %dot_general3A_779 : vector<256x256xf32>
    %slice3A_781 = vector.extract_strided_slice %convert_element_type3A_578 {offsets = [0, 128], sizes = [256, 32], strides = [1, 1]} : vector<256x256xbf16> to vector<256x32xbf16>
    %slice3A_782 = vector.extract_strided_slice %convert_element_type3A_579 {offsets = [0, 128], sizes = [256, 32], strides = [1, 1]} : vector<256x256xbf16> to vector<256x32xbf16>
    %dot_general3A_783 = arith.constant dense<0.000000e+00> : vector<256x256xf32>
    %dot_general3A_784 = tpu.matmul %slice3A_781, %slice3A_782, %dot_general3A_783 {dimension_numbers = #tpu.dot_dimension_numbers<[1], [1], [0], [0], [0, 0, 1, 0], [], []>, transpose_lhs_hint = false} : vector<256x32xbf16>, vector<256x32xbf16>, vector<256x256xf32> -> vector<256x256xf32>
    %add3A_785 = arith.addf %add3A_780, %dot_general3A_784 : vector<256x256xf32>
    %mul3A_786 = arith.constant 0.176776692 : f32
    %mul3A_787 = vector.broadcast %mul3A_786 : f32 to vector<256x256xf32>
    %mul3A_788 = arith.mulf %add3A_785, %mul3A_787 : vector<256x256xf32>
    %add3A_789 = arith.addf %mul3A_788, %select_n3A_493 : vector<256x256xf32>
    %reduce_max3A_790 = arith.constant dense<0xFF800000> : vector<256xf32>
    %reduce_max3A_791 = vector.multi_reduction <maximumf>, %add3A_789, %reduce_max3A_790 [1] : vector<256x256xf32> to vector<256xf32>
    %max3A_792 = arith.constant 0xFF800000 : f32
    %max3A_793 = vector.broadcast %max3A_792 : f32 to vector<256xf32>
    %max3A_794 = arith.maximumf %max3A_793, %reduce_max3A_791 : vector<256xf32>
    %broadcast_in_dim3A_795 = vector.shape_cast %max3A_794 : vector<256xf32> to vector<256x1xf32>
    %sub3A_796 = vector.broadcast %broadcast_in_dim3A_795 : vector<256x1xf32> to vector<256x256xf32>
    %sub3A_797 = arith.subf %add3A_789, %sub3A_796 : vector<256x256xf32>
    %exp3A_798 = math.exp %sub3A_797 : vector<256x256xf32>
    %reduce_sum3A_799 = arith.constant dense<0.000000e+00> : vector<256xf32>
    %reduce_sum3A_800 = vector.multi_reduction <add>, %exp3A_798, %reduce_sum3A_799 [1] : vector<256x256xf32> to vector<256xf32>
    %broadcast_in_dim3A_801 = vector.shape_cast %reduce_sum3A_800 : vector<256xf32> to vector<256x1xf32>
    %div3A_802 = vector.broadcast %broadcast_in_dim3A_801 : vector<256x1xf32> to vector<256x256xf32>
    %div3A_803 = arith.divf %exp3A_798, %div3A_802 : vector<256x256xf32>
    %convert_element_type3A_804 = arith.truncf %div3A_803 : vector<256x256xf32> to vector<256x256xbf16>
    %convert_element_type3A_805 = arith.extf %convert_element_type3A_804 : vector<256x256xbf16> to vector<256x256xf32>
    %sub3A_806 = arith.subf %div3A_803, %convert_element_type3A_805 : vector<256x256xf32>
    %convert_element_type3A_807 = arith.truncf %sub3A_806 : vector<256x256xf32> to vector<256x256xbf16>
    %slice3A_808 = vector.extract_strided_slice %convert_element_type3A_583 {offsets = [0, 128], sizes = [256, 32], strides = [1, 1]} : vector<256x256xbf16> to vector<256x32xbf16>
    %dot_general3A_809 = arith.constant dense<0.000000e+00> : vector<256x32xf32>
    %dot_general3A_810 = tpu.matmul %convert_element_type3A_804, %slice3A_808, %dot_general3A_809 {dimension_numbers = #tpu.dot_dimension_numbers<[1], [0], [0], [1], [0, 0, 1, 1], [], []>, transpose_lhs_hint = false} : vector<256x256xbf16>, vector<256x32xbf16>, vector<256x32xf32> -> vector<256x32xf32>
    %slice3A_811 = vector.extract_strided_slice %convert_element_type3A_586 {offsets = [0, 128], sizes = [256, 32], strides = [1, 1]} : vector<256x256xbf16> to vector<256x32xbf16>
    %dot_general3A_812 = arith.constant dense<0.000000e+00> : vector<256x32xf32>
    %dot_general3A_813 = tpu.matmul %convert_element_type3A_804, %slice3A_811, %dot_general3A_812 {dimension_numbers = #tpu.dot_dimension_numbers<[1], [0], [0], [1], [0, 0, 1, 1], [], []>, transpose_lhs_hint = false} : vector<256x256xbf16>, vector<256x32xbf16>, vector<256x32xf32> -> vector<256x32xf32>
    %add3A_814 = arith.addf %dot_general3A_810, %dot_general3A_813 : vector<256x32xf32>
    %slice3A_815 = vector.extract_strided_slice %convert_element_type3A_583 {offsets = [0, 128], sizes = [256, 32], strides = [1, 1]} : vector<256x256xbf16> to vector<256x32xbf16>
    %dot_general3A_816 = arith.constant dense<0.000000e+00> : vector<256x32xf32>
    %dot_general3A_817 = tpu.matmul %convert_element_type3A_807, %slice3A_815, %dot_general3A_816 {dimension_numbers = #tpu.dot_dimension_numbers<[1], [0], [0], [1], [0, 0, 1, 1], [], []>, transpose_lhs_hint = false} : vector<256x256xbf16>, vector<256x32xbf16>, vector<256x32xf32> -> vector<256x32xf32>
    %add3A_818 = arith.addf %add3A_814, %dot_general3A_817 : vector<256x32xf32>
    %slice3A_819 = vector.extract_strided_slice %convert_element_type3A_575 {offsets = [0, 160], sizes = [256, 32], strides = [1, 1]} : vector<256x256xbf16> to vector<256x32xbf16>
    %slice3A_820 = vector.extract_strided_slice %convert_element_type3A_579 {offsets = [0, 160], sizes = [256, 32], strides = [1, 1]} : vector<256x256xbf16> to vector<256x32xbf16>
    %dot_general3A_821 = arith.constant dense<0.000000e+00> : vector<256x256xf32>
    %dot_general3A_822 = tpu.matmul %slice3A_819, %slice3A_820, %dot_general3A_821 {dimension_numbers = #tpu.dot_dimension_numbers<[1], [1], [0], [0], [0, 0, 1, 0], [], []>, transpose_lhs_hint = false} : vector<256x32xbf16>, vector<256x32xbf16>, vector<256x256xf32> -> vector<256x256xf32>
    %slice3A_823 = vector.extract_strided_slice %convert_element_type3A_575 {offsets = [0, 160], sizes = [256, 32], strides = [1, 1]} : vector<256x256xbf16> to vector<256x32xbf16>
    %slice3A_824 = vector.extract_strided_slice %convert_element_type3A_582 {offsets = [0, 160], sizes = [256, 32], strides = [1, 1]} : vector<256x256xbf16> to vector<256x32xbf16>
    %dot_general3A_825 = arith.constant dense<0.000000e+00> : vector<256x256xf32>
    %dot_general3A_826 = tpu.matmul %slice3A_823, %slice3A_824, %dot_general3A_825 {dimension_numbers = #tpu.dot_dimension_numbers<[1], [1], [0], [0], [0, 0, 1, 0], [], []>, transpose_lhs_hint = false} : vector<256x32xbf16>, vector<256x32xbf16>, vector<256x256xf32> -> vector<256x256xf32>
    %add3A_827 = arith.addf %dot_general3A_822, %dot_general3A_826 : vector<256x256xf32>
    %slice3A_828 = vector.extract_strided_slice %convert_element_type3A_578 {offsets = [0, 160], sizes = [256, 32], strides = [1, 1]} : vector<256x256xbf16> to vector<256x32xbf16>
    %slice3A_829 = vector.extract_strided_slice %convert_element_type3A_579 {offsets = [0, 160], sizes = [256, 32], strides = [1, 1]} : vector<256x256xbf16> to vector<256x32xbf16>
    %dot_general3A_830 = arith.constant dense<0.000000e+00> : vector<256x256xf32>
    %dot_general3A_831 = tpu.matmul %slice3A_828, %slice3A_829, %dot_general3A_830 {dimension_numbers = #tpu.dot_dimension_numbers<[1], [1], [0], [0], [0, 0, 1, 0], [], []>, transpose_lhs_hint = false} : vector<256x32xbf16>, vector<256x32xbf16>, vector<256x256xf32> -> vector<256x256xf32>
    %add3A_832 = arith.addf %add3A_827, %dot_general3A_831 : vector<256x256xf32>
    %mul3A_833 = arith.constant 0.176776692 : f32
    %mul3A_834 = vector.broadcast %mul3A_833 : f32 to vector<256x256xf32>
    %mul3A_835 = arith.mulf %add3A_832, %mul3A_834 : vector<256x256xf32>
    %add3A_836 = arith.addf %mul3A_835, %select_n3A_493 : vector<256x256xf32>
    %reduce_max3A_837 = arith.constant dense<0xFF800000> : vector<256xf32>
    %reduce_max3A_838 = vector.multi_reduction <maximumf>, %add3A_836, %reduce_max3A_837 [1] : vector<256x256xf32> to vector<256xf32>
    %max3A_839 = arith.constant 0xFF800000 : f32
    %max3A_840 = vector.broadcast %max3A_839 : f32 to vector<256xf32>
    %max3A_841 = arith.maximumf %max3A_840, %reduce_max3A_838 : vector<256xf32>
    %broadcast_in_dim3A_842 = vector.shape_cast %max3A_841 : vector<256xf32> to vector<256x1xf32>
    %sub3A_843 = vector.broadcast %broadcast_in_dim3A_842 : vector<256x1xf32> to vector<256x256xf32>
    %sub3A_844 = arith.subf %add3A_836, %sub3A_843 : vector<256x256xf32>
    %exp3A_845 = math.exp %sub3A_844 : vector<256x256xf32>
    %reduce_sum3A_846 = arith.constant dense<0.000000e+00> : vector<256xf32>
    %reduce_sum3A_847 = vector.multi_reduction <add>, %exp3A_845, %reduce_sum3A_846 [1] : vector<256x256xf32> to vector<256xf32>
    %broadcast_in_dim3A_848 = vector.shape_cast %reduce_sum3A_847 : vector<256xf32> to vector<256x1xf32>
    %div3A_849 = vector.broadcast %broadcast_in_dim3A_848 : vector<256x1xf32> to vector<256x256xf32>
    %div3A_850 = arith.divf %exp3A_845, %div3A_849 : vector<256x256xf32>
    %convert_element_type3A_851 = arith.truncf %div3A_850 : vector<256x256xf32> to vector<256x256xbf16>
    %convert_element_type3A_852 = arith.extf %convert_element_type3A_851 : vector<256x256xbf16> to vector<256x256xf32>
    %sub3A_853 = arith.subf %div3A_850, %convert_element_type3A_852 : vector<256x256xf32>
    %convert_element_type3A_854 = arith.truncf %sub3A_853 : vector<256x256xf32> to vector<256x256xbf16>
    %slice3A_855 = vector.extract_strided_slice %convert_element_type3A_583 {offsets = [0, 160], sizes = [256, 32], strides = [1, 1]} : vector<256x256xbf16> to vector<256x32xbf16>
    %dot_general3A_856 = arith.constant dense<0.000000e+00> : vector<256x32xf32>
    %dot_general3A_857 = tpu.matmul %convert_element_type3A_851, %slice3A_855, %dot_general3A_856 {dimension_numbers = #tpu.dot_dimension_numbers<[1], [0], [0], [1], [0, 0, 1, 1], [], []>, transpose_lhs_hint = false} : vector<256x256xbf16>, vector<256x32xbf16>, vector<256x32xf32> -> vector<256x32xf32>
    %slice3A_858 = vector.extract_strided_slice %convert_element_type3A_586 {offsets = [0, 160], sizes = [256, 32], strides = [1, 1]} : vector<256x256xbf16> to vector<256x32xbf16>
    %dot_general3A_859 = arith.constant dense<0.000000e+00> : vector<256x32xf32>
    %dot_general3A_860 = tpu.matmul %convert_element_type3A_851, %slice3A_858, %dot_general3A_859 {dimension_numbers = #tpu.dot_dimension_numbers<[1], [0], [0], [1], [0, 0, 1, 1], [], []>, transpose_lhs_hint = false} : vector<256x256xbf16>, vector<256x32xbf16>, vector<256x32xf32> -> vector<256x32xf32>
    %add3A_861 = arith.addf %dot_general3A_857, %dot_general3A_860 : vector<256x32xf32>
    %slice3A_862 = vector.extract_strided_slice %convert_element_type3A_583 {offsets = [0, 160], sizes = [256, 32], strides = [1, 1]} : vector<256x256xbf16> to vector<256x32xbf16>
    %dot_general3A_863 = arith.constant dense<0.000000e+00> : vector<256x32xf32>
    %dot_general3A_864 = tpu.matmul %convert_element_type3A_854, %slice3A_862, %dot_general3A_863 {dimension_numbers = #tpu.dot_dimension_numbers<[1], [0], [0], [1], [0, 0, 1, 1], [], []>, transpose_lhs_hint = false} : vector<256x256xbf16>, vector<256x32xbf16>, vector<256x32xf32> -> vector<256x32xf32>
    %add3A_865 = arith.addf %add3A_861, %dot_general3A_864 : vector<256x32xf32>
    %slice3A_866 = vector.extract_strided_slice %convert_element_type3A_575 {offsets = [0, 192], sizes = [256, 32], strides = [1, 1]} : vector<256x256xbf16> to vector<256x32xbf16>
    %slice3A_867 = vector.extract_strided_slice %convert_element_type3A_579 {offsets = [0, 192], sizes = [256, 32], strides = [1, 1]} : vector<256x256xbf16> to vector<256x32xbf16>
    %dot_general3A_868 = arith.constant dense<0.000000e+00> : vector<256x256xf32>
    %dot_general3A_869 = tpu.matmul %slice3A_866, %slice3A_867, %dot_general3A_868 {dimension_numbers = #tpu.dot_dimension_numbers<[1], [1], [0], [0], [0, 0, 1, 0], [], []>, transpose_lhs_hint = false} : vector<256x32xbf16>, vector<256x32xbf16>, vector<256x256xf32> -> vector<256x256xf32>
    %slice3A_870 = vector.extract_strided_slice %convert_element_type3A_575 {offsets = [0, 192], sizes = [256, 32], strides = [1, 1]} : vector<256x256xbf16> to vector<256x32xbf16>
    %slice3A_871 = vector.extract_strided_slice %convert_element_type3A_582 {offsets = [0, 192], sizes = [256, 32], strides = [1, 1]} : vector<256x256xbf16> to vector<256x32xbf16>
    %dot_general3A_872 = arith.constant dense<0.000000e+00> : vector<256x256xf32>
    %dot_general3A_873 = tpu.matmul %slice3A_870, %slice3A_871, %dot_general3A_872 {dimension_numbers = #tpu.dot_dimension_numbers<[1], [1], [0], [0], [0, 0, 1, 0], [], []>, transpose_lhs_hint = false} : vector<256x32xbf16>, vector<256x32xbf16>, vector<256x256xf32> -> vector<256x256xf32>
    %add3A_874 = arith.addf %dot_general3A_869, %dot_general3A_873 : vector<256x256xf32>
    %slice3A_875 = vector.extract_strided_slice %convert_element_type3A_578 {offsets = [0, 192], sizes = [256, 32], strides = [1, 1]} : vector<256x256xbf16> to vector<256x32xbf16>
    %slice3A_876 = vector.extract_strided_slice %convert_element_type3A_579 {offsets = [0, 192], sizes = [256, 32], strides = [1, 1]} : vector<256x256xbf16> to vector<256x32xbf16>
    %dot_general3A_877 = arith.constant dense<0.000000e+00> : vector<256x256xf32>
    %dot_general3A_878 = tpu.matmul %slice3A_875, %slice3A_876, %dot_general3A_877 {dimension_numbers = #tpu.dot_dimension_numbers<[1], [1], [0], [0], [0, 0, 1, 0], [], []>, transpose_lhs_hint = false} : vector<256x32xbf16>, vector<256x32xbf16>, vector<256x256xf32> -> vector<256x256xf32>
    %add3A_879 = arith.addf %add3A_874, %dot_general3A_878 : vector<256x256xf32>
    %mul3A_880 = arith.constant 0.176776692 : f32
    %mul3A_881 = vector.broadcast %mul3A_880 : f32 to vector<256x256xf32>
    %mul3A_882 = arith.mulf %add3A_879, %mul3A_881 : vector<256x256xf32>
    %add3A_883 = arith.addf %mul3A_882, %select_n3A_493 : vector<256x256xf32>
    %reduce_max3A_884 = arith.constant dense<0xFF800000> : vector<256xf32>
    %reduce_max3A_885 = vector.multi_reduction <maximumf>, %add3A_883, %reduce_max3A_884 [1] : vector<256x256xf32> to vector<256xf32>
    %max3A_886 = arith.constant 0xFF800000 : f32
    %max3A_887 = vector.broadcast %max3A_886 : f32 to vector<256xf32>
    %max3A_888 = arith.maximumf %max3A_887, %reduce_max3A_885 : vector<256xf32>
    %broadcast_in_dim3A_889 = vector.shape_cast %max3A_888 : vector<256xf32> to vector<256x1xf32>
    %sub3A_890 = vector.broadcast %broadcast_in_dim3A_889 : vector<256x1xf32> to vector<256x256xf32>
    %sub3A_891 = arith.subf %add3A_883, %sub3A_890 : vector<256x256xf32>
    %exp3A_892 = math.exp %sub3A_891 : vector<256x256xf32>
    %reduce_sum3A_893 = arith.constant dense<0.000000e+00> : vector<256xf32>
    %reduce_sum3A_894 = vector.multi_reduction <add>, %exp3A_892, %reduce_sum3A_893 [1] : vector<256x256xf32> to vector<256xf32>
    %broadcast_in_dim3A_895 = vector.shape_cast %reduce_sum3A_894 : vector<256xf32> to vector<256x1xf32>
    %div3A_896 = vector.broadcast %broadcast_in_dim3A_895 : vector<256x1xf32> to vector<256x256xf32>
    %div3A_897 = arith.divf %exp3A_892, %div3A_896 : vector<256x256xf32>
    %convert_element_type3A_898 = arith.truncf %div3A_897 : vector<256x256xf32> to vector<256x256xbf16>
    %convert_element_type3A_899 = arith.extf %convert_element_type3A_898 : vector<256x256xbf16> to vector<256x256xf32>
    %sub3A_900 = arith.subf %div3A_897, %convert_element_type3A_899 : vector<256x256xf32>
    %convert_element_type3A_901 = arith.truncf %sub3A_900 : vector<256x256xf32> to vector<256x256xbf16>
    %slice3A_902 = vector.extract_strided_slice %convert_element_type3A_583 {offsets = [0, 192], sizes = [256, 32], strides = [1, 1]} : vector<256x256xbf16> to vector<256x32xbf16>
    %dot_general3A_903 = arith.constant dense<0.000000e+00> : vector<256x32xf32>
    %dot_general3A_904 = tpu.matmul %convert_element_type3A_898, %slice3A_902, %dot_general3A_903 {dimension_numbers = #tpu.dot_dimension_numbers<[1], [0], [0], [1], [0, 0, 1, 1], [], []>, transpose_lhs_hint = false} : vector<256x256xbf16>, vector<256x32xbf16>, vector<256x32xf32> -> vector<256x32xf32>
    %slice3A_905 = vector.extract_strided_slice %convert_element_type3A_586 {offsets = [0, 192], sizes = [256, 32], strides = [1, 1]} : vector<256x256xbf16> to vector<256x32xbf16>
    %dot_general3A_906 = arith.constant dense<0.000000e+00> : vector<256x32xf32>
    %dot_general3A_907 = tpu.matmul %convert_element_type3A_898, %slice3A_905, %dot_general3A_906 {dimension_numbers = #tpu.dot_dimension_numbers<[1], [0], [0], [1], [0, 0, 1, 1], [], []>, transpose_lhs_hint = false} : vector<256x256xbf16>, vector<256x32xbf16>, vector<256x32xf32> -> vector<256x32xf32>
    %add3A_908 = arith.addf %dot_general3A_904, %dot_general3A_907 : vector<256x32xf32>
    %slice3A_909 = vector.extract_strided_slice %convert_element_type3A_583 {offsets = [0, 192], sizes = [256, 32], strides = [1, 1]} : vector<256x256xbf16> to vector<256x32xbf16>
    %dot_general3A_910 = arith.constant dense<0.000000e+00> : vector<256x32xf32>
    %dot_general3A_911 = tpu.matmul %convert_element_type3A_901, %slice3A_909, %dot_general3A_910 {dimension_numbers = #tpu.dot_dimension_numbers<[1], [0], [0], [1], [0, 0, 1, 1], [], []>, transpose_lhs_hint = false} : vector<256x256xbf16>, vector<256x32xbf16>, vector<256x32xf32> -> vector<256x32xf32>
    %add3A_912 = arith.addf %add3A_908, %dot_general3A_911 : vector<256x32xf32>
    %slice3A_913 = vector.extract_strided_slice %convert_element_type3A_575 {offsets = [0, 224], sizes = [256, 32], strides = [1, 1]} : vector<256x256xbf16> to vector<256x32xbf16>
    %slice3A_914 = vector.extract_strided_slice %convert_element_type3A_579 {offsets = [0, 224], sizes = [256, 32], strides = [1, 1]} : vector<256x256xbf16> to vector<256x32xbf16>
    %dot_general3A_915 = arith.constant dense<0.000000e+00> : vector<256x256xf32>
    %dot_general3A_916 = tpu.matmul %slice3A_913, %slice3A_914, %dot_general3A_915 {dimension_numbers = #tpu.dot_dimension_numbers<[1], [1], [0], [0], [0, 0, 1, 0], [], []>, transpose_lhs_hint = false} : vector<256x32xbf16>, vector<256x32xbf16>, vector<256x256xf32> -> vector<256x256xf32>
    %slice3A_917 = vector.extract_strided_slice %convert_element_type3A_575 {offsets = [0, 224], sizes = [256, 32], strides = [1, 1]} : vector<256x256xbf16> to vector<256x32xbf16>
    %slice3A_918 = vector.extract_strided_slice %convert_element_type3A_582 {offsets = [0, 224], sizes = [256, 32], strides = [1, 1]} : vector<256x256xbf16> to vector<256x32xbf16>
    %dot_general3A_919 = arith.constant dense<0.000000e+00> : vector<256x256xf32>
    %dot_general3A_920 = tpu.matmul %slice3A_917, %slice3A_918, %dot_general3A_919 {dimension_numbers = #tpu.dot_dimension_numbers<[1], [1], [0], [0], [0, 0, 1, 0], [], []>, transpose_lhs_hint = false} : vector<256x32xbf16>, vector<256x32xbf16>, vector<256x256xf32> -> vector<256x256xf32>
    %add3A_921 = arith.addf %dot_general3A_916, %dot_general3A_920 : vector<256x256xf32>
    %slice3A_922 = vector.extract_strided_slice %convert_element_type3A_578 {offsets = [0, 224], sizes = [256, 32], strides = [1, 1]} : vector<256x256xbf16> to vector<256x32xbf16>
    %slice3A_923 = vector.extract_strided_slice %convert_element_type3A_579 {offsets = [0, 224], sizes = [256, 32], strides = [1, 1]} : vector<256x256xbf16> to vector<256x32xbf16>
    %dot_general3A_924 = arith.constant dense<0.000000e+00> : vector<256x256xf32>
    %dot_general3A_925 = tpu.matmul %slice3A_922, %slice3A_923, %dot_general3A_924 {dimension_numbers = #tpu.dot_dimension_numbers<[1], [1], [0], [0], [0, 0, 1, 0], [], []>, transpose_lhs_hint = false} : vector<256x32xbf16>, vector<256x32xbf16>, vector<256x256xf32> -> vector<256x256xf32>
    %add3A_926 = arith.addf %add3A_921, %dot_general3A_925 : vector<256x256xf32>
    %mul3A_927 = arith.constant 0.176776692 : f32
    %mul3A_928 = vector.broadcast %mul3A_927 : f32 to vector<256x256xf32>
    %mul3A_929 = arith.mulf %add3A_926, %mul3A_928 : vector<256x256xf32>
    %add3A_930 = arith.addf %mul3A_929, %select_n3A_493 : vector<256x256xf32>
    %reduce_max3A_931 = arith.constant dense<0xFF800000> : vector<256xf32>
    %reduce_max3A_932 = vector.multi_reduction <maximumf>, %add3A_930, %reduce_max3A_931 [1] : vector<256x256xf32> to vector<256xf32>
    %max3A_933 = arith.constant 0xFF800000 : f32
    %max3A_934 = vector.broadcast %max3A_933 : f32 to vector<256xf32>
    %max3A_935 = arith.maximumf %max3A_934, %reduce_max3A_932 : vector<256xf32>
    %broadcast_in_dim3A_936 = vector.shape_cast %max3A_935 : vector<256xf32> to vector<256x1xf32>
    %sub3A_937 = vector.broadcast %broadcast_in_dim3A_936 : vector<256x1xf32> to vector<256x256xf32>
    %sub3A_938 = arith.subf %add3A_930, %sub3A_937 : vector<256x256xf32>
    %exp3A_939 = math.exp %sub3A_938 : vector<256x256xf32>
    %reduce_sum3A_940 = arith.constant dense<0.000000e+00> : vector<256xf32>
    %reduce_sum3A_941 = vector.multi_reduction <add>, %exp3A_939, %reduce_sum3A_940 [1] : vector<256x256xf32> to vector<256xf32>
    %broadcast_in_dim3A_942 = vector.shape_cast %reduce_sum3A_941 : vector<256xf32> to vector<256x1xf32>
    %div3A_943 = vector.broadcast %broadcast_in_dim3A_942 : vector<256x1xf32> to vector<256x256xf32>
    %div3A_944 = arith.divf %exp3A_939, %div3A_943 : vector<256x256xf32>
    %convert_element_type3A_945 = arith.truncf %div3A_944 : vector<256x256xf32> to vector<256x256xbf16>
    %convert_element_type3A_946 = arith.extf %convert_element_type3A_945 : vector<256x256xbf16> to vector<256x256xf32>
    %sub3A_947 = arith.subf %div3A_944, %convert_element_type3A_946 : vector<256x256xf32>
    %convert_element_type3A_948 = arith.truncf %sub3A_947 : vector<256x256xf32> to vector<256x256xbf16>
    %slice3A_949 = vector.extract_strided_slice %convert_element_type3A_583 {offsets = [0, 224], sizes = [256, 32], strides = [1, 1]} : vector<256x256xbf16> to vector<256x32xbf16>
    %dot_general3A_950 = arith.constant dense<0.000000e+00> : vector<256x32xf32>
    %dot_general3A_951 = tpu.matmul %convert_element_type3A_945, %slice3A_949, %dot_general3A_950 {dimension_numbers = #tpu.dot_dimension_numbers<[1], [0], [0], [1], [0, 0, 1, 1], [], []>, transpose_lhs_hint = false} : vector<256x256xbf16>, vector<256x32xbf16>, vector<256x32xf32> -> vector<256x32xf32>
    %slice3A_952 = vector.extract_strided_slice %convert_element_type3A_586 {offsets = [0, 224], sizes = [256, 32], strides = [1, 1]} : vector<256x256xbf16> to vector<256x32xbf16>
    %dot_general3A_953 = arith.constant dense<0.000000e+00> : vector<256x32xf32>
    %dot_general3A_954 = tpu.matmul %convert_element_type3A_945, %slice3A_952, %dot_general3A_953 {dimension_numbers = #tpu.dot_dimension_numbers<[1], [0], [0], [1], [0, 0, 1, 1], [], []>, transpose_lhs_hint = false} : vector<256x256xbf16>, vector<256x32xbf16>, vector<256x32xf32> -> vector<256x32xf32>
    %add3A_955 = arith.addf %dot_general3A_951, %dot_general3A_954 : vector<256x32xf32>
    %slice3A_956 = vector.extract_strided_slice %convert_element_type3A_583 {offsets = [0, 224], sizes = [256, 32], strides = [1, 1]} : vector<256x256xbf16> to vector<256x32xbf16>
    %dot_general3A_957 = arith.constant dense<0.000000e+00> : vector<256x32xf32>
    %dot_general3A_958 = tpu.matmul %convert_element_type3A_948, %slice3A_956, %dot_general3A_957 {dimension_numbers = #tpu.dot_dimension_numbers<[1], [0], [0], [1], [0, 0, 1, 1], [], []>, transpose_lhs_hint = false} : vector<256x256xbf16>, vector<256x32xbf16>, vector<256x32xf32> -> vector<256x32xf32>
    %add3A_959 = arith.addf %add3A_955, %dot_general3A_958 : vector<256x32xf32>
    %concatenate3A = tpu.concatenate %add3A_630, %add3A_677, %add3A_724, %add3A_771, %add3A_818, %add3A_865, %add3A_912, %add3A_959 in 1 : vector<256x32xf32>, vector<256x32xf32>, vector<256x32xf32>, vector<256x32xf32>, vector<256x32xf32>, vector<256x32xf32>, vector<256x32xf32>, vector<256x32xf32> -> vector<256x256xf32>
    %convert_element_type3A_960 = arith.truncf %concatenate3A : vector<256x256xf32> to vector<256x256xbf16>
    %convert_element_type3A_961 = arith.extf %convert_element_type3A_960 : vector<256x256xbf16> to vector<256x256xf32>
    %sub3A_962 = arith.subf %concatenate3A, %convert_element_type3A_961 : vector<256x256xf32>
    %convert_element_type3A_963 = arith.truncf %sub3A_962 : vector<256x256xf32> to vector<256x256xbf16>
    %get3A_964 = arith.constant 0 : index
    %get3A_965 = arith.constant 0 : index
    %get3A_966 = arith.constant 0 : index
    %get3A_967 = arith.constant 0 : index
    %get3A_968 = vector.load %arg26[%get3A_964, %get3A_965, %get3A_966, %get3A_967] : memref<2x4x256x256xbf16, #tpu.memory_space<vmem>>, vector<1x1x256x256xbf16>
    %get3A_969 = vector.shape_cast %get3A_968 : vector<1x1x256x256xbf16> to vector<256x256xbf16>
    %get3A_970 = arith.constant 1 : index
    %get3A_971 = arith.constant 0 : index
    %get3A_972 = arith.constant 0 : index
    %get3A_973 = arith.constant 0 : index
    %get3A_974 = vector.load %arg26[%get3A_970, %get3A_971, %get3A_972, %get3A_973] : memref<2x4x256x256xbf16, #tpu.memory_space<vmem>>, vector<1x1x256x256xbf16>
    %get3A_975 = vector.shape_cast %get3A_974 : vector<1x1x256x256xbf16> to vector<256x256xbf16>
    %dot_general3A_976 = arith.constant dense<0.000000e+00> : vector<256x256xf32>
    %dot_general3A_977 = tpu.matmul %convert_element_type3A_960, %get3A_969, %dot_general3A_976 {dimension_numbers = #tpu.dot_dimension_numbers<[1], [0], [0], [1], [0, 0, 1, 1], [], []>, transpose_lhs_hint = false} : vector<256x256xbf16>, vector<256x256xbf16>, vector<256x256xf32> -> vector<256x256xf32>
    %dot_general3A_978 = arith.constant dense<0.000000e+00> : vector<256x256xf32>
    %dot_general3A_979 = tpu.matmul %convert_element_type3A_960, %get3A_975, %dot_general3A_978 {dimension_numbers = #tpu.dot_dimension_numbers<[1], [0], [0], [1], [0, 0, 1, 1], [], []>, transpose_lhs_hint = false} : vector<256x256xbf16>, vector<256x256xbf16>, vector<256x256xf32> -> vector<256x256xf32>
    %add3A_980 = arith.addf %dot_general3A_977, %dot_general3A_979 : vector<256x256xf32>
    %dot_general3A_981 = arith.constant dense<0.000000e+00> : vector<256x256xf32>
    %dot_general3A_982 = tpu.matmul %convert_element_type3A_963, %get3A_969, %dot_general3A_981 {dimension_numbers = #tpu.dot_dimension_numbers<[1], [0], [0], [1], [0, 0, 1, 1], [], []>, transpose_lhs_hint = false} : vector<256x256xbf16>, vector<256x256xbf16>, vector<256x256xf32> -> vector<256x256xf32>
    %add3A_983 = arith.addf %add3A_980, %dot_general3A_982 : vector<256x256xf32>
    %get3A_984 = arith.constant 0 : index
    %get3A_985 = arith.constant 0 : index
    %get3A_986 = arith.constant 0 : index
    %get3A_987 = vector.load %arg27[%get3A_984, %get3A_985, %get3A_986] : memref<4x1x256xf32, #tpu.memory_space<vmem>>, vector<1x1x256xf32>
    %get3A_988 = vector.shape_cast %get3A_987 : vector<1x1x256xf32> to vector<1x256xf32>
    %add3A_989 = vector.broadcast %get3A_988 : vector<1x256xf32> to vector<256x256xf32>
    %add3A_990 = arith.addf %add3A_983, %add3A_989 : vector<256x256xf32>
    %mul3A_991 = vector.broadcast %logistic3A_476 : vector<256x1xf32> to vector<256x256xf32>
    %mul3A_992 = arith.mulf %add3A_990, %mul3A_991 : vector<256x256xf32>
    %add3A_993 = arith.addf %add3A_384, %add3A_156 : vector<256x256xf32>
    %mul3A_994 = vector.broadcast %broadcast_in_dim3A_442 : vector<256x1xf32> to vector<256x256xf32>
    %mul3A_995 = arith.mulf %mul3A_994, %mul3A_992 : vector<256x256xf32>
    %add3A_996 = arith.addf %add3A_993, %mul3A_995 : vector<256x256xf32>
    %reduce_sum3A_997 = arith.constant dense<0.000000e+00> : vector<256xf32>
    %reduce_sum3A_998 = vector.multi_reduction <add>, %add3A_996, %reduce_sum3A_997 [1] : vector<256x256xf32> to vector<256xf32>
    %broadcast_in_dim3A_999 = vector.shape_cast %reduce_sum3A_998 : vector<256xf32> to vector<256x1xf32>
    %div3A_1000 = arith.constant 2.560000e+02 : f32
    %div3A_1001 = vector.broadcast %div3A_1000 : f32 to vector<256x1xf32>
    %div3A_1002 = arith.divf %broadcast_in_dim3A_999, %div3A_1001 : vector<256x1xf32>
    %sub3A_1003 = vector.broadcast %div3A_1002 : vector<256x1xf32> to vector<256x256xf32>
    %sub3A_1004 = arith.subf %add3A_996, %sub3A_1003 : vector<256x256xf32>
    %mul3A_1005 = arith.mulf %sub3A_1004, %sub3A_1004 : vector<256x256xf32>
    %reduce_sum3A_1006 = arith.constant dense<0.000000e+00> : vector<256xf32>
    %reduce_sum3A_1007 = vector.multi_reduction <add>, %mul3A_1005, %reduce_sum3A_1006 [1] : vector<256x256xf32> to vector<256xf32>
    %broadcast_in_dim3A_1008 = vector.shape_cast %reduce_sum3A_1007 : vector<256xf32> to vector<256x1xf32>
    %div3A_1009 = arith.constant 2.560000e+02 : f32
    %div3A_1010 = vector.broadcast %div3A_1009 : f32 to vector<256x1xf32>
    %div3A_1011 = arith.divf %broadcast_in_dim3A_1008, %div3A_1010 : vector<256x1xf32>
    %add3A_1012 = arith.constant 9.99999974E-6 : f32
    %add3A_1013 = vector.broadcast %add3A_1012 : f32 to vector<256x1xf32>
    %add3A_1014 = arith.addf %div3A_1011, %add3A_1013 : vector<256x1xf32>
    %sqrt3A = math.sqrt %add3A_1014 : vector<256x1xf32>
    %div3A_1015 = vector.broadcast %sqrt3A : vector<256x1xf32> to vector<256x256xf32>
    %div3A_1016 = arith.divf %sub3A_1004, %div3A_1015 : vector<256x256xf32>
    %convert_element_type3A_1017 = arith.truncf %div3A_1016 : vector<256x256xf32> to vector<256x256xbf16>
    %convert_element_type3A_1018 = arith.extf %convert_element_type3A_1017 : vector<256x256xbf16> to vector<256x256xf32>
    %sub3A_1019 = arith.subf %div3A_1016, %convert_element_type3A_1018 : vector<256x256xf32>
    %convert_element_type3A_1020 = arith.truncf %sub3A_1019 : vector<256x256xf32> to vector<256x256xbf16>
    %dot_general3A_1021 = arith.constant dense<0.000000e+00> : vector<256x256xf32>
    %dot_general3A_1022 = tpu.matmul %convert_element_type3A_300, %convert_element_type3A_1017, %dot_general3A_1021 {dimension_numbers = #tpu.dot_dimension_numbers<[1], [0], [0], [1], [0, 0, 1, 1], [], []>, transpose_lhs_hint = false} : vector<256x256xbf16>, vector<256x256xbf16>, vector<256x256xf32> -> vector<256x256xf32>
    %dot_general3A_1023 = arith.constant dense<0.000000e+00> : vector<256x256xf32>
    %dot_general3A_1024 = tpu.matmul %convert_element_type3A_300, %convert_element_type3A_1020, %dot_general3A_1023 {dimension_numbers = #tpu.dot_dimension_numbers<[1], [0], [0], [1], [0, 0, 1, 1], [], []>, transpose_lhs_hint = false} : vector<256x256xbf16>, vector<256x256xbf16>, vector<256x256xf32> -> vector<256x256xf32>
    %add3A_1025 = arith.addf %dot_general3A_1022, %dot_general3A_1024 : vector<256x256xf32>
    %dot_general3A_1026 = arith.constant dense<0.000000e+00> : vector<256x256xf32>
    %dot_general3A_1027 = tpu.matmul %convert_element_type3A_303, %convert_element_type3A_1017, %dot_general3A_1026 {dimension_numbers = #tpu.dot_dimension_numbers<[1], [0], [0], [1], [0, 0, 1, 1], [], []>, transpose_lhs_hint = false} : vector<256x256xbf16>, vector<256x256xbf16>, vector<256x256xf32> -> vector<256x256xf32>
    %add3A_1028 = arith.addf %add3A_1025, %dot_general3A_1027 : vector<256x256xf32>
    %get3A_1029 = arith.constant 0 : index
    %get3A_1030 = arith.constant 1 : index
    %get3A_1031 = vector.load %arg18[%get3A_1029, %get3A_1030] : memref<1x4xf32, #tpu.memory_space<vmem>>, vector<1x1xf32>
    %mul3A_1032 = vector.broadcast %get3A_1031 : vector<1x1xf32> to vector<256x256xf32>
    %mul3A_1033 = arith.mulf %mul3A_1032, %div3A_1016 : vector<256x256xf32>
    %add3A_1034 = arith.addf %div3A_1016, %mul3A_1033 : vector<256x256xf32>
    %add3A_1035 = arith.addf %add3A_1034, %add3A_1028 : vector<256x256xf32>
    %convert_element_type3A_1036 = arith.truncf %add3A_1035 : vector<256x256xf32> to vector<256x256xbf16>
    %convert_element_type3A_1037 = arith.extf %convert_element_type3A_1036 : vector<256x256xbf16> to vector<256x256xf32>
    %sub3A_1038 = arith.subf %add3A_1035, %convert_element_type3A_1037 : vector<256x256xf32>
    %convert_element_type3A_1039 = arith.truncf %sub3A_1038 : vector<256x256xf32> to vector<256x256xbf16>
    %get3A_1040 = arith.constant 0 : index
    %get3A_1041 = arith.constant 1 : index
    %get3A_1042 = arith.constant 0 : index
    %get3A_1043 = arith.constant 0 : index
    %get3A_1044 = vector.load %arg14[%get3A_1040, %get3A_1041, %get3A_1042, %get3A_1043] : memref<2x4x256x256xbf16, #tpu.memory_space<vmem>>, vector<1x1x256x256xbf16>
    %get3A_1045 = vector.shape_cast %get3A_1044 : vector<1x1x256x256xbf16> to vector<256x256xbf16>
    %get3A_1046 = arith.constant 1 : index
    %get3A_1047 = arith.constant 1 : index
    %get3A_1048 = arith.constant 0 : index
    %get3A_1049 = arith.constant 0 : index
    %get3A_1050 = vector.load %arg14[%get3A_1046, %get3A_1047, %get3A_1048, %get3A_1049] : memref<2x4x256x256xbf16, #tpu.memory_space<vmem>>, vector<1x1x256x256xbf16>
    %get3A_1051 = vector.shape_cast %get3A_1050 : vector<1x1x256x256xbf16> to vector<256x256xbf16>
    %dot_general3A_1052 = arith.constant dense<0.000000e+00> : vector<256x256xf32>
    %dot_general3A_1053 = tpu.matmul %convert_element_type3A_1036, %get3A_1045, %dot_general3A_1052 {dimension_numbers = #tpu.dot_dimension_numbers<[1], [0], [0], [1], [0, 0, 1, 1], [], []>, transpose_lhs_hint = false} : vector<256x256xbf16>, vector<256x256xbf16>, vector<256x256xf32> -> vector<256x256xf32>
    %dot_general3A_1054 = arith.constant dense<0.000000e+00> : vector<256x256xf32>
    %dot_general3A_1055 = tpu.matmul %convert_element_type3A_1036, %get3A_1051, %dot_general3A_1054 {dimension_numbers = #tpu.dot_dimension_numbers<[1], [0], [0], [1], [0, 0, 1, 1], [], []>, transpose_lhs_hint = false} : vector<256x256xbf16>, vector<256x256xbf16>, vector<256x256xf32> -> vector<256x256xf32>
    %add3A_1056 = arith.addf %dot_general3A_1053, %dot_general3A_1055 : vector<256x256xf32>
    %dot_general3A_1057 = arith.constant dense<0.000000e+00> : vector<256x256xf32>
    %dot_general3A_1058 = tpu.matmul %convert_element_type3A_1039, %get3A_1045, %dot_general3A_1057 {dimension_numbers = #tpu.dot_dimension_numbers<[1], [0], [0], [1], [0, 0, 1, 1], [], []>, transpose_lhs_hint = false} : vector<256x256xbf16>, vector<256x256xbf16>, vector<256x256xf32> -> vector<256x256xf32>
    %add3A_1059 = arith.addf %add3A_1056, %dot_general3A_1058 : vector<256x256xf32>
    %get3A_1060 = arith.constant 1 : index
    %get3A_1061 = arith.constant 0 : index
    %get3A_1062 = arith.constant 0 : index
    %get3A_1063 = vector.load %arg15[%get3A_1060, %get3A_1061, %get3A_1062] : memref<4x1x256xf32, #tpu.memory_space<vmem>>, vector<1x1x256xf32>
    %get3A_1064 = vector.shape_cast %get3A_1063 : vector<1x1x256xf32> to vector<1x256xf32>
    %add3A_1065 = vector.broadcast %get3A_1064 : vector<1x256xf32> to vector<256x256xf32>
    %add3A_1066 = arith.addf %add3A_1059, %add3A_1065 : vector<256x256xf32>
    %max3A_1067 = arith.constant 0.000000e+00 : f32
    %max3A_1068 = vector.broadcast %max3A_1067 : f32 to vector<256x256xf32>
    %max3A_1069 = arith.maximumf %add3A_1066, %max3A_1068 : vector<256x256xf32>
    %convert_element_type3A_1070 = arith.truncf %max3A_1069 : vector<256x256xf32> to vector<256x256xbf16>
    %convert_element_type3A_1071 = arith.extf %convert_element_type3A_1070 : vector<256x256xbf16> to vector<256x256xf32>
    %sub3A_1072 = arith.subf %max3A_1069, %convert_element_type3A_1071 : vector<256x256xf32>
    %convert_element_type3A_1073 = arith.truncf %sub3A_1072 : vector<256x256xf32> to vector<256x256xbf16>
    %get3A_1074 = arith.constant 0 : index
    %get3A_1075 = arith.constant 1 : index
    %get3A_1076 = arith.constant 0 : index
    %get3A_1077 = arith.constant 0 : index
    %get3A_1078 = vector.load %arg16[%get3A_1074, %get3A_1075, %get3A_1076, %get3A_1077] : memref<2x4x256x256xbf16, #tpu.memory_space<vmem>>, vector<1x1x256x256xbf16>
    %get3A_1079 = vector.shape_cast %get3A_1078 : vector<1x1x256x256xbf16> to vector<256x256xbf16>
    %get3A_1080 = arith.constant 1 : index
    %get3A_1081 = arith.constant 1 : index
    %get3A_1082 = arith.constant 0 : index
    %get3A_1083 = arith.constant 0 : index
    %get3A_1084 = vector.load %arg16[%get3A_1080, %get3A_1081, %get3A_1082, %get3A_1083] : memref<2x4x256x256xbf16, #tpu.memory_space<vmem>>, vector<1x1x256x256xbf16>
    %get3A_1085 = vector.shape_cast %get3A_1084 : vector<1x1x256x256xbf16> to vector<256x256xbf16>
    %dot_general3A_1086 = arith.constant dense<0.000000e+00> : vector<256x256xf32>
    %dot_general3A_1087 = tpu.matmul %convert_element_type3A_1070, %get3A_1079, %dot_general3A_1086 {dimension_numbers = #tpu.dot_dimension_numbers<[1], [0], [0], [1], [0, 0, 1, 1], [], []>, transpose_lhs_hint = false} : vector<256x256xbf16>, vector<256x256xbf16>, vector<256x256xf32> -> vector<256x256xf32>
    %dot_general3A_1088 = arith.constant dense<0.000000e+00> : vector<256x256xf32>
    %dot_general3A_1089 = tpu.matmul %convert_element_type3A_1070, %get3A_1085, %dot_general3A_1088 {dimension_numbers = #tpu.dot_dimension_numbers<[1], [0], [0], [1], [0, 0, 1, 1], [], []>, transpose_lhs_hint = false} : vector<256x256xbf16>, vector<256x256xbf16>, vector<256x256xf32> -> vector<256x256xf32>
    %add3A_1090 = arith.addf %dot_general3A_1087, %dot_general3A_1089 : vector<256x256xf32>
    %dot_general3A_1091 = arith.constant dense<0.000000e+00> : vector<256x256xf32>
    %dot_general3A_1092 = tpu.matmul %convert_element_type3A_1073, %get3A_1079, %dot_general3A_1091 {dimension_numbers = #tpu.dot_dimension_numbers<[1], [0], [0], [1], [0, 0, 1, 1], [], []>, transpose_lhs_hint = false} : vector<256x256xbf16>, vector<256x256xbf16>, vector<256x256xf32> -> vector<256x256xf32>
    %add3A_1093 = arith.addf %add3A_1090, %dot_general3A_1092 : vector<256x256xf32>
    %add3A_1094 = arith.addf %div3A_1016, %add3A_1093 : vector<256x256xf32>
    %get3A_1095 = arith.constant 1 : index
    %get3A_1096 = arith.constant 0 : index
    %get3A_1097 = arith.constant 0 : index
    %get3A_1098 = vector.load %arg17[%get3A_1095, %get3A_1096, %get3A_1097] : memref<4x1x256xf32, #tpu.memory_space<vmem>>, vector<1x1x256xf32>
    %get3A_1099 = vector.shape_cast %get3A_1098 : vector<1x1x256xf32> to vector<1x256xf32>
    %add3A_1100 = vector.broadcast %get3A_1099 : vector<1x256xf32> to vector<256x256xf32>
    %add3A_1101 = arith.addf %add3A_1094, %add3A_1100 : vector<256x256xf32>
    %get3A_1102 = arith.constant 1 : index
    %get3A_1103 = arith.constant 0 : index
    %get3A_1104 = arith.constant 0 : index
    %get3A_1105 = vector.load %arg19[%get3A_1102, %get3A_1103, %get3A_1104] : memref<4x1x256xf32, #tpu.memory_space<vmem>>, vector<1x1x256xf32>
    %get3A_1106 = vector.shape_cast %get3A_1105 : vector<1x1x256xf32> to vector<1x256xf32>
    %mul3A_1107 = vector.broadcast %get3A_1106 : vector<1x256xf32> to vector<256x256xf32>
    %mul3A_1108 = arith.mulf %div3A_1016, %mul3A_1107 : vector<256x256xf32>
    %reduce_sum3A_1109 = arith.constant dense<0.000000e+00> : vector<256xf32>
    %reduce_sum3A_1110 = vector.multi_reduction <add>, %mul3A_1108, %reduce_sum3A_1109 [1] : vector<256x256xf32> to vector<256xf32>
    %broadcast_in_dim3A_1111 = vector.shape_cast %reduce_sum3A_1110 : vector<256xf32> to vector<256x1xf32>
    %mul3A_1112 = vector.broadcast %broadcast_in_dim3A_1111 : vector<256x1xf32> to vector<256x256xf32>
    %mul3A_1113 = arith.mulf %convert_element_type3A_100, %mul3A_1112 : vector<256x256xf32>
    %convert_element_type3A_1114 = arith.truncf %mul3A_1113 : vector<256x256xf32> to vector<256x256xbf16>
    %convert_element_type3A_1115 = arith.extf %convert_element_type3A_1114 : vector<256x256xbf16> to vector<256x256xf32>
    %sub3A_1116 = arith.subf %mul3A_1113, %convert_element_type3A_1115 : vector<256x256xf32>
    %convert_element_type3A_1117 = arith.truncf %sub3A_1116 : vector<256x256xf32> to vector<256x256xbf16>
    %convert_element_type3A_1118 = arith.extf %convert_element_type3A_1117 : vector<256x256xbf16> to vector<256x256xf32>
    %sub3A_1119 = arith.subf %sub3A_1116, %convert_element_type3A_1118 : vector<256x256xf32>
    %convert_element_type3A_1120 = arith.truncf %sub3A_1119 : vector<256x256xf32> to vector<256x256xbf16>
    %dot_general3A_1121 = arith.constant dense<0.000000e+00> : vector<256x256xf32>
    %dot_general3A_1122 = tpu.matmul %convert_element_type3A_97, %convert_element_type3A_1114, %dot_general3A_1121 {dimension_numbers = #tpu.dot_dimension_numbers<[1], [0], [0], [1], [0, 0, 1, 1], [], []>, transpose_lhs_hint = false} : vector<256x256xbf16>, vector<256x256xbf16>, vector<256x256xf32> -> vector<256x256xf32>
    %dot_general3A_1123 = arith.constant dense<0.000000e+00> : vector<256x256xf32>
    %dot_general3A_1124 = tpu.matmul %convert_element_type3A_97, %convert_element_type3A_1117, %dot_general3A_1123 {dimension_numbers = #tpu.dot_dimension_numbers<[1], [0], [0], [1], [0, 0, 1, 1], [], []>, transpose_lhs_hint = false} : vector<256x256xbf16>, vector<256x256xbf16>, vector<256x256xf32> -> vector<256x256xf32>
    %add3A_1125 = arith.addf %dot_general3A_1122, %dot_general3A_1124 : vector<256x256xf32>
    %dot_general3A_1126 = arith.constant dense<0.000000e+00> : vector<256x256xf32>
    %dot_general3A_1127 = tpu.matmul %convert_element_type3A_97, %convert_element_type3A_1120, %dot_general3A_1126 {dimension_numbers = #tpu.dot_dimension_numbers<[1], [0], [0], [1], [0, 0, 1, 1], [], []>, transpose_lhs_hint = false} : vector<256x256xbf16>, vector<256x256xbf16>, vector<256x256xf32> -> vector<256x256xf32>
    %add3A_1128 = arith.addf %add3A_1125, %dot_general3A_1127 : vector<256x256xf32>
    %lt3A_1129 = vector.broadcast %broadcast_in_dim3A_1111 : vector<256x1xf32> to vector<256x256xf32>
    %lt3A_1130 = arith.cmpf olt, %add3A_1128, %lt3A_1129 : vector<256x256xf32>
    %eq3A_1131 = vector.broadcast %broadcast_in_dim3A_1111 : vector<256x1xf32> to vector<256x256xf32>
    %eq3A_1132 = arith.cmpf oeq, %add3A_1128, %eq3A_1131 : vector<256x256xf32>
    %lt3A_1133 = arith.cmpi slt, %iota3A_0, %iota3A : vector<256x256xi32>
    %and3A_1134 = arith.andi %eq3A_1132, %lt3A_1133 : vector<256x256xi1>
    %or3A_1135 = arith.ori %lt3A_1130, %and3A_1134 : vector<256x256xi1>
    %and3A_1136 = arith.andi %eq3A, %or3A_1135 : vector<256x256xi1>
    %convert_element_type3A_1137 = arith.extui %and3A_1136 : vector<256x256xi1> to vector<256x256xi32>
    %convert_element_type3A_1138 = arith.sitofp %convert_element_type3A_1137 : vector<256x256xi32> to vector<256x256xf32>
    %reduce_sum3A_1139 = arith.constant dense<0.000000e+00> : vector<256xf32>
    %reduce_sum3A_1140 = vector.multi_reduction <add>, %convert_element_type3A_1138, %reduce_sum3A_1139 [1] : vector<256x256xf32> to vector<256xf32>
    %broadcast_in_dim3A_1141 = vector.shape_cast %reduce_sum3A_1140 : vector<256xf32> to vector<256x1xf32>
    %eq3A_1142 = arith.constant 1 : i32
    %eq3A_1143 = vector.broadcast %eq3A_1142 : i32 to vector<1x128xi32>
    %eq3A_1144 = arith.cmpi eq, %iota3A_96, %eq3A_1143 : vector<1x128xi32>
    %convert_element_type3A_1145 = arith.extui %eq3A_1144 : vector<1x128xi1> to vector<1x128xi32>
    %convert_element_type3A_1146 = arith.sitofp %convert_element_type3A_1145 : vector<1x128xi32> to vector<1x128xf32>
    %mul3A_1147 = vector.broadcast %convert_element_type3A_1146 : vector<1x128xf32> to vector<256x128xf32>
    %mul3A_1148 = arith.mulf %add3A_234, %mul3A_1147 : vector<256x128xf32>
    %reduce_sum3A_1149 = arith.constant dense<0.000000e+00> : vector<256xf32>
    %reduce_sum3A_1150 = vector.multi_reduction <add>, %mul3A_1148, %reduce_sum3A_1149 [1] : vector<256x128xf32> to vector<256xf32>
    %broadcast_in_dim3A_1151 = vector.shape_cast %reduce_sum3A_1150 : vector<256xf32> to vector<256x1xf32>
    %eq3A_1152 = arith.constant 5 : i32
    %eq3A_1153 = vector.broadcast %eq3A_1152 : i32 to vector<1x128xi32>
    %eq3A_1154 = arith.cmpi eq, %iota3A_96, %eq3A_1153 : vector<1x128xi32>
    %convert_element_type3A_1155 = arith.extui %eq3A_1154 : vector<1x128xi1> to vector<1x128xi32>
    %convert_element_type3A_1156 = arith.sitofp %convert_element_type3A_1155 : vector<1x128xi32> to vector<1x128xf32>
    %mul3A_1157 = vector.broadcast %convert_element_type3A_1156 : vector<1x128xf32> to vector<256x128xf32>
    %mul3A_1158 = arith.mulf %logistic3A_240, %mul3A_1157 : vector<256x128xf32>
    %reduce_sum3A_1159 = arith.constant dense<0.000000e+00> : vector<256xf32>
    %reduce_sum3A_1160 = vector.multi_reduction <add>, %mul3A_1158, %reduce_sum3A_1159 [1] : vector<256x128xf32> to vector<256xf32>
    %broadcast_in_dim3A_1161 = vector.shape_cast %reduce_sum3A_1160 : vector<256xf32> to vector<256x1xf32>
    %sub3A_1162 = arith.constant 1.000000e+00 : f32
    %sub3A_1163 = vector.broadcast %sub3A_1162 : f32 to vector<256x1xf32>
    %sub3A_1164 = arith.subf %sub3A_1163, %broadcast_in_dim3A_1151 : vector<256x1xf32>
    %mul3A_1165 = arith.constant 3.100000e+01 : f32
    %mul3A_1166 = vector.broadcast %mul3A_1165 : f32 to vector<256x1xf32>
    %mul3A_1167 = arith.mulf %sub3A_1164, %mul3A_1166 : vector<256x1xf32>
    %floor3A_1168 = math.floor %mul3A_1167 : vector<256x1xf32>
    %jit3A_1169 = arith.constant 0.000000e+00 : f32
    %jit3A_1170 = arith.constant 3.100000e+01 : f32
    %max3A_1171 = vector.broadcast %jit3A_1169 : f32 to vector<256x1xf32>
    %max3A_1172 = arith.maximumf %max3A_1171, %floor3A_1168 : vector<256x1xf32>
    %min3A_1173 = vector.broadcast %jit3A_1170 : f32 to vector<256x1xf32>
    %min3A_1174 = arith.minimumf %min3A_1173, %max3A_1172 : vector<256x1xf32>
    %sub3A_1175 = arith.subf %broadcast_in_dim3A_1141, %min3A_1174 : vector<256x1xf32>
    %mul3A_1176 = vector.broadcast %sub3A_1175 : vector<256x1xf32> to vector<256x256xf32>
    %mul3A_1177 = arith.mulf %convert_element_type3A_100, %mul3A_1176 : vector<256x256xf32>
    %convert_element_type3A_1178 = arith.truncf %mul3A_1177 : vector<256x256xf32> to vector<256x256xbf16>
    %dot_general3A_1179 = arith.constant dense<0.000000e+00> : vector<256x256xf32>
    %dot_general3A_1180 = tpu.matmul %convert_element_type3A_97, %convert_element_type3A_1178, %dot_general3A_1179 {dimension_numbers = #tpu.dot_dimension_numbers<[1], [0], [0], [1], [0, 0, 1, 1], [], []>, transpose_lhs_hint = false} : vector<256x256xbf16>, vector<256x256xbf16>, vector<256x256xf32> -> vector<256x256xf32>
    %eq3A_1181 = arith.constant 0.000000e+00 : f32
    %eq3A_1182 = vector.broadcast %eq3A_1181 : f32 to vector<256x256xf32>
    %eq3A_1183 = arith.cmpf oeq, %dot_general3A_1180, %eq3A_1182 : vector<256x256xf32>
    %convert_element_type3A_1184 = arith.extui %eq3A_1183 : vector<256x256xi1> to vector<256x256xi32>
    %convert_element_type3A_1185 = arith.sitofp %convert_element_type3A_1184 : vector<256x256xi32> to vector<256x256xf32>
    %mul3A_1186 = arith.mulf %convert_element_type3A_55, %add3A_1128 : vector<256x256xf32>
    %mul3A_1187 = arith.mulf %mul3A_1186, %convert_element_type3A_1185 : vector<256x256xf32>
    %reduce_sum3A_1188 = arith.constant dense<0.000000e+00> : vector<256xf32>
    %reduce_sum3A_1189 = vector.multi_reduction <add>, %mul3A_1187, %reduce_sum3A_1188 [1] : vector<256x256xf32> to vector<256xf32>
    %broadcast_in_dim3A_1190 = vector.shape_cast %reduce_sum3A_1189 : vector<256xf32> to vector<256x1xf32>
    %sub3A_1191 = arith.subf %broadcast_in_dim3A_1111, %broadcast_in_dim3A_1190 : vector<256x1xf32>
    %logistic3A_1192 = arith.negf %sub3A_1191 : vector<256x1xf32>
    %logistic3A_1193 = math.exp %logistic3A_1192 : vector<256x1xf32>
    %logistic3A_1194 = arith.constant 1.000000e+00 : f32
    %logistic3A_1195 = vector.broadcast %logistic3A_1194 : f32 to vector<256x1xf32>
    %logistic3A_1196 = arith.addf %logistic3A_1195, %logistic3A_1193 : vector<256x1xf32>
    %logistic3A_1197 = arith.divf %logistic3A_1195, %logistic3A_1196 : vector<256x1xf32>
    %add3A_1198 = arith.constant 9.99999997E-7 : f32
    %add3A_1199 = vector.broadcast %add3A_1198 : f32 to vector<256x1xf32>
    %add3A_1200 = arith.addf %logistic3A_1197, %add3A_1199 : vector<256x1xf32>
    %log3A_1201 = math.log %add3A_1200 : vector<256x1xf32>
    %mul3A_1202 = vector.broadcast %log3A_1201 : vector<256x1xf32> to vector<256x256xf32>
    %mul3A_1203 = arith.mulf %convert_element_type3A_100, %mul3A_1202 : vector<256x256xf32>
    %convert_element_type3A_1204 = arith.truncf %mul3A_1203 : vector<256x256xf32> to vector<256x256xbf16>
    %convert_element_type3A_1205 = arith.extf %convert_element_type3A_1204 : vector<256x256xbf16> to vector<256x256xf32>
    %sub3A_1206 = arith.subf %mul3A_1203, %convert_element_type3A_1205 : vector<256x256xf32>
    %convert_element_type3A_1207 = arith.truncf %sub3A_1206 : vector<256x256xf32> to vector<256x256xbf16>
    %dot_general3A_1208 = arith.constant dense<0.000000e+00> : vector<256x256xf32>
    %dot_general3A_1209 = tpu.matmul %convert_element_type3A_97, %convert_element_type3A_1204, %dot_general3A_1208 {dimension_numbers = #tpu.dot_dimension_numbers<[1], [0], [0], [1], [0, 0, 1, 1], [], []>, transpose_lhs_hint = false} : vector<256x256xbf16>, vector<256x256xbf16>, vector<256x256xf32> -> vector<256x256xf32>
    %dot_general3A_1210 = arith.constant dense<0.000000e+00> : vector<256x256xf32>
    %dot_general3A_1211 = tpu.matmul %convert_element_type3A_97, %convert_element_type3A_1207, %dot_general3A_1210 {dimension_numbers = #tpu.dot_dimension_numbers<[1], [0], [0], [1], [0, 0, 1, 1], [], []>, transpose_lhs_hint = false} : vector<256x256xbf16>, vector<256x256xbf16>, vector<256x256xf32> -> vector<256x256xf32>
    %add3A_1212 = arith.addf %dot_general3A_1209, %dot_general3A_1211 : vector<256x256xf32>
    %jit3A_1213 = arith.constant -1.000000e+30 : f32
    %broadcast_in_dim3A_1214 = vector.broadcast %jit3A_1213 : f32 to vector<256x256xf32>
    %select_n3A_1215 = arith.select %eq3A, %add3A_1212, %broadcast_in_dim3A_1214 : vector<256x256xi1>, vector<256x256xf32>
    %get3A_1216 = arith.constant 0 : index
    %get3A_1217 = arith.constant 1 : index
    %get3A_1218 = arith.constant 0 : index
    %get3A_1219 = arith.constant 0 : index
    %get3A_1220 = vector.load %arg20[%get3A_1216, %get3A_1217, %get3A_1218, %get3A_1219] : memref<2x4x256x256xbf16, #tpu.memory_space<vmem>>, vector<1x1x256x256xbf16>
    %get3A_1221 = vector.shape_cast %get3A_1220 : vector<1x1x256x256xbf16> to vector<256x256xbf16>
    %get3A_1222 = arith.constant 1 : index
    %get3A_1223 = arith.constant 1 : index
    %get3A_1224 = arith.constant 0 : index
    %get3A_1225 = arith.constant 0 : index
    %get3A_1226 = vector.load %arg20[%get3A_1222, %get3A_1223, %get3A_1224, %get3A_1225] : memref<2x4x256x256xbf16, #tpu.memory_space<vmem>>, vector<1x1x256x256xbf16>
    %get3A_1227 = vector.shape_cast %get3A_1226 : vector<1x1x256x256xbf16> to vector<256x256xbf16>
    %dot_general3A_1228 = arith.constant dense<0.000000e+00> : vector<256x256xf32>
    %dot_general3A_1229 = tpu.matmul %convert_element_type3A_1017, %get3A_1221, %dot_general3A_1228 {dimension_numbers = #tpu.dot_dimension_numbers<[1], [0], [0], [1], [0, 0, 1, 1], [], []>, transpose_lhs_hint = false} : vector<256x256xbf16>, vector<256x256xbf16>, vector<256x256xf32> -> vector<256x256xf32>
    %dot_general3A_1230 = arith.constant dense<0.000000e+00> : vector<256x256xf32>
    %dot_general3A_1231 = tpu.matmul %convert_element_type3A_1017, %get3A_1227, %dot_general3A_1230 {dimension_numbers = #tpu.dot_dimension_numbers<[1], [0], [0], [1], [0, 0, 1, 1], [], []>, transpose_lhs_hint = false} : vector<256x256xbf16>, vector<256x256xbf16>, vector<256x256xf32> -> vector<256x256xf32>
    %add3A_1232 = arith.addf %dot_general3A_1229, %dot_general3A_1231 : vector<256x256xf32>
    %dot_general3A_1233 = arith.constant dense<0.000000e+00> : vector<256x256xf32>
    %dot_general3A_1234 = tpu.matmul %convert_element_type3A_1020, %get3A_1221, %dot_general3A_1233 {dimension_numbers = #tpu.dot_dimension_numbers<[1], [0], [0], [1], [0, 0, 1, 1], [], []>, transpose_lhs_hint = false} : vector<256x256xbf16>, vector<256x256xbf16>, vector<256x256xf32> -> vector<256x256xf32>
    %add3A_1235 = arith.addf %add3A_1232, %dot_general3A_1234 : vector<256x256xf32>
    %get3A_1236 = arith.constant 1 : index
    %get3A_1237 = arith.constant 0 : index
    %get3A_1238 = arith.constant 0 : index
    %get3A_1239 = vector.load %arg21[%get3A_1236, %get3A_1237, %get3A_1238] : memref<4x1x256xf32, #tpu.memory_space<vmem>>, vector<1x1x256xf32>
    %get3A_1240 = vector.shape_cast %get3A_1239 : vector<1x1x256xf32> to vector<1x256xf32>
    %add3A_1241 = vector.broadcast %get3A_1240 : vector<1x256xf32> to vector<256x256xf32>
    %add3A_1242 = arith.addf %add3A_1235, %add3A_1241 : vector<256x256xf32>
    %get3A_1243 = arith.constant 0 : index
    %get3A_1244 = arith.constant 1 : index
    %get3A_1245 = arith.constant 0 : index
    %get3A_1246 = arith.constant 0 : index
    %get3A_1247 = vector.load %arg22[%get3A_1243, %get3A_1244, %get3A_1245, %get3A_1246] : memref<2x4x256x256xbf16, #tpu.memory_space<vmem>>, vector<1x1x256x256xbf16>
    %get3A_1248 = vector.shape_cast %get3A_1247 : vector<1x1x256x256xbf16> to vector<256x256xbf16>
    %get3A_1249 = arith.constant 1 : index
    %get3A_1250 = arith.constant 1 : index
    %get3A_1251 = arith.constant 0 : index
    %get3A_1252 = arith.constant 0 : index
    %get3A_1253 = vector.load %arg22[%get3A_1249, %get3A_1250, %get3A_1251, %get3A_1252] : memref<2x4x256x256xbf16, #tpu.memory_space<vmem>>, vector<1x1x256x256xbf16>
    %get3A_1254 = vector.shape_cast %get3A_1253 : vector<1x1x256x256xbf16> to vector<256x256xbf16>
    %dot_general3A_1255 = arith.constant dense<0.000000e+00> : vector<256x256xf32>
    %dot_general3A_1256 = tpu.matmul %convert_element_type3A_1017, %get3A_1248, %dot_general3A_1255 {dimension_numbers = #tpu.dot_dimension_numbers<[1], [0], [0], [1], [0, 0, 1, 1], [], []>, transpose_lhs_hint = false} : vector<256x256xbf16>, vector<256x256xbf16>, vector<256x256xf32> -> vector<256x256xf32>
    %dot_general3A_1257 = arith.constant dense<0.000000e+00> : vector<256x256xf32>
    %dot_general3A_1258 = tpu.matmul %convert_element_type3A_1017, %get3A_1254, %dot_general3A_1257 {dimension_numbers = #tpu.dot_dimension_numbers<[1], [0], [0], [1], [0, 0, 1, 1], [], []>, transpose_lhs_hint = false} : vector<256x256xbf16>, vector<256x256xbf16>, vector<256x256xf32> -> vector<256x256xf32>
    %add3A_1259 = arith.addf %dot_general3A_1256, %dot_general3A_1258 : vector<256x256xf32>
    %dot_general3A_1260 = arith.constant dense<0.000000e+00> : vector<256x256xf32>
    %dot_general3A_1261 = tpu.matmul %convert_element_type3A_1020, %get3A_1248, %dot_general3A_1260 {dimension_numbers = #tpu.dot_dimension_numbers<[1], [0], [0], [1], [0, 0, 1, 1], [], []>, transpose_lhs_hint = false} : vector<256x256xbf16>, vector<256x256xbf16>, vector<256x256xf32> -> vector<256x256xf32>
    %add3A_1262 = arith.addf %add3A_1259, %dot_general3A_1261 : vector<256x256xf32>
    %get3A_1263 = arith.constant 1 : index
    %get3A_1264 = arith.constant 0 : index
    %get3A_1265 = arith.constant 0 : index
    %get3A_1266 = vector.load %arg23[%get3A_1263, %get3A_1264, %get3A_1265] : memref<4x1x256xf32, #tpu.memory_space<vmem>>, vector<1x1x256xf32>
    %get3A_1267 = vector.shape_cast %get3A_1266 : vector<1x1x256xf32> to vector<1x256xf32>
    %add3A_1268 = vector.broadcast %get3A_1267 : vector<1x256xf32> to vector<256x256xf32>
    %add3A_1269 = arith.addf %add3A_1262, %add3A_1268 : vector<256x256xf32>
    %get3A_1270 = arith.constant 0 : index
    %get3A_1271 = arith.constant 1 : index
    %get3A_1272 = arith.constant 0 : index
    %get3A_1273 = arith.constant 0 : index
    %get3A_1274 = vector.load %arg24[%get3A_1270, %get3A_1271, %get3A_1272, %get3A_1273] : memref<2x4x256x256xbf16, #tpu.memory_space<vmem>>, vector<1x1x256x256xbf16>
    %get3A_1275 = vector.shape_cast %get3A_1274 : vector<1x1x256x256xbf16> to vector<256x256xbf16>
    %get3A_1276 = arith.constant 1 : index
    %get3A_1277 = arith.constant 1 : index
    %get3A_1278 = arith.constant 0 : index
    %get3A_1279 = arith.constant 0 : index
    %get3A_1280 = vector.load %arg24[%get3A_1276, %get3A_1277, %get3A_1278, %get3A_1279] : memref<2x4x256x256xbf16, #tpu.memory_space<vmem>>, vector<1x1x256x256xbf16>
    %get3A_1281 = vector.shape_cast %get3A_1280 : vector<1x1x256x256xbf16> to vector<256x256xbf16>
    %dot_general3A_1282 = arith.constant dense<0.000000e+00> : vector<256x256xf32>
    %dot_general3A_1283 = tpu.matmul %convert_element_type3A_1017, %get3A_1275, %dot_general3A_1282 {dimension_numbers = #tpu.dot_dimension_numbers<[1], [0], [0], [1], [0, 0, 1, 1], [], []>, transpose_lhs_hint = false} : vector<256x256xbf16>, vector<256x256xbf16>, vector<256x256xf32> -> vector<256x256xf32>
    %dot_general3A_1284 = arith.constant dense<0.000000e+00> : vector<256x256xf32>
    %dot_general3A_1285 = tpu.matmul %convert_element_type3A_1017, %get3A_1281, %dot_general3A_1284 {dimension_numbers = #tpu.dot_dimension_numbers<[1], [0], [0], [1], [0, 0, 1, 1], [], []>, transpose_lhs_hint = false} : vector<256x256xbf16>, vector<256x256xbf16>, vector<256x256xf32> -> vector<256x256xf32>
    %add3A_1286 = arith.addf %dot_general3A_1283, %dot_general3A_1285 : vector<256x256xf32>
    %dot_general3A_1287 = arith.constant dense<0.000000e+00> : vector<256x256xf32>
    %dot_general3A_1288 = tpu.matmul %convert_element_type3A_1020, %get3A_1275, %dot_general3A_1287 {dimension_numbers = #tpu.dot_dimension_numbers<[1], [0], [0], [1], [0, 0, 1, 1], [], []>, transpose_lhs_hint = false} : vector<256x256xbf16>, vector<256x256xbf16>, vector<256x256xf32> -> vector<256x256xf32>
    %add3A_1289 = arith.addf %add3A_1286, %dot_general3A_1288 : vector<256x256xf32>
    %get3A_1290 = arith.constant 1 : index
    %get3A_1291 = arith.constant 0 : index
    %get3A_1292 = arith.constant 0 : index
    %get3A_1293 = vector.load %arg25[%get3A_1290, %get3A_1291, %get3A_1292] : memref<4x1x256xf32, #tpu.memory_space<vmem>>, vector<1x1x256xf32>
    %get3A_1294 = vector.shape_cast %get3A_1293 : vector<1x1x256xf32> to vector<1x256xf32>
    %add3A_1295 = vector.broadcast %get3A_1294 : vector<1x256xf32> to vector<256x256xf32>
    %add3A_1296 = arith.addf %add3A_1289, %add3A_1295 : vector<256x256xf32>
    %convert_element_type3A_1297 = arith.truncf %add3A_1242 : vector<256x256xf32> to vector<256x256xbf16>
    %convert_element_type3A_1298 = arith.extf %convert_element_type3A_1297 : vector<256x256xbf16> to vector<256x256xf32>
    %sub3A_1299 = arith.subf %add3A_1242, %convert_element_type3A_1298 : vector<256x256xf32>
    %convert_element_type3A_1300 = arith.truncf %sub3A_1299 : vector<256x256xf32> to vector<256x256xbf16>
    %convert_element_type3A_1301 = arith.truncf %add3A_1269 : vector<256x256xf32> to vector<256x256xbf16>
    %convert_element_type3A_1302 = arith.extf %convert_element_type3A_1301 : vector<256x256xbf16> to vector<256x256xf32>
    %sub3A_1303 = arith.subf %add3A_1269, %convert_element_type3A_1302 : vector<256x256xf32>
    %convert_element_type3A_1304 = arith.truncf %sub3A_1303 : vector<256x256xf32> to vector<256x256xbf16>
    %convert_element_type3A_1305 = arith.truncf %add3A_1296 : vector<256x256xf32> to vector<256x256xbf16>
    %convert_element_type3A_1306 = arith.extf %convert_element_type3A_1305 : vector<256x256xbf16> to vector<256x256xf32>
    %sub3A_1307 = arith.subf %add3A_1296, %convert_element_type3A_1306 : vector<256x256xf32>
    %convert_element_type3A_1308 = arith.truncf %sub3A_1307 : vector<256x256xf32> to vector<256x256xbf16>
    %slice3A_1309 = vector.extract_strided_slice %convert_element_type3A_1297 {offsets = [0, 0], sizes = [256, 32], strides = [1, 1]} : vector<256x256xbf16> to vector<256x32xbf16>
    %slice3A_1310 = vector.extract_strided_slice %convert_element_type3A_1301 {offsets = [0, 0], sizes = [256, 32], strides = [1, 1]} : vector<256x256xbf16> to vector<256x32xbf16>
    %dot_general3A_1311 = arith.constant dense<0.000000e+00> : vector<256x256xf32>
    %dot_general3A_1312 = tpu.matmul %slice3A_1309, %slice3A_1310, %dot_general3A_1311 {dimension_numbers = #tpu.dot_dimension_numbers<[1], [1], [0], [0], [0, 0, 1, 0], [], []>, transpose_lhs_hint = false} : vector<256x32xbf16>, vector<256x32xbf16>, vector<256x256xf32> -> vector<256x256xf32>
    %slice3A_1313 = vector.extract_strided_slice %convert_element_type3A_1297 {offsets = [0, 0], sizes = [256, 32], strides = [1, 1]} : vector<256x256xbf16> to vector<256x32xbf16>
    %slice3A_1314 = vector.extract_strided_slice %convert_element_type3A_1304 {offsets = [0, 0], sizes = [256, 32], strides = [1, 1]} : vector<256x256xbf16> to vector<256x32xbf16>
    %dot_general3A_1315 = arith.constant dense<0.000000e+00> : vector<256x256xf32>
    %dot_general3A_1316 = tpu.matmul %slice3A_1313, %slice3A_1314, %dot_general3A_1315 {dimension_numbers = #tpu.dot_dimension_numbers<[1], [1], [0], [0], [0, 0, 1, 0], [], []>, transpose_lhs_hint = false} : vector<256x32xbf16>, vector<256x32xbf16>, vector<256x256xf32> -> vector<256x256xf32>
    %add3A_1317 = arith.addf %dot_general3A_1312, %dot_general3A_1316 : vector<256x256xf32>
    %slice3A_1318 = vector.extract_strided_slice %convert_element_type3A_1300 {offsets = [0, 0], sizes = [256, 32], strides = [1, 1]} : vector<256x256xbf16> to vector<256x32xbf16>
    %slice3A_1319 = vector.extract_strided_slice %convert_element_type3A_1301 {offsets = [0, 0], sizes = [256, 32], strides = [1, 1]} : vector<256x256xbf16> to vector<256x32xbf16>
    %dot_general3A_1320 = arith.constant dense<0.000000e+00> : vector<256x256xf32>
    %dot_general3A_1321 = tpu.matmul %slice3A_1318, %slice3A_1319, %dot_general3A_1320 {dimension_numbers = #tpu.dot_dimension_numbers<[1], [1], [0], [0], [0, 0, 1, 0], [], []>, transpose_lhs_hint = false} : vector<256x32xbf16>, vector<256x32xbf16>, vector<256x256xf32> -> vector<256x256xf32>
    %add3A_1322 = arith.addf %add3A_1317, %dot_general3A_1321 : vector<256x256xf32>
    %mul3A_1323 = arith.constant 0.176776692 : f32
    %mul3A_1324 = vector.broadcast %mul3A_1323 : f32 to vector<256x256xf32>
    %mul3A_1325 = arith.mulf %add3A_1322, %mul3A_1324 : vector<256x256xf32>
    %add3A_1326 = arith.addf %mul3A_1325, %select_n3A_1215 : vector<256x256xf32>
    %reduce_max3A_1327 = arith.constant dense<0xFF800000> : vector<256xf32>
    %reduce_max3A_1328 = vector.multi_reduction <maximumf>, %add3A_1326, %reduce_max3A_1327 [1] : vector<256x256xf32> to vector<256xf32>
    %max3A_1329 = arith.constant 0xFF800000 : f32
    %max3A_1330 = vector.broadcast %max3A_1329 : f32 to vector<256xf32>
    %max3A_1331 = arith.maximumf %max3A_1330, %reduce_max3A_1328 : vector<256xf32>
    %broadcast_in_dim3A_1332 = vector.shape_cast %max3A_1331 : vector<256xf32> to vector<256x1xf32>
    %sub3A_1333 = vector.broadcast %broadcast_in_dim3A_1332 : vector<256x1xf32> to vector<256x256xf32>
    %sub3A_1334 = arith.subf %add3A_1326, %sub3A_1333 : vector<256x256xf32>
    %exp3A_1335 = math.exp %sub3A_1334 : vector<256x256xf32>
    %reduce_sum3A_1336 = arith.constant dense<0.000000e+00> : vector<256xf32>
    %reduce_sum3A_1337 = vector.multi_reduction <add>, %exp3A_1335, %reduce_sum3A_1336 [1] : vector<256x256xf32> to vector<256xf32>
    %broadcast_in_dim3A_1338 = vector.shape_cast %reduce_sum3A_1337 : vector<256xf32> to vector<256x1xf32>
    %div3A_1339 = vector.broadcast %broadcast_in_dim3A_1338 : vector<256x1xf32> to vector<256x256xf32>
    %div3A_1340 = arith.divf %exp3A_1335, %div3A_1339 : vector<256x256xf32>
    %convert_element_type3A_1341 = arith.truncf %div3A_1340 : vector<256x256xf32> to vector<256x256xbf16>
    %convert_element_type3A_1342 = arith.extf %convert_element_type3A_1341 : vector<256x256xbf16> to vector<256x256xf32>
    %sub3A_1343 = arith.subf %div3A_1340, %convert_element_type3A_1342 : vector<256x256xf32>
    %convert_element_type3A_1344 = arith.truncf %sub3A_1343 : vector<256x256xf32> to vector<256x256xbf16>
    %slice3A_1345 = vector.extract_strided_slice %convert_element_type3A_1305 {offsets = [0, 0], sizes = [256, 32], strides = [1, 1]} : vector<256x256xbf16> to vector<256x32xbf16>
    %dot_general3A_1346 = arith.constant dense<0.000000e+00> : vector<256x32xf32>
    %dot_general3A_1347 = tpu.matmul %convert_element_type3A_1341, %slice3A_1345, %dot_general3A_1346 {dimension_numbers = #tpu.dot_dimension_numbers<[1], [0], [0], [1], [0, 0, 1, 1], [], []>, transpose_lhs_hint = false} : vector<256x256xbf16>, vector<256x32xbf16>, vector<256x32xf32> -> vector<256x32xf32>
    %slice3A_1348 = vector.extract_strided_slice %convert_element_type3A_1308 {offsets = [0, 0], sizes = [256, 32], strides = [1, 1]} : vector<256x256xbf16> to vector<256x32xbf16>
    %dot_general3A_1349 = arith.constant dense<0.000000e+00> : vector<256x32xf32>
    %dot_general3A_1350 = tpu.matmul %convert_element_type3A_1341, %slice3A_1348, %dot_general3A_1349 {dimension_numbers = #tpu.dot_dimension_numbers<[1], [0], [0], [1], [0, 0, 1, 1], [], []>, transpose_lhs_hint = false} : vector<256x256xbf16>, vector<256x32xbf16>, vector<256x32xf32> -> vector<256x32xf32>
    %add3A_1351 = arith.addf %dot_general3A_1347, %dot_general3A_1350 : vector<256x32xf32>
    %slice3A_1352 = vector.extract_strided_slice %convert_element_type3A_1305 {offsets = [0, 0], sizes = [256, 32], strides = [1, 1]} : vector<256x256xbf16> to vector<256x32xbf16>
    %dot_general3A_1353 = arith.constant dense<0.000000e+00> : vector<256x32xf32>
    %dot_general3A_1354 = tpu.matmul %convert_element_type3A_1344, %slice3A_1352, %dot_general3A_1353 {dimension_numbers = #tpu.dot_dimension_numbers<[1], [0], [0], [1], [0, 0, 1, 1], [], []>, transpose_lhs_hint = false} : vector<256x256xbf16>, vector<256x32xbf16>, vector<256x32xf32> -> vector<256x32xf32>
    %add3A_1355 = arith.addf %add3A_1351, %dot_general3A_1354 : vector<256x32xf32>
    %slice3A_1356 = vector.extract_strided_slice %convert_element_type3A_1297 {offsets = [0, 32], sizes = [256, 32], strides = [1, 1]} : vector<256x256xbf16> to vector<256x32xbf16>
    %slice3A_1357 = vector.extract_strided_slice %convert_element_type3A_1301 {offsets = [0, 32], sizes = [256, 32], strides = [1, 1]} : vector<256x256xbf16> to vector<256x32xbf16>
    %dot_general3A_1358 = arith.constant dense<0.000000e+00> : vector<256x256xf32>
    %dot_general3A_1359 = tpu.matmul %slice3A_1356, %slice3A_1357, %dot_general3A_1358 {dimension_numbers = #tpu.dot_dimension_numbers<[1], [1], [0], [0], [0, 0, 1, 0], [], []>, transpose_lhs_hint = false} : vector<256x32xbf16>, vector<256x32xbf16>, vector<256x256xf32> -> vector<256x256xf32>
    %slice3A_1360 = vector.extract_strided_slice %convert_element_type3A_1297 {offsets = [0, 32], sizes = [256, 32], strides = [1, 1]} : vector<256x256xbf16> to vector<256x32xbf16>
    %slice3A_1361 = vector.extract_strided_slice %convert_element_type3A_1304 {offsets = [0, 32], sizes = [256, 32], strides = [1, 1]} : vector<256x256xbf16> to vector<256x32xbf16>
    %dot_general3A_1362 = arith.constant dense<0.000000e+00> : vector<256x256xf32>
    %dot_general3A_1363 = tpu.matmul %slice3A_1360, %slice3A_1361, %dot_general3A_1362 {dimension_numbers = #tpu.dot_dimension_numbers<[1], [1], [0], [0], [0, 0, 1, 0], [], []>, transpose_lhs_hint = false} : vector<256x32xbf16>, vector<256x32xbf16>, vector<256x256xf32> -> vector<256x256xf32>
    %add3A_1364 = arith.addf %dot_general3A_1359, %dot_general3A_1363 : vector<256x256xf32>
    %slice3A_1365 = vector.extract_strided_slice %convert_element_type3A_1300 {offsets = [0, 32], sizes = [256, 32], strides = [1, 1]} : vector<256x256xbf16> to vector<256x32xbf16>
    %slice3A_1366 = vector.extract_strided_slice %convert_element_type3A_1301 {offsets = [0, 32], sizes = [256, 32], strides = [1, 1]} : vector<256x256xbf16> to vector<256x32xbf16>
    %dot_general3A_1367 = arith.constant dense<0.000000e+00> : vector<256x256xf32>
    %dot_general3A_1368 = tpu.matmul %slice3A_1365, %slice3A_1366, %dot_general3A_1367 {dimension_numbers = #tpu.dot_dimension_numbers<[1], [1], [0], [0], [0, 0, 1, 0], [], []>, transpose_lhs_hint = false} : vector<256x32xbf16>, vector<256x32xbf16>, vector<256x256xf32> -> vector<256x256xf32>
    %add3A_1369 = arith.addf %add3A_1364, %dot_general3A_1368 : vector<256x256xf32>
    %mul3A_1370 = arith.constant 0.176776692 : f32
    %mul3A_1371 = vector.broadcast %mul3A_1370 : f32 to vector<256x256xf32>
    %mul3A_1372 = arith.mulf %add3A_1369, %mul3A_1371 : vector<256x256xf32>
    %add3A_1373 = arith.addf %mul3A_1372, %select_n3A_1215 : vector<256x256xf32>
    %reduce_max3A_1374 = arith.constant dense<0xFF800000> : vector<256xf32>
    %reduce_max3A_1375 = vector.multi_reduction <maximumf>, %add3A_1373, %reduce_max3A_1374 [1] : vector<256x256xf32> to vector<256xf32>
    %max3A_1376 = arith.constant 0xFF800000 : f32
    %max3A_1377 = vector.broadcast %max3A_1376 : f32 to vector<256xf32>
    %max3A_1378 = arith.maximumf %max3A_1377, %reduce_max3A_1375 : vector<256xf32>
    %broadcast_in_dim3A_1379 = vector.shape_cast %max3A_1378 : vector<256xf32> to vector<256x1xf32>
    %sub3A_1380 = vector.broadcast %broadcast_in_dim3A_1379 : vector<256x1xf32> to vector<256x256xf32>
    %sub3A_1381 = arith.subf %add3A_1373, %sub3A_1380 : vector<256x256xf32>
    %exp3A_1382 = math.exp %sub3A_1381 : vector<256x256xf32>
    %reduce_sum3A_1383 = arith.constant dense<0.000000e+00> : vector<256xf32>
    %reduce_sum3A_1384 = vector.multi_reduction <add>, %exp3A_1382, %reduce_sum3A_1383 [1] : vector<256x256xf32> to vector<256xf32>
    %broadcast_in_dim3A_1385 = vector.shape_cast %reduce_sum3A_1384 : vector<256xf32> to vector<256x1xf32>
    %div3A_1386 = vector.broadcast %broadcast_in_dim3A_1385 : vector<256x1xf32> to vector<256x256xf32>
    %div3A_1387 = arith.divf %exp3A_1382, %div3A_1386 : vector<256x256xf32>
    %convert_element_type3A_1388 = arith.truncf %div3A_1387 : vector<256x256xf32> to vector<256x256xbf16>
    %convert_element_type3A_1389 = arith.extf %convert_element_type3A_1388 : vector<256x256xbf16> to vector<256x256xf32>
    %sub3A_1390 = arith.subf %div3A_1387, %convert_element_type3A_1389 : vector<256x256xf32>
    %convert_element_type3A_1391 = arith.truncf %sub3A_1390 : vector<256x256xf32> to vector<256x256xbf16>
    %slice3A_1392 = vector.extract_strided_slice %convert_element_type3A_1305 {offsets = [0, 32], sizes = [256, 32], strides = [1, 1]} : vector<256x256xbf16> to vector<256x32xbf16>
    %dot_general3A_1393 = arith.constant dense<0.000000e+00> : vector<256x32xf32>
    %dot_general3A_1394 = tpu.matmul %convert_element_type3A_1388, %slice3A_1392, %dot_general3A_1393 {dimension_numbers = #tpu.dot_dimension_numbers<[1], [0], [0], [1], [0, 0, 1, 1], [], []>, transpose_lhs_hint = false} : vector<256x256xbf16>, vector<256x32xbf16>, vector<256x32xf32> -> vector<256x32xf32>
    %slice3A_1395 = vector.extract_strided_slice %convert_element_type3A_1308 {offsets = [0, 32], sizes = [256, 32], strides = [1, 1]} : vector<256x256xbf16> to vector<256x32xbf16>
    %dot_general3A_1396 = arith.constant dense<0.000000e+00> : vector<256x32xf32>
    %dot_general3A_1397 = tpu.matmul %convert_element_type3A_1388, %slice3A_1395, %dot_general3A_1396 {dimension_numbers = #tpu.dot_dimension_numbers<[1], [0], [0], [1], [0, 0, 1, 1], [], []>, transpose_lhs_hint = false} : vector<256x256xbf16>, vector<256x32xbf16>, vector<256x32xf32> -> vector<256x32xf32>
    %add3A_1398 = arith.addf %dot_general3A_1394, %dot_general3A_1397 : vector<256x32xf32>
    %slice3A_1399 = vector.extract_strided_slice %convert_element_type3A_1305 {offsets = [0, 32], sizes = [256, 32], strides = [1, 1]} : vector<256x256xbf16> to vector<256x32xbf16>
    %dot_general3A_1400 = arith.constant dense<0.000000e+00> : vector<256x32xf32>
    %dot_general3A_1401 = tpu.matmul %convert_element_type3A_1391, %slice3A_1399, %dot_general3A_1400 {dimension_numbers = #tpu.dot_dimension_numbers<[1], [0], [0], [1], [0, 0, 1, 1], [], []>, transpose_lhs_hint = false} : vector<256x256xbf16>, vector<256x32xbf16>, vector<256x32xf32> -> vector<256x32xf32>
    %add3A_1402 = arith.addf %add3A_1398, %dot_general3A_1401 : vector<256x32xf32>
    %slice3A_1403 = vector.extract_strided_slice %convert_element_type3A_1297 {offsets = [0, 64], sizes = [256, 32], strides = [1, 1]} : vector<256x256xbf16> to vector<256x32xbf16>
    %slice3A_1404 = vector.extract_strided_slice %convert_element_type3A_1301 {offsets = [0, 64], sizes = [256, 32], strides = [1, 1]} : vector<256x256xbf16> to vector<256x32xbf16>
    %dot_general3A_1405 = arith.constant dense<0.000000e+00> : vector<256x256xf32>
    %dot_general3A_1406 = tpu.matmul %slice3A_1403, %slice3A_1404, %dot_general3A_1405 {dimension_numbers = #tpu.dot_dimension_numbers<[1], [1], [0], [0], [0, 0, 1, 0], [], []>, transpose_lhs_hint = false} : vector<256x32xbf16>, vector<256x32xbf16>, vector<256x256xf32> -> vector<256x256xf32>
    %slice3A_1407 = vector.extract_strided_slice %convert_element_type3A_1297 {offsets = [0, 64], sizes = [256, 32], strides = [1, 1]} : vector<256x256xbf16> to vector<256x32xbf16>
    %slice3A_1408 = vector.extract_strided_slice %convert_element_type3A_1304 {offsets = [0, 64], sizes = [256, 32], strides = [1, 1]} : vector<256x256xbf16> to vector<256x32xbf16>
    %dot_general3A_1409 = arith.constant dense<0.000000e+00> : vector<256x256xf32>
    %dot_general3A_1410 = tpu.matmul %slice3A_1407, %slice3A_1408, %dot_general3A_1409 {dimension_numbers = #tpu.dot_dimension_numbers<[1], [1], [0], [0], [0, 0, 1, 0], [], []>, transpose_lhs_hint = false} : vector<256x32xbf16>, vector<256x32xbf16>, vector<256x256xf32> -> vector<256x256xf32>
    %add3A_1411 = arith.addf %dot_general3A_1406, %dot_general3A_1410 : vector<256x256xf32>
    %slice3A_1412 = vector.extract_strided_slice %convert_element_type3A_1300 {offsets = [0, 64], sizes = [256, 32], strides = [1, 1]} : vector<256x256xbf16> to vector<256x32xbf16>
    %slice3A_1413 = vector.extract_strided_slice %convert_element_type3A_1301 {offsets = [0, 64], sizes = [256, 32], strides = [1, 1]} : vector<256x256xbf16> to vector<256x32xbf16>
    %dot_general3A_1414 = arith.constant dense<0.000000e+00> : vector<256x256xf32>
    %dot_general3A_1415 = tpu.matmul %slice3A_1412, %slice3A_1413, %dot_general3A_1414 {dimension_numbers = #tpu.dot_dimension_numbers<[1], [1], [0], [0], [0, 0, 1, 0], [], []>, transpose_lhs_hint = false} : vector<256x32xbf16>, vector<256x32xbf16>, vector<256x256xf32> -> vector<256x256xf32>
    %add3A_1416 = arith.addf %add3A_1411, %dot_general3A_1415 : vector<256x256xf32>
    %mul3A_1417 = arith.constant 0.176776692 : f32
    %mul3A_1418 = vector.broadcast %mul3A_1417 : f32 to vector<256x256xf32>
    %mul3A_1419 = arith.mulf %add3A_1416, %mul3A_1418 : vector<256x256xf32>
    %add3A_1420 = arith.addf %mul3A_1419, %select_n3A_1215 : vector<256x256xf32>
    %reduce_max3A_1421 = arith.constant dense<0xFF800000> : vector<256xf32>
    %reduce_max3A_1422 = vector.multi_reduction <maximumf>, %add3A_1420, %reduce_max3A_1421 [1] : vector<256x256xf32> to vector<256xf32>
    %max3A_1423 = arith.constant 0xFF800000 : f32
    %max3A_1424 = vector.broadcast %max3A_1423 : f32 to vector<256xf32>
    %max3A_1425 = arith.maximumf %max3A_1424, %reduce_max3A_1422 : vector<256xf32>
    %broadcast_in_dim3A_1426 = vector.shape_cast %max3A_1425 : vector<256xf32> to vector<256x1xf32>
    %sub3A_1427 = vector.broadcast %broadcast_in_dim3A_1426 : vector<256x1xf32> to vector<256x256xf32>
    %sub3A_1428 = arith.subf %add3A_1420, %sub3A_1427 : vector<256x256xf32>
    %exp3A_1429 = math.exp %sub3A_1428 : vector<256x256xf32>
    %reduce_sum3A_1430 = arith.constant dense<0.000000e+00> : vector<256xf32>
    %reduce_sum3A_1431 = vector.multi_reduction <add>, %exp3A_1429, %reduce_sum3A_1430 [1] : vector<256x256xf32> to vector<256xf32>
    %broadcast_in_dim3A_1432 = vector.shape_cast %reduce_sum3A_1431 : vector<256xf32> to vector<256x1xf32>
    %div3A_1433 = vector.broadcast %broadcast_in_dim3A_1432 : vector<256x1xf32> to vector<256x256xf32>
    %div3A_1434 = arith.divf %exp3A_1429, %div3A_1433 : vector<256x256xf32>
    %convert_element_type3A_1435 = arith.truncf %div3A_1434 : vector<256x256xf32> to vector<256x256xbf16>
    %convert_element_type3A_1436 = arith.extf %convert_element_type3A_1435 : vector<256x256xbf16> to vector<256x256xf32>
    %sub3A_1437 = arith.subf %div3A_1434, %convert_element_type3A_1436 : vector<256x256xf32>
    %convert_element_type3A_1438 = arith.truncf %sub3A_1437 : vector<256x256xf32> to vector<256x256xbf16>
    %slice3A_1439 = vector.extract_strided_slice %convert_element_type3A_1305 {offsets = [0, 64], sizes = [256, 32], strides = [1, 1]} : vector<256x256xbf16> to vector<256x32xbf16>
    %dot_general3A_1440 = arith.constant dense<0.000000e+00> : vector<256x32xf32>
    %dot_general3A_1441 = tpu.matmul %convert_element_type3A_1435, %slice3A_1439, %dot_general3A_1440 {dimension_numbers = #tpu.dot_dimension_numbers<[1], [0], [0], [1], [0, 0, 1, 1], [], []>, transpose_lhs_hint = false} : vector<256x256xbf16>, vector<256x32xbf16>, vector<256x32xf32> -> vector<256x32xf32>
    %slice3A_1442 = vector.extract_strided_slice %convert_element_type3A_1308 {offsets = [0, 64], sizes = [256, 32], strides = [1, 1]} : vector<256x256xbf16> to vector<256x32xbf16>
    %dot_general3A_1443 = arith.constant dense<0.000000e+00> : vector<256x32xf32>
    %dot_general3A_1444 = tpu.matmul %convert_element_type3A_1435, %slice3A_1442, %dot_general3A_1443 {dimension_numbers = #tpu.dot_dimension_numbers<[1], [0], [0], [1], [0, 0, 1, 1], [], []>, transpose_lhs_hint = false} : vector<256x256xbf16>, vector<256x32xbf16>, vector<256x32xf32> -> vector<256x32xf32>
    %add3A_1445 = arith.addf %dot_general3A_1441, %dot_general3A_1444 : vector<256x32xf32>
    %slice3A_1446 = vector.extract_strided_slice %convert_element_type3A_1305 {offsets = [0, 64], sizes = [256, 32], strides = [1, 1]} : vector<256x256xbf16> to vector<256x32xbf16>
    %dot_general3A_1447 = arith.constant dense<0.000000e+00> : vector<256x32xf32>
    %dot_general3A_1448 = tpu.matmul %convert_element_type3A_1438, %slice3A_1446, %dot_general3A_1447 {dimension_numbers = #tpu.dot_dimension_numbers<[1], [0], [0], [1], [0, 0, 1, 1], [], []>, transpose_lhs_hint = false} : vector<256x256xbf16>, vector<256x32xbf16>, vector<256x32xf32> -> vector<256x32xf32>
    %add3A_1449 = arith.addf %add3A_1445, %dot_general3A_1448 : vector<256x32xf32>
    %slice3A_1450 = vector.extract_strided_slice %convert_element_type3A_1297 {offsets = [0, 96], sizes = [256, 32], strides = [1, 1]} : vector<256x256xbf16> to vector<256x32xbf16>
    %slice3A_1451 = vector.extract_strided_slice %convert_element_type3A_1301 {offsets = [0, 96], sizes = [256, 32], strides = [1, 1]} : vector<256x256xbf16> to vector<256x32xbf16>
    %dot_general3A_1452 = arith.constant dense<0.000000e+00> : vector<256x256xf32>
    %dot_general3A_1453 = tpu.matmul %slice3A_1450, %slice3A_1451, %dot_general3A_1452 {dimension_numbers = #tpu.dot_dimension_numbers<[1], [1], [0], [0], [0, 0, 1, 0], [], []>, transpose_lhs_hint = false} : vector<256x32xbf16>, vector<256x32xbf16>, vector<256x256xf32> -> vector<256x256xf32>
    %slice3A_1454 = vector.extract_strided_slice %convert_element_type3A_1297 {offsets = [0, 96], sizes = [256, 32], strides = [1, 1]} : vector<256x256xbf16> to vector<256x32xbf16>
    %slice3A_1455 = vector.extract_strided_slice %convert_element_type3A_1304 {offsets = [0, 96], sizes = [256, 32], strides = [1, 1]} : vector<256x256xbf16> to vector<256x32xbf16>
    %dot_general3A_1456 = arith.constant dense<0.000000e+00> : vector<256x256xf32>
    %dot_general3A_1457 = tpu.matmul %slice3A_1454, %slice3A_1455, %dot_general3A_1456 {dimension_numbers = #tpu.dot_dimension_numbers<[1], [1], [0], [0], [0, 0, 1, 0], [], []>, transpose_lhs_hint = false} : vector<256x32xbf16>, vector<256x32xbf16>, vector<256x256xf32> -> vector<256x256xf32>
    %add3A_1458 = arith.addf %dot_general3A_1453, %dot_general3A_1457 : vector<256x256xf32>
    %slice3A_1459 = vector.extract_strided_slice %convert_element_type3A_1300 {offsets = [0, 96], sizes = [256, 32], strides = [1, 1]} : vector<256x256xbf16> to vector<256x32xbf16>
    %slice3A_1460 = vector.extract_strided_slice %convert_element_type3A_1301 {offsets = [0, 96], sizes = [256, 32], strides = [1, 1]} : vector<256x256xbf16> to vector<256x32xbf16>
    %dot_general3A_1461 = arith.constant dense<0.000000e+00> : vector<256x256xf32>
    %dot_general3A_1462 = tpu.matmul %slice3A_1459, %slice3A_1460, %dot_general3A_1461 {dimension_numbers = #tpu.dot_dimension_numbers<[1], [1], [0], [0], [0, 0, 1, 0], [], []>, transpose_lhs_hint = false} : vector<256x32xbf16>, vector<256x32xbf16>, vector<256x256xf32> -> vector<256x256xf32>
    %add3A_1463 = arith.addf %add3A_1458, %dot_general3A_1462 : vector<256x256xf32>
    %mul3A_1464 = arith.constant 0.176776692 : f32
    %mul3A_1465 = vector.broadcast %mul3A_1464 : f32 to vector<256x256xf32>
    %mul3A_1466 = arith.mulf %add3A_1463, %mul3A_1465 : vector<256x256xf32>
    %add3A_1467 = arith.addf %mul3A_1466, %select_n3A_1215 : vector<256x256xf32>
    %reduce_max3A_1468 = arith.constant dense<0xFF800000> : vector<256xf32>
    %reduce_max3A_1469 = vector.multi_reduction <maximumf>, %add3A_1467, %reduce_max3A_1468 [1] : vector<256x256xf32> to vector<256xf32>
    %max3A_1470 = arith.constant 0xFF800000 : f32
    %max3A_1471 = vector.broadcast %max3A_1470 : f32 to vector<256xf32>
    %max3A_1472 = arith.maximumf %max3A_1471, %reduce_max3A_1469 : vector<256xf32>
    %broadcast_in_dim3A_1473 = vector.shape_cast %max3A_1472 : vector<256xf32> to vector<256x1xf32>
    %sub3A_1474 = vector.broadcast %broadcast_in_dim3A_1473 : vector<256x1xf32> to vector<256x256xf32>
    %sub3A_1475 = arith.subf %add3A_1467, %sub3A_1474 : vector<256x256xf32>
    %exp3A_1476 = math.exp %sub3A_1475 : vector<256x256xf32>
    %reduce_sum3A_1477 = arith.constant dense<0.000000e+00> : vector<256xf32>
    %reduce_sum3A_1478 = vector.multi_reduction <add>, %exp3A_1476, %reduce_sum3A_1477 [1] : vector<256x256xf32> to vector<256xf32>
    %broadcast_in_dim3A_1479 = vector.shape_cast %reduce_sum3A_1478 : vector<256xf32> to vector<256x1xf32>
    %div3A_1480 = vector.broadcast %broadcast_in_dim3A_1479 : vector<256x1xf32> to vector<256x256xf32>
    %div3A_1481 = arith.divf %exp3A_1476, %div3A_1480 : vector<256x256xf32>
    %convert_element_type3A_1482 = arith.truncf %div3A_1481 : vector<256x256xf32> to vector<256x256xbf16>
    %convert_element_type3A_1483 = arith.extf %convert_element_type3A_1482 : vector<256x256xbf16> to vector<256x256xf32>
    %sub3A_1484 = arith.subf %div3A_1481, %convert_element_type3A_1483 : vector<256x256xf32>
    %convert_element_type3A_1485 = arith.truncf %sub3A_1484 : vector<256x256xf32> to vector<256x256xbf16>
    %slice3A_1486 = vector.extract_strided_slice %convert_element_type3A_1305 {offsets = [0, 96], sizes = [256, 32], strides = [1, 1]} : vector<256x256xbf16> to vector<256x32xbf16>
    %dot_general3A_1487 = arith.constant dense<0.000000e+00> : vector<256x32xf32>
    %dot_general3A_1488 = tpu.matmul %convert_element_type3A_1482, %slice3A_1486, %dot_general3A_1487 {dimension_numbers = #tpu.dot_dimension_numbers<[1], [0], [0], [1], [0, 0, 1, 1], [], []>, transpose_lhs_hint = false} : vector<256x256xbf16>, vector<256x32xbf16>, vector<256x32xf32> -> vector<256x32xf32>
    %slice3A_1489 = vector.extract_strided_slice %convert_element_type3A_1308 {offsets = [0, 96], sizes = [256, 32], strides = [1, 1]} : vector<256x256xbf16> to vector<256x32xbf16>
    %dot_general3A_1490 = arith.constant dense<0.000000e+00> : vector<256x32xf32>
    %dot_general3A_1491 = tpu.matmul %convert_element_type3A_1482, %slice3A_1489, %dot_general3A_1490 {dimension_numbers = #tpu.dot_dimension_numbers<[1], [0], [0], [1], [0, 0, 1, 1], [], []>, transpose_lhs_hint = false} : vector<256x256xbf16>, vector<256x32xbf16>, vector<256x32xf32> -> vector<256x32xf32>
    %add3A_1492 = arith.addf %dot_general3A_1488, %dot_general3A_1491 : vector<256x32xf32>
    %slice3A_1493 = vector.extract_strided_slice %convert_element_type3A_1305 {offsets = [0, 96], sizes = [256, 32], strides = [1, 1]} : vector<256x256xbf16> to vector<256x32xbf16>
    %dot_general3A_1494 = arith.constant dense<0.000000e+00> : vector<256x32xf32>
    %dot_general3A_1495 = tpu.matmul %convert_element_type3A_1485, %slice3A_1493, %dot_general3A_1494 {dimension_numbers = #tpu.dot_dimension_numbers<[1], [0], [0], [1], [0, 0, 1, 1], [], []>, transpose_lhs_hint = false} : vector<256x256xbf16>, vector<256x32xbf16>, vector<256x32xf32> -> vector<256x32xf32>
    %add3A_1496 = arith.addf %add3A_1492, %dot_general3A_1495 : vector<256x32xf32>
    %slice3A_1497 = vector.extract_strided_slice %convert_element_type3A_1297 {offsets = [0, 128], sizes = [256, 32], strides = [1, 1]} : vector<256x256xbf16> to vector<256x32xbf16>
    %slice3A_1498 = vector.extract_strided_slice %convert_element_type3A_1301 {offsets = [0, 128], sizes = [256, 32], strides = [1, 1]} : vector<256x256xbf16> to vector<256x32xbf16>
    %dot_general3A_1499 = arith.constant dense<0.000000e+00> : vector<256x256xf32>
    %dot_general3A_1500 = tpu.matmul %slice3A_1497, %slice3A_1498, %dot_general3A_1499 {dimension_numbers = #tpu.dot_dimension_numbers<[1], [1], [0], [0], [0, 0, 1, 0], [], []>, transpose_lhs_hint = false} : vector<256x32xbf16>, vector<256x32xbf16>, vector<256x256xf32> -> vector<256x256xf32>
    %slice3A_1501 = vector.extract_strided_slice %convert_element_type3A_1297 {offsets = [0, 128], sizes = [256, 32], strides = [1, 1]} : vector<256x256xbf16> to vector<256x32xbf16>
    %slice3A_1502 = vector.extract_strided_slice %convert_element_type3A_1304 {offsets = [0, 128], sizes = [256, 32], strides = [1, 1]} : vector<256x256xbf16> to vector<256x32xbf16>
    %dot_general3A_1503 = arith.constant dense<0.000000e+00> : vector<256x256xf32>
    %dot_general3A_1504 = tpu.matmul %slice3A_1501, %slice3A_1502, %dot_general3A_1503 {dimension_numbers = #tpu.dot_dimension_numbers<[1], [1], [0], [0], [0, 0, 1, 0], [], []>, transpose_lhs_hint = false} : vector<256x32xbf16>, vector<256x32xbf16>, vector<256x256xf32> -> vector<256x256xf32>
    %add3A_1505 = arith.addf %dot_general3A_1500, %dot_general3A_1504 : vector<256x256xf32>
    %slice3A_1506 = vector.extract_strided_slice %convert_element_type3A_1300 {offsets = [0, 128], sizes = [256, 32], strides = [1, 1]} : vector<256x256xbf16> to vector<256x32xbf16>
    %slice3A_1507 = vector.extract_strided_slice %convert_element_type3A_1301 {offsets = [0, 128], sizes = [256, 32], strides = [1, 1]} : vector<256x256xbf16> to vector<256x32xbf16>
    %dot_general3A_1508 = arith.constant dense<0.000000e+00> : vector<256x256xf32>
    %dot_general3A_1509 = tpu.matmul %slice3A_1506, %slice3A_1507, %dot_general3A_1508 {dimension_numbers = #tpu.dot_dimension_numbers<[1], [1], [0], [0], [0, 0, 1, 0], [], []>, transpose_lhs_hint = false} : vector<256x32xbf16>, vector<256x32xbf16>, vector<256x256xf32> -> vector<256x256xf32>
    %add3A_1510 = arith.addf %add3A_1505, %dot_general3A_1509 : vector<256x256xf32>
    %mul3A_1511 = arith.constant 0.176776692 : f32
    %mul3A_1512 = vector.broadcast %mul3A_1511 : f32 to vector<256x256xf32>
    %mul3A_1513 = arith.mulf %add3A_1510, %mul3A_1512 : vector<256x256xf32>
    %add3A_1514 = arith.addf %mul3A_1513, %select_n3A_1215 : vector<256x256xf32>
    %reduce_max3A_1515 = arith.constant dense<0xFF800000> : vector<256xf32>
    %reduce_max3A_1516 = vector.multi_reduction <maximumf>, %add3A_1514, %reduce_max3A_1515 [1] : vector<256x256xf32> to vector<256xf32>
    %max3A_1517 = arith.constant 0xFF800000 : f32
    %max3A_1518 = vector.broadcast %max3A_1517 : f32 to vector<256xf32>
    %max3A_1519 = arith.maximumf %max3A_1518, %reduce_max3A_1516 : vector<256xf32>
    %broadcast_in_dim3A_1520 = vector.shape_cast %max3A_1519 : vector<256xf32> to vector<256x1xf32>
    %sub3A_1521 = vector.broadcast %broadcast_in_dim3A_1520 : vector<256x1xf32> to vector<256x256xf32>
    %sub3A_1522 = arith.subf %add3A_1514, %sub3A_1521 : vector<256x256xf32>
    %exp3A_1523 = math.exp %sub3A_1522 : vector<256x256xf32>
    %reduce_sum3A_1524 = arith.constant dense<0.000000e+00> : vector<256xf32>
    %reduce_sum3A_1525 = vector.multi_reduction <add>, %exp3A_1523, %reduce_sum3A_1524 [1] : vector<256x256xf32> to vector<256xf32>
    %broadcast_in_dim3A_1526 = vector.shape_cast %reduce_sum3A_1525 : vector<256xf32> to vector<256x1xf32>
    %div3A_1527 = vector.broadcast %broadcast_in_dim3A_1526 : vector<256x1xf32> to vector<256x256xf32>
    %div3A_1528 = arith.divf %exp3A_1523, %div3A_1527 : vector<256x256xf32>
    %convert_element_type3A_1529 = arith.truncf %div3A_1528 : vector<256x256xf32> to vector<256x256xbf16>
    %convert_element_type3A_1530 = arith.extf %convert_element_type3A_1529 : vector<256x256xbf16> to vector<256x256xf32>
    %sub3A_1531 = arith.subf %div3A_1528, %convert_element_type3A_1530 : vector<256x256xf32>
    %convert_element_type3A_1532 = arith.truncf %sub3A_1531 : vector<256x256xf32> to vector<256x256xbf16>
    %slice3A_1533 = vector.extract_strided_slice %convert_element_type3A_1305 {offsets = [0, 128], sizes = [256, 32], strides = [1, 1]} : vector<256x256xbf16> to vector<256x32xbf16>
    %dot_general3A_1534 = arith.constant dense<0.000000e+00> : vector<256x32xf32>
    %dot_general3A_1535 = tpu.matmul %convert_element_type3A_1529, %slice3A_1533, %dot_general3A_1534 {dimension_numbers = #tpu.dot_dimension_numbers<[1], [0], [0], [1], [0, 0, 1, 1], [], []>, transpose_lhs_hint = false} : vector<256x256xbf16>, vector<256x32xbf16>, vector<256x32xf32> -> vector<256x32xf32>
    %slice3A_1536 = vector.extract_strided_slice %convert_element_type3A_1308 {offsets = [0, 128], sizes = [256, 32], strides = [1, 1]} : vector<256x256xbf16> to vector<256x32xbf16>
    %dot_general3A_1537 = arith.constant dense<0.000000e+00> : vector<256x32xf32>
    %dot_general3A_1538 = tpu.matmul %convert_element_type3A_1529, %slice3A_1536, %dot_general3A_1537 {dimension_numbers = #tpu.dot_dimension_numbers<[1], [0], [0], [1], [0, 0, 1, 1], [], []>, transpose_lhs_hint = false} : vector<256x256xbf16>, vector<256x32xbf16>, vector<256x32xf32> -> vector<256x32xf32>
    %add3A_1539 = arith.addf %dot_general3A_1535, %dot_general3A_1538 : vector<256x32xf32>
    %slice3A_1540 = vector.extract_strided_slice %convert_element_type3A_1305 {offsets = [0, 128], sizes = [256, 32], strides = [1, 1]} : vector<256x256xbf16> to vector<256x32xbf16>
    %dot_general3A_1541 = arith.constant dense<0.000000e+00> : vector<256x32xf32>
    %dot_general3A_1542 = tpu.matmul %convert_element_type3A_1532, %slice3A_1540, %dot_general3A_1541 {dimension_numbers = #tpu.dot_dimension_numbers<[1], [0], [0], [1], [0, 0, 1, 1], [], []>, transpose_lhs_hint = false} : vector<256x256xbf16>, vector<256x32xbf16>, vector<256x32xf32> -> vector<256x32xf32>
    %add3A_1543 = arith.addf %add3A_1539, %dot_general3A_1542 : vector<256x32xf32>
    %slice3A_1544 = vector.extract_strided_slice %convert_element_type3A_1297 {offsets = [0, 160], sizes = [256, 32], strides = [1, 1]} : vector<256x256xbf16> to vector<256x32xbf16>
    %slice3A_1545 = vector.extract_strided_slice %convert_element_type3A_1301 {offsets = [0, 160], sizes = [256, 32], strides = [1, 1]} : vector<256x256xbf16> to vector<256x32xbf16>
    %dot_general3A_1546 = arith.constant dense<0.000000e+00> : vector<256x256xf32>
    %dot_general3A_1547 = tpu.matmul %slice3A_1544, %slice3A_1545, %dot_general3A_1546 {dimension_numbers = #tpu.dot_dimension_numbers<[1], [1], [0], [0], [0, 0, 1, 0], [], []>, transpose_lhs_hint = false} : vector<256x32xbf16>, vector<256x32xbf16>, vector<256x256xf32> -> vector<256x256xf32>
    %slice3A_1548 = vector.extract_strided_slice %convert_element_type3A_1297 {offsets = [0, 160], sizes = [256, 32], strides = [1, 1]} : vector<256x256xbf16> to vector<256x32xbf16>
    %slice3A_1549 = vector.extract_strided_slice %convert_element_type3A_1304 {offsets = [0, 160], sizes = [256, 32], strides = [1, 1]} : vector<256x256xbf16> to vector<256x32xbf16>
    %dot_general3A_1550 = arith.constant dense<0.000000e+00> : vector<256x256xf32>
    %dot_general3A_1551 = tpu.matmul %slice3A_1548, %slice3A_1549, %dot_general3A_1550 {dimension_numbers = #tpu.dot_dimension_numbers<[1], [1], [0], [0], [0, 0, 1, 0], [], []>, transpose_lhs_hint = false} : vector<256x32xbf16>, vector<256x32xbf16>, vector<256x256xf32> -> vector<256x256xf32>
    %add3A_1552 = arith.addf %dot_general3A_1547, %dot_general3A_1551 : vector<256x256xf32>
    %slice3A_1553 = vector.extract_strided_slice %convert_element_type3A_1300 {offsets = [0, 160], sizes = [256, 32], strides = [1, 1]} : vector<256x256xbf16> to vector<256x32xbf16>
    %slice3A_1554 = vector.extract_strided_slice %convert_element_type3A_1301 {offsets = [0, 160], sizes = [256, 32], strides = [1, 1]} : vector<256x256xbf16> to vector<256x32xbf16>
    %dot_general3A_1555 = arith.constant dense<0.000000e+00> : vector<256x256xf32>
    %dot_general3A_1556 = tpu.matmul %slice3A_1553, %slice3A_1554, %dot_general3A_1555 {dimension_numbers = #tpu.dot_dimension_numbers<[1], [1], [0], [0], [0, 0, 1, 0], [], []>, transpose_lhs_hint = false} : vector<256x32xbf16>, vector<256x32xbf16>, vector<256x256xf32> -> vector<256x256xf32>
    %add3A_1557 = arith.addf %add3A_1552, %dot_general3A_1556 : vector<256x256xf32>
    %mul3A_1558 = arith.constant 0.176776692 : f32
    %mul3A_1559 = vector.broadcast %mul3A_1558 : f32 to vector<256x256xf32>
    %mul3A_1560 = arith.mulf %add3A_1557, %mul3A_1559 : vector<256x256xf32>
    %add3A_1561 = arith.addf %mul3A_1560, %select_n3A_1215 : vector<256x256xf32>
    %reduce_max3A_1562 = arith.constant dense<0xFF800000> : vector<256xf32>
    %reduce_max3A_1563 = vector.multi_reduction <maximumf>, %add3A_1561, %reduce_max3A_1562 [1] : vector<256x256xf32> to vector<256xf32>
    %max3A_1564 = arith.constant 0xFF800000 : f32
    %max3A_1565 = vector.broadcast %max3A_1564 : f32 to vector<256xf32>
    %max3A_1566 = arith.maximumf %max3A_1565, %reduce_max3A_1563 : vector<256xf32>
    %broadcast_in_dim3A_1567 = vector.shape_cast %max3A_1566 : vector<256xf32> to vector<256x1xf32>
    %sub3A_1568 = vector.broadcast %broadcast_in_dim3A_1567 : vector<256x1xf32> to vector<256x256xf32>
    %sub3A_1569 = arith.subf %add3A_1561, %sub3A_1568 : vector<256x256xf32>
    %exp3A_1570 = math.exp %sub3A_1569 : vector<256x256xf32>
    %reduce_sum3A_1571 = arith.constant dense<0.000000e+00> : vector<256xf32>
    %reduce_sum3A_1572 = vector.multi_reduction <add>, %exp3A_1570, %reduce_sum3A_1571 [1] : vector<256x256xf32> to vector<256xf32>
    %broadcast_in_dim3A_1573 = vector.shape_cast %reduce_sum3A_1572 : vector<256xf32> to vector<256x1xf32>
    %div3A_1574 = vector.broadcast %broadcast_in_dim3A_1573 : vector<256x1xf32> to vector<256x256xf32>
    %div3A_1575 = arith.divf %exp3A_1570, %div3A_1574 : vector<256x256xf32>
    %convert_element_type3A_1576 = arith.truncf %div3A_1575 : vector<256x256xf32> to vector<256x256xbf16>
    %convert_element_type3A_1577 = arith.extf %convert_element_type3A_1576 : vector<256x256xbf16> to vector<256x256xf32>
    %sub3A_1578 = arith.subf %div3A_1575, %convert_element_type3A_1577 : vector<256x256xf32>
    %convert_element_type3A_1579 = arith.truncf %sub3A_1578 : vector<256x256xf32> to vector<256x256xbf16>
    %slice3A_1580 = vector.extract_strided_slice %convert_element_type3A_1305 {offsets = [0, 160], sizes = [256, 32], strides = [1, 1]} : vector<256x256xbf16> to vector<256x32xbf16>
    %dot_general3A_1581 = arith.constant dense<0.000000e+00> : vector<256x32xf32>
    %dot_general3A_1582 = tpu.matmul %convert_element_type3A_1576, %slice3A_1580, %dot_general3A_1581 {dimension_numbers = #tpu.dot_dimension_numbers<[1], [0], [0], [1], [0, 0, 1, 1], [], []>, transpose_lhs_hint = false} : vector<256x256xbf16>, vector<256x32xbf16>, vector<256x32xf32> -> vector<256x32xf32>
    %slice3A_1583 = vector.extract_strided_slice %convert_element_type3A_1308 {offsets = [0, 160], sizes = [256, 32], strides = [1, 1]} : vector<256x256xbf16> to vector<256x32xbf16>
    %dot_general3A_1584 = arith.constant dense<0.000000e+00> : vector<256x32xf32>
    %dot_general3A_1585 = tpu.matmul %convert_element_type3A_1576, %slice3A_1583, %dot_general3A_1584 {dimension_numbers = #tpu.dot_dimension_numbers<[1], [0], [0], [1], [0, 0, 1, 1], [], []>, transpose_lhs_hint = false} : vector<256x256xbf16>, vector<256x32xbf16>, vector<256x32xf32> -> vector<256x32xf32>
    %add3A_1586 = arith.addf %dot_general3A_1582, %dot_general3A_1585 : vector<256x32xf32>
    %slice3A_1587 = vector.extract_strided_slice %convert_element_type3A_1305 {offsets = [0, 160], sizes = [256, 32], strides = [1, 1]} : vector<256x256xbf16> to vector<256x32xbf16>
    %dot_general3A_1588 = arith.constant dense<0.000000e+00> : vector<256x32xf32>
    %dot_general3A_1589 = tpu.matmul %convert_element_type3A_1579, %slice3A_1587, %dot_general3A_1588 {dimension_numbers = #tpu.dot_dimension_numbers<[1], [0], [0], [1], [0, 0, 1, 1], [], []>, transpose_lhs_hint = false} : vector<256x256xbf16>, vector<256x32xbf16>, vector<256x32xf32> -> vector<256x32xf32>
    %add3A_1590 = arith.addf %add3A_1586, %dot_general3A_1589 : vector<256x32xf32>
    %slice3A_1591 = vector.extract_strided_slice %convert_element_type3A_1297 {offsets = [0, 192], sizes = [256, 32], strides = [1, 1]} : vector<256x256xbf16> to vector<256x32xbf16>
    %slice3A_1592 = vector.extract_strided_slice %convert_element_type3A_1301 {offsets = [0, 192], sizes = [256, 32], strides = [1, 1]} : vector<256x256xbf16> to vector<256x32xbf16>
    %dot_general3A_1593 = arith.constant dense<0.000000e+00> : vector<256x256xf32>
    %dot_general3A_1594 = tpu.matmul %slice3A_1591, %slice3A_1592, %dot_general3A_1593 {dimension_numbers = #tpu.dot_dimension_numbers<[1], [1], [0], [0], [0, 0, 1, 0], [], []>, transpose_lhs_hint = false} : vector<256x32xbf16>, vector<256x32xbf16>, vector<256x256xf32> -> vector<256x256xf32>
    %slice3A_1595 = vector.extract_strided_slice %convert_element_type3A_1297 {offsets = [0, 192], sizes = [256, 32], strides = [1, 1]} : vector<256x256xbf16> to vector<256x32xbf16>
    %slice3A_1596 = vector.extract_strided_slice %convert_element_type3A_1304 {offsets = [0, 192], sizes = [256, 32], strides = [1, 1]} : vector<256x256xbf16> to vector<256x32xbf16>
    %dot_general3A_1597 = arith.constant dense<0.000000e+00> : vector<256x256xf32>
    %dot_general3A_1598 = tpu.matmul %slice3A_1595, %slice3A_1596, %dot_general3A_1597 {dimension_numbers = #tpu.dot_dimension_numbers<[1], [1], [0], [0], [0, 0, 1, 0], [], []>, transpose_lhs_hint = false} : vector<256x32xbf16>, vector<256x32xbf16>, vector<256x256xf32> -> vector<256x256xf32>
    %add3A_1599 = arith.addf %dot_general3A_1594, %dot_general3A_1598 : vector<256x256xf32>
    %slice3A_1600 = vector.extract_strided_slice %convert_element_type3A_1300 {offsets = [0, 192], sizes = [256, 32], strides = [1, 1]} : vector<256x256xbf16> to vector<256x32xbf16>
    %slice3A_1601 = vector.extract_strided_slice %convert_element_type3A_1301 {offsets = [0, 192], sizes = [256, 32], strides = [1, 1]} : vector<256x256xbf16> to vector<256x32xbf16>
    %dot_general3A_1602 = arith.constant dense<0.000000e+00> : vector<256x256xf32>
    %dot_general3A_1603 = tpu.matmul %slice3A_1600, %slice3A_1601, %dot_general3A_1602 {dimension_numbers = #tpu.dot_dimension_numbers<[1], [1], [0], [0], [0, 0, 1, 0], [], []>, transpose_lhs_hint = false} : vector<256x32xbf16>, vector<256x32xbf16>, vector<256x256xf32> -> vector<256x256xf32>
    %add3A_1604 = arith.addf %add3A_1599, %dot_general3A_1603 : vector<256x256xf32>
    %mul3A_1605 = arith.constant 0.176776692 : f32
    %mul3A_1606 = vector.broadcast %mul3A_1605 : f32 to vector<256x256xf32>
    %mul3A_1607 = arith.mulf %add3A_1604, %mul3A_1606 : vector<256x256xf32>
    %add3A_1608 = arith.addf %mul3A_1607, %select_n3A_1215 : vector<256x256xf32>
    %reduce_max3A_1609 = arith.constant dense<0xFF800000> : vector<256xf32>
    %reduce_max3A_1610 = vector.multi_reduction <maximumf>, %add3A_1608, %reduce_max3A_1609 [1] : vector<256x256xf32> to vector<256xf32>
    %max3A_1611 = arith.constant 0xFF800000 : f32
    %max3A_1612 = vector.broadcast %max3A_1611 : f32 to vector<256xf32>
    %max3A_1613 = arith.maximumf %max3A_1612, %reduce_max3A_1610 : vector<256xf32>
    %broadcast_in_dim3A_1614 = vector.shape_cast %max3A_1613 : vector<256xf32> to vector<256x1xf32>
    %sub3A_1615 = vector.broadcast %broadcast_in_dim3A_1614 : vector<256x1xf32> to vector<256x256xf32>
    %sub3A_1616 = arith.subf %add3A_1608, %sub3A_1615 : vector<256x256xf32>
    %exp3A_1617 = math.exp %sub3A_1616 : vector<256x256xf32>
    %reduce_sum3A_1618 = arith.constant dense<0.000000e+00> : vector<256xf32>
    %reduce_sum3A_1619 = vector.multi_reduction <add>, %exp3A_1617, %reduce_sum3A_1618 [1] : vector<256x256xf32> to vector<256xf32>
    %broadcast_in_dim3A_1620 = vector.shape_cast %reduce_sum3A_1619 : vector<256xf32> to vector<256x1xf32>
    %div3A_1621 = vector.broadcast %broadcast_in_dim3A_1620 : vector<256x1xf32> to vector<256x256xf32>
    %div3A_1622 = arith.divf %exp3A_1617, %div3A_1621 : vector<256x256xf32>
    %convert_element_type3A_1623 = arith.truncf %div3A_1622 : vector<256x256xf32> to vector<256x256xbf16>
    %convert_element_type3A_1624 = arith.extf %convert_element_type3A_1623 : vector<256x256xbf16> to vector<256x256xf32>
    %sub3A_1625 = arith.subf %div3A_1622, %convert_element_type3A_1624 : vector<256x256xf32>
    %convert_element_type3A_1626 = arith.truncf %sub3A_1625 : vector<256x256xf32> to vector<256x256xbf16>
    %slice3A_1627 = vector.extract_strided_slice %convert_element_type3A_1305 {offsets = [0, 192], sizes = [256, 32], strides = [1, 1]} : vector<256x256xbf16> to vector<256x32xbf16>
    %dot_general3A_1628 = arith.constant dense<0.000000e+00> : vector<256x32xf32>
    %dot_general3A_1629 = tpu.matmul %convert_element_type3A_1623, %slice3A_1627, %dot_general3A_1628 {dimension_numbers = #tpu.dot_dimension_numbers<[1], [0], [0], [1], [0, 0, 1, 1], [], []>, transpose_lhs_hint = false} : vector<256x256xbf16>, vector<256x32xbf16>, vector<256x32xf32> -> vector<256x32xf32>
    %slice3A_1630 = vector.extract_strided_slice %convert_element_type3A_1308 {offsets = [0, 192], sizes = [256, 32], strides = [1, 1]} : vector<256x256xbf16> to vector<256x32xbf16>
    %dot_general3A_1631 = arith.constant dense<0.000000e+00> : vector<256x32xf32>
    %dot_general3A_1632 = tpu.matmul %convert_element_type3A_1623, %slice3A_1630, %dot_general3A_1631 {dimension_numbers = #tpu.dot_dimension_numbers<[1], [0], [0], [1], [0, 0, 1, 1], [], []>, transpose_lhs_hint = false} : vector<256x256xbf16>, vector<256x32xbf16>, vector<256x32xf32> -> vector<256x32xf32>
    %add3A_1633 = arith.addf %dot_general3A_1629, %dot_general3A_1632 : vector<256x32xf32>
    %slice3A_1634 = vector.extract_strided_slice %convert_element_type3A_1305 {offsets = [0, 192], sizes = [256, 32], strides = [1, 1]} : vector<256x256xbf16> to vector<256x32xbf16>
    %dot_general3A_1635 = arith.constant dense<0.000000e+00> : vector<256x32xf32>
    %dot_general3A_1636 = tpu.matmul %convert_element_type3A_1626, %slice3A_1634, %dot_general3A_1635 {dimension_numbers = #tpu.dot_dimension_numbers<[1], [0], [0], [1], [0, 0, 1, 1], [], []>, transpose_lhs_hint = false} : vector<256x256xbf16>, vector<256x32xbf16>, vector<256x32xf32> -> vector<256x32xf32>
    %add3A_1637 = arith.addf %add3A_1633, %dot_general3A_1636 : vector<256x32xf32>
    %slice3A_1638 = vector.extract_strided_slice %convert_element_type3A_1297 {offsets = [0, 224], sizes = [256, 32], strides = [1, 1]} : vector<256x256xbf16> to vector<256x32xbf16>
    %slice3A_1639 = vector.extract_strided_slice %convert_element_type3A_1301 {offsets = [0, 224], sizes = [256, 32], strides = [1, 1]} : vector<256x256xbf16> to vector<256x32xbf16>
    %dot_general3A_1640 = arith.constant dense<0.000000e+00> : vector<256x256xf32>
    %dot_general3A_1641 = tpu.matmul %slice3A_1638, %slice3A_1639, %dot_general3A_1640 {dimension_numbers = #tpu.dot_dimension_numbers<[1], [1], [0], [0], [0, 0, 1, 0], [], []>, transpose_lhs_hint = false} : vector<256x32xbf16>, vector<256x32xbf16>, vector<256x256xf32> -> vector<256x256xf32>
    %slice3A_1642 = vector.extract_strided_slice %convert_element_type3A_1297 {offsets = [0, 224], sizes = [256, 32], strides = [1, 1]} : vector<256x256xbf16> to vector<256x32xbf16>
    %slice3A_1643 = vector.extract_strided_slice %convert_element_type3A_1304 {offsets = [0, 224], sizes = [256, 32], strides = [1, 1]} : vector<256x256xbf16> to vector<256x32xbf16>
    %dot_general3A_1644 = arith.constant dense<0.000000e+00> : vector<256x256xf32>
    %dot_general3A_1645 = tpu.matmul %slice3A_1642, %slice3A_1643, %dot_general3A_1644 {dimension_numbers = #tpu.dot_dimension_numbers<[1], [1], [0], [0], [0, 0, 1, 0], [], []>, transpose_lhs_hint = false} : vector<256x32xbf16>, vector<256x32xbf16>, vector<256x256xf32> -> vector<256x256xf32>
    %add3A_1646 = arith.addf %dot_general3A_1641, %dot_general3A_1645 : vector<256x256xf32>
    %slice3A_1647 = vector.extract_strided_slice %convert_element_type3A_1300 {offsets = [0, 224], sizes = [256, 32], strides = [1, 1]} : vector<256x256xbf16> to vector<256x32xbf16>
    %slice3A_1648 = vector.extract_strided_slice %convert_element_type3A_1301 {offsets = [0, 224], sizes = [256, 32], strides = [1, 1]} : vector<256x256xbf16> to vector<256x32xbf16>
    %dot_general3A_1649 = arith.constant dense<0.000000e+00> : vector<256x256xf32>
    %dot_general3A_1650 = tpu.matmul %slice3A_1647, %slice3A_1648, %dot_general3A_1649 {dimension_numbers = #tpu.dot_dimension_numbers<[1], [1], [0], [0], [0, 0, 1, 0], [], []>, transpose_lhs_hint = false} : vector<256x32xbf16>, vector<256x32xbf16>, vector<256x256xf32> -> vector<256x256xf32>
    %add3A_1651 = arith.addf %add3A_1646, %dot_general3A_1650 : vector<256x256xf32>
    %mul3A_1652 = arith.constant 0.176776692 : f32
    %mul3A_1653 = vector.broadcast %mul3A_1652 : f32 to vector<256x256xf32>
    %mul3A_1654 = arith.mulf %add3A_1651, %mul3A_1653 : vector<256x256xf32>
    %add3A_1655 = arith.addf %mul3A_1654, %select_n3A_1215 : vector<256x256xf32>
    %reduce_max3A_1656 = arith.constant dense<0xFF800000> : vector<256xf32>
    %reduce_max3A_1657 = vector.multi_reduction <maximumf>, %add3A_1655, %reduce_max3A_1656 [1] : vector<256x256xf32> to vector<256xf32>
    %max3A_1658 = arith.constant 0xFF800000 : f32
    %max3A_1659 = vector.broadcast %max3A_1658 : f32 to vector<256xf32>
    %max3A_1660 = arith.maximumf %max3A_1659, %reduce_max3A_1657 : vector<256xf32>
    %broadcast_in_dim3A_1661 = vector.shape_cast %max3A_1660 : vector<256xf32> to vector<256x1xf32>
    %sub3A_1662 = vector.broadcast %broadcast_in_dim3A_1661 : vector<256x1xf32> to vector<256x256xf32>
    %sub3A_1663 = arith.subf %add3A_1655, %sub3A_1662 : vector<256x256xf32>
    %exp3A_1664 = math.exp %sub3A_1663 : vector<256x256xf32>
    %reduce_sum3A_1665 = arith.constant dense<0.000000e+00> : vector<256xf32>
    %reduce_sum3A_1666 = vector.multi_reduction <add>, %exp3A_1664, %reduce_sum3A_1665 [1] : vector<256x256xf32> to vector<256xf32>
    %broadcast_in_dim3A_1667 = vector.shape_cast %reduce_sum3A_1666 : vector<256xf32> to vector<256x1xf32>
    %div3A_1668 = vector.broadcast %broadcast_in_dim3A_1667 : vector<256x1xf32> to vector<256x256xf32>
    %div3A_1669 = arith.divf %exp3A_1664, %div3A_1668 : vector<256x256xf32>
    %convert_element_type3A_1670 = arith.truncf %div3A_1669 : vector<256x256xf32> to vector<256x256xbf16>
    %convert_element_type3A_1671 = arith.extf %convert_element_type3A_1670 : vector<256x256xbf16> to vector<256x256xf32>
    %sub3A_1672 = arith.subf %div3A_1669, %convert_element_type3A_1671 : vector<256x256xf32>
    %convert_element_type3A_1673 = arith.truncf %sub3A_1672 : vector<256x256xf32> to vector<256x256xbf16>
    %slice3A_1674 = vector.extract_strided_slice %convert_element_type3A_1305 {offsets = [0, 224], sizes = [256, 32], strides = [1, 1]} : vector<256x256xbf16> to vector<256x32xbf16>
    %dot_general3A_1675 = arith.constant dense<0.000000e+00> : vector<256x32xf32>
    %dot_general3A_1676 = tpu.matmul %convert_element_type3A_1670, %slice3A_1674, %dot_general3A_1675 {dimension_numbers = #tpu.dot_dimension_numbers<[1], [0], [0], [1], [0, 0, 1, 1], [], []>, transpose_lhs_hint = false} : vector<256x256xbf16>, vector<256x32xbf16>, vector<256x32xf32> -> vector<256x32xf32>
    %slice3A_1677 = vector.extract_strided_slice %convert_element_type3A_1308 {offsets = [0, 224], sizes = [256, 32], strides = [1, 1]} : vector<256x256xbf16> to vector<256x32xbf16>
    %dot_general3A_1678 = arith.constant dense<0.000000e+00> : vector<256x32xf32>
    %dot_general3A_1679 = tpu.matmul %convert_element_type3A_1670, %slice3A_1677, %dot_general3A_1678 {dimension_numbers = #tpu.dot_dimension_numbers<[1], [0], [0], [1], [0, 0, 1, 1], [], []>, transpose_lhs_hint = false} : vector<256x256xbf16>, vector<256x32xbf16>, vector<256x32xf32> -> vector<256x32xf32>
    %add3A_1680 = arith.addf %dot_general3A_1676, %dot_general3A_1679 : vector<256x32xf32>
    %slice3A_1681 = vector.extract_strided_slice %convert_element_type3A_1305 {offsets = [0, 224], sizes = [256, 32], strides = [1, 1]} : vector<256x256xbf16> to vector<256x32xbf16>
    %dot_general3A_1682 = arith.constant dense<0.000000e+00> : vector<256x32xf32>
    %dot_general3A_1683 = tpu.matmul %convert_element_type3A_1673, %slice3A_1681, %dot_general3A_1682 {dimension_numbers = #tpu.dot_dimension_numbers<[1], [0], [0], [1], [0, 0, 1, 1], [], []>, transpose_lhs_hint = false} : vector<256x256xbf16>, vector<256x32xbf16>, vector<256x32xf32> -> vector<256x32xf32>
    %add3A_1684 = arith.addf %add3A_1680, %dot_general3A_1683 : vector<256x32xf32>
    %concatenate3A_1685 = tpu.concatenate %add3A_1355, %add3A_1402, %add3A_1449, %add3A_1496, %add3A_1543, %add3A_1590, %add3A_1637, %add3A_1684 in 1 : vector<256x32xf32>, vector<256x32xf32>, vector<256x32xf32>, vector<256x32xf32>, vector<256x32xf32>, vector<256x32xf32>, vector<256x32xf32>, vector<256x32xf32> -> vector<256x256xf32>
    %convert_element_type3A_1686 = arith.truncf %concatenate3A_1685 : vector<256x256xf32> to vector<256x256xbf16>
    %convert_element_type3A_1687 = arith.extf %convert_element_type3A_1686 : vector<256x256xbf16> to vector<256x256xf32>
    %sub3A_1688 = arith.subf %concatenate3A_1685, %convert_element_type3A_1687 : vector<256x256xf32>
    %convert_element_type3A_1689 = arith.truncf %sub3A_1688 : vector<256x256xf32> to vector<256x256xbf16>
    %get3A_1690 = arith.constant 0 : index
    %get3A_1691 = arith.constant 1 : index
    %get3A_1692 = arith.constant 0 : index
    %get3A_1693 = arith.constant 0 : index
    %get3A_1694 = vector.load %arg26[%get3A_1690, %get3A_1691, %get3A_1692, %get3A_1693] : memref<2x4x256x256xbf16, #tpu.memory_space<vmem>>, vector<1x1x256x256xbf16>
    %get3A_1695 = vector.shape_cast %get3A_1694 : vector<1x1x256x256xbf16> to vector<256x256xbf16>
    %get3A_1696 = arith.constant 1 : index
    %get3A_1697 = arith.constant 1 : index
    %get3A_1698 = arith.constant 0 : index
    %get3A_1699 = arith.constant 0 : index
    %get3A_1700 = vector.load %arg26[%get3A_1696, %get3A_1697, %get3A_1698, %get3A_1699] : memref<2x4x256x256xbf16, #tpu.memory_space<vmem>>, vector<1x1x256x256xbf16>
    %get3A_1701 = vector.shape_cast %get3A_1700 : vector<1x1x256x256xbf16> to vector<256x256xbf16>
    %dot_general3A_1702 = arith.constant dense<0.000000e+00> : vector<256x256xf32>
    %dot_general3A_1703 = tpu.matmul %convert_element_type3A_1686, %get3A_1695, %dot_general3A_1702 {dimension_numbers = #tpu.dot_dimension_numbers<[1], [0], [0], [1], [0, 0, 1, 1], [], []>, transpose_lhs_hint = false} : vector<256x256xbf16>, vector<256x256xbf16>, vector<256x256xf32> -> vector<256x256xf32>
    %dot_general3A_1704 = arith.constant dense<0.000000e+00> : vector<256x256xf32>
    %dot_general3A_1705 = tpu.matmul %convert_element_type3A_1686, %get3A_1701, %dot_general3A_1704 {dimension_numbers = #tpu.dot_dimension_numbers<[1], [0], [0], [1], [0, 0, 1, 1], [], []>, transpose_lhs_hint = false} : vector<256x256xbf16>, vector<256x256xbf16>, vector<256x256xf32> -> vector<256x256xf32>
    %add3A_1706 = arith.addf %dot_general3A_1703, %dot_general3A_1705 : vector<256x256xf32>
    %dot_general3A_1707 = arith.constant dense<0.000000e+00> : vector<256x256xf32>
    %dot_general3A_1708 = tpu.matmul %convert_element_type3A_1689, %get3A_1695, %dot_general3A_1707 {dimension_numbers = #tpu.dot_dimension_numbers<[1], [0], [0], [1], [0, 0, 1, 1], [], []>, transpose_lhs_hint = false} : vector<256x256xbf16>, vector<256x256xbf16>, vector<256x256xf32> -> vector<256x256xf32>
    %add3A_1709 = arith.addf %add3A_1706, %dot_general3A_1708 : vector<256x256xf32>
    %get3A_1710 = arith.constant 1 : index
    %get3A_1711 = arith.constant 0 : index
    %get3A_1712 = arith.constant 0 : index
    %get3A_1713 = vector.load %arg27[%get3A_1710, %get3A_1711, %get3A_1712] : memref<4x1x256xf32, #tpu.memory_space<vmem>>, vector<1x1x256xf32>
    %get3A_1714 = vector.shape_cast %get3A_1713 : vector<1x1x256xf32> to vector<1x256xf32>
    %add3A_1715 = vector.broadcast %get3A_1714 : vector<1x256xf32> to vector<256x256xf32>
    %add3A_1716 = arith.addf %add3A_1709, %add3A_1715 : vector<256x256xf32>
    %mul3A_1717 = vector.broadcast %logistic3A_1197 : vector<256x1xf32> to vector<256x256xf32>
    %mul3A_1718 = arith.mulf %add3A_1716, %mul3A_1717 : vector<256x256xf32>
    %add3A_1719 = arith.addf %add3A_1101, %div3A_1016 : vector<256x256xf32>
    %mul3A_1720 = vector.broadcast %broadcast_in_dim3A_1161 : vector<256x1xf32> to vector<256x256xf32>
    %mul3A_1721 = arith.mulf %mul3A_1720, %mul3A_1718 : vector<256x256xf32>
    %add3A_1722 = arith.addf %add3A_1719, %mul3A_1721 : vector<256x256xf32>
    %reduce_sum3A_1723 = arith.constant dense<0.000000e+00> : vector<256xf32>
    %reduce_sum3A_1724 = vector.multi_reduction <add>, %add3A_1722, %reduce_sum3A_1723 [1] : vector<256x256xf32> to vector<256xf32>
    %broadcast_in_dim3A_1725 = vector.shape_cast %reduce_sum3A_1724 : vector<256xf32> to vector<256x1xf32>
    %div3A_1726 = arith.constant 2.560000e+02 : f32
    %div3A_1727 = vector.broadcast %div3A_1726 : f32 to vector<256x1xf32>
    %div3A_1728 = arith.divf %broadcast_in_dim3A_1725, %div3A_1727 : vector<256x1xf32>
    %sub3A_1729 = vector.broadcast %div3A_1728 : vector<256x1xf32> to vector<256x256xf32>
    %sub3A_1730 = arith.subf %add3A_1722, %sub3A_1729 : vector<256x256xf32>
    %mul3A_1731 = arith.mulf %sub3A_1730, %sub3A_1730 : vector<256x256xf32>
    %reduce_sum3A_1732 = arith.constant dense<0.000000e+00> : vector<256xf32>
    %reduce_sum3A_1733 = vector.multi_reduction <add>, %mul3A_1731, %reduce_sum3A_1732 [1] : vector<256x256xf32> to vector<256xf32>
    %broadcast_in_dim3A_1734 = vector.shape_cast %reduce_sum3A_1733 : vector<256xf32> to vector<256x1xf32>
    %div3A_1735 = arith.constant 2.560000e+02 : f32
    %div3A_1736 = vector.broadcast %div3A_1735 : f32 to vector<256x1xf32>
    %div3A_1737 = arith.divf %broadcast_in_dim3A_1734, %div3A_1736 : vector<256x1xf32>
    %add3A_1738 = arith.constant 9.99999974E-6 : f32
    %add3A_1739 = vector.broadcast %add3A_1738 : f32 to vector<256x1xf32>
    %add3A_1740 = arith.addf %div3A_1737, %add3A_1739 : vector<256x1xf32>
    %sqrt3A_1741 = math.sqrt %add3A_1740 : vector<256x1xf32>
    %div3A_1742 = vector.broadcast %sqrt3A_1741 : vector<256x1xf32> to vector<256x256xf32>
    %div3A_1743 = arith.divf %sub3A_1730, %div3A_1742 : vector<256x256xf32>
    %convert_element_type3A_1744 = arith.truncf %div3A_1743 : vector<256x256xf32> to vector<256x256xbf16>
    %convert_element_type3A_1745 = arith.extf %convert_element_type3A_1744 : vector<256x256xbf16> to vector<256x256xf32>
    %sub3A_1746 = arith.subf %div3A_1743, %convert_element_type3A_1745 : vector<256x256xf32>
    %convert_element_type3A_1747 = arith.truncf %sub3A_1746 : vector<256x256xf32> to vector<256x256xbf16>
    %dot_general3A_1748 = arith.constant dense<0.000000e+00> : vector<256x256xf32>
    %dot_general3A_1749 = tpu.matmul %convert_element_type3A_300, %convert_element_type3A_1744, %dot_general3A_1748 {dimension_numbers = #tpu.dot_dimension_numbers<[1], [0], [0], [1], [0, 0, 1, 1], [], []>, transpose_lhs_hint = false} : vector<256x256xbf16>, vector<256x256xbf16>, vector<256x256xf32> -> vector<256x256xf32>
    %dot_general3A_1750 = arith.constant dense<0.000000e+00> : vector<256x256xf32>
    %dot_general3A_1751 = tpu.matmul %convert_element_type3A_300, %convert_element_type3A_1747, %dot_general3A_1750 {dimension_numbers = #tpu.dot_dimension_numbers<[1], [0], [0], [1], [0, 0, 1, 1], [], []>, transpose_lhs_hint = false} : vector<256x256xbf16>, vector<256x256xbf16>, vector<256x256xf32> -> vector<256x256xf32>
    %add3A_1752 = arith.addf %dot_general3A_1749, %dot_general3A_1751 : vector<256x256xf32>
    %dot_general3A_1753 = arith.constant dense<0.000000e+00> : vector<256x256xf32>
    %dot_general3A_1754 = tpu.matmul %convert_element_type3A_303, %convert_element_type3A_1744, %dot_general3A_1753 {dimension_numbers = #tpu.dot_dimension_numbers<[1], [0], [0], [1], [0, 0, 1, 1], [], []>, transpose_lhs_hint = false} : vector<256x256xbf16>, vector<256x256xbf16>, vector<256x256xf32> -> vector<256x256xf32>
    %add3A_1755 = arith.addf %add3A_1752, %dot_general3A_1754 : vector<256x256xf32>
    %get3A_1756 = arith.constant 0 : index
    %get3A_1757 = arith.constant 2 : index
    %get3A_1758 = vector.load %arg18[%get3A_1756, %get3A_1757] : memref<1x4xf32, #tpu.memory_space<vmem>>, vector<1x1xf32>
    %mul3A_1759 = vector.broadcast %get3A_1758 : vector<1x1xf32> to vector<256x256xf32>
    %mul3A_1760 = arith.mulf %mul3A_1759, %div3A_1743 : vector<256x256xf32>
    %add3A_1761 = arith.addf %div3A_1743, %mul3A_1760 : vector<256x256xf32>
    %add3A_1762 = arith.addf %add3A_1761, %add3A_1755 : vector<256x256xf32>
    %convert_element_type3A_1763 = arith.truncf %add3A_1762 : vector<256x256xf32> to vector<256x256xbf16>
    %convert_element_type3A_1764 = arith.extf %convert_element_type3A_1763 : vector<256x256xbf16> to vector<256x256xf32>
    %sub3A_1765 = arith.subf %add3A_1762, %convert_element_type3A_1764 : vector<256x256xf32>
    %convert_element_type3A_1766 = arith.truncf %sub3A_1765 : vector<256x256xf32> to vector<256x256xbf16>
    %get3A_1767 = arith.constant 0 : index
    %get3A_1768 = arith.constant 2 : index
    %get3A_1769 = arith.constant 0 : index
    %get3A_1770 = arith.constant 0 : index
    %get3A_1771 = vector.load %arg14[%get3A_1767, %get3A_1768, %get3A_1769, %get3A_1770] : memref<2x4x256x256xbf16, #tpu.memory_space<vmem>>, vector<1x1x256x256xbf16>
    %get3A_1772 = vector.shape_cast %get3A_1771 : vector<1x1x256x256xbf16> to vector<256x256xbf16>
    %get3A_1773 = arith.constant 1 : index
    %get3A_1774 = arith.constant 2 : index
    %get3A_1775 = arith.constant 0 : index
    %get3A_1776 = arith.constant 0 : index
    %get3A_1777 = vector.load %arg14[%get3A_1773, %get3A_1774, %get3A_1775, %get3A_1776] : memref<2x4x256x256xbf16, #tpu.memory_space<vmem>>, vector<1x1x256x256xbf16>
    %get3A_1778 = vector.shape_cast %get3A_1777 : vector<1x1x256x256xbf16> to vector<256x256xbf16>
    %dot_general3A_1779 = arith.constant dense<0.000000e+00> : vector<256x256xf32>
    %dot_general3A_1780 = tpu.matmul %convert_element_type3A_1763, %get3A_1772, %dot_general3A_1779 {dimension_numbers = #tpu.dot_dimension_numbers<[1], [0], [0], [1], [0, 0, 1, 1], [], []>, transpose_lhs_hint = false} : vector<256x256xbf16>, vector<256x256xbf16>, vector<256x256xf32> -> vector<256x256xf32>
    %dot_general3A_1781 = arith.constant dense<0.000000e+00> : vector<256x256xf32>
    %dot_general3A_1782 = tpu.matmul %convert_element_type3A_1763, %get3A_1778, %dot_general3A_1781 {dimension_numbers = #tpu.dot_dimension_numbers<[1], [0], [0], [1], [0, 0, 1, 1], [], []>, transpose_lhs_hint = false} : vector<256x256xbf16>, vector<256x256xbf16>, vector<256x256xf32> -> vector<256x256xf32>
    %add3A_1783 = arith.addf %dot_general3A_1780, %dot_general3A_1782 : vector<256x256xf32>
    %dot_general3A_1784 = arith.constant dense<0.000000e+00> : vector<256x256xf32>
    %dot_general3A_1785 = tpu.matmul %convert_element_type3A_1766, %get3A_1772, %dot_general3A_1784 {dimension_numbers = #tpu.dot_dimension_numbers<[1], [0], [0], [1], [0, 0, 1, 1], [], []>, transpose_lhs_hint = false} : vector<256x256xbf16>, vector<256x256xbf16>, vector<256x256xf32> -> vector<256x256xf32>
    %add3A_1786 = arith.addf %add3A_1783, %dot_general3A_1785 : vector<256x256xf32>
    %get3A_1787 = arith.constant 2 : index
    %get3A_1788 = arith.constant 0 : index
    %get3A_1789 = arith.constant 0 : index
    %get3A_1790 = vector.load %arg15[%get3A_1787, %get3A_1788, %get3A_1789] : memref<4x1x256xf32, #tpu.memory_space<vmem>>, vector<1x1x256xf32>
    %get3A_1791 = vector.shape_cast %get3A_1790 : vector<1x1x256xf32> to vector<1x256xf32>
    %add3A_1792 = vector.broadcast %get3A_1791 : vector<1x256xf32> to vector<256x256xf32>
    %add3A_1793 = arith.addf %add3A_1786, %add3A_1792 : vector<256x256xf32>
    %max3A_1794 = arith.constant 0.000000e+00 : f32
    %max3A_1795 = vector.broadcast %max3A_1794 : f32 to vector<256x256xf32>
    %max3A_1796 = arith.maximumf %add3A_1793, %max3A_1795 : vector<256x256xf32>
    %convert_element_type3A_1797 = arith.truncf %max3A_1796 : vector<256x256xf32> to vector<256x256xbf16>
    %convert_element_type3A_1798 = arith.extf %convert_element_type3A_1797 : vector<256x256xbf16> to vector<256x256xf32>
    %sub3A_1799 = arith.subf %max3A_1796, %convert_element_type3A_1798 : vector<256x256xf32>
    %convert_element_type3A_1800 = arith.truncf %sub3A_1799 : vector<256x256xf32> to vector<256x256xbf16>
    %get3A_1801 = arith.constant 0 : index
    %get3A_1802 = arith.constant 2 : index
    %get3A_1803 = arith.constant 0 : index
    %get3A_1804 = arith.constant 0 : index
    %get3A_1805 = vector.load %arg16[%get3A_1801, %get3A_1802, %get3A_1803, %get3A_1804] : memref<2x4x256x256xbf16, #tpu.memory_space<vmem>>, vector<1x1x256x256xbf16>
    %get3A_1806 = vector.shape_cast %get3A_1805 : vector<1x1x256x256xbf16> to vector<256x256xbf16>
    %get3A_1807 = arith.constant 1 : index
    %get3A_1808 = arith.constant 2 : index
    %get3A_1809 = arith.constant 0 : index
    %get3A_1810 = arith.constant 0 : index
    %get3A_1811 = vector.load %arg16[%get3A_1807, %get3A_1808, %get3A_1809, %get3A_1810] : memref<2x4x256x256xbf16, #tpu.memory_space<vmem>>, vector<1x1x256x256xbf16>
    %get3A_1812 = vector.shape_cast %get3A_1811 : vector<1x1x256x256xbf16> to vector<256x256xbf16>
    %dot_general3A_1813 = arith.constant dense<0.000000e+00> : vector<256x256xf32>
    %dot_general3A_1814 = tpu.matmul %convert_element_type3A_1797, %get3A_1806, %dot_general3A_1813 {dimension_numbers = #tpu.dot_dimension_numbers<[1], [0], [0], [1], [0, 0, 1, 1], [], []>, transpose_lhs_hint = false} : vector<256x256xbf16>, vector<256x256xbf16>, vector<256x256xf32> -> vector<256x256xf32>
    %dot_general3A_1815 = arith.constant dense<0.000000e+00> : vector<256x256xf32>
    %dot_general3A_1816 = tpu.matmul %convert_element_type3A_1797, %get3A_1812, %dot_general3A_1815 {dimension_numbers = #tpu.dot_dimension_numbers<[1], [0], [0], [1], [0, 0, 1, 1], [], []>, transpose_lhs_hint = false} : vector<256x256xbf16>, vector<256x256xbf16>, vector<256x256xf32> -> vector<256x256xf32>
    %add3A_1817 = arith.addf %dot_general3A_1814, %dot_general3A_1816 : vector<256x256xf32>
    %dot_general3A_1818 = arith.constant dense<0.000000e+00> : vector<256x256xf32>
    %dot_general3A_1819 = tpu.matmul %convert_element_type3A_1800, %get3A_1806, %dot_general3A_1818 {dimension_numbers = #tpu.dot_dimension_numbers<[1], [0], [0], [1], [0, 0, 1, 1], [], []>, transpose_lhs_hint = false} : vector<256x256xbf16>, vector<256x256xbf16>, vector<256x256xf32> -> vector<256x256xf32>
    %add3A_1820 = arith.addf %add3A_1817, %dot_general3A_1819 : vector<256x256xf32>
    %add3A_1821 = arith.addf %div3A_1743, %add3A_1820 : vector<256x256xf32>
    %get3A_1822 = arith.constant 2 : index
    %get3A_1823 = arith.constant 0 : index
    %get3A_1824 = arith.constant 0 : index
    %get3A_1825 = vector.load %arg17[%get3A_1822, %get3A_1823, %get3A_1824] : memref<4x1x256xf32, #tpu.memory_space<vmem>>, vector<1x1x256xf32>
    %get3A_1826 = vector.shape_cast %get3A_1825 : vector<1x1x256xf32> to vector<1x256xf32>
    %add3A_1827 = vector.broadcast %get3A_1826 : vector<1x256xf32> to vector<256x256xf32>
    %add3A_1828 = arith.addf %add3A_1821, %add3A_1827 : vector<256x256xf32>
    %get3A_1829 = arith.constant 2 : index
    %get3A_1830 = arith.constant 0 : index
    %get3A_1831 = arith.constant 0 : index
    %get3A_1832 = vector.load %arg19[%get3A_1829, %get3A_1830, %get3A_1831] : memref<4x1x256xf32, #tpu.memory_space<vmem>>, vector<1x1x256xf32>
    %get3A_1833 = vector.shape_cast %get3A_1832 : vector<1x1x256xf32> to vector<1x256xf32>
    %mul3A_1834 = vector.broadcast %get3A_1833 : vector<1x256xf32> to vector<256x256xf32>
    %mul3A_1835 = arith.mulf %div3A_1743, %mul3A_1834 : vector<256x256xf32>
    %reduce_sum3A_1836 = arith.constant dense<0.000000e+00> : vector<256xf32>
    %reduce_sum3A_1837 = vector.multi_reduction <add>, %mul3A_1835, %reduce_sum3A_1836 [1] : vector<256x256xf32> to vector<256xf32>
    %broadcast_in_dim3A_1838 = vector.shape_cast %reduce_sum3A_1837 : vector<256xf32> to vector<256x1xf32>
    %mul3A_1839 = vector.broadcast %broadcast_in_dim3A_1838 : vector<256x1xf32> to vector<256x256xf32>
    %mul3A_1840 = arith.mulf %convert_element_type3A_100, %mul3A_1839 : vector<256x256xf32>
    %convert_element_type3A_1841 = arith.truncf %mul3A_1840 : vector<256x256xf32> to vector<256x256xbf16>
    %convert_element_type3A_1842 = arith.extf %convert_element_type3A_1841 : vector<256x256xbf16> to vector<256x256xf32>
    %sub3A_1843 = arith.subf %mul3A_1840, %convert_element_type3A_1842 : vector<256x256xf32>
    %convert_element_type3A_1844 = arith.truncf %sub3A_1843 : vector<256x256xf32> to vector<256x256xbf16>
    %convert_element_type3A_1845 = arith.extf %convert_element_type3A_1844 : vector<256x256xbf16> to vector<256x256xf32>
    %sub3A_1846 = arith.subf %sub3A_1843, %convert_element_type3A_1845 : vector<256x256xf32>
    %convert_element_type3A_1847 = arith.truncf %sub3A_1846 : vector<256x256xf32> to vector<256x256xbf16>
    %dot_general3A_1848 = arith.constant dense<0.000000e+00> : vector<256x256xf32>
    %dot_general3A_1849 = tpu.matmul %convert_element_type3A_97, %convert_element_type3A_1841, %dot_general3A_1848 {dimension_numbers = #tpu.dot_dimension_numbers<[1], [0], [0], [1], [0, 0, 1, 1], [], []>, transpose_lhs_hint = false} : vector<256x256xbf16>, vector<256x256xbf16>, vector<256x256xf32> -> vector<256x256xf32>
    %dot_general3A_1850 = arith.constant dense<0.000000e+00> : vector<256x256xf32>
    %dot_general3A_1851 = tpu.matmul %convert_element_type3A_97, %convert_element_type3A_1844, %dot_general3A_1850 {dimension_numbers = #tpu.dot_dimension_numbers<[1], [0], [0], [1], [0, 0, 1, 1], [], []>, transpose_lhs_hint = false} : vector<256x256xbf16>, vector<256x256xbf16>, vector<256x256xf32> -> vector<256x256xf32>
    %add3A_1852 = arith.addf %dot_general3A_1849, %dot_general3A_1851 : vector<256x256xf32>
    %dot_general3A_1853 = arith.constant dense<0.000000e+00> : vector<256x256xf32>
    %dot_general3A_1854 = tpu.matmul %convert_element_type3A_97, %convert_element_type3A_1847, %dot_general3A_1853 {dimension_numbers = #tpu.dot_dimension_numbers<[1], [0], [0], [1], [0, 0, 1, 1], [], []>, transpose_lhs_hint = false} : vector<256x256xbf16>, vector<256x256xbf16>, vector<256x256xf32> -> vector<256x256xf32>
    %add3A_1855 = arith.addf %add3A_1852, %dot_general3A_1854 : vector<256x256xf32>
    %lt3A_1856 = vector.broadcast %broadcast_in_dim3A_1838 : vector<256x1xf32> to vector<256x256xf32>
    %lt3A_1857 = arith.cmpf olt, %add3A_1855, %lt3A_1856 : vector<256x256xf32>
    %eq3A_1858 = vector.broadcast %broadcast_in_dim3A_1838 : vector<256x1xf32> to vector<256x256xf32>
    %eq3A_1859 = arith.cmpf oeq, %add3A_1855, %eq3A_1858 : vector<256x256xf32>
    %lt3A_1860 = arith.cmpi slt, %iota3A_0, %iota3A : vector<256x256xi32>
    %and3A_1861 = arith.andi %eq3A_1859, %lt3A_1860 : vector<256x256xi1>
    %or3A_1862 = arith.ori %lt3A_1857, %and3A_1861 : vector<256x256xi1>
    %and3A_1863 = arith.andi %eq3A, %or3A_1862 : vector<256x256xi1>
    %convert_element_type3A_1864 = arith.extui %and3A_1863 : vector<256x256xi1> to vector<256x256xi32>
    %convert_element_type3A_1865 = arith.sitofp %convert_element_type3A_1864 : vector<256x256xi32> to vector<256x256xf32>
    %reduce_sum3A_1866 = arith.constant dense<0.000000e+00> : vector<256xf32>
    %reduce_sum3A_1867 = vector.multi_reduction <add>, %convert_element_type3A_1865, %reduce_sum3A_1866 [1] : vector<256x256xf32> to vector<256xf32>
    %broadcast_in_dim3A_1868 = vector.shape_cast %reduce_sum3A_1867 : vector<256xf32> to vector<256x1xf32>
    %eq3A_1869 = arith.constant 2 : i32
    %eq3A_1870 = vector.broadcast %eq3A_1869 : i32 to vector<1x128xi32>
    %eq3A_1871 = arith.cmpi eq, %iota3A_96, %eq3A_1870 : vector<1x128xi32>
    %convert_element_type3A_1872 = arith.extui %eq3A_1871 : vector<1x128xi1> to vector<1x128xi32>
    %convert_element_type3A_1873 = arith.sitofp %convert_element_type3A_1872 : vector<1x128xi32> to vector<1x128xf32>
    %mul3A_1874 = vector.broadcast %convert_element_type3A_1873 : vector<1x128xf32> to vector<256x128xf32>
    %mul3A_1875 = arith.mulf %add3A_234, %mul3A_1874 : vector<256x128xf32>
    %reduce_sum3A_1876 = arith.constant dense<0.000000e+00> : vector<256xf32>
    %reduce_sum3A_1877 = vector.multi_reduction <add>, %mul3A_1875, %reduce_sum3A_1876 [1] : vector<256x128xf32> to vector<256xf32>
    %broadcast_in_dim3A_1878 = vector.shape_cast %reduce_sum3A_1877 : vector<256xf32> to vector<256x1xf32>
    %eq3A_1879 = arith.constant 6 : i32
    %eq3A_1880 = vector.broadcast %eq3A_1879 : i32 to vector<1x128xi32>
    %eq3A_1881 = arith.cmpi eq, %iota3A_96, %eq3A_1880 : vector<1x128xi32>
    %convert_element_type3A_1882 = arith.extui %eq3A_1881 : vector<1x128xi1> to vector<1x128xi32>
    %convert_element_type3A_1883 = arith.sitofp %convert_element_type3A_1882 : vector<1x128xi32> to vector<1x128xf32>
    %mul3A_1884 = vector.broadcast %convert_element_type3A_1883 : vector<1x128xf32> to vector<256x128xf32>
    %mul3A_1885 = arith.mulf %logistic3A_240, %mul3A_1884 : vector<256x128xf32>
    %reduce_sum3A_1886 = arith.constant dense<0.000000e+00> : vector<256xf32>
    %reduce_sum3A_1887 = vector.multi_reduction <add>, %mul3A_1885, %reduce_sum3A_1886 [1] : vector<256x128xf32> to vector<256xf32>
    %broadcast_in_dim3A_1888 = vector.shape_cast %reduce_sum3A_1887 : vector<256xf32> to vector<256x1xf32>
    %sub3A_1889 = arith.constant 1.000000e+00 : f32
    %sub3A_1890 = vector.broadcast %sub3A_1889 : f32 to vector<256x1xf32>
    %sub3A_1891 = arith.subf %sub3A_1890, %broadcast_in_dim3A_1878 : vector<256x1xf32>
    %mul3A_1892 = arith.constant 3.100000e+01 : f32
    %mul3A_1893 = vector.broadcast %mul3A_1892 : f32 to vector<256x1xf32>
    %mul3A_1894 = arith.mulf %sub3A_1891, %mul3A_1893 : vector<256x1xf32>
    %floor3A_1895 = math.floor %mul3A_1894 : vector<256x1xf32>
    %jit3A_1896 = arith.constant 0.000000e+00 : f32
    %jit3A_1897 = arith.constant 3.100000e+01 : f32
    %max3A_1898 = vector.broadcast %jit3A_1896 : f32 to vector<256x1xf32>
    %max3A_1899 = arith.maximumf %max3A_1898, %floor3A_1895 : vector<256x1xf32>
    %min3A_1900 = vector.broadcast %jit3A_1897 : f32 to vector<256x1xf32>
    %min3A_1901 = arith.minimumf %min3A_1900, %max3A_1899 : vector<256x1xf32>
    %sub3A_1902 = arith.subf %broadcast_in_dim3A_1868, %min3A_1901 : vector<256x1xf32>
    %mul3A_1903 = vector.broadcast %sub3A_1902 : vector<256x1xf32> to vector<256x256xf32>
    %mul3A_1904 = arith.mulf %convert_element_type3A_100, %mul3A_1903 : vector<256x256xf32>
    %convert_element_type3A_1905 = arith.truncf %mul3A_1904 : vector<256x256xf32> to vector<256x256xbf16>
    %dot_general3A_1906 = arith.constant dense<0.000000e+00> : vector<256x256xf32>
    %dot_general3A_1907 = tpu.matmul %convert_element_type3A_97, %convert_element_type3A_1905, %dot_general3A_1906 {dimension_numbers = #tpu.dot_dimension_numbers<[1], [0], [0], [1], [0, 0, 1, 1], [], []>, transpose_lhs_hint = false} : vector<256x256xbf16>, vector<256x256xbf16>, vector<256x256xf32> -> vector<256x256xf32>
    %eq3A_1908 = arith.constant 0.000000e+00 : f32
    %eq3A_1909 = vector.broadcast %eq3A_1908 : f32 to vector<256x256xf32>
    %eq3A_1910 = arith.cmpf oeq, %dot_general3A_1907, %eq3A_1909 : vector<256x256xf32>
    %convert_element_type3A_1911 = arith.extui %eq3A_1910 : vector<256x256xi1> to vector<256x256xi32>
    %convert_element_type3A_1912 = arith.sitofp %convert_element_type3A_1911 : vector<256x256xi32> to vector<256x256xf32>
    %mul3A_1913 = arith.mulf %convert_element_type3A_55, %add3A_1855 : vector<256x256xf32>
    %mul3A_1914 = arith.mulf %mul3A_1913, %convert_element_type3A_1912 : vector<256x256xf32>
    %reduce_sum3A_1915 = arith.constant dense<0.000000e+00> : vector<256xf32>
    %reduce_sum3A_1916 = vector.multi_reduction <add>, %mul3A_1914, %reduce_sum3A_1915 [1] : vector<256x256xf32> to vector<256xf32>
    %broadcast_in_dim3A_1917 = vector.shape_cast %reduce_sum3A_1916 : vector<256xf32> to vector<256x1xf32>
    %sub3A_1918 = arith.subf %broadcast_in_dim3A_1838, %broadcast_in_dim3A_1917 : vector<256x1xf32>
    %logistic3A_1919 = arith.negf %sub3A_1918 : vector<256x1xf32>
    %logistic3A_1920 = math.exp %logistic3A_1919 : vector<256x1xf32>
    %logistic3A_1921 = arith.constant 1.000000e+00 : f32
    %logistic3A_1922 = vector.broadcast %logistic3A_1921 : f32 to vector<256x1xf32>
    %logistic3A_1923 = arith.addf %logistic3A_1922, %logistic3A_1920 : vector<256x1xf32>
    %logistic3A_1924 = arith.divf %logistic3A_1922, %logistic3A_1923 : vector<256x1xf32>
    %add3A_1925 = arith.constant 9.99999997E-7 : f32
    %add3A_1926 = vector.broadcast %add3A_1925 : f32 to vector<256x1xf32>
    %add3A_1927 = arith.addf %logistic3A_1924, %add3A_1926 : vector<256x1xf32>
    %log3A_1928 = math.log %add3A_1927 : vector<256x1xf32>
    %mul3A_1929 = vector.broadcast %log3A_1928 : vector<256x1xf32> to vector<256x256xf32>
    %mul3A_1930 = arith.mulf %convert_element_type3A_100, %mul3A_1929 : vector<256x256xf32>
    %convert_element_type3A_1931 = arith.truncf %mul3A_1930 : vector<256x256xf32> to vector<256x256xbf16>
    %convert_element_type3A_1932 = arith.extf %convert_element_type3A_1931 : vector<256x256xbf16> to vector<256x256xf32>
    %sub3A_1933 = arith.subf %mul3A_1930, %convert_element_type3A_1932 : vector<256x256xf32>
    %convert_element_type3A_1934 = arith.truncf %sub3A_1933 : vector<256x256xf32> to vector<256x256xbf16>
    %dot_general3A_1935 = arith.constant dense<0.000000e+00> : vector<256x256xf32>
    %dot_general3A_1936 = tpu.matmul %convert_element_type3A_97, %convert_element_type3A_1931, %dot_general3A_1935 {dimension_numbers = #tpu.dot_dimension_numbers<[1], [0], [0], [1], [0, 0, 1, 1], [], []>, transpose_lhs_hint = false} : vector<256x256xbf16>, vector<256x256xbf16>, vector<256x256xf32> -> vector<256x256xf32>
    %dot_general3A_1937 = arith.constant dense<0.000000e+00> : vector<256x256xf32>
    %dot_general3A_1938 = tpu.matmul %convert_element_type3A_97, %convert_element_type3A_1934, %dot_general3A_1937 {dimension_numbers = #tpu.dot_dimension_numbers<[1], [0], [0], [1], [0, 0, 1, 1], [], []>, transpose_lhs_hint = false} : vector<256x256xbf16>, vector<256x256xbf16>, vector<256x256xf32> -> vector<256x256xf32>
    %add3A_1939 = arith.addf %dot_general3A_1936, %dot_general3A_1938 : vector<256x256xf32>
    %jit3A_1940 = arith.constant -1.000000e+30 : f32
    %broadcast_in_dim3A_1941 = vector.broadcast %jit3A_1940 : f32 to vector<256x256xf32>
    %select_n3A_1942 = arith.select %eq3A, %add3A_1939, %broadcast_in_dim3A_1941 : vector<256x256xi1>, vector<256x256xf32>
    %get3A_1943 = arith.constant 0 : index
    %get3A_1944 = arith.constant 2 : index
    %get3A_1945 = arith.constant 0 : index
    %get3A_1946 = arith.constant 0 : index
    %get3A_1947 = vector.load %arg20[%get3A_1943, %get3A_1944, %get3A_1945, %get3A_1946] : memref<2x4x256x256xbf16, #tpu.memory_space<vmem>>, vector<1x1x256x256xbf16>
    %get3A_1948 = vector.shape_cast %get3A_1947 : vector<1x1x256x256xbf16> to vector<256x256xbf16>
    %get3A_1949 = arith.constant 1 : index
    %get3A_1950 = arith.constant 2 : index
    %get3A_1951 = arith.constant 0 : index
    %get3A_1952 = arith.constant 0 : index
    %get3A_1953 = vector.load %arg20[%get3A_1949, %get3A_1950, %get3A_1951, %get3A_1952] : memref<2x4x256x256xbf16, #tpu.memory_space<vmem>>, vector<1x1x256x256xbf16>
    %get3A_1954 = vector.shape_cast %get3A_1953 : vector<1x1x256x256xbf16> to vector<256x256xbf16>
    %dot_general3A_1955 = arith.constant dense<0.000000e+00> : vector<256x256xf32>
    %dot_general3A_1956 = tpu.matmul %convert_element_type3A_1744, %get3A_1948, %dot_general3A_1955 {dimension_numbers = #tpu.dot_dimension_numbers<[1], [0], [0], [1], [0, 0, 1, 1], [], []>, transpose_lhs_hint = false} : vector<256x256xbf16>, vector<256x256xbf16>, vector<256x256xf32> -> vector<256x256xf32>
    %dot_general3A_1957 = arith.constant dense<0.000000e+00> : vector<256x256xf32>
    %dot_general3A_1958 = tpu.matmul %convert_element_type3A_1744, %get3A_1954, %dot_general3A_1957 {dimension_numbers = #tpu.dot_dimension_numbers<[1], [0], [0], [1], [0, 0, 1, 1], [], []>, transpose_lhs_hint = false} : vector<256x256xbf16>, vector<256x256xbf16>, vector<256x256xf32> -> vector<256x256xf32>
    %add3A_1959 = arith.addf %dot_general3A_1956, %dot_general3A_1958 : vector<256x256xf32>
    %dot_general3A_1960 = arith.constant dense<0.000000e+00> : vector<256x256xf32>
    %dot_general3A_1961 = tpu.matmul %convert_element_type3A_1747, %get3A_1948, %dot_general3A_1960 {dimension_numbers = #tpu.dot_dimension_numbers<[1], [0], [0], [1], [0, 0, 1, 1], [], []>, transpose_lhs_hint = false} : vector<256x256xbf16>, vector<256x256xbf16>, vector<256x256xf32> -> vector<256x256xf32>
    %add3A_1962 = arith.addf %add3A_1959, %dot_general3A_1961 : vector<256x256xf32>
    %get3A_1963 = arith.constant 2 : index
    %get3A_1964 = arith.constant 0 : index
    %get3A_1965 = arith.constant 0 : index
    %get3A_1966 = vector.load %arg21[%get3A_1963, %get3A_1964, %get3A_1965] : memref<4x1x256xf32, #tpu.memory_space<vmem>>, vector<1x1x256xf32>
    %get3A_1967 = vector.shape_cast %get3A_1966 : vector<1x1x256xf32> to vector<1x256xf32>
    %add3A_1968 = vector.broadcast %get3A_1967 : vector<1x256xf32> to vector<256x256xf32>
    %add3A_1969 = arith.addf %add3A_1962, %add3A_1968 : vector<256x256xf32>
    %get3A_1970 = arith.constant 0 : index
    %get3A_1971 = arith.constant 2 : index
    %get3A_1972 = arith.constant 0 : index
    %get3A_1973 = arith.constant 0 : index
    %get3A_1974 = vector.load %arg22[%get3A_1970, %get3A_1971, %get3A_1972, %get3A_1973] : memref<2x4x256x256xbf16, #tpu.memory_space<vmem>>, vector<1x1x256x256xbf16>
    %get3A_1975 = vector.shape_cast %get3A_1974 : vector<1x1x256x256xbf16> to vector<256x256xbf16>
    %get3A_1976 = arith.constant 1 : index
    %get3A_1977 = arith.constant 2 : index
    %get3A_1978 = arith.constant 0 : index
    %get3A_1979 = arith.constant 0 : index
    %get3A_1980 = vector.load %arg22[%get3A_1976, %get3A_1977, %get3A_1978, %get3A_1979] : memref<2x4x256x256xbf16, #tpu.memory_space<vmem>>, vector<1x1x256x256xbf16>
    %get3A_1981 = vector.shape_cast %get3A_1980 : vector<1x1x256x256xbf16> to vector<256x256xbf16>
    %dot_general3A_1982 = arith.constant dense<0.000000e+00> : vector<256x256xf32>
    %dot_general3A_1983 = tpu.matmul %convert_element_type3A_1744, %get3A_1975, %dot_general3A_1982 {dimension_numbers = #tpu.dot_dimension_numbers<[1], [0], [0], [1], [0, 0, 1, 1], [], []>, transpose_lhs_hint = false} : vector<256x256xbf16>, vector<256x256xbf16>, vector<256x256xf32> -> vector<256x256xf32>
    %dot_general3A_1984 = arith.constant dense<0.000000e+00> : vector<256x256xf32>
    %dot_general3A_1985 = tpu.matmul %convert_element_type3A_1744, %get3A_1981, %dot_general3A_1984 {dimension_numbers = #tpu.dot_dimension_numbers<[1], [0], [0], [1], [0, 0, 1, 1], [], []>, transpose_lhs_hint = false} : vector<256x256xbf16>, vector<256x256xbf16>, vector<256x256xf32> -> vector<256x256xf32>
    %add3A_1986 = arith.addf %dot_general3A_1983, %dot_general3A_1985 : vector<256x256xf32>
    %dot_general3A_1987 = arith.constant dense<0.000000e+00> : vector<256x256xf32>
    %dot_general3A_1988 = tpu.matmul %convert_element_type3A_1747, %get3A_1975, %dot_general3A_1987 {dimension_numbers = #tpu.dot_dimension_numbers<[1], [0], [0], [1], [0, 0, 1, 1], [], []>, transpose_lhs_hint = false} : vector<256x256xbf16>, vector<256x256xbf16>, vector<256x256xf32> -> vector<256x256xf32>
    %add3A_1989 = arith.addf %add3A_1986, %dot_general3A_1988 : vector<256x256xf32>
    %get3A_1990 = arith.constant 2 : index
    %get3A_1991 = arith.constant 0 : index
    %get3A_1992 = arith.constant 0 : index
    %get3A_1993 = vector.load %arg23[%get3A_1990, %get3A_1991, %get3A_1992] : memref<4x1x256xf32, #tpu.memory_space<vmem>>, vector<1x1x256xf32>
    %get3A_1994 = vector.shape_cast %get3A_1993 : vector<1x1x256xf32> to vector<1x256xf32>
    %add3A_1995 = vector.broadcast %get3A_1994 : vector<1x256xf32> to vector<256x256xf32>
    %add3A_1996 = arith.addf %add3A_1989, %add3A_1995 : vector<256x256xf32>
    %get3A_1997 = arith.constant 0 : index
    %get3A_1998 = arith.constant 2 : index
    %get3A_1999 = arith.constant 0 : index
    %get3A_2000 = arith.constant 0 : index
    %get3A_2001 = vector.load %arg24[%get3A_1997, %get3A_1998, %get3A_1999, %get3A_2000] : memref<2x4x256x256xbf16, #tpu.memory_space<vmem>>, vector<1x1x256x256xbf16>
    %get3A_2002 = vector.shape_cast %get3A_2001 : vector<1x1x256x256xbf16> to vector<256x256xbf16>
    %get3A_2003 = arith.constant 1 : index
    %get3A_2004 = arith.constant 2 : index
    %get3A_2005 = arith.constant 0 : index
    %get3A_2006 = arith.constant 0 : index
    %get3A_2007 = vector.load %arg24[%get3A_2003, %get3A_2004, %get3A_2005, %get3A_2006] : memref<2x4x256x256xbf16, #tpu.memory_space<vmem>>, vector<1x1x256x256xbf16>
    %get3A_2008 = vector.shape_cast %get3A_2007 : vector<1x1x256x256xbf16> to vector<256x256xbf16>
    %dot_general3A_2009 = arith.constant dense<0.000000e+00> : vector<256x256xf32>
    %dot_general3A_2010 = tpu.matmul %convert_element_type3A_1744, %get3A_2002, %dot_general3A_2009 {dimension_numbers = #tpu.dot_dimension_numbers<[1], [0], [0], [1], [0, 0, 1, 1], [], []>, transpose_lhs_hint = false} : vector<256x256xbf16>, vector<256x256xbf16>, vector<256x256xf32> -> vector<256x256xf32>
    %dot_general3A_2011 = arith.constant dense<0.000000e+00> : vector<256x256xf32>
    %dot_general3A_2012 = tpu.matmul %convert_element_type3A_1744, %get3A_2008, %dot_general3A_2011 {dimension_numbers = #tpu.dot_dimension_numbers<[1], [0], [0], [1], [0, 0, 1, 1], [], []>, transpose_lhs_hint = false} : vector<256x256xbf16>, vector<256x256xbf16>, vector<256x256xf32> -> vector<256x256xf32>
    %add3A_2013 = arith.addf %dot_general3A_2010, %dot_general3A_2012 : vector<256x256xf32>
    %dot_general3A_2014 = arith.constant dense<0.000000e+00> : vector<256x256xf32>
    %dot_general3A_2015 = tpu.matmul %convert_element_type3A_1747, %get3A_2002, %dot_general3A_2014 {dimension_numbers = #tpu.dot_dimension_numbers<[1], [0], [0], [1], [0, 0, 1, 1], [], []>, transpose_lhs_hint = false} : vector<256x256xbf16>, vector<256x256xbf16>, vector<256x256xf32> -> vector<256x256xf32>
    %add3A_2016 = arith.addf %add3A_2013, %dot_general3A_2015 : vector<256x256xf32>
    %get3A_2017 = arith.constant 2 : index
    %get3A_2018 = arith.constant 0 : index
    %get3A_2019 = arith.constant 0 : index
    %get3A_2020 = vector.load %arg25[%get3A_2017, %get3A_2018, %get3A_2019] : memref<4x1x256xf32, #tpu.memory_space<vmem>>, vector<1x1x256xf32>
    %get3A_2021 = vector.shape_cast %get3A_2020 : vector<1x1x256xf32> to vector<1x256xf32>
    %add3A_2022 = vector.broadcast %get3A_2021 : vector<1x256xf32> to vector<256x256xf32>
    %add3A_2023 = arith.addf %add3A_2016, %add3A_2022 : vector<256x256xf32>
    %convert_element_type3A_2024 = arith.truncf %add3A_1969 : vector<256x256xf32> to vector<256x256xbf16>
    %convert_element_type3A_2025 = arith.extf %convert_element_type3A_2024 : vector<256x256xbf16> to vector<256x256xf32>
    %sub3A_2026 = arith.subf %add3A_1969, %convert_element_type3A_2025 : vector<256x256xf32>
    %convert_element_type3A_2027 = arith.truncf %sub3A_2026 : vector<256x256xf32> to vector<256x256xbf16>
    %convert_element_type3A_2028 = arith.truncf %add3A_1996 : vector<256x256xf32> to vector<256x256xbf16>
    %convert_element_type3A_2029 = arith.extf %convert_element_type3A_2028 : vector<256x256xbf16> to vector<256x256xf32>
    %sub3A_2030 = arith.subf %add3A_1996, %convert_element_type3A_2029 : vector<256x256xf32>
    %convert_element_type3A_2031 = arith.truncf %sub3A_2030 : vector<256x256xf32> to vector<256x256xbf16>
    %convert_element_type3A_2032 = arith.truncf %add3A_2023 : vector<256x256xf32> to vector<256x256xbf16>
    %convert_element_type3A_2033 = arith.extf %convert_element_type3A_2032 : vector<256x256xbf16> to vector<256x256xf32>
    %sub3A_2034 = arith.subf %add3A_2023, %convert_element_type3A_2033 : vector<256x256xf32>
    %convert_element_type3A_2035 = arith.truncf %sub3A_2034 : vector<256x256xf32> to vector<256x256xbf16>
    %slice3A_2036 = vector.extract_strided_slice %convert_element_type3A_2024 {offsets = [0, 0], sizes = [256, 32], strides = [1, 1]} : vector<256x256xbf16> to vector<256x32xbf16>
    %slice3A_2037 = vector.extract_strided_slice %convert_element_type3A_2028 {offsets = [0, 0], sizes = [256, 32], strides = [1, 1]} : vector<256x256xbf16> to vector<256x32xbf16>
    %dot_general3A_2038 = arith.constant dense<0.000000e+00> : vector<256x256xf32>
    %dot_general3A_2039 = tpu.matmul %slice3A_2036, %slice3A_2037, %dot_general3A_2038 {dimension_numbers = #tpu.dot_dimension_numbers<[1], [1], [0], [0], [0, 0, 1, 0], [], []>, transpose_lhs_hint = false} : vector<256x32xbf16>, vector<256x32xbf16>, vector<256x256xf32> -> vector<256x256xf32>
    %slice3A_2040 = vector.extract_strided_slice %convert_element_type3A_2024 {offsets = [0, 0], sizes = [256, 32], strides = [1, 1]} : vector<256x256xbf16> to vector<256x32xbf16>
    %slice3A_2041 = vector.extract_strided_slice %convert_element_type3A_2031 {offsets = [0, 0], sizes = [256, 32], strides = [1, 1]} : vector<256x256xbf16> to vector<256x32xbf16>
    %dot_general3A_2042 = arith.constant dense<0.000000e+00> : vector<256x256xf32>
    %dot_general3A_2043 = tpu.matmul %slice3A_2040, %slice3A_2041, %dot_general3A_2042 {dimension_numbers = #tpu.dot_dimension_numbers<[1], [1], [0], [0], [0, 0, 1, 0], [], []>, transpose_lhs_hint = false} : vector<256x32xbf16>, vector<256x32xbf16>, vector<256x256xf32> -> vector<256x256xf32>
    %add3A_2044 = arith.addf %dot_general3A_2039, %dot_general3A_2043 : vector<256x256xf32>
    %slice3A_2045 = vector.extract_strided_slice %convert_element_type3A_2027 {offsets = [0, 0], sizes = [256, 32], strides = [1, 1]} : vector<256x256xbf16> to vector<256x32xbf16>
    %slice3A_2046 = vector.extract_strided_slice %convert_element_type3A_2028 {offsets = [0, 0], sizes = [256, 32], strides = [1, 1]} : vector<256x256xbf16> to vector<256x32xbf16>
    %dot_general3A_2047 = arith.constant dense<0.000000e+00> : vector<256x256xf32>
    %dot_general3A_2048 = tpu.matmul %slice3A_2045, %slice3A_2046, %dot_general3A_2047 {dimension_numbers = #tpu.dot_dimension_numbers<[1], [1], [0], [0], [0, 0, 1, 0], [], []>, transpose_lhs_hint = false} : vector<256x32xbf16>, vector<256x32xbf16>, vector<256x256xf32> -> vector<256x256xf32>
    %add3A_2049 = arith.addf %add3A_2044, %dot_general3A_2048 : vector<256x256xf32>
    %mul3A_2050 = arith.constant 0.176776692 : f32
    %mul3A_2051 = vector.broadcast %mul3A_2050 : f32 to vector<256x256xf32>
    %mul3A_2052 = arith.mulf %add3A_2049, %mul3A_2051 : vector<256x256xf32>
    %add3A_2053 = arith.addf %mul3A_2052, %select_n3A_1942 : vector<256x256xf32>
    %reduce_max3A_2054 = arith.constant dense<0xFF800000> : vector<256xf32>
    %reduce_max3A_2055 = vector.multi_reduction <maximumf>, %add3A_2053, %reduce_max3A_2054 [1] : vector<256x256xf32> to vector<256xf32>
    %max3A_2056 = arith.constant 0xFF800000 : f32
    %max3A_2057 = vector.broadcast %max3A_2056 : f32 to vector<256xf32>
    %max3A_2058 = arith.maximumf %max3A_2057, %reduce_max3A_2055 : vector<256xf32>
    %broadcast_in_dim3A_2059 = vector.shape_cast %max3A_2058 : vector<256xf32> to vector<256x1xf32>
    %sub3A_2060 = vector.broadcast %broadcast_in_dim3A_2059 : vector<256x1xf32> to vector<256x256xf32>
    %sub3A_2061 = arith.subf %add3A_2053, %sub3A_2060 : vector<256x256xf32>
    %exp3A_2062 = math.exp %sub3A_2061 : vector<256x256xf32>
    %reduce_sum3A_2063 = arith.constant dense<0.000000e+00> : vector<256xf32>
    %reduce_sum3A_2064 = vector.multi_reduction <add>, %exp3A_2062, %reduce_sum3A_2063 [1] : vector<256x256xf32> to vector<256xf32>
    %broadcast_in_dim3A_2065 = vector.shape_cast %reduce_sum3A_2064 : vector<256xf32> to vector<256x1xf32>
    %div3A_2066 = vector.broadcast %broadcast_in_dim3A_2065 : vector<256x1xf32> to vector<256x256xf32>
    %div3A_2067 = arith.divf %exp3A_2062, %div3A_2066 : vector<256x256xf32>
    %convert_element_type3A_2068 = arith.truncf %div3A_2067 : vector<256x256xf32> to vector<256x256xbf16>
    %convert_element_type3A_2069 = arith.extf %convert_element_type3A_2068 : vector<256x256xbf16> to vector<256x256xf32>
    %sub3A_2070 = arith.subf %div3A_2067, %convert_element_type3A_2069 : vector<256x256xf32>
    %convert_element_type3A_2071 = arith.truncf %sub3A_2070 : vector<256x256xf32> to vector<256x256xbf16>
    %slice3A_2072 = vector.extract_strided_slice %convert_element_type3A_2032 {offsets = [0, 0], sizes = [256, 32], strides = [1, 1]} : vector<256x256xbf16> to vector<256x32xbf16>
    %dot_general3A_2073 = arith.constant dense<0.000000e+00> : vector<256x32xf32>
    %dot_general3A_2074 = tpu.matmul %convert_element_type3A_2068, %slice3A_2072, %dot_general3A_2073 {dimension_numbers = #tpu.dot_dimension_numbers<[1], [0], [0], [1], [0, 0, 1, 1], [], []>, transpose_lhs_hint = false} : vector<256x256xbf16>, vector<256x32xbf16>, vector<256x32xf32> -> vector<256x32xf32>
    %slice3A_2075 = vector.extract_strided_slice %convert_element_type3A_2035 {offsets = [0, 0], sizes = [256, 32], strides = [1, 1]} : vector<256x256xbf16> to vector<256x32xbf16>
    %dot_general3A_2076 = arith.constant dense<0.000000e+00> : vector<256x32xf32>
    %dot_general3A_2077 = tpu.matmul %convert_element_type3A_2068, %slice3A_2075, %dot_general3A_2076 {dimension_numbers = #tpu.dot_dimension_numbers<[1], [0], [0], [1], [0, 0, 1, 1], [], []>, transpose_lhs_hint = false} : vector<256x256xbf16>, vector<256x32xbf16>, vector<256x32xf32> -> vector<256x32xf32>
    %add3A_2078 = arith.addf %dot_general3A_2074, %dot_general3A_2077 : vector<256x32xf32>
    %slice3A_2079 = vector.extract_strided_slice %convert_element_type3A_2032 {offsets = [0, 0], sizes = [256, 32], strides = [1, 1]} : vector<256x256xbf16> to vector<256x32xbf16>
    %dot_general3A_2080 = arith.constant dense<0.000000e+00> : vector<256x32xf32>
    %dot_general3A_2081 = tpu.matmul %convert_element_type3A_2071, %slice3A_2079, %dot_general3A_2080 {dimension_numbers = #tpu.dot_dimension_numbers<[1], [0], [0], [1], [0, 0, 1, 1], [], []>, transpose_lhs_hint = false} : vector<256x256xbf16>, vector<256x32xbf16>, vector<256x32xf32> -> vector<256x32xf32>
    %add3A_2082 = arith.addf %add3A_2078, %dot_general3A_2081 : vector<256x32xf32>
    %slice3A_2083 = vector.extract_strided_slice %convert_element_type3A_2024 {offsets = [0, 32], sizes = [256, 32], strides = [1, 1]} : vector<256x256xbf16> to vector<256x32xbf16>
    %slice3A_2084 = vector.extract_strided_slice %convert_element_type3A_2028 {offsets = [0, 32], sizes = [256, 32], strides = [1, 1]} : vector<256x256xbf16> to vector<256x32xbf16>
    %dot_general3A_2085 = arith.constant dense<0.000000e+00> : vector<256x256xf32>
    %dot_general3A_2086 = tpu.matmul %slice3A_2083, %slice3A_2084, %dot_general3A_2085 {dimension_numbers = #tpu.dot_dimension_numbers<[1], [1], [0], [0], [0, 0, 1, 0], [], []>, transpose_lhs_hint = false} : vector<256x32xbf16>, vector<256x32xbf16>, vector<256x256xf32> -> vector<256x256xf32>
    %slice3A_2087 = vector.extract_strided_slice %convert_element_type3A_2024 {offsets = [0, 32], sizes = [256, 32], strides = [1, 1]} : vector<256x256xbf16> to vector<256x32xbf16>
    %slice3A_2088 = vector.extract_strided_slice %convert_element_type3A_2031 {offsets = [0, 32], sizes = [256, 32], strides = [1, 1]} : vector<256x256xbf16> to vector<256x32xbf16>
    %dot_general3A_2089 = arith.constant dense<0.000000e+00> : vector<256x256xf32>
    %dot_general3A_2090 = tpu.matmul %slice3A_2087, %slice3A_2088, %dot_general3A_2089 {dimension_numbers = #tpu.dot_dimension_numbers<[1], [1], [0], [0], [0, 0, 1, 0], [], []>, transpose_lhs_hint = false} : vector<256x32xbf16>, vector<256x32xbf16>, vector<256x256xf32> -> vector<256x256xf32>
    %add3A_2091 = arith.addf %dot_general3A_2086, %dot_general3A_2090 : vector<256x256xf32>
    %slice3A_2092 = vector.extract_strided_slice %convert_element_type3A_2027 {offsets = [0, 32], sizes = [256, 32], strides = [1, 1]} : vector<256x256xbf16> to vector<256x32xbf16>
    %slice3A_2093 = vector.extract_strided_slice %convert_element_type3A_2028 {offsets = [0, 32], sizes = [256, 32], strides = [1, 1]} : vector<256x256xbf16> to vector<256x32xbf16>
    %dot_general3A_2094 = arith.constant dense<0.000000e+00> : vector<256x256xf32>
    %dot_general3A_2095 = tpu.matmul %slice3A_2092, %slice3A_2093, %dot_general3A_2094 {dimension_numbers = #tpu.dot_dimension_numbers<[1], [1], [0], [0], [0, 0, 1, 0], [], []>, transpose_lhs_hint = false} : vector<256x32xbf16>, vector<256x32xbf16>, vector<256x256xf32> -> vector<256x256xf32>
    %add3A_2096 = arith.addf %add3A_2091, %dot_general3A_2095 : vector<256x256xf32>
    %mul3A_2097 = arith.constant 0.176776692 : f32
    %mul3A_2098 = vector.broadcast %mul3A_2097 : f32 to vector<256x256xf32>
    %mul3A_2099 = arith.mulf %add3A_2096, %mul3A_2098 : vector<256x256xf32>
    %add3A_2100 = arith.addf %mul3A_2099, %select_n3A_1942 : vector<256x256xf32>
    %reduce_max3A_2101 = arith.constant dense<0xFF800000> : vector<256xf32>
    %reduce_max3A_2102 = vector.multi_reduction <maximumf>, %add3A_2100, %reduce_max3A_2101 [1] : vector<256x256xf32> to vector<256xf32>
    %max3A_2103 = arith.constant 0xFF800000 : f32
    %max3A_2104 = vector.broadcast %max3A_2103 : f32 to vector<256xf32>
    %max3A_2105 = arith.maximumf %max3A_2104, %reduce_max3A_2102 : vector<256xf32>
    %broadcast_in_dim3A_2106 = vector.shape_cast %max3A_2105 : vector<256xf32> to vector<256x1xf32>
    %sub3A_2107 = vector.broadcast %broadcast_in_dim3A_2106 : vector<256x1xf32> to vector<256x256xf32>
    %sub3A_2108 = arith.subf %add3A_2100, %sub3A_2107 : vector<256x256xf32>
    %exp3A_2109 = math.exp %sub3A_2108 : vector<256x256xf32>
    %reduce_sum3A_2110 = arith.constant dense<0.000000e+00> : vector<256xf32>
    %reduce_sum3A_2111 = vector.multi_reduction <add>, %exp3A_2109, %reduce_sum3A_2110 [1] : vector<256x256xf32> to vector<256xf32>
    %broadcast_in_dim3A_2112 = vector.shape_cast %reduce_sum3A_2111 : vector<256xf32> to vector<256x1xf32>
    %div3A_2113 = vector.broadcast %broadcast_in_dim3A_2112 : vector<256x1xf32> to vector<256x256xf32>
    %div3A_2114 = arith.divf %exp3A_2109, %div3A_2113 : vector<256x256xf32>
    %convert_element_type3A_2115 = arith.truncf %div3A_2114 : vector<256x256xf32> to vector<256x256xbf16>
    %convert_element_type3A_2116 = arith.extf %convert_element_type3A_2115 : vector<256x256xbf16> to vector<256x256xf32>
    %sub3A_2117 = arith.subf %div3A_2114, %convert_element_type3A_2116 : vector<256x256xf32>
    %convert_element_type3A_2118 = arith.truncf %sub3A_2117 : vector<256x256xf32> to vector<256x256xbf16>
    %slice3A_2119 = vector.extract_strided_slice %convert_element_type3A_2032 {offsets = [0, 32], sizes = [256, 32], strides = [1, 1]} : vector<256x256xbf16> to vector<256x32xbf16>
    %dot_general3A_2120 = arith.constant dense<0.000000e+00> : vector<256x32xf32>
    %dot_general3A_2121 = tpu.matmul %convert_element_type3A_2115, %slice3A_2119, %dot_general3A_2120 {dimension_numbers = #tpu.dot_dimension_numbers<[1], [0], [0], [1], [0, 0, 1, 1], [], []>, transpose_lhs_hint = false} : vector<256x256xbf16>, vector<256x32xbf16>, vector<256x32xf32> -> vector<256x32xf32>
    %slice3A_2122 = vector.extract_strided_slice %convert_element_type3A_2035 {offsets = [0, 32], sizes = [256, 32], strides = [1, 1]} : vector<256x256xbf16> to vector<256x32xbf16>
    %dot_general3A_2123 = arith.constant dense<0.000000e+00> : vector<256x32xf32>
    %dot_general3A_2124 = tpu.matmul %convert_element_type3A_2115, %slice3A_2122, %dot_general3A_2123 {dimension_numbers = #tpu.dot_dimension_numbers<[1], [0], [0], [1], [0, 0, 1, 1], [], []>, transpose_lhs_hint = false} : vector<256x256xbf16>, vector<256x32xbf16>, vector<256x32xf32> -> vector<256x32xf32>
    %add3A_2125 = arith.addf %dot_general3A_2121, %dot_general3A_2124 : vector<256x32xf32>
    %slice3A_2126 = vector.extract_strided_slice %convert_element_type3A_2032 {offsets = [0, 32], sizes = [256, 32], strides = [1, 1]} : vector<256x256xbf16> to vector<256x32xbf16>
    %dot_general3A_2127 = arith.constant dense<0.000000e+00> : vector<256x32xf32>
    %dot_general3A_2128 = tpu.matmul %convert_element_type3A_2118, %slice3A_2126, %dot_general3A_2127 {dimension_numbers = #tpu.dot_dimension_numbers<[1], [0], [0], [1], [0, 0, 1, 1], [], []>, transpose_lhs_hint = false} : vector<256x256xbf16>, vector<256x32xbf16>, vector<256x32xf32> -> vector<256x32xf32>
    %add3A_2129 = arith.addf %add3A_2125, %dot_general3A_2128 : vector<256x32xf32>
    %slice3A_2130 = vector.extract_strided_slice %convert_element_type3A_2024 {offsets = [0, 64], sizes = [256, 32], strides = [1, 1]} : vector<256x256xbf16> to vector<256x32xbf16>
    %slice3A_2131 = vector.extract_strided_slice %convert_element_type3A_2028 {offsets = [0, 64], sizes = [256, 32], strides = [1, 1]} : vector<256x256xbf16> to vector<256x32xbf16>
    %dot_general3A_2132 = arith.constant dense<0.000000e+00> : vector<256x256xf32>
    %dot_general3A_2133 = tpu.matmul %slice3A_2130, %slice3A_2131, %dot_general3A_2132 {dimension_numbers = #tpu.dot_dimension_numbers<[1], [1], [0], [0], [0, 0, 1, 0], [], []>, transpose_lhs_hint = false} : vector<256x32xbf16>, vector<256x32xbf16>, vector<256x256xf32> -> vector<256x256xf32>
    %slice3A_2134 = vector.extract_strided_slice %convert_element_type3A_2024 {offsets = [0, 64], sizes = [256, 32], strides = [1, 1]} : vector<256x256xbf16> to vector<256x32xbf16>
    %slice3A_2135 = vector.extract_strided_slice %convert_element_type3A_2031 {offsets = [0, 64], sizes = [256, 32], strides = [1, 1]} : vector<256x256xbf16> to vector<256x32xbf16>
    %dot_general3A_2136 = arith.constant dense<0.000000e+00> : vector<256x256xf32>
    %dot_general3A_2137 = tpu.matmul %slice3A_2134, %slice3A_2135, %dot_general3A_2136 {dimension_numbers = #tpu.dot_dimension_numbers<[1], [1], [0], [0], [0, 0, 1, 0], [], []>, transpose_lhs_hint = false} : vector<256x32xbf16>, vector<256x32xbf16>, vector<256x256xf32> -> vector<256x256xf32>
    %add3A_2138 = arith.addf %dot_general3A_2133, %dot_general3A_2137 : vector<256x256xf32>
    %slice3A_2139 = vector.extract_strided_slice %convert_element_type3A_2027 {offsets = [0, 64], sizes = [256, 32], strides = [1, 1]} : vector<256x256xbf16> to vector<256x32xbf16>
    %slice3A_2140 = vector.extract_strided_slice %convert_element_type3A_2028 {offsets = [0, 64], sizes = [256, 32], strides = [1, 1]} : vector<256x256xbf16> to vector<256x32xbf16>
    %dot_general3A_2141 = arith.constant dense<0.000000e+00> : vector<256x256xf32>
    %dot_general3A_2142 = tpu.matmul %slice3A_2139, %slice3A_2140, %dot_general3A_2141 {dimension_numbers = #tpu.dot_dimension_numbers<[1], [1], [0], [0], [0, 0, 1, 0], [], []>, transpose_lhs_hint = false} : vector<256x32xbf16>, vector<256x32xbf16>, vector<256x256xf32> -> vector<256x256xf32>
    %add3A_2143 = arith.addf %add3A_2138, %dot_general3A_2142 : vector<256x256xf32>
    %mul3A_2144 = arith.constant 0.176776692 : f32
    %mul3A_2145 = vector.broadcast %mul3A_2144 : f32 to vector<256x256xf32>
    %mul3A_2146 = arith.mulf %add3A_2143, %mul3A_2145 : vector<256x256xf32>
    %add3A_2147 = arith.addf %mul3A_2146, %select_n3A_1942 : vector<256x256xf32>
    %reduce_max3A_2148 = arith.constant dense<0xFF800000> : vector<256xf32>
    %reduce_max3A_2149 = vector.multi_reduction <maximumf>, %add3A_2147, %reduce_max3A_2148 [1] : vector<256x256xf32> to vector<256xf32>
    %max3A_2150 = arith.constant 0xFF800000 : f32
    %max3A_2151 = vector.broadcast %max3A_2150 : f32 to vector<256xf32>
    %max3A_2152 = arith.maximumf %max3A_2151, %reduce_max3A_2149 : vector<256xf32>
    %broadcast_in_dim3A_2153 = vector.shape_cast %max3A_2152 : vector<256xf32> to vector<256x1xf32>
    %sub3A_2154 = vector.broadcast %broadcast_in_dim3A_2153 : vector<256x1xf32> to vector<256x256xf32>
    %sub3A_2155 = arith.subf %add3A_2147, %sub3A_2154 : vector<256x256xf32>
    %exp3A_2156 = math.exp %sub3A_2155 : vector<256x256xf32>
    %reduce_sum3A_2157 = arith.constant dense<0.000000e+00> : vector<256xf32>
    %reduce_sum3A_2158 = vector.multi_reduction <add>, %exp3A_2156, %reduce_sum3A_2157 [1] : vector<256x256xf32> to vector<256xf32>
    %broadcast_in_dim3A_2159 = vector.shape_cast %reduce_sum3A_2158 : vector<256xf32> to vector<256x1xf32>
    %div3A_2160 = vector.broadcast %broadcast_in_dim3A_2159 : vector<256x1xf32> to vector<256x256xf32>
    %div3A_2161 = arith.divf %exp3A_2156, %div3A_2160 : vector<256x256xf32>
    %convert_element_type3A_2162 = arith.truncf %div3A_2161 : vector<256x256xf32> to vector<256x256xbf16>
    %convert_element_type3A_2163 = arith.extf %convert_element_type3A_2162 : vector<256x256xbf16> to vector<256x256xf32>
    %sub3A_2164 = arith.subf %div3A_2161, %convert_element_type3A_2163 : vector<256x256xf32>
    %convert_element_type3A_2165 = arith.truncf %sub3A_2164 : vector<256x256xf32> to vector<256x256xbf16>
    %slice3A_2166 = vector.extract_strided_slice %convert_element_type3A_2032 {offsets = [0, 64], sizes = [256, 32], strides = [1, 1]} : vector<256x256xbf16> to vector<256x32xbf16>
    %dot_general3A_2167 = arith.constant dense<0.000000e+00> : vector<256x32xf32>
    %dot_general3A_2168 = tpu.matmul %convert_element_type3A_2162, %slice3A_2166, %dot_general3A_2167 {dimension_numbers = #tpu.dot_dimension_numbers<[1], [0], [0], [1], [0, 0, 1, 1], [], []>, transpose_lhs_hint = false} : vector<256x256xbf16>, vector<256x32xbf16>, vector<256x32xf32> -> vector<256x32xf32>
    %slice3A_2169 = vector.extract_strided_slice %convert_element_type3A_2035 {offsets = [0, 64], sizes = [256, 32], strides = [1, 1]} : vector<256x256xbf16> to vector<256x32xbf16>
    %dot_general3A_2170 = arith.constant dense<0.000000e+00> : vector<256x32xf32>
    %dot_general3A_2171 = tpu.matmul %convert_element_type3A_2162, %slice3A_2169, %dot_general3A_2170 {dimension_numbers = #tpu.dot_dimension_numbers<[1], [0], [0], [1], [0, 0, 1, 1], [], []>, transpose_lhs_hint = false} : vector<256x256xbf16>, vector<256x32xbf16>, vector<256x32xf32> -> vector<256x32xf32>
    %add3A_2172 = arith.addf %dot_general3A_2168, %dot_general3A_2171 : vector<256x32xf32>
    %slice3A_2173 = vector.extract_strided_slice %convert_element_type3A_2032 {offsets = [0, 64], sizes = [256, 32], strides = [1, 1]} : vector<256x256xbf16> to vector<256x32xbf16>
    %dot_general3A_2174 = arith.constant dense<0.000000e+00> : vector<256x32xf32>
    %dot_general3A_2175 = tpu.matmul %convert_element_type3A_2165, %slice3A_2173, %dot_general3A_2174 {dimension_numbers = #tpu.dot_dimension_numbers<[1], [0], [0], [1], [0, 0, 1, 1], [], []>, transpose_lhs_hint = false} : vector<256x256xbf16>, vector<256x32xbf16>, vector<256x32xf32> -> vector<256x32xf32>
    %add3A_2176 = arith.addf %add3A_2172, %dot_general3A_2175 : vector<256x32xf32>
    %slice3A_2177 = vector.extract_strided_slice %convert_element_type3A_2024 {offsets = [0, 96], sizes = [256, 32], strides = [1, 1]} : vector<256x256xbf16> to vector<256x32xbf16>
    %slice3A_2178 = vector.extract_strided_slice %convert_element_type3A_2028 {offsets = [0, 96], sizes = [256, 32], strides = [1, 1]} : vector<256x256xbf16> to vector<256x32xbf16>
    %dot_general3A_2179 = arith.constant dense<0.000000e+00> : vector<256x256xf32>
    %dot_general3A_2180 = tpu.matmul %slice3A_2177, %slice3A_2178, %dot_general3A_2179 {dimension_numbers = #tpu.dot_dimension_numbers<[1], [1], [0], [0], [0, 0, 1, 0], [], []>, transpose_lhs_hint = false} : vector<256x32xbf16>, vector<256x32xbf16>, vector<256x256xf32> -> vector<256x256xf32>
    %slice3A_2181 = vector.extract_strided_slice %convert_element_type3A_2024 {offsets = [0, 96], sizes = [256, 32], strides = [1, 1]} : vector<256x256xbf16> to vector<256x32xbf16>
    %slice3A_2182 = vector.extract_strided_slice %convert_element_type3A_2031 {offsets = [0, 96], sizes = [256, 32], strides = [1, 1]} : vector<256x256xbf16> to vector<256x32xbf16>
    %dot_general3A_2183 = arith.constant dense<0.000000e+00> : vector<256x256xf32>
    %dot_general3A_2184 = tpu.matmul %slice3A_2181, %slice3A_2182, %dot_general3A_2183 {dimension_numbers = #tpu.dot_dimension_numbers<[1], [1], [0], [0], [0, 0, 1, 0], [], []>, transpose_lhs_hint = false} : vector<256x32xbf16>, vector<256x32xbf16>, vector<256x256xf32> -> vector<256x256xf32>
    %add3A_2185 = arith.addf %dot_general3A_2180, %dot_general3A_2184 : vector<256x256xf32>
    %slice3A_2186 = vector.extract_strided_slice %convert_element_type3A_2027 {offsets = [0, 96], sizes = [256, 32], strides = [1, 1]} : vector<256x256xbf16> to vector<256x32xbf16>
    %slice3A_2187 = vector.extract_strided_slice %convert_element_type3A_2028 {offsets = [0, 96], sizes = [256, 32], strides = [1, 1]} : vector<256x256xbf16> to vector<256x32xbf16>
    %dot_general3A_2188 = arith.constant dense<0.000000e+00> : vector<256x256xf32>
    %dot_general3A_2189 = tpu.matmul %slice3A_2186, %slice3A_2187, %dot_general3A_2188 {dimension_numbers = #tpu.dot_dimension_numbers<[1], [1], [0], [0], [0, 0, 1, 0], [], []>, transpose_lhs_hint = false} : vector<256x32xbf16>, vector<256x32xbf16>, vector<256x256xf32> -> vector<256x256xf32>
    %add3A_2190 = arith.addf %add3A_2185, %dot_general3A_2189 : vector<256x256xf32>
    %mul3A_2191 = arith.constant 0.176776692 : f32
    %mul3A_2192 = vector.broadcast %mul3A_2191 : f32 to vector<256x256xf32>
    %mul3A_2193 = arith.mulf %add3A_2190, %mul3A_2192 : vector<256x256xf32>
    %add3A_2194 = arith.addf %mul3A_2193, %select_n3A_1942 : vector<256x256xf32>
    %reduce_max3A_2195 = arith.constant dense<0xFF800000> : vector<256xf32>
    %reduce_max3A_2196 = vector.multi_reduction <maximumf>, %add3A_2194, %reduce_max3A_2195 [1] : vector<256x256xf32> to vector<256xf32>
    %max3A_2197 = arith.constant 0xFF800000 : f32
    %max3A_2198 = vector.broadcast %max3A_2197 : f32 to vector<256xf32>
    %max3A_2199 = arith.maximumf %max3A_2198, %reduce_max3A_2196 : vector<256xf32>
    %broadcast_in_dim3A_2200 = vector.shape_cast %max3A_2199 : vector<256xf32> to vector<256x1xf32>
    %sub3A_2201 = vector.broadcast %broadcast_in_dim3A_2200 : vector<256x1xf32> to vector<256x256xf32>
    %sub3A_2202 = arith.subf %add3A_2194, %sub3A_2201 : vector<256x256xf32>
    %exp3A_2203 = math.exp %sub3A_2202 : vector<256x256xf32>
    %reduce_sum3A_2204 = arith.constant dense<0.000000e+00> : vector<256xf32>
    %reduce_sum3A_2205 = vector.multi_reduction <add>, %exp3A_2203, %reduce_sum3A_2204 [1] : vector<256x256xf32> to vector<256xf32>
    %broadcast_in_dim3A_2206 = vector.shape_cast %reduce_sum3A_2205 : vector<256xf32> to vector<256x1xf32>
    %div3A_2207 = vector.broadcast %broadcast_in_dim3A_2206 : vector<256x1xf32> to vector<256x256xf32>
    %div3A_2208 = arith.divf %exp3A_2203, %div3A_2207 : vector<256x256xf32>
    %convert_element_type3A_2209 = arith.truncf %div3A_2208 : vector<256x256xf32> to vector<256x256xbf16>
    %convert_element_type3A_2210 = arith.extf %convert_element_type3A_2209 : vector<256x256xbf16> to vector<256x256xf32>
    %sub3A_2211 = arith.subf %div3A_2208, %convert_element_type3A_2210 : vector<256x256xf32>
    %convert_element_type3A_2212 = arith.truncf %sub3A_2211 : vector<256x256xf32> to vector<256x256xbf16>
    %slice3A_2213 = vector.extract_strided_slice %convert_element_type3A_2032 {offsets = [0, 96], sizes = [256, 32], strides = [1, 1]} : vector<256x256xbf16> to vector<256x32xbf16>
    %dot_general3A_2214 = arith.constant dense<0.000000e+00> : vector<256x32xf32>
    %dot_general3A_2215 = tpu.matmul %convert_element_type3A_2209, %slice3A_2213, %dot_general3A_2214 {dimension_numbers = #tpu.dot_dimension_numbers<[1], [0], [0], [1], [0, 0, 1, 1], [], []>, transpose_lhs_hint = false} : vector<256x256xbf16>, vector<256x32xbf16>, vector<256x32xf32> -> vector<256x32xf32>
    %slice3A_2216 = vector.extract_strided_slice %convert_element_type3A_2035 {offsets = [0, 96], sizes = [256, 32], strides = [1, 1]} : vector<256x256xbf16> to vector<256x32xbf16>
    %dot_general3A_2217 = arith.constant dense<0.000000e+00> : vector<256x32xf32>
    %dot_general3A_2218 = tpu.matmul %convert_element_type3A_2209, %slice3A_2216, %dot_general3A_2217 {dimension_numbers = #tpu.dot_dimension_numbers<[1], [0], [0], [1], [0, 0, 1, 1], [], []>, transpose_lhs_hint = false} : vector<256x256xbf16>, vector<256x32xbf16>, vector<256x32xf32> -> vector<256x32xf32>
    %add3A_2219 = arith.addf %dot_general3A_2215, %dot_general3A_2218 : vector<256x32xf32>
    %slice3A_2220 = vector.extract_strided_slice %convert_element_type3A_2032 {offsets = [0, 96], sizes = [256, 32], strides = [1, 1]} : vector<256x256xbf16> to vector<256x32xbf16>
    %dot_general3A_2221 = arith.constant dense<0.000000e+00> : vector<256x32xf32>
    %dot_general3A_2222 = tpu.matmul %convert_element_type3A_2212, %slice3A_2220, %dot_general3A_2221 {dimension_numbers = #tpu.dot_dimension_numbers<[1], [0], [0], [1], [0, 0, 1, 1], [], []>, transpose_lhs_hint = false} : vector<256x256xbf16>, vector<256x32xbf16>, vector<256x32xf32> -> vector<256x32xf32>
    %add3A_2223 = arith.addf %add3A_2219, %dot_general3A_2222 : vector<256x32xf32>
    %slice3A_2224 = vector.extract_strided_slice %convert_element_type3A_2024 {offsets = [0, 128], sizes = [256, 32], strides = [1, 1]} : vector<256x256xbf16> to vector<256x32xbf16>
    %slice3A_2225 = vector.extract_strided_slice %convert_element_type3A_2028 {offsets = [0, 128], sizes = [256, 32], strides = [1, 1]} : vector<256x256xbf16> to vector<256x32xbf16>
    %dot_general3A_2226 = arith.constant dense<0.000000e+00> : vector<256x256xf32>
    %dot_general3A_2227 = tpu.matmul %slice3A_2224, %slice3A_2225, %dot_general3A_2226 {dimension_numbers = #tpu.dot_dimension_numbers<[1], [1], [0], [0], [0, 0, 1, 0], [], []>, transpose_lhs_hint = false} : vector<256x32xbf16>, vector<256x32xbf16>, vector<256x256xf32> -> vector<256x256xf32>
    %slice3A_2228 = vector.extract_strided_slice %convert_element_type3A_2024 {offsets = [0, 128], sizes = [256, 32], strides = [1, 1]} : vector<256x256xbf16> to vector<256x32xbf16>
    %slice3A_2229 = vector.extract_strided_slice %convert_element_type3A_2031 {offsets = [0, 128], sizes = [256, 32], strides = [1, 1]} : vector<256x256xbf16> to vector<256x32xbf16>
    %dot_general3A_2230 = arith.constant dense<0.000000e+00> : vector<256x256xf32>
    %dot_general3A_2231 = tpu.matmul %slice3A_2228, %slice3A_2229, %dot_general3A_2230 {dimension_numbers = #tpu.dot_dimension_numbers<[1], [1], [0], [0], [0, 0, 1, 0], [], []>, transpose_lhs_hint = false} : vector<256x32xbf16>, vector<256x32xbf16>, vector<256x256xf32> -> vector<256x256xf32>
    %add3A_2232 = arith.addf %dot_general3A_2227, %dot_general3A_2231 : vector<256x256xf32>
    %slice3A_2233 = vector.extract_strided_slice %convert_element_type3A_2027 {offsets = [0, 128], sizes = [256, 32], strides = [1, 1]} : vector<256x256xbf16> to vector<256x32xbf16>
    %slice3A_2234 = vector.extract_strided_slice %convert_element_type3A_2028 {offsets = [0, 128], sizes = [256, 32], strides = [1, 1]} : vector<256x256xbf16> to vector<256x32xbf16>
    %dot_general3A_2235 = arith.constant dense<0.000000e+00> : vector<256x256xf32>
    %dot_general3A_2236 = tpu.matmul %slice3A_2233, %slice3A_2234, %dot_general3A_2235 {dimension_numbers = #tpu.dot_dimension_numbers<[1], [1], [0], [0], [0, 0, 1, 0], [], []>, transpose_lhs_hint = false} : vector<256x32xbf16>, vector<256x32xbf16>, vector<256x256xf32> -> vector<256x256xf32>
    %add3A_2237 = arith.addf %add3A_2232, %dot_general3A_2236 : vector<256x256xf32>
    %mul3A_2238 = arith.constant 0.176776692 : f32
    %mul3A_2239 = vector.broadcast %mul3A_2238 : f32 to vector<256x256xf32>
    %mul3A_2240 = arith.mulf %add3A_2237, %mul3A_2239 : vector<256x256xf32>
    %add3A_2241 = arith.addf %mul3A_2240, %select_n3A_1942 : vector<256x256xf32>
    %reduce_max3A_2242 = arith.constant dense<0xFF800000> : vector<256xf32>
    %reduce_max3A_2243 = vector.multi_reduction <maximumf>, %add3A_2241, %reduce_max3A_2242 [1] : vector<256x256xf32> to vector<256xf32>
    %max3A_2244 = arith.constant 0xFF800000 : f32
    %max3A_2245 = vector.broadcast %max3A_2244 : f32 to vector<256xf32>
    %max3A_2246 = arith.maximumf %max3A_2245, %reduce_max3A_2243 : vector<256xf32>
    %broadcast_in_dim3A_2247 = vector.shape_cast %max3A_2246 : vector<256xf32> to vector<256x1xf32>
    %sub3A_2248 = vector.broadcast %broadcast_in_dim3A_2247 : vector<256x1xf32> to vector<256x256xf32>
    %sub3A_2249 = arith.subf %add3A_2241, %sub3A_2248 : vector<256x256xf32>
    %exp3A_2250 = math.exp %sub3A_2249 : vector<256x256xf32>
    %reduce_sum3A_2251 = arith.constant dense<0.000000e+00> : vector<256xf32>
    %reduce_sum3A_2252 = vector.multi_reduction <add>, %exp3A_2250, %reduce_sum3A_2251 [1] : vector<256x256xf32> to vector<256xf32>
    %broadcast_in_dim3A_2253 = vector.shape_cast %reduce_sum3A_2252 : vector<256xf32> to vector<256x1xf32>
    %div3A_2254 = vector.broadcast %broadcast_in_dim3A_2253 : vector<256x1xf32> to vector<256x256xf32>
    %div3A_2255 = arith.divf %exp3A_2250, %div3A_2254 : vector<256x256xf32>
    %convert_element_type3A_2256 = arith.truncf %div3A_2255 : vector<256x256xf32> to vector<256x256xbf16>
    %convert_element_type3A_2257 = arith.extf %convert_element_type3A_2256 : vector<256x256xbf16> to vector<256x256xf32>
    %sub3A_2258 = arith.subf %div3A_2255, %convert_element_type3A_2257 : vector<256x256xf32>
    %convert_element_type3A_2259 = arith.truncf %sub3A_2258 : vector<256x256xf32> to vector<256x256xbf16>
    %slice3A_2260 = vector.extract_strided_slice %convert_element_type3A_2032 {offsets = [0, 128], sizes = [256, 32], strides = [1, 1]} : vector<256x256xbf16> to vector<256x32xbf16>
    %dot_general3A_2261 = arith.constant dense<0.000000e+00> : vector<256x32xf32>
    %dot_general3A_2262 = tpu.matmul %convert_element_type3A_2256, %slice3A_2260, %dot_general3A_2261 {dimension_numbers = #tpu.dot_dimension_numbers<[1], [0], [0], [1], [0, 0, 1, 1], [], []>, transpose_lhs_hint = false} : vector<256x256xbf16>, vector<256x32xbf16>, vector<256x32xf32> -> vector<256x32xf32>
    %slice3A_2263 = vector.extract_strided_slice %convert_element_type3A_2035 {offsets = [0, 128], sizes = [256, 32], strides = [1, 1]} : vector<256x256xbf16> to vector<256x32xbf16>
    %dot_general3A_2264 = arith.constant dense<0.000000e+00> : vector<256x32xf32>
    %dot_general3A_2265 = tpu.matmul %convert_element_type3A_2256, %slice3A_2263, %dot_general3A_2264 {dimension_numbers = #tpu.dot_dimension_numbers<[1], [0], [0], [1], [0, 0, 1, 1], [], []>, transpose_lhs_hint = false} : vector<256x256xbf16>, vector<256x32xbf16>, vector<256x32xf32> -> vector<256x32xf32>
    %add3A_2266 = arith.addf %dot_general3A_2262, %dot_general3A_2265 : vector<256x32xf32>
    %slice3A_2267 = vector.extract_strided_slice %convert_element_type3A_2032 {offsets = [0, 128], sizes = [256, 32], strides = [1, 1]} : vector<256x256xbf16> to vector<256x32xbf16>
    %dot_general3A_2268 = arith.constant dense<0.000000e+00> : vector<256x32xf32>
    %dot_general3A_2269 = tpu.matmul %convert_element_type3A_2259, %slice3A_2267, %dot_general3A_2268 {dimension_numbers = #tpu.dot_dimension_numbers<[1], [0], [0], [1], [0, 0, 1, 1], [], []>, transpose_lhs_hint = false} : vector<256x256xbf16>, vector<256x32xbf16>, vector<256x32xf32> -> vector<256x32xf32>
    %add3A_2270 = arith.addf %add3A_2266, %dot_general3A_2269 : vector<256x32xf32>
    %slice3A_2271 = vector.extract_strided_slice %convert_element_type3A_2024 {offsets = [0, 160], sizes = [256, 32], strides = [1, 1]} : vector<256x256xbf16> to vector<256x32xbf16>
    %slice3A_2272 = vector.extract_strided_slice %convert_element_type3A_2028 {offsets = [0, 160], sizes = [256, 32], strides = [1, 1]} : vector<256x256xbf16> to vector<256x32xbf16>
    %dot_general3A_2273 = arith.constant dense<0.000000e+00> : vector<256x256xf32>
    %dot_general3A_2274 = tpu.matmul %slice3A_2271, %slice3A_2272, %dot_general3A_2273 {dimension_numbers = #tpu.dot_dimension_numbers<[1], [1], [0], [0], [0, 0, 1, 0], [], []>, transpose_lhs_hint = false} : vector<256x32xbf16>, vector<256x32xbf16>, vector<256x256xf32> -> vector<256x256xf32>
    %slice3A_2275 = vector.extract_strided_slice %convert_element_type3A_2024 {offsets = [0, 160], sizes = [256, 32], strides = [1, 1]} : vector<256x256xbf16> to vector<256x32xbf16>
    %slice3A_2276 = vector.extract_strided_slice %convert_element_type3A_2031 {offsets = [0, 160], sizes = [256, 32], strides = [1, 1]} : vector<256x256xbf16> to vector<256x32xbf16>
    %dot_general3A_2277 = arith.constant dense<0.000000e+00> : vector<256x256xf32>
    %dot_general3A_2278 = tpu.matmul %slice3A_2275, %slice3A_2276, %dot_general3A_2277 {dimension_numbers = #tpu.dot_dimension_numbers<[1], [1], [0], [0], [0, 0, 1, 0], [], []>, transpose_lhs_hint = false} : vector<256x32xbf16>, vector<256x32xbf16>, vector<256x256xf32> -> vector<256x256xf32>
    %add3A_2279 = arith.addf %dot_general3A_2274, %dot_general3A_2278 : vector<256x256xf32>
    %slice3A_2280 = vector.extract_strided_slice %convert_element_type3A_2027 {offsets = [0, 160], sizes = [256, 32], strides = [1, 1]} : vector<256x256xbf16> to vector<256x32xbf16>
    %slice3A_2281 = vector.extract_strided_slice %convert_element_type3A_2028 {offsets = [0, 160], sizes = [256, 32], strides = [1, 1]} : vector<256x256xbf16> to vector<256x32xbf16>
    %dot_general3A_2282 = arith.constant dense<0.000000e+00> : vector<256x256xf32>
    %dot_general3A_2283 = tpu.matmul %slice3A_2280, %slice3A_2281, %dot_general3A_2282 {dimension_numbers = #tpu.dot_dimension_numbers<[1], [1], [0], [0], [0, 0, 1, 0], [], []>, transpose_lhs_hint = false} : vector<256x32xbf16>, vector<256x32xbf16>, vector<256x256xf32> -> vector<256x256xf32>
    %add3A_2284 = arith.addf %add3A_2279, %dot_general3A_2283 : vector<256x256xf32>
    %mul3A_2285 = arith.constant 0.176776692 : f32
    %mul3A_2286 = vector.broadcast %mul3A_2285 : f32 to vector<256x256xf32>
    %mul3A_2287 = arith.mulf %add3A_2284, %mul3A_2286 : vector<256x256xf32>
    %add3A_2288 = arith.addf %mul3A_2287, %select_n3A_1942 : vector<256x256xf32>
    %reduce_max3A_2289 = arith.constant dense<0xFF800000> : vector<256xf32>
    %reduce_max3A_2290 = vector.multi_reduction <maximumf>, %add3A_2288, %reduce_max3A_2289 [1] : vector<256x256xf32> to vector<256xf32>
    %max3A_2291 = arith.constant 0xFF800000 : f32
    %max3A_2292 = vector.broadcast %max3A_2291 : f32 to vector<256xf32>
    %max3A_2293 = arith.maximumf %max3A_2292, %reduce_max3A_2290 : vector<256xf32>
    %broadcast_in_dim3A_2294 = vector.shape_cast %max3A_2293 : vector<256xf32> to vector<256x1xf32>
    %sub3A_2295 = vector.broadcast %broadcast_in_dim3A_2294 : vector<256x1xf32> to vector<256x256xf32>
    %sub3A_2296 = arith.subf %add3A_2288, %sub3A_2295 : vector<256x256xf32>
    %exp3A_2297 = math.exp %sub3A_2296 : vector<256x256xf32>
    %reduce_sum3A_2298 = arith.constant dense<0.000000e+00> : vector<256xf32>
    %reduce_sum3A_2299 = vector.multi_reduction <add>, %exp3A_2297, %reduce_sum3A_2298 [1] : vector<256x256xf32> to vector<256xf32>
    %broadcast_in_dim3A_2300 = vector.shape_cast %reduce_sum3A_2299 : vector<256xf32> to vector<256x1xf32>
    %div3A_2301 = vector.broadcast %broadcast_in_dim3A_2300 : vector<256x1xf32> to vector<256x256xf32>
    %div3A_2302 = arith.divf %exp3A_2297, %div3A_2301 : vector<256x256xf32>
    %convert_element_type3A_2303 = arith.truncf %div3A_2302 : vector<256x256xf32> to vector<256x256xbf16>
    %convert_element_type3A_2304 = arith.extf %convert_element_type3A_2303 : vector<256x256xbf16> to vector<256x256xf32>
    %sub3A_2305 = arith.subf %div3A_2302, %convert_element_type3A_2304 : vector<256x256xf32>
    %convert_element_type3A_2306 = arith.truncf %sub3A_2305 : vector<256x256xf32> to vector<256x256xbf16>
    %slice3A_2307 = vector.extract_strided_slice %convert_element_type3A_2032 {offsets = [0, 160], sizes = [256, 32], strides = [1, 1]} : vector<256x256xbf16> to vector<256x32xbf16>
    %dot_general3A_2308 = arith.constant dense<0.000000e+00> : vector<256x32xf32>
    %dot_general3A_2309 = tpu.matmul %convert_element_type3A_2303, %slice3A_2307, %dot_general3A_2308 {dimension_numbers = #tpu.dot_dimension_numbers<[1], [0], [0], [1], [0, 0, 1, 1], [], []>, transpose_lhs_hint = false} : vector<256x256xbf16>, vector<256x32xbf16>, vector<256x32xf32> -> vector<256x32xf32>
    %slice3A_2310 = vector.extract_strided_slice %convert_element_type3A_2035 {offsets = [0, 160], sizes = [256, 32], strides = [1, 1]} : vector<256x256xbf16> to vector<256x32xbf16>
    %dot_general3A_2311 = arith.constant dense<0.000000e+00> : vector<256x32xf32>
    %dot_general3A_2312 = tpu.matmul %convert_element_type3A_2303, %slice3A_2310, %dot_general3A_2311 {dimension_numbers = #tpu.dot_dimension_numbers<[1], [0], [0], [1], [0, 0, 1, 1], [], []>, transpose_lhs_hint = false} : vector<256x256xbf16>, vector<256x32xbf16>, vector<256x32xf32> -> vector<256x32xf32>
    %add3A_2313 = arith.addf %dot_general3A_2309, %dot_general3A_2312 : vector<256x32xf32>
    %slice3A_2314 = vector.extract_strided_slice %convert_element_type3A_2032 {offsets = [0, 160], sizes = [256, 32], strides = [1, 1]} : vector<256x256xbf16> to vector<256x32xbf16>
    %dot_general3A_2315 = arith.constant dense<0.000000e+00> : vector<256x32xf32>
    %dot_general3A_2316 = tpu.matmul %convert_element_type3A_2306, %slice3A_2314, %dot_general3A_2315 {dimension_numbers = #tpu.dot_dimension_numbers<[1], [0], [0], [1], [0, 0, 1, 1], [], []>, transpose_lhs_hint = false} : vector<256x256xbf16>, vector<256x32xbf16>, vector<256x32xf32> -> vector<256x32xf32>
    %add3A_2317 = arith.addf %add3A_2313, %dot_general3A_2316 : vector<256x32xf32>
    %slice3A_2318 = vector.extract_strided_slice %convert_element_type3A_2024 {offsets = [0, 192], sizes = [256, 32], strides = [1, 1]} : vector<256x256xbf16> to vector<256x32xbf16>
    %slice3A_2319 = vector.extract_strided_slice %convert_element_type3A_2028 {offsets = [0, 192], sizes = [256, 32], strides = [1, 1]} : vector<256x256xbf16> to vector<256x32xbf16>
    %dot_general3A_2320 = arith.constant dense<0.000000e+00> : vector<256x256xf32>
    %dot_general3A_2321 = tpu.matmul %slice3A_2318, %slice3A_2319, %dot_general3A_2320 {dimension_numbers = #tpu.dot_dimension_numbers<[1], [1], [0], [0], [0, 0, 1, 0], [], []>, transpose_lhs_hint = false} : vector<256x32xbf16>, vector<256x32xbf16>, vector<256x256xf32> -> vector<256x256xf32>
    %slice3A_2322 = vector.extract_strided_slice %convert_element_type3A_2024 {offsets = [0, 192], sizes = [256, 32], strides = [1, 1]} : vector<256x256xbf16> to vector<256x32xbf16>
    %slice3A_2323 = vector.extract_strided_slice %convert_element_type3A_2031 {offsets = [0, 192], sizes = [256, 32], strides = [1, 1]} : vector<256x256xbf16> to vector<256x32xbf16>
    %dot_general3A_2324 = arith.constant dense<0.000000e+00> : vector<256x256xf32>
    %dot_general3A_2325 = tpu.matmul %slice3A_2322, %slice3A_2323, %dot_general3A_2324 {dimension_numbers = #tpu.dot_dimension_numbers<[1], [1], [0], [0], [0, 0, 1, 0], [], []>, transpose_lhs_hint = false} : vector<256x32xbf16>, vector<256x32xbf16>, vector<256x256xf32> -> vector<256x256xf32>
    %add3A_2326 = arith.addf %dot_general3A_2321, %dot_general3A_2325 : vector<256x256xf32>
    %slice3A_2327 = vector.extract_strided_slice %convert_element_type3A_2027 {offsets = [0, 192], sizes = [256, 32], strides = [1, 1]} : vector<256x256xbf16> to vector<256x32xbf16>
    %slice3A_2328 = vector.extract_strided_slice %convert_element_type3A_2028 {offsets = [0, 192], sizes = [256, 32], strides = [1, 1]} : vector<256x256xbf16> to vector<256x32xbf16>
    %dot_general3A_2329 = arith.constant dense<0.000000e+00> : vector<256x256xf32>
    %dot_general3A_2330 = tpu.matmul %slice3A_2327, %slice3A_2328, %dot_general3A_2329 {dimension_numbers = #tpu.dot_dimension_numbers<[1], [1], [0], [0], [0, 0, 1, 0], [], []>, transpose_lhs_hint = false} : vector<256x32xbf16>, vector<256x32xbf16>, vector<256x256xf32> -> vector<256x256xf32>
    %add3A_2331 = arith.addf %add3A_2326, %dot_general3A_2330 : vector<256x256xf32>
    %mul3A_2332 = arith.constant 0.176776692 : f32
    %mul3A_2333 = vector.broadcast %mul3A_2332 : f32 to vector<256x256xf32>
    %mul3A_2334 = arith.mulf %add3A_2331, %mul3A_2333 : vector<256x256xf32>
    %add3A_2335 = arith.addf %mul3A_2334, %select_n3A_1942 : vector<256x256xf32>
    %reduce_max3A_2336 = arith.constant dense<0xFF800000> : vector<256xf32>
    %reduce_max3A_2337 = vector.multi_reduction <maximumf>, %add3A_2335, %reduce_max3A_2336 [1] : vector<256x256xf32> to vector<256xf32>
    %max3A_2338 = arith.constant 0xFF800000 : f32
    %max3A_2339 = vector.broadcast %max3A_2338 : f32 to vector<256xf32>
    %max3A_2340 = arith.maximumf %max3A_2339, %reduce_max3A_2337 : vector<256xf32>
    %broadcast_in_dim3A_2341 = vector.shape_cast %max3A_2340 : vector<256xf32> to vector<256x1xf32>
    %sub3A_2342 = vector.broadcast %broadcast_in_dim3A_2341 : vector<256x1xf32> to vector<256x256xf32>
    %sub3A_2343 = arith.subf %add3A_2335, %sub3A_2342 : vector<256x256xf32>
    %exp3A_2344 = math.exp %sub3A_2343 : vector<256x256xf32>
    %reduce_sum3A_2345 = arith.constant dense<0.000000e+00> : vector<256xf32>
    %reduce_sum3A_2346 = vector.multi_reduction <add>, %exp3A_2344, %reduce_sum3A_2345 [1] : vector<256x256xf32> to vector<256xf32>
    %broadcast_in_dim3A_2347 = vector.shape_cast %reduce_sum3A_2346 : vector<256xf32> to vector<256x1xf32>
    %div3A_2348 = vector.broadcast %broadcast_in_dim3A_2347 : vector<256x1xf32> to vector<256x256xf32>
    %div3A_2349 = arith.divf %exp3A_2344, %div3A_2348 : vector<256x256xf32>
    %convert_element_type3A_2350 = arith.truncf %div3A_2349 : vector<256x256xf32> to vector<256x256xbf16>
    %convert_element_type3A_2351 = arith.extf %convert_element_type3A_2350 : vector<256x256xbf16> to vector<256x256xf32>
    %sub3A_2352 = arith.subf %div3A_2349, %convert_element_type3A_2351 : vector<256x256xf32>
    %convert_element_type3A_2353 = arith.truncf %sub3A_2352 : vector<256x256xf32> to vector<256x256xbf16>
    %slice3A_2354 = vector.extract_strided_slice %convert_element_type3A_2032 {offsets = [0, 192], sizes = [256, 32], strides = [1, 1]} : vector<256x256xbf16> to vector<256x32xbf16>
    %dot_general3A_2355 = arith.constant dense<0.000000e+00> : vector<256x32xf32>
    %dot_general3A_2356 = tpu.matmul %convert_element_type3A_2350, %slice3A_2354, %dot_general3A_2355 {dimension_numbers = #tpu.dot_dimension_numbers<[1], [0], [0], [1], [0, 0, 1, 1], [], []>, transpose_lhs_hint = false} : vector<256x256xbf16>, vector<256x32xbf16>, vector<256x32xf32> -> vector<256x32xf32>
    %slice3A_2357 = vector.extract_strided_slice %convert_element_type3A_2035 {offsets = [0, 192], sizes = [256, 32], strides = [1, 1]} : vector<256x256xbf16> to vector<256x32xbf16>
    %dot_general3A_2358 = arith.constant dense<0.000000e+00> : vector<256x32xf32>
    %dot_general3A_2359 = tpu.matmul %convert_element_type3A_2350, %slice3A_2357, %dot_general3A_2358 {dimension_numbers = #tpu.dot_dimension_numbers<[1], [0], [0], [1], [0, 0, 1, 1], [], []>, transpose_lhs_hint = false} : vector<256x256xbf16>, vector<256x32xbf16>, vector<256x32xf32> -> vector<256x32xf32>
    %add3A_2360 = arith.addf %dot_general3A_2356, %dot_general3A_2359 : vector<256x32xf32>
    %slice3A_2361 = vector.extract_strided_slice %convert_element_type3A_2032 {offsets = [0, 192], sizes = [256, 32], strides = [1, 1]} : vector<256x256xbf16> to vector<256x32xbf16>
    %dot_general3A_2362 = arith.constant dense<0.000000e+00> : vector<256x32xf32>
    %dot_general3A_2363 = tpu.matmul %convert_element_type3A_2353, %slice3A_2361, %dot_general3A_2362 {dimension_numbers = #tpu.dot_dimension_numbers<[1], [0], [0], [1], [0, 0, 1, 1], [], []>, transpose_lhs_hint = false} : vector<256x256xbf16>, vector<256x32xbf16>, vector<256x32xf32> -> vector<256x32xf32>
    %add3A_2364 = arith.addf %add3A_2360, %dot_general3A_2363 : vector<256x32xf32>
    %slice3A_2365 = vector.extract_strided_slice %convert_element_type3A_2024 {offsets = [0, 224], sizes = [256, 32], strides = [1, 1]} : vector<256x256xbf16> to vector<256x32xbf16>
    %slice3A_2366 = vector.extract_strided_slice %convert_element_type3A_2028 {offsets = [0, 224], sizes = [256, 32], strides = [1, 1]} : vector<256x256xbf16> to vector<256x32xbf16>
    %dot_general3A_2367 = arith.constant dense<0.000000e+00> : vector<256x256xf32>
    %dot_general3A_2368 = tpu.matmul %slice3A_2365, %slice3A_2366, %dot_general3A_2367 {dimension_numbers = #tpu.dot_dimension_numbers<[1], [1], [0], [0], [0, 0, 1, 0], [], []>, transpose_lhs_hint = false} : vector<256x32xbf16>, vector<256x32xbf16>, vector<256x256xf32> -> vector<256x256xf32>
    %slice3A_2369 = vector.extract_strided_slice %convert_element_type3A_2024 {offsets = [0, 224], sizes = [256, 32], strides = [1, 1]} : vector<256x256xbf16> to vector<256x32xbf16>
    %slice3A_2370 = vector.extract_strided_slice %convert_element_type3A_2031 {offsets = [0, 224], sizes = [256, 32], strides = [1, 1]} : vector<256x256xbf16> to vector<256x32xbf16>
    %dot_general3A_2371 = arith.constant dense<0.000000e+00> : vector<256x256xf32>
    %dot_general3A_2372 = tpu.matmul %slice3A_2369, %slice3A_2370, %dot_general3A_2371 {dimension_numbers = #tpu.dot_dimension_numbers<[1], [1], [0], [0], [0, 0, 1, 0], [], []>, transpose_lhs_hint = false} : vector<256x32xbf16>, vector<256x32xbf16>, vector<256x256xf32> -> vector<256x256xf32>
    %add3A_2373 = arith.addf %dot_general3A_2368, %dot_general3A_2372 : vector<256x256xf32>
    %slice3A_2374 = vector.extract_strided_slice %convert_element_type3A_2027 {offsets = [0, 224], sizes = [256, 32], strides = [1, 1]} : vector<256x256xbf16> to vector<256x32xbf16>
    %slice3A_2375 = vector.extract_strided_slice %convert_element_type3A_2028 {offsets = [0, 224], sizes = [256, 32], strides = [1, 1]} : vector<256x256xbf16> to vector<256x32xbf16>
    %dot_general3A_2376 = arith.constant dense<0.000000e+00> : vector<256x256xf32>
    %dot_general3A_2377 = tpu.matmul %slice3A_2374, %slice3A_2375, %dot_general3A_2376 {dimension_numbers = #tpu.dot_dimension_numbers<[1], [1], [0], [0], [0, 0, 1, 0], [], []>, transpose_lhs_hint = false} : vector<256x32xbf16>, vector<256x32xbf16>, vector<256x256xf32> -> vector<256x256xf32>
    %add3A_2378 = arith.addf %add3A_2373, %dot_general3A_2377 : vector<256x256xf32>
    %mul3A_2379 = arith.constant 0.176776692 : f32
    %mul3A_2380 = vector.broadcast %mul3A_2379 : f32 to vector<256x256xf32>
    %mul3A_2381 = arith.mulf %add3A_2378, %mul3A_2380 : vector<256x256xf32>
    %add3A_2382 = arith.addf %mul3A_2381, %select_n3A_1942 : vector<256x256xf32>
    %reduce_max3A_2383 = arith.constant dense<0xFF800000> : vector<256xf32>
    %reduce_max3A_2384 = vector.multi_reduction <maximumf>, %add3A_2382, %reduce_max3A_2383 [1] : vector<256x256xf32> to vector<256xf32>
    %max3A_2385 = arith.constant 0xFF800000 : f32
    %max3A_2386 = vector.broadcast %max3A_2385 : f32 to vector<256xf32>
    %max3A_2387 = arith.maximumf %max3A_2386, %reduce_max3A_2384 : vector<256xf32>
    %broadcast_in_dim3A_2388 = vector.shape_cast %max3A_2387 : vector<256xf32> to vector<256x1xf32>
    %sub3A_2389 = vector.broadcast %broadcast_in_dim3A_2388 : vector<256x1xf32> to vector<256x256xf32>
    %sub3A_2390 = arith.subf %add3A_2382, %sub3A_2389 : vector<256x256xf32>
    %exp3A_2391 = math.exp %sub3A_2390 : vector<256x256xf32>
    %reduce_sum3A_2392 = arith.constant dense<0.000000e+00> : vector<256xf32>
    %reduce_sum3A_2393 = vector.multi_reduction <add>, %exp3A_2391, %reduce_sum3A_2392 [1] : vector<256x256xf32> to vector<256xf32>
    %broadcast_in_dim3A_2394 = vector.shape_cast %reduce_sum3A_2393 : vector<256xf32> to vector<256x1xf32>
    %div3A_2395 = vector.broadcast %broadcast_in_dim3A_2394 : vector<256x1xf32> to vector<256x256xf32>
    %div3A_2396 = arith.divf %exp3A_2391, %div3A_2395 : vector<256x256xf32>
    %convert_element_type3A_2397 = arith.truncf %div3A_2396 : vector<256x256xf32> to vector<256x256xbf16>
    %convert_element_type3A_2398 = arith.extf %convert_element_type3A_2397 : vector<256x256xbf16> to vector<256x256xf32>
    %sub3A_2399 = arith.subf %div3A_2396, %convert_element_type3A_2398 : vector<256x256xf32>
    %convert_element_type3A_2400 = arith.truncf %sub3A_2399 : vector<256x256xf32> to vector<256x256xbf16>
    %slice3A_2401 = vector.extract_strided_slice %convert_element_type3A_2032 {offsets = [0, 224], sizes = [256, 32], strides = [1, 1]} : vector<256x256xbf16> to vector<256x32xbf16>
    %dot_general3A_2402 = arith.constant dense<0.000000e+00> : vector<256x32xf32>
    %dot_general3A_2403 = tpu.matmul %convert_element_type3A_2397, %slice3A_2401, %dot_general3A_2402 {dimension_numbers = #tpu.dot_dimension_numbers<[1], [0], [0], [1], [0, 0, 1, 1], [], []>, transpose_lhs_hint = false} : vector<256x256xbf16>, vector<256x32xbf16>, vector<256x32xf32> -> vector<256x32xf32>
    %slice3A_2404 = vector.extract_strided_slice %convert_element_type3A_2035 {offsets = [0, 224], sizes = [256, 32], strides = [1, 1]} : vector<256x256xbf16> to vector<256x32xbf16>
    %dot_general3A_2405 = arith.constant dense<0.000000e+00> : vector<256x32xf32>
    %dot_general3A_2406 = tpu.matmul %convert_element_type3A_2397, %slice3A_2404, %dot_general3A_2405 {dimension_numbers = #tpu.dot_dimension_numbers<[1], [0], [0], [1], [0, 0, 1, 1], [], []>, transpose_lhs_hint = false} : vector<256x256xbf16>, vector<256x32xbf16>, vector<256x32xf32> -> vector<256x32xf32>
    %add3A_2407 = arith.addf %dot_general3A_2403, %dot_general3A_2406 : vector<256x32xf32>
    %slice3A_2408 = vector.extract_strided_slice %convert_element_type3A_2032 {offsets = [0, 224], sizes = [256, 32], strides = [1, 1]} : vector<256x256xbf16> to vector<256x32xbf16>
    %dot_general3A_2409 = arith.constant dense<0.000000e+00> : vector<256x32xf32>
    %dot_general3A_2410 = tpu.matmul %convert_element_type3A_2400, %slice3A_2408, %dot_general3A_2409 {dimension_numbers = #tpu.dot_dimension_numbers<[1], [0], [0], [1], [0, 0, 1, 1], [], []>, transpose_lhs_hint = false} : vector<256x256xbf16>, vector<256x32xbf16>, vector<256x32xf32> -> vector<256x32xf32>
    %add3A_2411 = arith.addf %add3A_2407, %dot_general3A_2410 : vector<256x32xf32>
    %concatenate3A_2412 = tpu.concatenate %add3A_2082, %add3A_2129, %add3A_2176, %add3A_2223, %add3A_2270, %add3A_2317, %add3A_2364, %add3A_2411 in 1 : vector<256x32xf32>, vector<256x32xf32>, vector<256x32xf32>, vector<256x32xf32>, vector<256x32xf32>, vector<256x32xf32>, vector<256x32xf32>, vector<256x32xf32> -> vector<256x256xf32>
    %convert_element_type3A_2413 = arith.truncf %concatenate3A_2412 : vector<256x256xf32> to vector<256x256xbf16>
    %convert_element_type3A_2414 = arith.extf %convert_element_type3A_2413 : vector<256x256xbf16> to vector<256x256xf32>
    %sub3A_2415 = arith.subf %concatenate3A_2412, %convert_element_type3A_2414 : vector<256x256xf32>
    %convert_element_type3A_2416 = arith.truncf %sub3A_2415 : vector<256x256xf32> to vector<256x256xbf16>
    %get3A_2417 = arith.constant 0 : index
    %get3A_2418 = arith.constant 2 : index
    %get3A_2419 = arith.constant 0 : index
    %get3A_2420 = arith.constant 0 : index
    %get3A_2421 = vector.load %arg26[%get3A_2417, %get3A_2418, %get3A_2419, %get3A_2420] : memref<2x4x256x256xbf16, #tpu.memory_space<vmem>>, vector<1x1x256x256xbf16>
    %get3A_2422 = vector.shape_cast %get3A_2421 : vector<1x1x256x256xbf16> to vector<256x256xbf16>
    %get3A_2423 = arith.constant 1 : index
    %get3A_2424 = arith.constant 2 : index
    %get3A_2425 = arith.constant 0 : index
    %get3A_2426 = arith.constant 0 : index
    %get3A_2427 = vector.load %arg26[%get3A_2423, %get3A_2424, %get3A_2425, %get3A_2426] : memref<2x4x256x256xbf16, #tpu.memory_space<vmem>>, vector<1x1x256x256xbf16>
    %get3A_2428 = vector.shape_cast %get3A_2427 : vector<1x1x256x256xbf16> to vector<256x256xbf16>
    %dot_general3A_2429 = arith.constant dense<0.000000e+00> : vector<256x256xf32>
    %dot_general3A_2430 = tpu.matmul %convert_element_type3A_2413, %get3A_2422, %dot_general3A_2429 {dimension_numbers = #tpu.dot_dimension_numbers<[1], [0], [0], [1], [0, 0, 1, 1], [], []>, transpose_lhs_hint = false} : vector<256x256xbf16>, vector<256x256xbf16>, vector<256x256xf32> -> vector<256x256xf32>
    %dot_general3A_2431 = arith.constant dense<0.000000e+00> : vector<256x256xf32>
    %dot_general3A_2432 = tpu.matmul %convert_element_type3A_2413, %get3A_2428, %dot_general3A_2431 {dimension_numbers = #tpu.dot_dimension_numbers<[1], [0], [0], [1], [0, 0, 1, 1], [], []>, transpose_lhs_hint = false} : vector<256x256xbf16>, vector<256x256xbf16>, vector<256x256xf32> -> vector<256x256xf32>
    %add3A_2433 = arith.addf %dot_general3A_2430, %dot_general3A_2432 : vector<256x256xf32>
    %dot_general3A_2434 = arith.constant dense<0.000000e+00> : vector<256x256xf32>
    %dot_general3A_2435 = tpu.matmul %convert_element_type3A_2416, %get3A_2422, %dot_general3A_2434 {dimension_numbers = #tpu.dot_dimension_numbers<[1], [0], [0], [1], [0, 0, 1, 1], [], []>, transpose_lhs_hint = false} : vector<256x256xbf16>, vector<256x256xbf16>, vector<256x256xf32> -> vector<256x256xf32>
    %add3A_2436 = arith.addf %add3A_2433, %dot_general3A_2435 : vector<256x256xf32>
    %get3A_2437 = arith.constant 2 : index
    %get3A_2438 = arith.constant 0 : index
    %get3A_2439 = arith.constant 0 : index
    %get3A_2440 = vector.load %arg27[%get3A_2437, %get3A_2438, %get3A_2439] : memref<4x1x256xf32, #tpu.memory_space<vmem>>, vector<1x1x256xf32>
    %get3A_2441 = vector.shape_cast %get3A_2440 : vector<1x1x256xf32> to vector<1x256xf32>
    %add3A_2442 = vector.broadcast %get3A_2441 : vector<1x256xf32> to vector<256x256xf32>
    %add3A_2443 = arith.addf %add3A_2436, %add3A_2442 : vector<256x256xf32>
    %mul3A_2444 = vector.broadcast %logistic3A_1924 : vector<256x1xf32> to vector<256x256xf32>
    %mul3A_2445 = arith.mulf %add3A_2443, %mul3A_2444 : vector<256x256xf32>
    %add3A_2446 = arith.addf %add3A_1828, %div3A_1743 : vector<256x256xf32>
    %mul3A_2447 = vector.broadcast %broadcast_in_dim3A_1888 : vector<256x1xf32> to vector<256x256xf32>
    %mul3A_2448 = arith.mulf %mul3A_2447, %mul3A_2445 : vector<256x256xf32>
    %add3A_2449 = arith.addf %add3A_2446, %mul3A_2448 : vector<256x256xf32>
    %reduce_sum3A_2450 = arith.constant dense<0.000000e+00> : vector<256xf32>
    %reduce_sum3A_2451 = vector.multi_reduction <add>, %add3A_2449, %reduce_sum3A_2450 [1] : vector<256x256xf32> to vector<256xf32>
    %broadcast_in_dim3A_2452 = vector.shape_cast %reduce_sum3A_2451 : vector<256xf32> to vector<256x1xf32>
    %div3A_2453 = arith.constant 2.560000e+02 : f32
    %div3A_2454 = vector.broadcast %div3A_2453 : f32 to vector<256x1xf32>
    %div3A_2455 = arith.divf %broadcast_in_dim3A_2452, %div3A_2454 : vector<256x1xf32>
    %sub3A_2456 = vector.broadcast %div3A_2455 : vector<256x1xf32> to vector<256x256xf32>
    %sub3A_2457 = arith.subf %add3A_2449, %sub3A_2456 : vector<256x256xf32>
    %mul3A_2458 = arith.mulf %sub3A_2457, %sub3A_2457 : vector<256x256xf32>
    %reduce_sum3A_2459 = arith.constant dense<0.000000e+00> : vector<256xf32>
    %reduce_sum3A_2460 = vector.multi_reduction <add>, %mul3A_2458, %reduce_sum3A_2459 [1] : vector<256x256xf32> to vector<256xf32>
    %broadcast_in_dim3A_2461 = vector.shape_cast %reduce_sum3A_2460 : vector<256xf32> to vector<256x1xf32>
    %div3A_2462 = arith.constant 2.560000e+02 : f32
    %div3A_2463 = vector.broadcast %div3A_2462 : f32 to vector<256x1xf32>
    %div3A_2464 = arith.divf %broadcast_in_dim3A_2461, %div3A_2463 : vector<256x1xf32>
    %add3A_2465 = arith.constant 9.99999974E-6 : f32
    %add3A_2466 = vector.broadcast %add3A_2465 : f32 to vector<256x1xf32>
    %add3A_2467 = arith.addf %div3A_2464, %add3A_2466 : vector<256x1xf32>
    %sqrt3A_2468 = math.sqrt %add3A_2467 : vector<256x1xf32>
    %div3A_2469 = vector.broadcast %sqrt3A_2468 : vector<256x1xf32> to vector<256x256xf32>
    %div3A_2470 = arith.divf %sub3A_2457, %div3A_2469 : vector<256x256xf32>
    %convert_element_type3A_2471 = arith.truncf %div3A_2470 : vector<256x256xf32> to vector<256x256xbf16>
    %convert_element_type3A_2472 = arith.extf %convert_element_type3A_2471 : vector<256x256xbf16> to vector<256x256xf32>
    %sub3A_2473 = arith.subf %div3A_2470, %convert_element_type3A_2472 : vector<256x256xf32>
    %convert_element_type3A_2474 = arith.truncf %sub3A_2473 : vector<256x256xf32> to vector<256x256xbf16>
    %dot_general3A_2475 = arith.constant dense<0.000000e+00> : vector<256x256xf32>
    %dot_general3A_2476 = tpu.matmul %convert_element_type3A_300, %convert_element_type3A_2471, %dot_general3A_2475 {dimension_numbers = #tpu.dot_dimension_numbers<[1], [0], [0], [1], [0, 0, 1, 1], [], []>, transpose_lhs_hint = false} : vector<256x256xbf16>, vector<256x256xbf16>, vector<256x256xf32> -> vector<256x256xf32>
    %dot_general3A_2477 = arith.constant dense<0.000000e+00> : vector<256x256xf32>
    %dot_general3A_2478 = tpu.matmul %convert_element_type3A_300, %convert_element_type3A_2474, %dot_general3A_2477 {dimension_numbers = #tpu.dot_dimension_numbers<[1], [0], [0], [1], [0, 0, 1, 1], [], []>, transpose_lhs_hint = false} : vector<256x256xbf16>, vector<256x256xbf16>, vector<256x256xf32> -> vector<256x256xf32>
    %add3A_2479 = arith.addf %dot_general3A_2476, %dot_general3A_2478 : vector<256x256xf32>
    %dot_general3A_2480 = arith.constant dense<0.000000e+00> : vector<256x256xf32>
    %dot_general3A_2481 = tpu.matmul %convert_element_type3A_303, %convert_element_type3A_2471, %dot_general3A_2480 {dimension_numbers = #tpu.dot_dimension_numbers<[1], [0], [0], [1], [0, 0, 1, 1], [], []>, transpose_lhs_hint = false} : vector<256x256xbf16>, vector<256x256xbf16>, vector<256x256xf32> -> vector<256x256xf32>
    %add3A_2482 = arith.addf %add3A_2479, %dot_general3A_2481 : vector<256x256xf32>
    %get3A_2483 = arith.constant 0 : index
    %get3A_2484 = arith.constant 3 : index
    %get3A_2485 = vector.load %arg18[%get3A_2483, %get3A_2484] : memref<1x4xf32, #tpu.memory_space<vmem>>, vector<1x1xf32>
    %mul3A_2486 = vector.broadcast %get3A_2485 : vector<1x1xf32> to vector<256x256xf32>
    %mul3A_2487 = arith.mulf %mul3A_2486, %div3A_2470 : vector<256x256xf32>
    %add3A_2488 = arith.addf %div3A_2470, %mul3A_2487 : vector<256x256xf32>
    %add3A_2489 = arith.addf %add3A_2488, %add3A_2482 : vector<256x256xf32>
    %convert_element_type3A_2490 = arith.truncf %add3A_2489 : vector<256x256xf32> to vector<256x256xbf16>
    %convert_element_type3A_2491 = arith.extf %convert_element_type3A_2490 : vector<256x256xbf16> to vector<256x256xf32>
    %sub3A_2492 = arith.subf %add3A_2489, %convert_element_type3A_2491 : vector<256x256xf32>
    %convert_element_type3A_2493 = arith.truncf %sub3A_2492 : vector<256x256xf32> to vector<256x256xbf16>
    %get3A_2494 = arith.constant 0 : index
    %get3A_2495 = arith.constant 3 : index
    %get3A_2496 = arith.constant 0 : index
    %get3A_2497 = arith.constant 0 : index
    %get3A_2498 = vector.load %arg14[%get3A_2494, %get3A_2495, %get3A_2496, %get3A_2497] : memref<2x4x256x256xbf16, #tpu.memory_space<vmem>>, vector<1x1x256x256xbf16>
    %get3A_2499 = vector.shape_cast %get3A_2498 : vector<1x1x256x256xbf16> to vector<256x256xbf16>
    %get3A_2500 = arith.constant 1 : index
    %get3A_2501 = arith.constant 3 : index
    %get3A_2502 = arith.constant 0 : index
    %get3A_2503 = arith.constant 0 : index
    %get3A_2504 = vector.load %arg14[%get3A_2500, %get3A_2501, %get3A_2502, %get3A_2503] : memref<2x4x256x256xbf16, #tpu.memory_space<vmem>>, vector<1x1x256x256xbf16>
    %get3A_2505 = vector.shape_cast %get3A_2504 : vector<1x1x256x256xbf16> to vector<256x256xbf16>
    %dot_general3A_2506 = arith.constant dense<0.000000e+00> : vector<256x256xf32>
    %dot_general3A_2507 = tpu.matmul %convert_element_type3A_2490, %get3A_2499, %dot_general3A_2506 {dimension_numbers = #tpu.dot_dimension_numbers<[1], [0], [0], [1], [0, 0, 1, 1], [], []>, transpose_lhs_hint = false} : vector<256x256xbf16>, vector<256x256xbf16>, vector<256x256xf32> -> vector<256x256xf32>
    %dot_general3A_2508 = arith.constant dense<0.000000e+00> : vector<256x256xf32>
    %dot_general3A_2509 = tpu.matmul %convert_element_type3A_2490, %get3A_2505, %dot_general3A_2508 {dimension_numbers = #tpu.dot_dimension_numbers<[1], [0], [0], [1], [0, 0, 1, 1], [], []>, transpose_lhs_hint = false} : vector<256x256xbf16>, vector<256x256xbf16>, vector<256x256xf32> -> vector<256x256xf32>
    %add3A_2510 = arith.addf %dot_general3A_2507, %dot_general3A_2509 : vector<256x256xf32>
    %dot_general3A_2511 = arith.constant dense<0.000000e+00> : vector<256x256xf32>
    %dot_general3A_2512 = tpu.matmul %convert_element_type3A_2493, %get3A_2499, %dot_general3A_2511 {dimension_numbers = #tpu.dot_dimension_numbers<[1], [0], [0], [1], [0, 0, 1, 1], [], []>, transpose_lhs_hint = false} : vector<256x256xbf16>, vector<256x256xbf16>, vector<256x256xf32> -> vector<256x256xf32>
    %add3A_2513 = arith.addf %add3A_2510, %dot_general3A_2512 : vector<256x256xf32>
    %get3A_2514 = arith.constant 3 : index
    %get3A_2515 = arith.constant 0 : index
    %get3A_2516 = arith.constant 0 : index
    %get3A_2517 = vector.load %arg15[%get3A_2514, %get3A_2515, %get3A_2516] : memref<4x1x256xf32, #tpu.memory_space<vmem>>, vector<1x1x256xf32>
    %get3A_2518 = vector.shape_cast %get3A_2517 : vector<1x1x256xf32> to vector<1x256xf32>
    %add3A_2519 = vector.broadcast %get3A_2518 : vector<1x256xf32> to vector<256x256xf32>
    %add3A_2520 = arith.addf %add3A_2513, %add3A_2519 : vector<256x256xf32>
    %max3A_2521 = arith.constant 0.000000e+00 : f32
    %max3A_2522 = vector.broadcast %max3A_2521 : f32 to vector<256x256xf32>
    %max3A_2523 = arith.maximumf %add3A_2520, %max3A_2522 : vector<256x256xf32>
    %convert_element_type3A_2524 = arith.truncf %max3A_2523 : vector<256x256xf32> to vector<256x256xbf16>
    %convert_element_type3A_2525 = arith.extf %convert_element_type3A_2524 : vector<256x256xbf16> to vector<256x256xf32>
    %sub3A_2526 = arith.subf %max3A_2523, %convert_element_type3A_2525 : vector<256x256xf32>
    %convert_element_type3A_2527 = arith.truncf %sub3A_2526 : vector<256x256xf32> to vector<256x256xbf16>
    %get3A_2528 = arith.constant 0 : index
    %get3A_2529 = arith.constant 3 : index
    %get3A_2530 = arith.constant 0 : index
    %get3A_2531 = arith.constant 0 : index
    %get3A_2532 = vector.load %arg16[%get3A_2528, %get3A_2529, %get3A_2530, %get3A_2531] : memref<2x4x256x256xbf16, #tpu.memory_space<vmem>>, vector<1x1x256x256xbf16>
    %get3A_2533 = vector.shape_cast %get3A_2532 : vector<1x1x256x256xbf16> to vector<256x256xbf16>
    %get3A_2534 = arith.constant 1 : index
    %get3A_2535 = arith.constant 3 : index
    %get3A_2536 = arith.constant 0 : index
    %get3A_2537 = arith.constant 0 : index
    %get3A_2538 = vector.load %arg16[%get3A_2534, %get3A_2535, %get3A_2536, %get3A_2537] : memref<2x4x256x256xbf16, #tpu.memory_space<vmem>>, vector<1x1x256x256xbf16>
    %get3A_2539 = vector.shape_cast %get3A_2538 : vector<1x1x256x256xbf16> to vector<256x256xbf16>
    %dot_general3A_2540 = arith.constant dense<0.000000e+00> : vector<256x256xf32>
    %dot_general3A_2541 = tpu.matmul %convert_element_type3A_2524, %get3A_2533, %dot_general3A_2540 {dimension_numbers = #tpu.dot_dimension_numbers<[1], [0], [0], [1], [0, 0, 1, 1], [], []>, transpose_lhs_hint = false} : vector<256x256xbf16>, vector<256x256xbf16>, vector<256x256xf32> -> vector<256x256xf32>
    %dot_general3A_2542 = arith.constant dense<0.000000e+00> : vector<256x256xf32>
    %dot_general3A_2543 = tpu.matmul %convert_element_type3A_2524, %get3A_2539, %dot_general3A_2542 {dimension_numbers = #tpu.dot_dimension_numbers<[1], [0], [0], [1], [0, 0, 1, 1], [], []>, transpose_lhs_hint = false} : vector<256x256xbf16>, vector<256x256xbf16>, vector<256x256xf32> -> vector<256x256xf32>
    %add3A_2544 = arith.addf %dot_general3A_2541, %dot_general3A_2543 : vector<256x256xf32>
    %dot_general3A_2545 = arith.constant dense<0.000000e+00> : vector<256x256xf32>
    %dot_general3A_2546 = tpu.matmul %convert_element_type3A_2527, %get3A_2533, %dot_general3A_2545 {dimension_numbers = #tpu.dot_dimension_numbers<[1], [0], [0], [1], [0, 0, 1, 1], [], []>, transpose_lhs_hint = false} : vector<256x256xbf16>, vector<256x256xbf16>, vector<256x256xf32> -> vector<256x256xf32>
    %add3A_2547 = arith.addf %add3A_2544, %dot_general3A_2546 : vector<256x256xf32>
    %add3A_2548 = arith.addf %div3A_2470, %add3A_2547 : vector<256x256xf32>
    %get3A_2549 = arith.constant 3 : index
    %get3A_2550 = arith.constant 0 : index
    %get3A_2551 = arith.constant 0 : index
    %get3A_2552 = vector.load %arg17[%get3A_2549, %get3A_2550, %get3A_2551] : memref<4x1x256xf32, #tpu.memory_space<vmem>>, vector<1x1x256xf32>
    %get3A_2553 = vector.shape_cast %get3A_2552 : vector<1x1x256xf32> to vector<1x256xf32>
    %add3A_2554 = vector.broadcast %get3A_2553 : vector<1x256xf32> to vector<256x256xf32>
    %add3A_2555 = arith.addf %add3A_2548, %add3A_2554 : vector<256x256xf32>
    %get3A_2556 = arith.constant 3 : index
    %get3A_2557 = arith.constant 0 : index
    %get3A_2558 = arith.constant 0 : index
    %get3A_2559 = vector.load %arg19[%get3A_2556, %get3A_2557, %get3A_2558] : memref<4x1x256xf32, #tpu.memory_space<vmem>>, vector<1x1x256xf32>
    %get3A_2560 = vector.shape_cast %get3A_2559 : vector<1x1x256xf32> to vector<1x256xf32>
    %mul3A_2561 = vector.broadcast %get3A_2560 : vector<1x256xf32> to vector<256x256xf32>
    %mul3A_2562 = arith.mulf %div3A_2470, %mul3A_2561 : vector<256x256xf32>
    %reduce_sum3A_2563 = arith.constant dense<0.000000e+00> : vector<256xf32>
    %reduce_sum3A_2564 = vector.multi_reduction <add>, %mul3A_2562, %reduce_sum3A_2563 [1] : vector<256x256xf32> to vector<256xf32>
    %broadcast_in_dim3A_2565 = vector.shape_cast %reduce_sum3A_2564 : vector<256xf32> to vector<256x1xf32>
    %mul3A_2566 = vector.broadcast %broadcast_in_dim3A_2565 : vector<256x1xf32> to vector<256x256xf32>
    %mul3A_2567 = arith.mulf %convert_element_type3A_100, %mul3A_2566 : vector<256x256xf32>
    %convert_element_type3A_2568 = arith.truncf %mul3A_2567 : vector<256x256xf32> to vector<256x256xbf16>
    %convert_element_type3A_2569 = arith.extf %convert_element_type3A_2568 : vector<256x256xbf16> to vector<256x256xf32>
    %sub3A_2570 = arith.subf %mul3A_2567, %convert_element_type3A_2569 : vector<256x256xf32>
    %convert_element_type3A_2571 = arith.truncf %sub3A_2570 : vector<256x256xf32> to vector<256x256xbf16>
    %convert_element_type3A_2572 = arith.extf %convert_element_type3A_2571 : vector<256x256xbf16> to vector<256x256xf32>
    %sub3A_2573 = arith.subf %sub3A_2570, %convert_element_type3A_2572 : vector<256x256xf32>
    %convert_element_type3A_2574 = arith.truncf %sub3A_2573 : vector<256x256xf32> to vector<256x256xbf16>
    %dot_general3A_2575 = arith.constant dense<0.000000e+00> : vector<256x256xf32>
    %dot_general3A_2576 = tpu.matmul %convert_element_type3A_97, %convert_element_type3A_2568, %dot_general3A_2575 {dimension_numbers = #tpu.dot_dimension_numbers<[1], [0], [0], [1], [0, 0, 1, 1], [], []>, transpose_lhs_hint = false} : vector<256x256xbf16>, vector<256x256xbf16>, vector<256x256xf32> -> vector<256x256xf32>
    %dot_general3A_2577 = arith.constant dense<0.000000e+00> : vector<256x256xf32>
    %dot_general3A_2578 = tpu.matmul %convert_element_type3A_97, %convert_element_type3A_2571, %dot_general3A_2577 {dimension_numbers = #tpu.dot_dimension_numbers<[1], [0], [0], [1], [0, 0, 1, 1], [], []>, transpose_lhs_hint = false} : vector<256x256xbf16>, vector<256x256xbf16>, vector<256x256xf32> -> vector<256x256xf32>
    %add3A_2579 = arith.addf %dot_general3A_2576, %dot_general3A_2578 : vector<256x256xf32>
    %dot_general3A_2580 = arith.constant dense<0.000000e+00> : vector<256x256xf32>
    %dot_general3A_2581 = tpu.matmul %convert_element_type3A_97, %convert_element_type3A_2574, %dot_general3A_2580 {dimension_numbers = #tpu.dot_dimension_numbers<[1], [0], [0], [1], [0, 0, 1, 1], [], []>, transpose_lhs_hint = false} : vector<256x256xbf16>, vector<256x256xbf16>, vector<256x256xf32> -> vector<256x256xf32>
    %add3A_2582 = arith.addf %add3A_2579, %dot_general3A_2581 : vector<256x256xf32>
    %lt3A_2583 = vector.broadcast %broadcast_in_dim3A_2565 : vector<256x1xf32> to vector<256x256xf32>
    %lt3A_2584 = arith.cmpf olt, %add3A_2582, %lt3A_2583 : vector<256x256xf32>
    %eq3A_2585 = vector.broadcast %broadcast_in_dim3A_2565 : vector<256x1xf32> to vector<256x256xf32>
    %eq3A_2586 = arith.cmpf oeq, %add3A_2582, %eq3A_2585 : vector<256x256xf32>
    %lt3A_2587 = arith.cmpi slt, %iota3A_0, %iota3A : vector<256x256xi32>
    %and3A_2588 = arith.andi %eq3A_2586, %lt3A_2587 : vector<256x256xi1>
    %or3A_2589 = arith.ori %lt3A_2584, %and3A_2588 : vector<256x256xi1>
    %and3A_2590 = arith.andi %eq3A, %or3A_2589 : vector<256x256xi1>
    %convert_element_type3A_2591 = arith.extui %and3A_2590 : vector<256x256xi1> to vector<256x256xi32>
    %convert_element_type3A_2592 = arith.sitofp %convert_element_type3A_2591 : vector<256x256xi32> to vector<256x256xf32>
    %reduce_sum3A_2593 = arith.constant dense<0.000000e+00> : vector<256xf32>
    %reduce_sum3A_2594 = vector.multi_reduction <add>, %convert_element_type3A_2592, %reduce_sum3A_2593 [1] : vector<256x256xf32> to vector<256xf32>
    %broadcast_in_dim3A_2595 = vector.shape_cast %reduce_sum3A_2594 : vector<256xf32> to vector<256x1xf32>
    %eq3A_2596 = arith.constant 3 : i32
    %eq3A_2597 = vector.broadcast %eq3A_2596 : i32 to vector<1x128xi32>
    %eq3A_2598 = arith.cmpi eq, %iota3A_96, %eq3A_2597 : vector<1x128xi32>
    %convert_element_type3A_2599 = arith.extui %eq3A_2598 : vector<1x128xi1> to vector<1x128xi32>
    %convert_element_type3A_2600 = arith.sitofp %convert_element_type3A_2599 : vector<1x128xi32> to vector<1x128xf32>
    %mul3A_2601 = vector.broadcast %convert_element_type3A_2600 : vector<1x128xf32> to vector<256x128xf32>
    %mul3A_2602 = arith.mulf %add3A_234, %mul3A_2601 : vector<256x128xf32>
    %reduce_sum3A_2603 = arith.constant dense<0.000000e+00> : vector<256xf32>
    %reduce_sum3A_2604 = vector.multi_reduction <add>, %mul3A_2602, %reduce_sum3A_2603 [1] : vector<256x128xf32> to vector<256xf32>
    %broadcast_in_dim3A_2605 = vector.shape_cast %reduce_sum3A_2604 : vector<256xf32> to vector<256x1xf32>
    %eq3A_2606 = arith.constant 7 : i32
    %eq3A_2607 = vector.broadcast %eq3A_2606 : i32 to vector<1x128xi32>
    %eq3A_2608 = arith.cmpi eq, %iota3A_96, %eq3A_2607 : vector<1x128xi32>
    %convert_element_type3A_2609 = arith.extui %eq3A_2608 : vector<1x128xi1> to vector<1x128xi32>
    %convert_element_type3A_2610 = arith.sitofp %convert_element_type3A_2609 : vector<1x128xi32> to vector<1x128xf32>
    %mul3A_2611 = vector.broadcast %convert_element_type3A_2610 : vector<1x128xf32> to vector<256x128xf32>
    %mul3A_2612 = arith.mulf %logistic3A_240, %mul3A_2611 : vector<256x128xf32>
    %reduce_sum3A_2613 = arith.constant dense<0.000000e+00> : vector<256xf32>
    %reduce_sum3A_2614 = vector.multi_reduction <add>, %mul3A_2612, %reduce_sum3A_2613 [1] : vector<256x128xf32> to vector<256xf32>
    %broadcast_in_dim3A_2615 = vector.shape_cast %reduce_sum3A_2614 : vector<256xf32> to vector<256x1xf32>
    %sub3A_2616 = arith.constant 1.000000e+00 : f32
    %sub3A_2617 = vector.broadcast %sub3A_2616 : f32 to vector<256x1xf32>
    %sub3A_2618 = arith.subf %sub3A_2617, %broadcast_in_dim3A_2605 : vector<256x1xf32>
    %mul3A_2619 = arith.constant 3.100000e+01 : f32
    %mul3A_2620 = vector.broadcast %mul3A_2619 : f32 to vector<256x1xf32>
    %mul3A_2621 = arith.mulf %sub3A_2618, %mul3A_2620 : vector<256x1xf32>
    %floor3A_2622 = math.floor %mul3A_2621 : vector<256x1xf32>
    %jit3A_2623 = arith.constant 0.000000e+00 : f32
    %jit3A_2624 = arith.constant 3.100000e+01 : f32
    %max3A_2625 = vector.broadcast %jit3A_2623 : f32 to vector<256x1xf32>
    %max3A_2626 = arith.maximumf %max3A_2625, %floor3A_2622 : vector<256x1xf32>
    %min3A_2627 = vector.broadcast %jit3A_2624 : f32 to vector<256x1xf32>
    %min3A_2628 = arith.minimumf %min3A_2627, %max3A_2626 : vector<256x1xf32>
    %sub3A_2629 = arith.subf %broadcast_in_dim3A_2595, %min3A_2628 : vector<256x1xf32>
    %mul3A_2630 = vector.broadcast %sub3A_2629 : vector<256x1xf32> to vector<256x256xf32>
    %mul3A_2631 = arith.mulf %convert_element_type3A_100, %mul3A_2630 : vector<256x256xf32>
    %convert_element_type3A_2632 = arith.truncf %mul3A_2631 : vector<256x256xf32> to vector<256x256xbf16>
    %dot_general3A_2633 = arith.constant dense<0.000000e+00> : vector<256x256xf32>
    %dot_general3A_2634 = tpu.matmul %convert_element_type3A_97, %convert_element_type3A_2632, %dot_general3A_2633 {dimension_numbers = #tpu.dot_dimension_numbers<[1], [0], [0], [1], [0, 0, 1, 1], [], []>, transpose_lhs_hint = false} : vector<256x256xbf16>, vector<256x256xbf16>, vector<256x256xf32> -> vector<256x256xf32>
    %eq3A_2635 = arith.constant 0.000000e+00 : f32
    %eq3A_2636 = vector.broadcast %eq3A_2635 : f32 to vector<256x256xf32>
    %eq3A_2637 = arith.cmpf oeq, %dot_general3A_2634, %eq3A_2636 : vector<256x256xf32>
    %convert_element_type3A_2638 = arith.extui %eq3A_2637 : vector<256x256xi1> to vector<256x256xi32>
    %convert_element_type3A_2639 = arith.sitofp %convert_element_type3A_2638 : vector<256x256xi32> to vector<256x256xf32>
    %mul3A_2640 = arith.mulf %convert_element_type3A_55, %add3A_2582 : vector<256x256xf32>
    %mul3A_2641 = arith.mulf %mul3A_2640, %convert_element_type3A_2639 : vector<256x256xf32>
    %reduce_sum3A_2642 = arith.constant dense<0.000000e+00> : vector<256xf32>
    %reduce_sum3A_2643 = vector.multi_reduction <add>, %mul3A_2641, %reduce_sum3A_2642 [1] : vector<256x256xf32> to vector<256xf32>
    %broadcast_in_dim3A_2644 = vector.shape_cast %reduce_sum3A_2643 : vector<256xf32> to vector<256x1xf32>
    %sub3A_2645 = arith.subf %broadcast_in_dim3A_2565, %broadcast_in_dim3A_2644 : vector<256x1xf32>
    %logistic3A_2646 = arith.negf %sub3A_2645 : vector<256x1xf32>
    %logistic3A_2647 = math.exp %logistic3A_2646 : vector<256x1xf32>
    %logistic3A_2648 = arith.constant 1.000000e+00 : f32
    %logistic3A_2649 = vector.broadcast %logistic3A_2648 : f32 to vector<256x1xf32>
    %logistic3A_2650 = arith.addf %logistic3A_2649, %logistic3A_2647 : vector<256x1xf32>
    %logistic3A_2651 = arith.divf %logistic3A_2649, %logistic3A_2650 : vector<256x1xf32>
    %add3A_2652 = arith.constant 9.99999997E-7 : f32
    %add3A_2653 = vector.broadcast %add3A_2652 : f32 to vector<256x1xf32>
    %add3A_2654 = arith.addf %logistic3A_2651, %add3A_2653 : vector<256x1xf32>
    %log3A_2655 = math.log %add3A_2654 : vector<256x1xf32>
    %mul3A_2656 = vector.broadcast %log3A_2655 : vector<256x1xf32> to vector<256x256xf32>
    %mul3A_2657 = arith.mulf %convert_element_type3A_100, %mul3A_2656 : vector<256x256xf32>
    %convert_element_type3A_2658 = arith.truncf %mul3A_2657 : vector<256x256xf32> to vector<256x256xbf16>
    %convert_element_type3A_2659 = arith.extf %convert_element_type3A_2658 : vector<256x256xbf16> to vector<256x256xf32>
    %sub3A_2660 = arith.subf %mul3A_2657, %convert_element_type3A_2659 : vector<256x256xf32>
    %convert_element_type3A_2661 = arith.truncf %sub3A_2660 : vector<256x256xf32> to vector<256x256xbf16>
    %dot_general3A_2662 = arith.constant dense<0.000000e+00> : vector<256x256xf32>
    %dot_general3A_2663 = tpu.matmul %convert_element_type3A_97, %convert_element_type3A_2658, %dot_general3A_2662 {dimension_numbers = #tpu.dot_dimension_numbers<[1], [0], [0], [1], [0, 0, 1, 1], [], []>, transpose_lhs_hint = false} : vector<256x256xbf16>, vector<256x256xbf16>, vector<256x256xf32> -> vector<256x256xf32>
    %dot_general3A_2664 = arith.constant dense<0.000000e+00> : vector<256x256xf32>
    %dot_general3A_2665 = tpu.matmul %convert_element_type3A_97, %convert_element_type3A_2661, %dot_general3A_2664 {dimension_numbers = #tpu.dot_dimension_numbers<[1], [0], [0], [1], [0, 0, 1, 1], [], []>, transpose_lhs_hint = false} : vector<256x256xbf16>, vector<256x256xbf16>, vector<256x256xf32> -> vector<256x256xf32>
    %add3A_2666 = arith.addf %dot_general3A_2663, %dot_general3A_2665 : vector<256x256xf32>
    %jit3A_2667 = arith.constant -1.000000e+30 : f32
    %broadcast_in_dim3A_2668 = vector.broadcast %jit3A_2667 : f32 to vector<256x256xf32>
    %select_n3A_2669 = arith.select %eq3A, %add3A_2666, %broadcast_in_dim3A_2668 : vector<256x256xi1>, vector<256x256xf32>
    %get3A_2670 = arith.constant 0 : index
    %get3A_2671 = arith.constant 3 : index
    %get3A_2672 = arith.constant 0 : index
    %get3A_2673 = arith.constant 0 : index
    %get3A_2674 = vector.load %arg20[%get3A_2670, %get3A_2671, %get3A_2672, %get3A_2673] : memref<2x4x256x256xbf16, #tpu.memory_space<vmem>>, vector<1x1x256x256xbf16>
    %get3A_2675 = vector.shape_cast %get3A_2674 : vector<1x1x256x256xbf16> to vector<256x256xbf16>
    %get3A_2676 = arith.constant 1 : index
    %get3A_2677 = arith.constant 3 : index
    %get3A_2678 = arith.constant 0 : index
    %get3A_2679 = arith.constant 0 : index
    %get3A_2680 = vector.load %arg20[%get3A_2676, %get3A_2677, %get3A_2678, %get3A_2679] : memref<2x4x256x256xbf16, #tpu.memory_space<vmem>>, vector<1x1x256x256xbf16>
    %get3A_2681 = vector.shape_cast %get3A_2680 : vector<1x1x256x256xbf16> to vector<256x256xbf16>
    %dot_general3A_2682 = arith.constant dense<0.000000e+00> : vector<256x256xf32>
    %dot_general3A_2683 = tpu.matmul %convert_element_type3A_2471, %get3A_2675, %dot_general3A_2682 {dimension_numbers = #tpu.dot_dimension_numbers<[1], [0], [0], [1], [0, 0, 1, 1], [], []>, transpose_lhs_hint = false} : vector<256x256xbf16>, vector<256x256xbf16>, vector<256x256xf32> -> vector<256x256xf32>
    %dot_general3A_2684 = arith.constant dense<0.000000e+00> : vector<256x256xf32>
    %dot_general3A_2685 = tpu.matmul %convert_element_type3A_2471, %get3A_2681, %dot_general3A_2684 {dimension_numbers = #tpu.dot_dimension_numbers<[1], [0], [0], [1], [0, 0, 1, 1], [], []>, transpose_lhs_hint = false} : vector<256x256xbf16>, vector<256x256xbf16>, vector<256x256xf32> -> vector<256x256xf32>
    %add3A_2686 = arith.addf %dot_general3A_2683, %dot_general3A_2685 : vector<256x256xf32>
    %dot_general3A_2687 = arith.constant dense<0.000000e+00> : vector<256x256xf32>
    %dot_general3A_2688 = tpu.matmul %convert_element_type3A_2474, %get3A_2675, %dot_general3A_2687 {dimension_numbers = #tpu.dot_dimension_numbers<[1], [0], [0], [1], [0, 0, 1, 1], [], []>, transpose_lhs_hint = false} : vector<256x256xbf16>, vector<256x256xbf16>, vector<256x256xf32> -> vector<256x256xf32>
    %add3A_2689 = arith.addf %add3A_2686, %dot_general3A_2688 : vector<256x256xf32>
    %get3A_2690 = arith.constant 3 : index
    %get3A_2691 = arith.constant 0 : index
    %get3A_2692 = arith.constant 0 : index
    %get3A_2693 = vector.load %arg21[%get3A_2690, %get3A_2691, %get3A_2692] : memref<4x1x256xf32, #tpu.memory_space<vmem>>, vector<1x1x256xf32>
    %get3A_2694 = vector.shape_cast %get3A_2693 : vector<1x1x256xf32> to vector<1x256xf32>
    %add3A_2695 = vector.broadcast %get3A_2694 : vector<1x256xf32> to vector<256x256xf32>
    %add3A_2696 = arith.addf %add3A_2689, %add3A_2695 : vector<256x256xf32>
    %get3A_2697 = arith.constant 0 : index
    %get3A_2698 = arith.constant 3 : index
    %get3A_2699 = arith.constant 0 : index
    %get3A_2700 = arith.constant 0 : index
    %get3A_2701 = vector.load %arg22[%get3A_2697, %get3A_2698, %get3A_2699, %get3A_2700] : memref<2x4x256x256xbf16, #tpu.memory_space<vmem>>, vector<1x1x256x256xbf16>
    %get3A_2702 = vector.shape_cast %get3A_2701 : vector<1x1x256x256xbf16> to vector<256x256xbf16>
    %get3A_2703 = arith.constant 1 : index
    %get3A_2704 = arith.constant 3 : index
    %get3A_2705 = arith.constant 0 : index
    %get3A_2706 = arith.constant 0 : index
    %get3A_2707 = vector.load %arg22[%get3A_2703, %get3A_2704, %get3A_2705, %get3A_2706] : memref<2x4x256x256xbf16, #tpu.memory_space<vmem>>, vector<1x1x256x256xbf16>
    %get3A_2708 = vector.shape_cast %get3A_2707 : vector<1x1x256x256xbf16> to vector<256x256xbf16>
    %dot_general3A_2709 = arith.constant dense<0.000000e+00> : vector<256x256xf32>
    %dot_general3A_2710 = tpu.matmul %convert_element_type3A_2471, %get3A_2702, %dot_general3A_2709 {dimension_numbers = #tpu.dot_dimension_numbers<[1], [0], [0], [1], [0, 0, 1, 1], [], []>, transpose_lhs_hint = false} : vector<256x256xbf16>, vector<256x256xbf16>, vector<256x256xf32> -> vector<256x256xf32>
    %dot_general3A_2711 = arith.constant dense<0.000000e+00> : vector<256x256xf32>
    %dot_general3A_2712 = tpu.matmul %convert_element_type3A_2471, %get3A_2708, %dot_general3A_2711 {dimension_numbers = #tpu.dot_dimension_numbers<[1], [0], [0], [1], [0, 0, 1, 1], [], []>, transpose_lhs_hint = false} : vector<256x256xbf16>, vector<256x256xbf16>, vector<256x256xf32> -> vector<256x256xf32>
    %add3A_2713 = arith.addf %dot_general3A_2710, %dot_general3A_2712 : vector<256x256xf32>
    %dot_general3A_2714 = arith.constant dense<0.000000e+00> : vector<256x256xf32>
    %dot_general3A_2715 = tpu.matmul %convert_element_type3A_2474, %get3A_2702, %dot_general3A_2714 {dimension_numbers = #tpu.dot_dimension_numbers<[1], [0], [0], [1], [0, 0, 1, 1], [], []>, transpose_lhs_hint = false} : vector<256x256xbf16>, vector<256x256xbf16>, vector<256x256xf32> -> vector<256x256xf32>
    %add3A_2716 = arith.addf %add3A_2713, %dot_general3A_2715 : vector<256x256xf32>
    %get3A_2717 = arith.constant 3 : index
    %get3A_2718 = arith.constant 0 : index
    %get3A_2719 = arith.constant 0 : index
    %get3A_2720 = vector.load %arg23[%get3A_2717, %get3A_2718, %get3A_2719] : memref<4x1x256xf32, #tpu.memory_space<vmem>>, vector<1x1x256xf32>
    %get3A_2721 = vector.shape_cast %get3A_2720 : vector<1x1x256xf32> to vector<1x256xf32>
    %add3A_2722 = vector.broadcast %get3A_2721 : vector<1x256xf32> to vector<256x256xf32>
    %add3A_2723 = arith.addf %add3A_2716, %add3A_2722 : vector<256x256xf32>
    %get3A_2724 = arith.constant 0 : index
    %get3A_2725 = arith.constant 3 : index
    %get3A_2726 = arith.constant 0 : index
    %get3A_2727 = arith.constant 0 : index
    %get3A_2728 = vector.load %arg24[%get3A_2724, %get3A_2725, %get3A_2726, %get3A_2727] : memref<2x4x256x256xbf16, #tpu.memory_space<vmem>>, vector<1x1x256x256xbf16>
    %get3A_2729 = vector.shape_cast %get3A_2728 : vector<1x1x256x256xbf16> to vector<256x256xbf16>
    %get3A_2730 = arith.constant 1 : index
    %get3A_2731 = arith.constant 3 : index
    %get3A_2732 = arith.constant 0 : index
    %get3A_2733 = arith.constant 0 : index
    %get3A_2734 = vector.load %arg24[%get3A_2730, %get3A_2731, %get3A_2732, %get3A_2733] : memref<2x4x256x256xbf16, #tpu.memory_space<vmem>>, vector<1x1x256x256xbf16>
    %get3A_2735 = vector.shape_cast %get3A_2734 : vector<1x1x256x256xbf16> to vector<256x256xbf16>
    %dot_general3A_2736 = arith.constant dense<0.000000e+00> : vector<256x256xf32>
    %dot_general3A_2737 = tpu.matmul %convert_element_type3A_2471, %get3A_2729, %dot_general3A_2736 {dimension_numbers = #tpu.dot_dimension_numbers<[1], [0], [0], [1], [0, 0, 1, 1], [], []>, transpose_lhs_hint = false} : vector<256x256xbf16>, vector<256x256xbf16>, vector<256x256xf32> -> vector<256x256xf32>
    %dot_general3A_2738 = arith.constant dense<0.000000e+00> : vector<256x256xf32>
    %dot_general3A_2739 = tpu.matmul %convert_element_type3A_2471, %get3A_2735, %dot_general3A_2738 {dimension_numbers = #tpu.dot_dimension_numbers<[1], [0], [0], [1], [0, 0, 1, 1], [], []>, transpose_lhs_hint = false} : vector<256x256xbf16>, vector<256x256xbf16>, vector<256x256xf32> -> vector<256x256xf32>
    %add3A_2740 = arith.addf %dot_general3A_2737, %dot_general3A_2739 : vector<256x256xf32>
    %dot_general3A_2741 = arith.constant dense<0.000000e+00> : vector<256x256xf32>
    %dot_general3A_2742 = tpu.matmul %convert_element_type3A_2474, %get3A_2729, %dot_general3A_2741 {dimension_numbers = #tpu.dot_dimension_numbers<[1], [0], [0], [1], [0, 0, 1, 1], [], []>, transpose_lhs_hint = false} : vector<256x256xbf16>, vector<256x256xbf16>, vector<256x256xf32> -> vector<256x256xf32>
    %add3A_2743 = arith.addf %add3A_2740, %dot_general3A_2742 : vector<256x256xf32>
    %get3A_2744 = arith.constant 3 : index
    %get3A_2745 = arith.constant 0 : index
    %get3A_2746 = arith.constant 0 : index
    %get3A_2747 = vector.load %arg25[%get3A_2744, %get3A_2745, %get3A_2746] : memref<4x1x256xf32, #tpu.memory_space<vmem>>, vector<1x1x256xf32>
    %get3A_2748 = vector.shape_cast %get3A_2747 : vector<1x1x256xf32> to vector<1x256xf32>
    %add3A_2749 = vector.broadcast %get3A_2748 : vector<1x256xf32> to vector<256x256xf32>
    %add3A_2750 = arith.addf %add3A_2743, %add3A_2749 : vector<256x256xf32>
    %convert_element_type3A_2751 = arith.truncf %add3A_2696 : vector<256x256xf32> to vector<256x256xbf16>
    %convert_element_type3A_2752 = arith.extf %convert_element_type3A_2751 : vector<256x256xbf16> to vector<256x256xf32>
    %sub3A_2753 = arith.subf %add3A_2696, %convert_element_type3A_2752 : vector<256x256xf32>
    %convert_element_type3A_2754 = arith.truncf %sub3A_2753 : vector<256x256xf32> to vector<256x256xbf16>
    %convert_element_type3A_2755 = arith.truncf %add3A_2723 : vector<256x256xf32> to vector<256x256xbf16>
    %convert_element_type3A_2756 = arith.extf %convert_element_type3A_2755 : vector<256x256xbf16> to vector<256x256xf32>
    %sub3A_2757 = arith.subf %add3A_2723, %convert_element_type3A_2756 : vector<256x256xf32>
    %convert_element_type3A_2758 = arith.truncf %sub3A_2757 : vector<256x256xf32> to vector<256x256xbf16>
    %convert_element_type3A_2759 = arith.truncf %add3A_2750 : vector<256x256xf32> to vector<256x256xbf16>
    %convert_element_type3A_2760 = arith.extf %convert_element_type3A_2759 : vector<256x256xbf16> to vector<256x256xf32>
    %sub3A_2761 = arith.subf %add3A_2750, %convert_element_type3A_2760 : vector<256x256xf32>
    %convert_element_type3A_2762 = arith.truncf %sub3A_2761 : vector<256x256xf32> to vector<256x256xbf16>
    %slice3A_2763 = vector.extract_strided_slice %convert_element_type3A_2751 {offsets = [0, 0], sizes = [256, 32], strides = [1, 1]} : vector<256x256xbf16> to vector<256x32xbf16>
    %slice3A_2764 = vector.extract_strided_slice %convert_element_type3A_2755 {offsets = [0, 0], sizes = [256, 32], strides = [1, 1]} : vector<256x256xbf16> to vector<256x32xbf16>
    %dot_general3A_2765 = arith.constant dense<0.000000e+00> : vector<256x256xf32>
    %dot_general3A_2766 = tpu.matmul %slice3A_2763, %slice3A_2764, %dot_general3A_2765 {dimension_numbers = #tpu.dot_dimension_numbers<[1], [1], [0], [0], [0, 0, 1, 0], [], []>, transpose_lhs_hint = false} : vector<256x32xbf16>, vector<256x32xbf16>, vector<256x256xf32> -> vector<256x256xf32>
    %slice3A_2767 = vector.extract_strided_slice %convert_element_type3A_2751 {offsets = [0, 0], sizes = [256, 32], strides = [1, 1]} : vector<256x256xbf16> to vector<256x32xbf16>
    %slice3A_2768 = vector.extract_strided_slice %convert_element_type3A_2758 {offsets = [0, 0], sizes = [256, 32], strides = [1, 1]} : vector<256x256xbf16> to vector<256x32xbf16>
    %dot_general3A_2769 = arith.constant dense<0.000000e+00> : vector<256x256xf32>
    %dot_general3A_2770 = tpu.matmul %slice3A_2767, %slice3A_2768, %dot_general3A_2769 {dimension_numbers = #tpu.dot_dimension_numbers<[1], [1], [0], [0], [0, 0, 1, 0], [], []>, transpose_lhs_hint = false} : vector<256x32xbf16>, vector<256x32xbf16>, vector<256x256xf32> -> vector<256x256xf32>
    %add3A_2771 = arith.addf %dot_general3A_2766, %dot_general3A_2770 : vector<256x256xf32>
    %slice3A_2772 = vector.extract_strided_slice %convert_element_type3A_2754 {offsets = [0, 0], sizes = [256, 32], strides = [1, 1]} : vector<256x256xbf16> to vector<256x32xbf16>
    %slice3A_2773 = vector.extract_strided_slice %convert_element_type3A_2755 {offsets = [0, 0], sizes = [256, 32], strides = [1, 1]} : vector<256x256xbf16> to vector<256x32xbf16>
    %dot_general3A_2774 = arith.constant dense<0.000000e+00> : vector<256x256xf32>
    %dot_general3A_2775 = tpu.matmul %slice3A_2772, %slice3A_2773, %dot_general3A_2774 {dimension_numbers = #tpu.dot_dimension_numbers<[1], [1], [0], [0], [0, 0, 1, 0], [], []>, transpose_lhs_hint = false} : vector<256x32xbf16>, vector<256x32xbf16>, vector<256x256xf32> -> vector<256x256xf32>
    %add3A_2776 = arith.addf %add3A_2771, %dot_general3A_2775 : vector<256x256xf32>
    %mul3A_2777 = arith.constant 0.176776692 : f32
    %mul3A_2778 = vector.broadcast %mul3A_2777 : f32 to vector<256x256xf32>
    %mul3A_2779 = arith.mulf %add3A_2776, %mul3A_2778 : vector<256x256xf32>
    %add3A_2780 = arith.addf %mul3A_2779, %select_n3A_2669 : vector<256x256xf32>
    %reduce_max3A_2781 = arith.constant dense<0xFF800000> : vector<256xf32>
    %reduce_max3A_2782 = vector.multi_reduction <maximumf>, %add3A_2780, %reduce_max3A_2781 [1] : vector<256x256xf32> to vector<256xf32>
    %max3A_2783 = arith.constant 0xFF800000 : f32
    %max3A_2784 = vector.broadcast %max3A_2783 : f32 to vector<256xf32>
    %max3A_2785 = arith.maximumf %max3A_2784, %reduce_max3A_2782 : vector<256xf32>
    %broadcast_in_dim3A_2786 = vector.shape_cast %max3A_2785 : vector<256xf32> to vector<256x1xf32>
    %sub3A_2787 = vector.broadcast %broadcast_in_dim3A_2786 : vector<256x1xf32> to vector<256x256xf32>
    %sub3A_2788 = arith.subf %add3A_2780, %sub3A_2787 : vector<256x256xf32>
    %exp3A_2789 = math.exp %sub3A_2788 : vector<256x256xf32>
    %reduce_sum3A_2790 = arith.constant dense<0.000000e+00> : vector<256xf32>
    %reduce_sum3A_2791 = vector.multi_reduction <add>, %exp3A_2789, %reduce_sum3A_2790 [1] : vector<256x256xf32> to vector<256xf32>
    %broadcast_in_dim3A_2792 = vector.shape_cast %reduce_sum3A_2791 : vector<256xf32> to vector<256x1xf32>
    %div3A_2793 = vector.broadcast %broadcast_in_dim3A_2792 : vector<256x1xf32> to vector<256x256xf32>
    %div3A_2794 = arith.divf %exp3A_2789, %div3A_2793 : vector<256x256xf32>
    %convert_element_type3A_2795 = arith.truncf %div3A_2794 : vector<256x256xf32> to vector<256x256xbf16>
    %convert_element_type3A_2796 = arith.extf %convert_element_type3A_2795 : vector<256x256xbf16> to vector<256x256xf32>
    %sub3A_2797 = arith.subf %div3A_2794, %convert_element_type3A_2796 : vector<256x256xf32>
    %convert_element_type3A_2798 = arith.truncf %sub3A_2797 : vector<256x256xf32> to vector<256x256xbf16>
    %slice3A_2799 = vector.extract_strided_slice %convert_element_type3A_2759 {offsets = [0, 0], sizes = [256, 32], strides = [1, 1]} : vector<256x256xbf16> to vector<256x32xbf16>
    %dot_general3A_2800 = arith.constant dense<0.000000e+00> : vector<256x32xf32>
    %dot_general3A_2801 = tpu.matmul %convert_element_type3A_2795, %slice3A_2799, %dot_general3A_2800 {dimension_numbers = #tpu.dot_dimension_numbers<[1], [0], [0], [1], [0, 0, 1, 1], [], []>, transpose_lhs_hint = false} : vector<256x256xbf16>, vector<256x32xbf16>, vector<256x32xf32> -> vector<256x32xf32>
    %slice3A_2802 = vector.extract_strided_slice %convert_element_type3A_2762 {offsets = [0, 0], sizes = [256, 32], strides = [1, 1]} : vector<256x256xbf16> to vector<256x32xbf16>
    %dot_general3A_2803 = arith.constant dense<0.000000e+00> : vector<256x32xf32>
    %dot_general3A_2804 = tpu.matmul %convert_element_type3A_2795, %slice3A_2802, %dot_general3A_2803 {dimension_numbers = #tpu.dot_dimension_numbers<[1], [0], [0], [1], [0, 0, 1, 1], [], []>, transpose_lhs_hint = false} : vector<256x256xbf16>, vector<256x32xbf16>, vector<256x32xf32> -> vector<256x32xf32>
    %add3A_2805 = arith.addf %dot_general3A_2801, %dot_general3A_2804 : vector<256x32xf32>
    %slice3A_2806 = vector.extract_strided_slice %convert_element_type3A_2759 {offsets = [0, 0], sizes = [256, 32], strides = [1, 1]} : vector<256x256xbf16> to vector<256x32xbf16>
    %dot_general3A_2807 = arith.constant dense<0.000000e+00> : vector<256x32xf32>
    %dot_general3A_2808 = tpu.matmul %convert_element_type3A_2798, %slice3A_2806, %dot_general3A_2807 {dimension_numbers = #tpu.dot_dimension_numbers<[1], [0], [0], [1], [0, 0, 1, 1], [], []>, transpose_lhs_hint = false} : vector<256x256xbf16>, vector<256x32xbf16>, vector<256x32xf32> -> vector<256x32xf32>
    %add3A_2809 = arith.addf %add3A_2805, %dot_general3A_2808 : vector<256x32xf32>
    %slice3A_2810 = vector.extract_strided_slice %convert_element_type3A_2751 {offsets = [0, 32], sizes = [256, 32], strides = [1, 1]} : vector<256x256xbf16> to vector<256x32xbf16>
    %slice3A_2811 = vector.extract_strided_slice %convert_element_type3A_2755 {offsets = [0, 32], sizes = [256, 32], strides = [1, 1]} : vector<256x256xbf16> to vector<256x32xbf16>
    %dot_general3A_2812 = arith.constant dense<0.000000e+00> : vector<256x256xf32>
    %dot_general3A_2813 = tpu.matmul %slice3A_2810, %slice3A_2811, %dot_general3A_2812 {dimension_numbers = #tpu.dot_dimension_numbers<[1], [1], [0], [0], [0, 0, 1, 0], [], []>, transpose_lhs_hint = false} : vector<256x32xbf16>, vector<256x32xbf16>, vector<256x256xf32> -> vector<256x256xf32>
    %slice3A_2814 = vector.extract_strided_slice %convert_element_type3A_2751 {offsets = [0, 32], sizes = [256, 32], strides = [1, 1]} : vector<256x256xbf16> to vector<256x32xbf16>
    %slice3A_2815 = vector.extract_strided_slice %convert_element_type3A_2758 {offsets = [0, 32], sizes = [256, 32], strides = [1, 1]} : vector<256x256xbf16> to vector<256x32xbf16>
    %dot_general3A_2816 = arith.constant dense<0.000000e+00> : vector<256x256xf32>
    %dot_general3A_2817 = tpu.matmul %slice3A_2814, %slice3A_2815, %dot_general3A_2816 {dimension_numbers = #tpu.dot_dimension_numbers<[1], [1], [0], [0], [0, 0, 1, 0], [], []>, transpose_lhs_hint = false} : vector<256x32xbf16>, vector<256x32xbf16>, vector<256x256xf32> -> vector<256x256xf32>
    %add3A_2818 = arith.addf %dot_general3A_2813, %dot_general3A_2817 : vector<256x256xf32>
    %slice3A_2819 = vector.extract_strided_slice %convert_element_type3A_2754 {offsets = [0, 32], sizes = [256, 32], strides = [1, 1]} : vector<256x256xbf16> to vector<256x32xbf16>
    %slice3A_2820 = vector.extract_strided_slice %convert_element_type3A_2755 {offsets = [0, 32], sizes = [256, 32], strides = [1, 1]} : vector<256x256xbf16> to vector<256x32xbf16>
    %dot_general3A_2821 = arith.constant dense<0.000000e+00> : vector<256x256xf32>
    %dot_general3A_2822 = tpu.matmul %slice3A_2819, %slice3A_2820, %dot_general3A_2821 {dimension_numbers = #tpu.dot_dimension_numbers<[1], [1], [0], [0], [0, 0, 1, 0], [], []>, transpose_lhs_hint = false} : vector<256x32xbf16>, vector<256x32xbf16>, vector<256x256xf32> -> vector<256x256xf32>
    %add3A_2823 = arith.addf %add3A_2818, %dot_general3A_2822 : vector<256x256xf32>
    %mul3A_2824 = arith.constant 0.176776692 : f32
    %mul3A_2825 = vector.broadcast %mul3A_2824 : f32 to vector<256x256xf32>
    %mul3A_2826 = arith.mulf %add3A_2823, %mul3A_2825 : vector<256x256xf32>
    %add3A_2827 = arith.addf %mul3A_2826, %select_n3A_2669 : vector<256x256xf32>
    %reduce_max3A_2828 = arith.constant dense<0xFF800000> : vector<256xf32>
    %reduce_max3A_2829 = vector.multi_reduction <maximumf>, %add3A_2827, %reduce_max3A_2828 [1] : vector<256x256xf32> to vector<256xf32>
    %max3A_2830 = arith.constant 0xFF800000 : f32
    %max3A_2831 = vector.broadcast %max3A_2830 : f32 to vector<256xf32>
    %max3A_2832 = arith.maximumf %max3A_2831, %reduce_max3A_2829 : vector<256xf32>
    %broadcast_in_dim3A_2833 = vector.shape_cast %max3A_2832 : vector<256xf32> to vector<256x1xf32>
    %sub3A_2834 = vector.broadcast %broadcast_in_dim3A_2833 : vector<256x1xf32> to vector<256x256xf32>
    %sub3A_2835 = arith.subf %add3A_2827, %sub3A_2834 : vector<256x256xf32>
    %exp3A_2836 = math.exp %sub3A_2835 : vector<256x256xf32>
    %reduce_sum3A_2837 = arith.constant dense<0.000000e+00> : vector<256xf32>
    %reduce_sum3A_2838 = vector.multi_reduction <add>, %exp3A_2836, %reduce_sum3A_2837 [1] : vector<256x256xf32> to vector<256xf32>
    %broadcast_in_dim3A_2839 = vector.shape_cast %reduce_sum3A_2838 : vector<256xf32> to vector<256x1xf32>
    %div3A_2840 = vector.broadcast %broadcast_in_dim3A_2839 : vector<256x1xf32> to vector<256x256xf32>
    %div3A_2841 = arith.divf %exp3A_2836, %div3A_2840 : vector<256x256xf32>
    %convert_element_type3A_2842 = arith.truncf %div3A_2841 : vector<256x256xf32> to vector<256x256xbf16>
    %convert_element_type3A_2843 = arith.extf %convert_element_type3A_2842 : vector<256x256xbf16> to vector<256x256xf32>
    %sub3A_2844 = arith.subf %div3A_2841, %convert_element_type3A_2843 : vector<256x256xf32>
    %convert_element_type3A_2845 = arith.truncf %sub3A_2844 : vector<256x256xf32> to vector<256x256xbf16>
    %slice3A_2846 = vector.extract_strided_slice %convert_element_type3A_2759 {offsets = [0, 32], sizes = [256, 32], strides = [1, 1]} : vector<256x256xbf16> to vector<256x32xbf16>
    %dot_general3A_2847 = arith.constant dense<0.000000e+00> : vector<256x32xf32>
    %dot_general3A_2848 = tpu.matmul %convert_element_type3A_2842, %slice3A_2846, %dot_general3A_2847 {dimension_numbers = #tpu.dot_dimension_numbers<[1], [0], [0], [1], [0, 0, 1, 1], [], []>, transpose_lhs_hint = false} : vector<256x256xbf16>, vector<256x32xbf16>, vector<256x32xf32> -> vector<256x32xf32>
    %slice3A_2849 = vector.extract_strided_slice %convert_element_type3A_2762 {offsets = [0, 32], sizes = [256, 32], strides = [1, 1]} : vector<256x256xbf16> to vector<256x32xbf16>
    %dot_general3A_2850 = arith.constant dense<0.000000e+00> : vector<256x32xf32>
    %dot_general3A_2851 = tpu.matmul %convert_element_type3A_2842, %slice3A_2849, %dot_general3A_2850 {dimension_numbers = #tpu.dot_dimension_numbers<[1], [0], [0], [1], [0, 0, 1, 1], [], []>, transpose_lhs_hint = false} : vector<256x256xbf16>, vector<256x32xbf16>, vector<256x32xf32> -> vector<256x32xf32>
    %add3A_2852 = arith.addf %dot_general3A_2848, %dot_general3A_2851 : vector<256x32xf32>
    %slice3A_2853 = vector.extract_strided_slice %convert_element_type3A_2759 {offsets = [0, 32], sizes = [256, 32], strides = [1, 1]} : vector<256x256xbf16> to vector<256x32xbf16>
    %dot_general3A_2854 = arith.constant dense<0.000000e+00> : vector<256x32xf32>
    %dot_general3A_2855 = tpu.matmul %convert_element_type3A_2845, %slice3A_2853, %dot_general3A_2854 {dimension_numbers = #tpu.dot_dimension_numbers<[1], [0], [0], [1], [0, 0, 1, 1], [], []>, transpose_lhs_hint = false} : vector<256x256xbf16>, vector<256x32xbf16>, vector<256x32xf32> -> vector<256x32xf32>
    %add3A_2856 = arith.addf %add3A_2852, %dot_general3A_2855 : vector<256x32xf32>
    %slice3A_2857 = vector.extract_strided_slice %convert_element_type3A_2751 {offsets = [0, 64], sizes = [256, 32], strides = [1, 1]} : vector<256x256xbf16> to vector<256x32xbf16>
    %slice3A_2858 = vector.extract_strided_slice %convert_element_type3A_2755 {offsets = [0, 64], sizes = [256, 32], strides = [1, 1]} : vector<256x256xbf16> to vector<256x32xbf16>
    %dot_general3A_2859 = arith.constant dense<0.000000e+00> : vector<256x256xf32>
    %dot_general3A_2860 = tpu.matmul %slice3A_2857, %slice3A_2858, %dot_general3A_2859 {dimension_numbers = #tpu.dot_dimension_numbers<[1], [1], [0], [0], [0, 0, 1, 0], [], []>, transpose_lhs_hint = false} : vector<256x32xbf16>, vector<256x32xbf16>, vector<256x256xf32> -> vector<256x256xf32>
    %slice3A_2861 = vector.extract_strided_slice %convert_element_type3A_2751 {offsets = [0, 64], sizes = [256, 32], strides = [1, 1]} : vector<256x256xbf16> to vector<256x32xbf16>
    %slice3A_2862 = vector.extract_strided_slice %convert_element_type3A_2758 {offsets = [0, 64], sizes = [256, 32], strides = [1, 1]} : vector<256x256xbf16> to vector<256x32xbf16>
    %dot_general3A_2863 = arith.constant dense<0.000000e+00> : vector<256x256xf32>
    %dot_general3A_2864 = tpu.matmul %slice3A_2861, %slice3A_2862, %dot_general3A_2863 {dimension_numbers = #tpu.dot_dimension_numbers<[1], [1], [0], [0], [0, 0, 1, 0], [], []>, transpose_lhs_hint = false} : vector<256x32xbf16>, vector<256x32xbf16>, vector<256x256xf32> -> vector<256x256xf32>
    %add3A_2865 = arith.addf %dot_general3A_2860, %dot_general3A_2864 : vector<256x256xf32>
    %slice3A_2866 = vector.extract_strided_slice %convert_element_type3A_2754 {offsets = [0, 64], sizes = [256, 32], strides = [1, 1]} : vector<256x256xbf16> to vector<256x32xbf16>
    %slice3A_2867 = vector.extract_strided_slice %convert_element_type3A_2755 {offsets = [0, 64], sizes = [256, 32], strides = [1, 1]} : vector<256x256xbf16> to vector<256x32xbf16>
    %dot_general3A_2868 = arith.constant dense<0.000000e+00> : vector<256x256xf32>
    %dot_general3A_2869 = tpu.matmul %slice3A_2866, %slice3A_2867, %dot_general3A_2868 {dimension_numbers = #tpu.dot_dimension_numbers<[1], [1], [0], [0], [0, 0, 1, 0], [], []>, transpose_lhs_hint = false} : vector<256x32xbf16>, vector<256x32xbf16>, vector<256x256xf32> -> vector<256x256xf32>
    %add3A_2870 = arith.addf %add3A_2865, %dot_general3A_2869 : vector<256x256xf32>
    %mul3A_2871 = arith.constant 0.176776692 : f32
    %mul3A_2872 = vector.broadcast %mul3A_2871 : f32 to vector<256x256xf32>
    %mul3A_2873 = arith.mulf %add3A_2870, %mul3A_2872 : vector<256x256xf32>
    %add3A_2874 = arith.addf %mul3A_2873, %select_n3A_2669 : vector<256x256xf32>
    %reduce_max3A_2875 = arith.constant dense<0xFF800000> : vector<256xf32>
    %reduce_max3A_2876 = vector.multi_reduction <maximumf>, %add3A_2874, %reduce_max3A_2875 [1] : vector<256x256xf32> to vector<256xf32>
    %max3A_2877 = arith.constant 0xFF800000 : f32
    %max3A_2878 = vector.broadcast %max3A_2877 : f32 to vector<256xf32>
    %max3A_2879 = arith.maximumf %max3A_2878, %reduce_max3A_2876 : vector<256xf32>
    %broadcast_in_dim3A_2880 = vector.shape_cast %max3A_2879 : vector<256xf32> to vector<256x1xf32>
    %sub3A_2881 = vector.broadcast %broadcast_in_dim3A_2880 : vector<256x1xf32> to vector<256x256xf32>
    %sub3A_2882 = arith.subf %add3A_2874, %sub3A_2881 : vector<256x256xf32>
    %exp3A_2883 = math.exp %sub3A_2882 : vector<256x256xf32>
    %reduce_sum3A_2884 = arith.constant dense<0.000000e+00> : vector<256xf32>
    %reduce_sum3A_2885 = vector.multi_reduction <add>, %exp3A_2883, %reduce_sum3A_2884 [1] : vector<256x256xf32> to vector<256xf32>
    %broadcast_in_dim3A_2886 = vector.shape_cast %reduce_sum3A_2885 : vector<256xf32> to vector<256x1xf32>
    %div3A_2887 = vector.broadcast %broadcast_in_dim3A_2886 : vector<256x1xf32> to vector<256x256xf32>
    %div3A_2888 = arith.divf %exp3A_2883, %div3A_2887 : vector<256x256xf32>
    %convert_element_type3A_2889 = arith.truncf %div3A_2888 : vector<256x256xf32> to vector<256x256xbf16>
    %convert_element_type3A_2890 = arith.extf %convert_element_type3A_2889 : vector<256x256xbf16> to vector<256x256xf32>
    %sub3A_2891 = arith.subf %div3A_2888, %convert_element_type3A_2890 : vector<256x256xf32>
    %convert_element_type3A_2892 = arith.truncf %sub3A_2891 : vector<256x256xf32> to vector<256x256xbf16>
    %slice3A_2893 = vector.extract_strided_slice %convert_element_type3A_2759 {offsets = [0, 64], sizes = [256, 32], strides = [1, 1]} : vector<256x256xbf16> to vector<256x32xbf16>
    %dot_general3A_2894 = arith.constant dense<0.000000e+00> : vector<256x32xf32>
    %dot_general3A_2895 = tpu.matmul %convert_element_type3A_2889, %slice3A_2893, %dot_general3A_2894 {dimension_numbers = #tpu.dot_dimension_numbers<[1], [0], [0], [1], [0, 0, 1, 1], [], []>, transpose_lhs_hint = false} : vector<256x256xbf16>, vector<256x32xbf16>, vector<256x32xf32> -> vector<256x32xf32>
    %slice3A_2896 = vector.extract_strided_slice %convert_element_type3A_2762 {offsets = [0, 64], sizes = [256, 32], strides = [1, 1]} : vector<256x256xbf16> to vector<256x32xbf16>
    %dot_general3A_2897 = arith.constant dense<0.000000e+00> : vector<256x32xf32>
    %dot_general3A_2898 = tpu.matmul %convert_element_type3A_2889, %slice3A_2896, %dot_general3A_2897 {dimension_numbers = #tpu.dot_dimension_numbers<[1], [0], [0], [1], [0, 0, 1, 1], [], []>, transpose_lhs_hint = false} : vector<256x256xbf16>, vector<256x32xbf16>, vector<256x32xf32> -> vector<256x32xf32>
    %add3A_2899 = arith.addf %dot_general3A_2895, %dot_general3A_2898 : vector<256x32xf32>
    %slice3A_2900 = vector.extract_strided_slice %convert_element_type3A_2759 {offsets = [0, 64], sizes = [256, 32], strides = [1, 1]} : vector<256x256xbf16> to vector<256x32xbf16>
    %dot_general3A_2901 = arith.constant dense<0.000000e+00> : vector<256x32xf32>
    %dot_general3A_2902 = tpu.matmul %convert_element_type3A_2892, %slice3A_2900, %dot_general3A_2901 {dimension_numbers = #tpu.dot_dimension_numbers<[1], [0], [0], [1], [0, 0, 1, 1], [], []>, transpose_lhs_hint = false} : vector<256x256xbf16>, vector<256x32xbf16>, vector<256x32xf32> -> vector<256x32xf32>
    %add3A_2903 = arith.addf %add3A_2899, %dot_general3A_2902 : vector<256x32xf32>
    %slice3A_2904 = vector.extract_strided_slice %convert_element_type3A_2751 {offsets = [0, 96], sizes = [256, 32], strides = [1, 1]} : vector<256x256xbf16> to vector<256x32xbf16>
    %slice3A_2905 = vector.extract_strided_slice %convert_element_type3A_2755 {offsets = [0, 96], sizes = [256, 32], strides = [1, 1]} : vector<256x256xbf16> to vector<256x32xbf16>
    %dot_general3A_2906 = arith.constant dense<0.000000e+00> : vector<256x256xf32>
    %dot_general3A_2907 = tpu.matmul %slice3A_2904, %slice3A_2905, %dot_general3A_2906 {dimension_numbers = #tpu.dot_dimension_numbers<[1], [1], [0], [0], [0, 0, 1, 0], [], []>, transpose_lhs_hint = false} : vector<256x32xbf16>, vector<256x32xbf16>, vector<256x256xf32> -> vector<256x256xf32>
    %slice3A_2908 = vector.extract_strided_slice %convert_element_type3A_2751 {offsets = [0, 96], sizes = [256, 32], strides = [1, 1]} : vector<256x256xbf16> to vector<256x32xbf16>
    %slice3A_2909 = vector.extract_strided_slice %convert_element_type3A_2758 {offsets = [0, 96], sizes = [256, 32], strides = [1, 1]} : vector<256x256xbf16> to vector<256x32xbf16>
    %dot_general3A_2910 = arith.constant dense<0.000000e+00> : vector<256x256xf32>
    %dot_general3A_2911 = tpu.matmul %slice3A_2908, %slice3A_2909, %dot_general3A_2910 {dimension_numbers = #tpu.dot_dimension_numbers<[1], [1], [0], [0], [0, 0, 1, 0], [], []>, transpose_lhs_hint = false} : vector<256x32xbf16>, vector<256x32xbf16>, vector<256x256xf32> -> vector<256x256xf32>
    %add3A_2912 = arith.addf %dot_general3A_2907, %dot_general3A_2911 : vector<256x256xf32>
    %slice3A_2913 = vector.extract_strided_slice %convert_element_type3A_2754 {offsets = [0, 96], sizes = [256, 32], strides = [1, 1]} : vector<256x256xbf16> to vector<256x32xbf16>
    %slice3A_2914 = vector.extract_strided_slice %convert_element_type3A_2755 {offsets = [0, 96], sizes = [256, 32], strides = [1, 1]} : vector<256x256xbf16> to vector<256x32xbf16>
    %dot_general3A_2915 = arith.constant dense<0.000000e+00> : vector<256x256xf32>
    %dot_general3A_2916 = tpu.matmul %slice3A_2913, %slice3A_2914, %dot_general3A_2915 {dimension_numbers = #tpu.dot_dimension_numbers<[1], [1], [0], [0], [0, 0, 1, 0], [], []>, transpose_lhs_hint = false} : vector<256x32xbf16>, vector<256x32xbf16>, vector<256x256xf32> -> vector<256x256xf32>
    %add3A_2917 = arith.addf %add3A_2912, %dot_general3A_2916 : vector<256x256xf32>
    %mul3A_2918 = arith.constant 0.176776692 : f32
    %mul3A_2919 = vector.broadcast %mul3A_2918 : f32 to vector<256x256xf32>
    %mul3A_2920 = arith.mulf %add3A_2917, %mul3A_2919 : vector<256x256xf32>
    %add3A_2921 = arith.addf %mul3A_2920, %select_n3A_2669 : vector<256x256xf32>
    %reduce_max3A_2922 = arith.constant dense<0xFF800000> : vector<256xf32>
    %reduce_max3A_2923 = vector.multi_reduction <maximumf>, %add3A_2921, %reduce_max3A_2922 [1] : vector<256x256xf32> to vector<256xf32>
    %max3A_2924 = arith.constant 0xFF800000 : f32
    %max3A_2925 = vector.broadcast %max3A_2924 : f32 to vector<256xf32>
    %max3A_2926 = arith.maximumf %max3A_2925, %reduce_max3A_2923 : vector<256xf32>
    %broadcast_in_dim3A_2927 = vector.shape_cast %max3A_2926 : vector<256xf32> to vector<256x1xf32>
    %sub3A_2928 = vector.broadcast %broadcast_in_dim3A_2927 : vector<256x1xf32> to vector<256x256xf32>
    %sub3A_2929 = arith.subf %add3A_2921, %sub3A_2928 : vector<256x256xf32>
    %exp3A_2930 = math.exp %sub3A_2929 : vector<256x256xf32>
    %reduce_sum3A_2931 = arith.constant dense<0.000000e+00> : vector<256xf32>
    %reduce_sum3A_2932 = vector.multi_reduction <add>, %exp3A_2930, %reduce_sum3A_2931 [1] : vector<256x256xf32> to vector<256xf32>
    %broadcast_in_dim3A_2933 = vector.shape_cast %reduce_sum3A_2932 : vector<256xf32> to vector<256x1xf32>
    %div3A_2934 = vector.broadcast %broadcast_in_dim3A_2933 : vector<256x1xf32> to vector<256x256xf32>
    %div3A_2935 = arith.divf %exp3A_2930, %div3A_2934 : vector<256x256xf32>
    %convert_element_type3A_2936 = arith.truncf %div3A_2935 : vector<256x256xf32> to vector<256x256xbf16>
    %convert_element_type3A_2937 = arith.extf %convert_element_type3A_2936 : vector<256x256xbf16> to vector<256x256xf32>
    %sub3A_2938 = arith.subf %div3A_2935, %convert_element_type3A_2937 : vector<256x256xf32>
    %convert_element_type3A_2939 = arith.truncf %sub3A_2938 : vector<256x256xf32> to vector<256x256xbf16>
    %slice3A_2940 = vector.extract_strided_slice %convert_element_type3A_2759 {offsets = [0, 96], sizes = [256, 32], strides = [1, 1]} : vector<256x256xbf16> to vector<256x32xbf16>
    %dot_general3A_2941 = arith.constant dense<0.000000e+00> : vector<256x32xf32>
    %dot_general3A_2942 = tpu.matmul %convert_element_type3A_2936, %slice3A_2940, %dot_general3A_2941 {dimension_numbers = #tpu.dot_dimension_numbers<[1], [0], [0], [1], [0, 0, 1, 1], [], []>, transpose_lhs_hint = false} : vector<256x256xbf16>, vector<256x32xbf16>, vector<256x32xf32> -> vector<256x32xf32>
    %slice3A_2943 = vector.extract_strided_slice %convert_element_type3A_2762 {offsets = [0, 96], sizes = [256, 32], strides = [1, 1]} : vector<256x256xbf16> to vector<256x32xbf16>
    %dot_general3A_2944 = arith.constant dense<0.000000e+00> : vector<256x32xf32>
    %dot_general3A_2945 = tpu.matmul %convert_element_type3A_2936, %slice3A_2943, %dot_general3A_2944 {dimension_numbers = #tpu.dot_dimension_numbers<[1], [0], [0], [1], [0, 0, 1, 1], [], []>, transpose_lhs_hint = false} : vector<256x256xbf16>, vector<256x32xbf16>, vector<256x32xf32> -> vector<256x32xf32>
    %add3A_2946 = arith.addf %dot_general3A_2942, %dot_general3A_2945 : vector<256x32xf32>
    %slice3A_2947 = vector.extract_strided_slice %convert_element_type3A_2759 {offsets = [0, 96], sizes = [256, 32], strides = [1, 1]} : vector<256x256xbf16> to vector<256x32xbf16>
    %dot_general3A_2948 = arith.constant dense<0.000000e+00> : vector<256x32xf32>
    %dot_general3A_2949 = tpu.matmul %convert_element_type3A_2939, %slice3A_2947, %dot_general3A_2948 {dimension_numbers = #tpu.dot_dimension_numbers<[1], [0], [0], [1], [0, 0, 1, 1], [], []>, transpose_lhs_hint = false} : vector<256x256xbf16>, vector<256x32xbf16>, vector<256x32xf32> -> vector<256x32xf32>
    %add3A_2950 = arith.addf %add3A_2946, %dot_general3A_2949 : vector<256x32xf32>
    %slice3A_2951 = vector.extract_strided_slice %convert_element_type3A_2751 {offsets = [0, 128], sizes = [256, 32], strides = [1, 1]} : vector<256x256xbf16> to vector<256x32xbf16>
    %slice3A_2952 = vector.extract_strided_slice %convert_element_type3A_2755 {offsets = [0, 128], sizes = [256, 32], strides = [1, 1]} : vector<256x256xbf16> to vector<256x32xbf16>
    %dot_general3A_2953 = arith.constant dense<0.000000e+00> : vector<256x256xf32>
    %dot_general3A_2954 = tpu.matmul %slice3A_2951, %slice3A_2952, %dot_general3A_2953 {dimension_numbers = #tpu.dot_dimension_numbers<[1], [1], [0], [0], [0, 0, 1, 0], [], []>, transpose_lhs_hint = false} : vector<256x32xbf16>, vector<256x32xbf16>, vector<256x256xf32> -> vector<256x256xf32>
    %slice3A_2955 = vector.extract_strided_slice %convert_element_type3A_2751 {offsets = [0, 128], sizes = [256, 32], strides = [1, 1]} : vector<256x256xbf16> to vector<256x32xbf16>
    %slice3A_2956 = vector.extract_strided_slice %convert_element_type3A_2758 {offsets = [0, 128], sizes = [256, 32], strides = [1, 1]} : vector<256x256xbf16> to vector<256x32xbf16>
    %dot_general3A_2957 = arith.constant dense<0.000000e+00> : vector<256x256xf32>
    %dot_general3A_2958 = tpu.matmul %slice3A_2955, %slice3A_2956, %dot_general3A_2957 {dimension_numbers = #tpu.dot_dimension_numbers<[1], [1], [0], [0], [0, 0, 1, 0], [], []>, transpose_lhs_hint = false} : vector<256x32xbf16>, vector<256x32xbf16>, vector<256x256xf32> -> vector<256x256xf32>
    %add3A_2959 = arith.addf %dot_general3A_2954, %dot_general3A_2958 : vector<256x256xf32>
    %slice3A_2960 = vector.extract_strided_slice %convert_element_type3A_2754 {offsets = [0, 128], sizes = [256, 32], strides = [1, 1]} : vector<256x256xbf16> to vector<256x32xbf16>
    %slice3A_2961 = vector.extract_strided_slice %convert_element_type3A_2755 {offsets = [0, 128], sizes = [256, 32], strides = [1, 1]} : vector<256x256xbf16> to vector<256x32xbf16>
    %dot_general3A_2962 = arith.constant dense<0.000000e+00> : vector<256x256xf32>
    %dot_general3A_2963 = tpu.matmul %slice3A_2960, %slice3A_2961, %dot_general3A_2962 {dimension_numbers = #tpu.dot_dimension_numbers<[1], [1], [0], [0], [0, 0, 1, 0], [], []>, transpose_lhs_hint = false} : vector<256x32xbf16>, vector<256x32xbf16>, vector<256x256xf32> -> vector<256x256xf32>
    %add3A_2964 = arith.addf %add3A_2959, %dot_general3A_2963 : vector<256x256xf32>
    %mul3A_2965 = arith.constant 0.176776692 : f32
    %mul3A_2966 = vector.broadcast %mul3A_2965 : f32 to vector<256x256xf32>
    %mul3A_2967 = arith.mulf %add3A_2964, %mul3A_2966 : vector<256x256xf32>
    %add3A_2968 = arith.addf %mul3A_2967, %select_n3A_2669 : vector<256x256xf32>
    %reduce_max3A_2969 = arith.constant dense<0xFF800000> : vector<256xf32>
    %reduce_max3A_2970 = vector.multi_reduction <maximumf>, %add3A_2968, %reduce_max3A_2969 [1] : vector<256x256xf32> to vector<256xf32>
    %max3A_2971 = arith.constant 0xFF800000 : f32
    %max3A_2972 = vector.broadcast %max3A_2971 : f32 to vector<256xf32>
    %max3A_2973 = arith.maximumf %max3A_2972, %reduce_max3A_2970 : vector<256xf32>
    %broadcast_in_dim3A_2974 = vector.shape_cast %max3A_2973 : vector<256xf32> to vector<256x1xf32>
    %sub3A_2975 = vector.broadcast %broadcast_in_dim3A_2974 : vector<256x1xf32> to vector<256x256xf32>
    %sub3A_2976 = arith.subf %add3A_2968, %sub3A_2975 : vector<256x256xf32>
    %exp3A_2977 = math.exp %sub3A_2976 : vector<256x256xf32>
    %reduce_sum3A_2978 = arith.constant dense<0.000000e+00> : vector<256xf32>
    %reduce_sum3A_2979 = vector.multi_reduction <add>, %exp3A_2977, %reduce_sum3A_2978 [1] : vector<256x256xf32> to vector<256xf32>
    %broadcast_in_dim3A_2980 = vector.shape_cast %reduce_sum3A_2979 : vector<256xf32> to vector<256x1xf32>
    %div3A_2981 = vector.broadcast %broadcast_in_dim3A_2980 : vector<256x1xf32> to vector<256x256xf32>
    %div3A_2982 = arith.divf %exp3A_2977, %div3A_2981 : vector<256x256xf32>
    %convert_element_type3A_2983 = arith.truncf %div3A_2982 : vector<256x256xf32> to vector<256x256xbf16>
    %convert_element_type3A_2984 = arith.extf %convert_element_type3A_2983 : vector<256x256xbf16> to vector<256x256xf32>
    %sub3A_2985 = arith.subf %div3A_2982, %convert_element_type3A_2984 : vector<256x256xf32>
    %convert_element_type3A_2986 = arith.truncf %sub3A_2985 : vector<256x256xf32> to vector<256x256xbf16>
    %slice3A_2987 = vector.extract_strided_slice %convert_element_type3A_2759 {offsets = [0, 128], sizes = [256, 32], strides = [1, 1]} : vector<256x256xbf16> to vector<256x32xbf16>
    %dot_general3A_2988 = arith.constant dense<0.000000e+00> : vector<256x32xf32>
    %dot_general3A_2989 = tpu.matmul %convert_element_type3A_2983, %slice3A_2987, %dot_general3A_2988 {dimension_numbers = #tpu.dot_dimension_numbers<[1], [0], [0], [1], [0, 0, 1, 1], [], []>, transpose_lhs_hint = false} : vector<256x256xbf16>, vector<256x32xbf16>, vector<256x32xf32> -> vector<256x32xf32>
    %slice3A_2990 = vector.extract_strided_slice %convert_element_type3A_2762 {offsets = [0, 128], sizes = [256, 32], strides = [1, 1]} : vector<256x256xbf16> to vector<256x32xbf16>
    %dot_general3A_2991 = arith.constant dense<0.000000e+00> : vector<256x32xf32>
    %dot_general3A_2992 = tpu.matmul %convert_element_type3A_2983, %slice3A_2990, %dot_general3A_2991 {dimension_numbers = #tpu.dot_dimension_numbers<[1], [0], [0], [1], [0, 0, 1, 1], [], []>, transpose_lhs_hint = false} : vector<256x256xbf16>, vector<256x32xbf16>, vector<256x32xf32> -> vector<256x32xf32>
    %add3A_2993 = arith.addf %dot_general3A_2989, %dot_general3A_2992 : vector<256x32xf32>
    %slice3A_2994 = vector.extract_strided_slice %convert_element_type3A_2759 {offsets = [0, 128], sizes = [256, 32], strides = [1, 1]} : vector<256x256xbf16> to vector<256x32xbf16>
    %dot_general3A_2995 = arith.constant dense<0.000000e+00> : vector<256x32xf32>
    %dot_general3A_2996 = tpu.matmul %convert_element_type3A_2986, %slice3A_2994, %dot_general3A_2995 {dimension_numbers = #tpu.dot_dimension_numbers<[1], [0], [0], [1], [0, 0, 1, 1], [], []>, transpose_lhs_hint = false} : vector<256x256xbf16>, vector<256x32xbf16>, vector<256x32xf32> -> vector<256x32xf32>
    %add3A_2997 = arith.addf %add3A_2993, %dot_general3A_2996 : vector<256x32xf32>
    %slice3A_2998 = vector.extract_strided_slice %convert_element_type3A_2751 {offsets = [0, 160], sizes = [256, 32], strides = [1, 1]} : vector<256x256xbf16> to vector<256x32xbf16>
    %slice3A_2999 = vector.extract_strided_slice %convert_element_type3A_2755 {offsets = [0, 160], sizes = [256, 32], strides = [1, 1]} : vector<256x256xbf16> to vector<256x32xbf16>
    %dot_general3A_3000 = arith.constant dense<0.000000e+00> : vector<256x256xf32>
    %dot_general3A_3001 = tpu.matmul %slice3A_2998, %slice3A_2999, %dot_general3A_3000 {dimension_numbers = #tpu.dot_dimension_numbers<[1], [1], [0], [0], [0, 0, 1, 0], [], []>, transpose_lhs_hint = false} : vector<256x32xbf16>, vector<256x32xbf16>, vector<256x256xf32> -> vector<256x256xf32>
    %slice3A_3002 = vector.extract_strided_slice %convert_element_type3A_2751 {offsets = [0, 160], sizes = [256, 32], strides = [1, 1]} : vector<256x256xbf16> to vector<256x32xbf16>
    %slice3A_3003 = vector.extract_strided_slice %convert_element_type3A_2758 {offsets = [0, 160], sizes = [256, 32], strides = [1, 1]} : vector<256x256xbf16> to vector<256x32xbf16>
    %dot_general3A_3004 = arith.constant dense<0.000000e+00> : vector<256x256xf32>
    %dot_general3A_3005 = tpu.matmul %slice3A_3002, %slice3A_3003, %dot_general3A_3004 {dimension_numbers = #tpu.dot_dimension_numbers<[1], [1], [0], [0], [0, 0, 1, 0], [], []>, transpose_lhs_hint = false} : vector<256x32xbf16>, vector<256x32xbf16>, vector<256x256xf32> -> vector<256x256xf32>
    %add3A_3006 = arith.addf %dot_general3A_3001, %dot_general3A_3005 : vector<256x256xf32>
    %slice3A_3007 = vector.extract_strided_slice %convert_element_type3A_2754 {offsets = [0, 160], sizes = [256, 32], strides = [1, 1]} : vector<256x256xbf16> to vector<256x32xbf16>
    %slice3A_3008 = vector.extract_strided_slice %convert_element_type3A_2755 {offsets = [0, 160], sizes = [256, 32], strides = [1, 1]} : vector<256x256xbf16> to vector<256x32xbf16>
    %dot_general3A_3009 = arith.constant dense<0.000000e+00> : vector<256x256xf32>
    %dot_general3A_3010 = tpu.matmul %slice3A_3007, %slice3A_3008, %dot_general3A_3009 {dimension_numbers = #tpu.dot_dimension_numbers<[1], [1], [0], [0], [0, 0, 1, 0], [], []>, transpose_lhs_hint = false} : vector<256x32xbf16>, vector<256x32xbf16>, vector<256x256xf32> -> vector<256x256xf32>
    %add3A_3011 = arith.addf %add3A_3006, %dot_general3A_3010 : vector<256x256xf32>
    %mul3A_3012 = arith.constant 0.176776692 : f32
    %mul3A_3013 = vector.broadcast %mul3A_3012 : f32 to vector<256x256xf32>
    %mul3A_3014 = arith.mulf %add3A_3011, %mul3A_3013 : vector<256x256xf32>
    %add3A_3015 = arith.addf %mul3A_3014, %select_n3A_2669 : vector<256x256xf32>
    %reduce_max3A_3016 = arith.constant dense<0xFF800000> : vector<256xf32>
    %reduce_max3A_3017 = vector.multi_reduction <maximumf>, %add3A_3015, %reduce_max3A_3016 [1] : vector<256x256xf32> to vector<256xf32>
    %max3A_3018 = arith.constant 0xFF800000 : f32
    %max3A_3019 = vector.broadcast %max3A_3018 : f32 to vector<256xf32>
    %max3A_3020 = arith.maximumf %max3A_3019, %reduce_max3A_3017 : vector<256xf32>
    %broadcast_in_dim3A_3021 = vector.shape_cast %max3A_3020 : vector<256xf32> to vector<256x1xf32>
    %sub3A_3022 = vector.broadcast %broadcast_in_dim3A_3021 : vector<256x1xf32> to vector<256x256xf32>
    %sub3A_3023 = arith.subf %add3A_3015, %sub3A_3022 : vector<256x256xf32>
    %exp3A_3024 = math.exp %sub3A_3023 : vector<256x256xf32>
    %reduce_sum3A_3025 = arith.constant dense<0.000000e+00> : vector<256xf32>
    %reduce_sum3A_3026 = vector.multi_reduction <add>, %exp3A_3024, %reduce_sum3A_3025 [1] : vector<256x256xf32> to vector<256xf32>
    %broadcast_in_dim3A_3027 = vector.shape_cast %reduce_sum3A_3026 : vector<256xf32> to vector<256x1xf32>
    %div3A_3028 = vector.broadcast %broadcast_in_dim3A_3027 : vector<256x1xf32> to vector<256x256xf32>
    %div3A_3029 = arith.divf %exp3A_3024, %div3A_3028 : vector<256x256xf32>
    %convert_element_type3A_3030 = arith.truncf %div3A_3029 : vector<256x256xf32> to vector<256x256xbf16>
    %convert_element_type3A_3031 = arith.extf %convert_element_type3A_3030 : vector<256x256xbf16> to vector<256x256xf32>
    %sub3A_3032 = arith.subf %div3A_3029, %convert_element_type3A_3031 : vector<256x256xf32>
    %convert_element_type3A_3033 = arith.truncf %sub3A_3032 : vector<256x256xf32> to vector<256x256xbf16>
    %slice3A_3034 = vector.extract_strided_slice %convert_element_type3A_2759 {offsets = [0, 160], sizes = [256, 32], strides = [1, 1]} : vector<256x256xbf16> to vector<256x32xbf16>
    %dot_general3A_3035 = arith.constant dense<0.000000e+00> : vector<256x32xf32>
    %dot_general3A_3036 = tpu.matmul %convert_element_type3A_3030, %slice3A_3034, %dot_general3A_3035 {dimension_numbers = #tpu.dot_dimension_numbers<[1], [0], [0], [1], [0, 0, 1, 1], [], []>, transpose_lhs_hint = false} : vector<256x256xbf16>, vector<256x32xbf16>, vector<256x32xf32> -> vector<256x32xf32>
    %slice3A_3037 = vector.extract_strided_slice %convert_element_type3A_2762 {offsets = [0, 160], sizes = [256, 32], strides = [1, 1]} : vector<256x256xbf16> to vector<256x32xbf16>
    %dot_general3A_3038 = arith.constant dense<0.000000e+00> : vector<256x32xf32>
    %dot_general3A_3039 = tpu.matmul %convert_element_type3A_3030, %slice3A_3037, %dot_general3A_3038 {dimension_numbers = #tpu.dot_dimension_numbers<[1], [0], [0], [1], [0, 0, 1, 1], [], []>, transpose_lhs_hint = false} : vector<256x256xbf16>, vector<256x32xbf16>, vector<256x32xf32> -> vector<256x32xf32>
    %add3A_3040 = arith.addf %dot_general3A_3036, %dot_general3A_3039 : vector<256x32xf32>
    %slice3A_3041 = vector.extract_strided_slice %convert_element_type3A_2759 {offsets = [0, 160], sizes = [256, 32], strides = [1, 1]} : vector<256x256xbf16> to vector<256x32xbf16>
    %dot_general3A_3042 = arith.constant dense<0.000000e+00> : vector<256x32xf32>
    %dot_general3A_3043 = tpu.matmul %convert_element_type3A_3033, %slice3A_3041, %dot_general3A_3042 {dimension_numbers = #tpu.dot_dimension_numbers<[1], [0], [0], [1], [0, 0, 1, 1], [], []>, transpose_lhs_hint = false} : vector<256x256xbf16>, vector<256x32xbf16>, vector<256x32xf32> -> vector<256x32xf32>
    %add3A_3044 = arith.addf %add3A_3040, %dot_general3A_3043 : vector<256x32xf32>
    %slice3A_3045 = vector.extract_strided_slice %convert_element_type3A_2751 {offsets = [0, 192], sizes = [256, 32], strides = [1, 1]} : vector<256x256xbf16> to vector<256x32xbf16>
    %slice3A_3046 = vector.extract_strided_slice %convert_element_type3A_2755 {offsets = [0, 192], sizes = [256, 32], strides = [1, 1]} : vector<256x256xbf16> to vector<256x32xbf16>
    %dot_general3A_3047 = arith.constant dense<0.000000e+00> : vector<256x256xf32>
    %dot_general3A_3048 = tpu.matmul %slice3A_3045, %slice3A_3046, %dot_general3A_3047 {dimension_numbers = #tpu.dot_dimension_numbers<[1], [1], [0], [0], [0, 0, 1, 0], [], []>, transpose_lhs_hint = false} : vector<256x32xbf16>, vector<256x32xbf16>, vector<256x256xf32> -> vector<256x256xf32>
    %slice3A_3049 = vector.extract_strided_slice %convert_element_type3A_2751 {offsets = [0, 192], sizes = [256, 32], strides = [1, 1]} : vector<256x256xbf16> to vector<256x32xbf16>
    %slice3A_3050 = vector.extract_strided_slice %convert_element_type3A_2758 {offsets = [0, 192], sizes = [256, 32], strides = [1, 1]} : vector<256x256xbf16> to vector<256x32xbf16>
    %dot_general3A_3051 = arith.constant dense<0.000000e+00> : vector<256x256xf32>
    %dot_general3A_3052 = tpu.matmul %slice3A_3049, %slice3A_3050, %dot_general3A_3051 {dimension_numbers = #tpu.dot_dimension_numbers<[1], [1], [0], [0], [0, 0, 1, 0], [], []>, transpose_lhs_hint = false} : vector<256x32xbf16>, vector<256x32xbf16>, vector<256x256xf32> -> vector<256x256xf32>
    %add3A_3053 = arith.addf %dot_general3A_3048, %dot_general3A_3052 : vector<256x256xf32>
    %slice3A_3054 = vector.extract_strided_slice %convert_element_type3A_2754 {offsets = [0, 192], sizes = [256, 32], strides = [1, 1]} : vector<256x256xbf16> to vector<256x32xbf16>
    %slice3A_3055 = vector.extract_strided_slice %convert_element_type3A_2755 {offsets = [0, 192], sizes = [256, 32], strides = [1, 1]} : vector<256x256xbf16> to vector<256x32xbf16>
    %dot_general3A_3056 = arith.constant dense<0.000000e+00> : vector<256x256xf32>
    %dot_general3A_3057 = tpu.matmul %slice3A_3054, %slice3A_3055, %dot_general3A_3056 {dimension_numbers = #tpu.dot_dimension_numbers<[1], [1], [0], [0], [0, 0, 1, 0], [], []>, transpose_lhs_hint = false} : vector<256x32xbf16>, vector<256x32xbf16>, vector<256x256xf32> -> vector<256x256xf32>
    %add3A_3058 = arith.addf %add3A_3053, %dot_general3A_3057 : vector<256x256xf32>
    %mul3A_3059 = arith.constant 0.176776692 : f32
    %mul3A_3060 = vector.broadcast %mul3A_3059 : f32 to vector<256x256xf32>
    %mul3A_3061 = arith.mulf %add3A_3058, %mul3A_3060 : vector<256x256xf32>
    %add3A_3062 = arith.addf %mul3A_3061, %select_n3A_2669 : vector<256x256xf32>
    %reduce_max3A_3063 = arith.constant dense<0xFF800000> : vector<256xf32>
    %reduce_max3A_3064 = vector.multi_reduction <maximumf>, %add3A_3062, %reduce_max3A_3063 [1] : vector<256x256xf32> to vector<256xf32>
    %max3A_3065 = arith.constant 0xFF800000 : f32
    %max3A_3066 = vector.broadcast %max3A_3065 : f32 to vector<256xf32>
    %max3A_3067 = arith.maximumf %max3A_3066, %reduce_max3A_3064 : vector<256xf32>
    %broadcast_in_dim3A_3068 = vector.shape_cast %max3A_3067 : vector<256xf32> to vector<256x1xf32>
    %sub3A_3069 = vector.broadcast %broadcast_in_dim3A_3068 : vector<256x1xf32> to vector<256x256xf32>
    %sub3A_3070 = arith.subf %add3A_3062, %sub3A_3069 : vector<256x256xf32>
    %exp3A_3071 = math.exp %sub3A_3070 : vector<256x256xf32>
    %reduce_sum3A_3072 = arith.constant dense<0.000000e+00> : vector<256xf32>
    %reduce_sum3A_3073 = vector.multi_reduction <add>, %exp3A_3071, %reduce_sum3A_3072 [1] : vector<256x256xf32> to vector<256xf32>
    %broadcast_in_dim3A_3074 = vector.shape_cast %reduce_sum3A_3073 : vector<256xf32> to vector<256x1xf32>
    %div3A_3075 = vector.broadcast %broadcast_in_dim3A_3074 : vector<256x1xf32> to vector<256x256xf32>
    %div3A_3076 = arith.divf %exp3A_3071, %div3A_3075 : vector<256x256xf32>
    %convert_element_type3A_3077 = arith.truncf %div3A_3076 : vector<256x256xf32> to vector<256x256xbf16>
    %convert_element_type3A_3078 = arith.extf %convert_element_type3A_3077 : vector<256x256xbf16> to vector<256x256xf32>
    %sub3A_3079 = arith.subf %div3A_3076, %convert_element_type3A_3078 : vector<256x256xf32>
    %convert_element_type3A_3080 = arith.truncf %sub3A_3079 : vector<256x256xf32> to vector<256x256xbf16>
    %slice3A_3081 = vector.extract_strided_slice %convert_element_type3A_2759 {offsets = [0, 192], sizes = [256, 32], strides = [1, 1]} : vector<256x256xbf16> to vector<256x32xbf16>
    %dot_general3A_3082 = arith.constant dense<0.000000e+00> : vector<256x32xf32>
    %dot_general3A_3083 = tpu.matmul %convert_element_type3A_3077, %slice3A_3081, %dot_general3A_3082 {dimension_numbers = #tpu.dot_dimension_numbers<[1], [0], [0], [1], [0, 0, 1, 1], [], []>, transpose_lhs_hint = false} : vector<256x256xbf16>, vector<256x32xbf16>, vector<256x32xf32> -> vector<256x32xf32>
    %slice3A_3084 = vector.extract_strided_slice %convert_element_type3A_2762 {offsets = [0, 192], sizes = [256, 32], strides = [1, 1]} : vector<256x256xbf16> to vector<256x32xbf16>
    %dot_general3A_3085 = arith.constant dense<0.000000e+00> : vector<256x32xf32>
    %dot_general3A_3086 = tpu.matmul %convert_element_type3A_3077, %slice3A_3084, %dot_general3A_3085 {dimension_numbers = #tpu.dot_dimension_numbers<[1], [0], [0], [1], [0, 0, 1, 1], [], []>, transpose_lhs_hint = false} : vector<256x256xbf16>, vector<256x32xbf16>, vector<256x32xf32> -> vector<256x32xf32>
    %add3A_3087 = arith.addf %dot_general3A_3083, %dot_general3A_3086 : vector<256x32xf32>
    %slice3A_3088 = vector.extract_strided_slice %convert_element_type3A_2759 {offsets = [0, 192], sizes = [256, 32], strides = [1, 1]} : vector<256x256xbf16> to vector<256x32xbf16>
    %dot_general3A_3089 = arith.constant dense<0.000000e+00> : vector<256x32xf32>
    %dot_general3A_3090 = tpu.matmul %convert_element_type3A_3080, %slice3A_3088, %dot_general3A_3089 {dimension_numbers = #tpu.dot_dimension_numbers<[1], [0], [0], [1], [0, 0, 1, 1], [], []>, transpose_lhs_hint = false} : vector<256x256xbf16>, vector<256x32xbf16>, vector<256x32xf32> -> vector<256x32xf32>
    %add3A_3091 = arith.addf %add3A_3087, %dot_general3A_3090 : vector<256x32xf32>
    %slice3A_3092 = vector.extract_strided_slice %convert_element_type3A_2751 {offsets = [0, 224], sizes = [256, 32], strides = [1, 1]} : vector<256x256xbf16> to vector<256x32xbf16>
    %slice3A_3093 = vector.extract_strided_slice %convert_element_type3A_2755 {offsets = [0, 224], sizes = [256, 32], strides = [1, 1]} : vector<256x256xbf16> to vector<256x32xbf16>
    %dot_general3A_3094 = arith.constant dense<0.000000e+00> : vector<256x256xf32>
    %dot_general3A_3095 = tpu.matmul %slice3A_3092, %slice3A_3093, %dot_general3A_3094 {dimension_numbers = #tpu.dot_dimension_numbers<[1], [1], [0], [0], [0, 0, 1, 0], [], []>, transpose_lhs_hint = false} : vector<256x32xbf16>, vector<256x32xbf16>, vector<256x256xf32> -> vector<256x256xf32>
    %slice3A_3096 = vector.extract_strided_slice %convert_element_type3A_2751 {offsets = [0, 224], sizes = [256, 32], strides = [1, 1]} : vector<256x256xbf16> to vector<256x32xbf16>
    %slice3A_3097 = vector.extract_strided_slice %convert_element_type3A_2758 {offsets = [0, 224], sizes = [256, 32], strides = [1, 1]} : vector<256x256xbf16> to vector<256x32xbf16>
    %dot_general3A_3098 = arith.constant dense<0.000000e+00> : vector<256x256xf32>
    %dot_general3A_3099 = tpu.matmul %slice3A_3096, %slice3A_3097, %dot_general3A_3098 {dimension_numbers = #tpu.dot_dimension_numbers<[1], [1], [0], [0], [0, 0, 1, 0], [], []>, transpose_lhs_hint = false} : vector<256x32xbf16>, vector<256x32xbf16>, vector<256x256xf32> -> vector<256x256xf32>
    %add3A_3100 = arith.addf %dot_general3A_3095, %dot_general3A_3099 : vector<256x256xf32>
    %slice3A_3101 = vector.extract_strided_slice %convert_element_type3A_2754 {offsets = [0, 224], sizes = [256, 32], strides = [1, 1]} : vector<256x256xbf16> to vector<256x32xbf16>
    %slice3A_3102 = vector.extract_strided_slice %convert_element_type3A_2755 {offsets = [0, 224], sizes = [256, 32], strides = [1, 1]} : vector<256x256xbf16> to vector<256x32xbf16>
    %dot_general3A_3103 = arith.constant dense<0.000000e+00> : vector<256x256xf32>
    %dot_general3A_3104 = tpu.matmul %slice3A_3101, %slice3A_3102, %dot_general3A_3103 {dimension_numbers = #tpu.dot_dimension_numbers<[1], [1], [0], [0], [0, 0, 1, 0], [], []>, transpose_lhs_hint = false} : vector<256x32xbf16>, vector<256x32xbf16>, vector<256x256xf32> -> vector<256x256xf32>
    %add3A_3105 = arith.addf %add3A_3100, %dot_general3A_3104 : vector<256x256xf32>
    %mul3A_3106 = arith.constant 0.176776692 : f32
    %mul3A_3107 = vector.broadcast %mul3A_3106 : f32 to vector<256x256xf32>
    %mul3A_3108 = arith.mulf %add3A_3105, %mul3A_3107 : vector<256x256xf32>
    %add3A_3109 = arith.addf %mul3A_3108, %select_n3A_2669 : vector<256x256xf32>
    %reduce_max3A_3110 = arith.constant dense<0xFF800000> : vector<256xf32>
    %reduce_max3A_3111 = vector.multi_reduction <maximumf>, %add3A_3109, %reduce_max3A_3110 [1] : vector<256x256xf32> to vector<256xf32>
    %max3A_3112 = arith.constant 0xFF800000 : f32
    %max3A_3113 = vector.broadcast %max3A_3112 : f32 to vector<256xf32>
    %max3A_3114 = arith.maximumf %max3A_3113, %reduce_max3A_3111 : vector<256xf32>
    %broadcast_in_dim3A_3115 = vector.shape_cast %max3A_3114 : vector<256xf32> to vector<256x1xf32>
    %sub3A_3116 = vector.broadcast %broadcast_in_dim3A_3115 : vector<256x1xf32> to vector<256x256xf32>
    %sub3A_3117 = arith.subf %add3A_3109, %sub3A_3116 : vector<256x256xf32>
    %exp3A_3118 = math.exp %sub3A_3117 : vector<256x256xf32>
    %reduce_sum3A_3119 = arith.constant dense<0.000000e+00> : vector<256xf32>
    %reduce_sum3A_3120 = vector.multi_reduction <add>, %exp3A_3118, %reduce_sum3A_3119 [1] : vector<256x256xf32> to vector<256xf32>
    %broadcast_in_dim3A_3121 = vector.shape_cast %reduce_sum3A_3120 : vector<256xf32> to vector<256x1xf32>
    %div3A_3122 = vector.broadcast %broadcast_in_dim3A_3121 : vector<256x1xf32> to vector<256x256xf32>
    %div3A_3123 = arith.divf %exp3A_3118, %div3A_3122 : vector<256x256xf32>
    %convert_element_type3A_3124 = arith.truncf %div3A_3123 : vector<256x256xf32> to vector<256x256xbf16>
    %convert_element_type3A_3125 = arith.extf %convert_element_type3A_3124 : vector<256x256xbf16> to vector<256x256xf32>
    %sub3A_3126 = arith.subf %div3A_3123, %convert_element_type3A_3125 : vector<256x256xf32>
    %convert_element_type3A_3127 = arith.truncf %sub3A_3126 : vector<256x256xf32> to vector<256x256xbf16>
    %slice3A_3128 = vector.extract_strided_slice %convert_element_type3A_2759 {offsets = [0, 224], sizes = [256, 32], strides = [1, 1]} : vector<256x256xbf16> to vector<256x32xbf16>
    %dot_general3A_3129 = arith.constant dense<0.000000e+00> : vector<256x32xf32>
    %dot_general3A_3130 = tpu.matmul %convert_element_type3A_3124, %slice3A_3128, %dot_general3A_3129 {dimension_numbers = #tpu.dot_dimension_numbers<[1], [0], [0], [1], [0, 0, 1, 1], [], []>, transpose_lhs_hint = false} : vector<256x256xbf16>, vector<256x32xbf16>, vector<256x32xf32> -> vector<256x32xf32>
    %slice3A_3131 = vector.extract_strided_slice %convert_element_type3A_2762 {offsets = [0, 224], sizes = [256, 32], strides = [1, 1]} : vector<256x256xbf16> to vector<256x32xbf16>
    %dot_general3A_3132 = arith.constant dense<0.000000e+00> : vector<256x32xf32>
    %dot_general3A_3133 = tpu.matmul %convert_element_type3A_3124, %slice3A_3131, %dot_general3A_3132 {dimension_numbers = #tpu.dot_dimension_numbers<[1], [0], [0], [1], [0, 0, 1, 1], [], []>, transpose_lhs_hint = false} : vector<256x256xbf16>, vector<256x32xbf16>, vector<256x32xf32> -> vector<256x32xf32>
    %add3A_3134 = arith.addf %dot_general3A_3130, %dot_general3A_3133 : vector<256x32xf32>
    %slice3A_3135 = vector.extract_strided_slice %convert_element_type3A_2759 {offsets = [0, 224], sizes = [256, 32], strides = [1, 1]} : vector<256x256xbf16> to vector<256x32xbf16>
    %dot_general3A_3136 = arith.constant dense<0.000000e+00> : vector<256x32xf32>
    %dot_general3A_3137 = tpu.matmul %convert_element_type3A_3127, %slice3A_3135, %dot_general3A_3136 {dimension_numbers = #tpu.dot_dimension_numbers<[1], [0], [0], [1], [0, 0, 1, 1], [], []>, transpose_lhs_hint = false} : vector<256x256xbf16>, vector<256x32xbf16>, vector<256x32xf32> -> vector<256x32xf32>
    %add3A_3138 = arith.addf %add3A_3134, %dot_general3A_3137 : vector<256x32xf32>
    %concatenate3A_3139 = tpu.concatenate %add3A_2809, %add3A_2856, %add3A_2903, %add3A_2950, %add3A_2997, %add3A_3044, %add3A_3091, %add3A_3138 in 1 : vector<256x32xf32>, vector<256x32xf32>, vector<256x32xf32>, vector<256x32xf32>, vector<256x32xf32>, vector<256x32xf32>, vector<256x32xf32>, vector<256x32xf32> -> vector<256x256xf32>
    %convert_element_type3A_3140 = arith.truncf %concatenate3A_3139 : vector<256x256xf32> to vector<256x256xbf16>
    %convert_element_type3A_3141 = arith.extf %convert_element_type3A_3140 : vector<256x256xbf16> to vector<256x256xf32>
    %sub3A_3142 = arith.subf %concatenate3A_3139, %convert_element_type3A_3141 : vector<256x256xf32>
    %convert_element_type3A_3143 = arith.truncf %sub3A_3142 : vector<256x256xf32> to vector<256x256xbf16>
    %get3A_3144 = arith.constant 0 : index
    %get3A_3145 = arith.constant 3 : index
    %get3A_3146 = arith.constant 0 : index
    %get3A_3147 = arith.constant 0 : index
    %get3A_3148 = vector.load %arg26[%get3A_3144, %get3A_3145, %get3A_3146, %get3A_3147] : memref<2x4x256x256xbf16, #tpu.memory_space<vmem>>, vector<1x1x256x256xbf16>
    %get3A_3149 = vector.shape_cast %get3A_3148 : vector<1x1x256x256xbf16> to vector<256x256xbf16>
    %get3A_3150 = arith.constant 1 : index
    %get3A_3151 = arith.constant 3 : index
    %get3A_3152 = arith.constant 0 : index
    %get3A_3153 = arith.constant 0 : index
    %get3A_3154 = vector.load %arg26[%get3A_3150, %get3A_3151, %get3A_3152, %get3A_3153] : memref<2x4x256x256xbf16, #tpu.memory_space<vmem>>, vector<1x1x256x256xbf16>
    %get3A_3155 = vector.shape_cast %get3A_3154 : vector<1x1x256x256xbf16> to vector<256x256xbf16>
    %dot_general3A_3156 = arith.constant dense<0.000000e+00> : vector<256x256xf32>
    %dot_general3A_3157 = tpu.matmul %convert_element_type3A_3140, %get3A_3149, %dot_general3A_3156 {dimension_numbers = #tpu.dot_dimension_numbers<[1], [0], [0], [1], [0, 0, 1, 1], [], []>, transpose_lhs_hint = false} : vector<256x256xbf16>, vector<256x256xbf16>, vector<256x256xf32> -> vector<256x256xf32>
    %dot_general3A_3158 = arith.constant dense<0.000000e+00> : vector<256x256xf32>
    %dot_general3A_3159 = tpu.matmul %convert_element_type3A_3140, %get3A_3155, %dot_general3A_3158 {dimension_numbers = #tpu.dot_dimension_numbers<[1], [0], [0], [1], [0, 0, 1, 1], [], []>, transpose_lhs_hint = false} : vector<256x256xbf16>, vector<256x256xbf16>, vector<256x256xf32> -> vector<256x256xf32>
    %add3A_3160 = arith.addf %dot_general3A_3157, %dot_general3A_3159 : vector<256x256xf32>
    %dot_general3A_3161 = arith.constant dense<0.000000e+00> : vector<256x256xf32>
    %dot_general3A_3162 = tpu.matmul %convert_element_type3A_3143, %get3A_3149, %dot_general3A_3161 {dimension_numbers = #tpu.dot_dimension_numbers<[1], [0], [0], [1], [0, 0, 1, 1], [], []>, transpose_lhs_hint = false} : vector<256x256xbf16>, vector<256x256xbf16>, vector<256x256xf32> -> vector<256x256xf32>
    %add3A_3163 = arith.addf %add3A_3160, %dot_general3A_3162 : vector<256x256xf32>
    %get3A_3164 = arith.constant 3 : index
    %get3A_3165 = arith.constant 0 : index
    %get3A_3166 = arith.constant 0 : index
    %get3A_3167 = vector.load %arg27[%get3A_3164, %get3A_3165, %get3A_3166] : memref<4x1x256xf32, #tpu.memory_space<vmem>>, vector<1x1x256xf32>
    %get3A_3168 = vector.shape_cast %get3A_3167 : vector<1x1x256xf32> to vector<1x256xf32>
    %add3A_3169 = vector.broadcast %get3A_3168 : vector<1x256xf32> to vector<256x256xf32>
    %add3A_3170 = arith.addf %add3A_3163, %add3A_3169 : vector<256x256xf32>
    %mul3A_3171 = vector.broadcast %logistic3A_2651 : vector<256x1xf32> to vector<256x256xf32>
    %mul3A_3172 = arith.mulf %add3A_3170, %mul3A_3171 : vector<256x256xf32>
    %add3A_3173 = arith.addf %add3A_2555, %div3A_2470 : vector<256x256xf32>
    %mul3A_3174 = vector.broadcast %broadcast_in_dim3A_2615 : vector<256x1xf32> to vector<256x256xf32>
    %mul3A_3175 = arith.mulf %mul3A_3174, %mul3A_3172 : vector<256x256xf32>
    %add3A_3176 = arith.addf %add3A_3173, %mul3A_3175 : vector<256x256xf32>
    %reduce_sum3A_3177 = arith.constant dense<0.000000e+00> : vector<256xf32>
    %reduce_sum3A_3178 = vector.multi_reduction <add>, %add3A_3176, %reduce_sum3A_3177 [1] : vector<256x256xf32> to vector<256xf32>
    %broadcast_in_dim3A_3179 = vector.shape_cast %reduce_sum3A_3178 : vector<256xf32> to vector<256x1xf32>
    %div3A_3180 = arith.constant 2.560000e+02 : f32
    %div3A_3181 = vector.broadcast %div3A_3180 : f32 to vector<256x1xf32>
    %div3A_3182 = arith.divf %broadcast_in_dim3A_3179, %div3A_3181 : vector<256x1xf32>
    %sub3A_3183 = vector.broadcast %div3A_3182 : vector<256x1xf32> to vector<256x256xf32>
    %sub3A_3184 = arith.subf %add3A_3176, %sub3A_3183 : vector<256x256xf32>
    %mul3A_3185 = arith.mulf %sub3A_3184, %sub3A_3184 : vector<256x256xf32>
    %reduce_sum3A_3186 = arith.constant dense<0.000000e+00> : vector<256xf32>
    %reduce_sum3A_3187 = vector.multi_reduction <add>, %mul3A_3185, %reduce_sum3A_3186 [1] : vector<256x256xf32> to vector<256xf32>
    %broadcast_in_dim3A_3188 = vector.shape_cast %reduce_sum3A_3187 : vector<256xf32> to vector<256x1xf32>
    %div3A_3189 = arith.constant 2.560000e+02 : f32
    %div3A_3190 = vector.broadcast %div3A_3189 : f32 to vector<256x1xf32>
    %div3A_3191 = arith.divf %broadcast_in_dim3A_3188, %div3A_3190 : vector<256x1xf32>
    %add3A_3192 = arith.constant 9.99999974E-6 : f32
    %add3A_3193 = vector.broadcast %add3A_3192 : f32 to vector<256x1xf32>
    %add3A_3194 = arith.addf %div3A_3191, %add3A_3193 : vector<256x1xf32>
    %sqrt3A_3195 = math.sqrt %add3A_3194 : vector<256x1xf32>
    %div3A_3196 = vector.broadcast %sqrt3A_3195 : vector<256x1xf32> to vector<256x256xf32>
    %div3A_3197 = arith.divf %sub3A_3184, %div3A_3196 : vector<256x256xf32>
    %convert_element_type3A_3198 = arith.truncf %div3A_3197 : vector<256x256xf32> to vector<256x256xbf16>
    %convert_element_type3A_3199 = arith.extf %convert_element_type3A_3198 : vector<256x256xbf16> to vector<256x256xf32>
    %sub3A_3200 = arith.subf %div3A_3197, %convert_element_type3A_3199 : vector<256x256xf32>
    %convert_element_type3A_3201 = arith.truncf %sub3A_3200 : vector<256x256xf32> to vector<256x256xbf16>
    %get3A_3202 = arith.constant 0 : index
    %get3A_3203 = arith.constant 0 : index
    %get3A_3204 = arith.constant 0 : index
    %get3A_3205 = vector.load %arg28[%get3A_3202, %get3A_3203, %get3A_3204] : memref<2x256x128xbf16, #tpu.memory_space<vmem>>, vector<1x256x128xbf16>
    %get3A_3206 = vector.shape_cast %get3A_3205 : vector<1x256x128xbf16> to vector<256x128xbf16>
    %get3A_3207 = arith.constant 1 : index
    %get3A_3208 = arith.constant 0 : index
    %get3A_3209 = arith.constant 0 : index
    %get3A_3210 = vector.load %arg28[%get3A_3207, %get3A_3208, %get3A_3209] : memref<2x256x128xbf16, #tpu.memory_space<vmem>>, vector<1x256x128xbf16>
    %get3A_3211 = vector.shape_cast %get3A_3210 : vector<1x256x128xbf16> to vector<256x128xbf16>
    %dot_general3A_3212 = arith.constant dense<0.000000e+00> : vector<256x128xf32>
    %dot_general3A_3213 = tpu.matmul %convert_element_type3A_3198, %get3A_3206, %dot_general3A_3212 {dimension_numbers = #tpu.dot_dimension_numbers<[1], [0], [0], [1], [0, 0, 1, 1], [], []>, transpose_lhs_hint = false} : vector<256x256xbf16>, vector<256x128xbf16>, vector<256x128xf32> -> vector<256x128xf32>
    %dot_general3A_3214 = arith.constant dense<0.000000e+00> : vector<256x128xf32>
    %dot_general3A_3215 = tpu.matmul %convert_element_type3A_3198, %get3A_3211, %dot_general3A_3214 {dimension_numbers = #tpu.dot_dimension_numbers<[1], [0], [0], [1], [0, 0, 1, 1], [], []>, transpose_lhs_hint = false} : vector<256x256xbf16>, vector<256x128xbf16>, vector<256x128xf32> -> vector<256x128xf32>
    %add3A_3216 = arith.addf %dot_general3A_3213, %dot_general3A_3215 : vector<256x128xf32>
    %dot_general3A_3217 = arith.constant dense<0.000000e+00> : vector<256x128xf32>
    %dot_general3A_3218 = tpu.matmul %convert_element_type3A_3201, %get3A_3206, %dot_general3A_3217 {dimension_numbers = #tpu.dot_dimension_numbers<[1], [0], [0], [1], [0, 0, 1, 1], [], []>, transpose_lhs_hint = false} : vector<256x256xbf16>, vector<256x128xbf16>, vector<256x128xf32> -> vector<256x128xf32>
    %add3A_3219 = arith.addf %add3A_3216, %dot_general3A_3218 : vector<256x128xf32>
    %dot_general3A_3220 = arith.constant dense<0.000000e+00> : vector<8x128xf32>
    %dot_general3A_3221 = tpu.matmul %convert_element_type3A_95, %add3A_3219, %dot_general3A_3220 {dimension_numbers = #tpu.dot_dimension_numbers<[1], [0], [0], [1], [0, 0, 1, 1], [], []>, precision = #tpu.contract_precision<fp32>, transpose_lhs_hint = false} : vector<8x256xf32>, vector<256x128xf32>, vector<8x128xf32> -> vector<8x128xf32>
    %get3A_3222 = arith.constant 0 : index
    %get3A_3223 = arith.constant 0 : index
    %get3A_3224 = vector.load %arg29[%get3A_3222, %get3A_3223] : memref<1x128xf32, #tpu.memory_space<vmem>>, vector<1x128xf32>
    %add3A_3225 = vector.broadcast %get3A_3224 : vector<1x128xf32> to vector<8x128xf32>
    %add3A_3226 = arith.addf %dot_general3A_3221, %add3A_3225 : vector<8x128xf32>
    %broadcast_in_dim3A_3227 = vector.shape_cast %add3A_3226 : vector<8x128xf32> to vector<1x8x128xf32>
    %swap3A_3228 = arith.constant 0 : index
    %swap3A_3229 = arith.constant 0 : index
    %swap3A_3230 = arith.constant 0 : index
    %swap3A_3231 = vector.load %arg30[%swap3A_3228, %swap3A_3229, %swap3A_3230] : memref<1x8x128xf32, #tpu.memory_space<vmem>>, vector<1x8x128xf32>
    tpu.vector_store %arg30[%swap3A_3228, %swap3A_3229, %swap3A_3230], %broadcast_in_dim3A_3227 {strides = array<i32>} : memref<1x8x128xf32, #tpu.memory_space<vmem>>, vector<1x8x128xf32>,
    return
  }
  func.func @transform_0(%arg0: i32) -> (i32, i32) {
    %c0_i32 = arith.constant 0 : i32
    %c0_i32_0 = arith.constant 0 : i32
    return %arg0, %c0_i32 : i32, i32
  }
  func.func @transform_1(%arg0: i32) -> (i32, i32) {
    %c0_i32 = arith.constant 0 : i32
    %c0_i32_0 = arith.constant 0 : i32
    return %arg0, %c0_i32 : i32, i32
  }
  func.func @transform_2(%arg0: i32) -> (i32, i32) {
    %c0_i32 = arith.constant 0 : i32
    %c0_i32_0 = arith.constant 0 : i32
    return %arg0, %c0_i32 : i32, i32
  }
  func.func @transform_3(%arg0: i32) -> (i32, i32) {
    %c0_i32 = arith.constant 0 : i32
    %c0_i32_0 = arith.constant 0 : i32
    return %arg0, %c0_i32 : i32, i32
  }
  func.func @transform_4(%arg0: i32) -> (i32, i32) {
    %c0_i32 = arith.constant 0 : i32
    %c0_i32_0 = arith.constant 0 : i32
    return %arg0, %c0_i32 : i32, i32
  }
  func.func @transform_5(%arg0: i32) -> (i32, i32, i32) {
    %c0_i32 = arith.constant 0 : i32
    %c0_i32_0 = arith.constant 0 : i32
    %c0_i32_1 = arith.constant 0 : i32
    %c0_i32_2 = arith.constant 0 : i32
    return %c0_i32, %c0_i32_0, %c0_i32_1 : i32, i32, i32
  }
  func.func @transform_6(%arg0: i32) -> (i32, i32) {
    %c0_i32 = arith.constant 0 : i32
    %c0_i32_0 = arith.constant 0 : i32
    %c0_i32_1 = arith.constant 0 : i32
    return %c0_i32, %c0_i32_0 : i32, i32
  }
  func.func @transform_7(%arg0: i32) -> (i32, i32, i32) {
    %c0_i32 = arith.constant 0 : i32
    %c0_i32_0 = arith.constant 0 : i32
    %c0_i32_1 = arith.constant 0 : i32
    %c0_i32_2 = arith.constant 0 : i32
    return %c0_i32, %c0_i32_0, %c0_i32_1 : i32, i32, i32
  }
  func.func @transform_8(%arg0: i32) -> (i32, i32) {
    %c0_i32 = arith.constant 0 : i32
    %c0_i32_0 = arith.constant 0 : i32
    %c0_i32_1 = arith.constant 0 : i32
    return %c0_i32, %c0_i32_0 : i32, i32
  }
  func.func @transform_9(%arg0: i32) -> (i32, i32, i32) {
    %c0_i32 = arith.constant 0 : i32
    %c0_i32_0 = arith.constant 0 : i32
    %c0_i32_1 = arith.constant 0 : i32
    %c0_i32_2 = arith.constant 0 : i32
    return %c0_i32, %c0_i32_0, %c0_i32_1 : i32, i32, i32
  }
  func.func @transform_10(%arg0: i32) -> (i32, i32) {
    %c0_i32 = arith.constant 0 : i32
    %c0_i32_0 = arith.constant 0 : i32
    %c0_i32_1 = arith.constant 0 : i32
    return %c0_i32, %c0_i32_0 : i32, i32
  }
  func.func @transform_11(%arg0: i32) -> (i32, i32, i32) {
    %c0_i32 = arith.constant 0 : i32
    %c0_i32_0 = arith.constant 0 : i32
    %c0_i32_1 = arith.constant 0 : i32
    %c0_i32_2 = arith.constant 0 : i32
    return %c0_i32, %c0_i32_0, %c0_i32_1 : i32, i32, i32
  }
  func.func @transform_12(%arg0: i32) -> (i32, i32) {
    %c0_i32 = arith.constant 0 : i32
    %c0_i32_0 = arith.constant 0 : i32
    %c0_i32_1 = arith.constant 0 : i32
    return %c0_i32, %c0_i32_0 : i32, i32
  }
  func.func @transform_13(%arg0: i32) -> (i32, i32, i32, i32) {
    %c0_i32 = arith.constant 0 : i32
    %c0_i32_0 = arith.constant 0 : i32
    %c0_i32_1 = arith.constant 0 : i32
    %c0_i32_2 = arith.constant 0 : i32
    %c0_i32_3 = arith.constant 0 : i32
    return %c0_i32, %c0_i32_0, %c0_i32_1, %c0_i32_2 : i32, i32, i32, i32
  }
  func.func @transform_14(%arg0: i32) -> (i32, i32, i32) {
    %c0_i32 = arith.constant 0 : i32
    %c0_i32_0 = arith.constant 0 : i32
    %c0_i32_1 = arith.constant 0 : i32
    %c0_i32_2 = arith.constant 0 : i32
    return %c0_i32, %c0_i32_0, %c0_i32_1 : i32, i32, i32
  }
  func.func @transform_15(%arg0: i32) -> (i32, i32, i32, i32) {
    %c0_i32 = arith.constant 0 : i32
    %c0_i32_0 = arith.constant 0 : i32
    %c0_i32_1 = arith.constant 0 : i32
    %c0_i32_2 = arith.constant 0 : i32
    %c0_i32_3 = arith.constant 0 : i32
    return %c0_i32, %c0_i32_0, %c0_i32_1, %c0_i32_2 : i32, i32, i32, i32
  }
  func.func @transform_16(%arg0: i32) -> (i32, i32, i32) {
    %c0_i32 = arith.constant 0 : i32
    %c0_i32_0 = arith.constant 0 : i32
    %c0_i32_1 = arith.constant 0 : i32
    %c0_i32_2 = arith.constant 0 : i32
    return %c0_i32, %c0_i32_0, %c0_i32_1 : i32, i32, i32
  }
  func.func @transform_17(%arg0: i32) -> (i32, i32) {
    %c0_i32 = arith.constant 0 : i32
    %c0_i32_0 = arith.constant 0 : i32
    %c0_i32_1 = arith.constant 0 : i32
    return %c0_i32, %c0_i32_0 : i32, i32
  }
  func.func @transform_18(%arg0: i32) -> (i32, i32, i32) {
    %c0_i32 = arith.constant 0 : i32
    %c0_i32_0 = arith.constant 0 : i32
    %c0_i32_1 = arith.constant 0 : i32
    %c0_i32_2 = arith.constant 0 : i32
    return %c0_i32, %c0_i32_0, %c0_i32_1 : i32, i32, i32
  }
  func.func @transform_19(%arg0: i32) -> (i32, i32, i32, i32) {
    %c0_i32 = arith.constant 0 : i32
    %c0_i32_0 = arith.constant 0 : i32
    %c0_i32_1 = arith.constant 0 : i32
    %c0_i32_2 = arith.constant 0 : i32
    %c0_i32_3 = arith.constant 0 : i32
    return %c0_i32, %c0_i32_0, %c0_i32_1, %c0_i32_2 : i32, i32, i32, i32
  }
  func.func @transform_20(%arg0: i32) -> (i32, i32, i32) {
    %c0_i32 = arith.constant 0 : i32
    %c0_i32_0 = arith.constant 0 : i32
    %c0_i32_1 = arith.constant 0 : i32
    %c0_i32_2 = arith.constant 0 : i32
    return %c0_i32, %c0_i32_0, %c0_i32_1 : i32, i32, i32
  }
  func.func @transform_21(%arg0: i32) -> (i32, i32, i32, i32) {
    %c0_i32 = arith.constant 0 : i32
    %c0_i32_0 = arith.constant 0 : i32
    %c0_i32_1 = arith.constant 0 : i32
    %c0_i32_2 = arith.constant 0 : i32
    %c0_i32_3 = arith.constant 0 : i32
    return %c0_i32, %c0_i32_0, %c0_i32_1, %c0_i32_2 : i32, i32, i32, i32
  }
  func.func @transform_22(%arg0: i32) -> (i32, i32, i32) {
    %c0_i32 = arith.constant 0 : i32
    %c0_i32_0 = arith.constant 0 : i32
    %c0_i32_1 = arith.constant 0 : i32
    %c0_i32_2 = arith.constant 0 : i32
    return %c0_i32, %c0_i32_0, %c0_i32_1 : i32, i32, i32
  }
  func.func @transform_23(%arg0: i32) -> (i32, i32, i32, i32) {
    %c0_i32 = arith.constant 0 : i32
    %c0_i32_0 = arith.constant 0 : i32
    %c0_i32_1 = arith.constant 0 : i32
    %c0_i32_2 = arith.constant 0 : i32
    %c0_i32_3 = arith.constant 0 : i32
    return %c0_i32, %c0_i32_0, %c0_i32_1, %c0_i32_2 : i32, i32, i32, i32
  }
  func.func @transform_24(%arg0: i32) -> (i32, i32, i32) {
    %c0_i32 = arith.constant 0 : i32
    %c0_i32_0 = arith.constant 0 : i32
    %c0_i32_1 = arith.constant 0 : i32
    %c0_i32_2 = arith.constant 0 : i32
    return %c0_i32, %c0_i32_0, %c0_i32_1 : i32, i32, i32
  }
  func.func @transform_25(%arg0: i32) -> (i32, i32, i32, i32) {
    %c0_i32 = arith.constant 0 : i32
    %c0_i32_0 = arith.constant 0 : i32
    %c0_i32_1 = arith.constant 0 : i32
    %c0_i32_2 = arith.constant 0 : i32
    %c0_i32_3 = arith.constant 0 : i32
    return %c0_i32, %c0_i32_0, %c0_i32_1, %c0_i32_2 : i32, i32, i32, i32
  }
  func.func @transform_26(%arg0: i32) -> (i32, i32, i32) {
    %c0_i32 = arith.constant 0 : i32
    %c0_i32_0 = arith.constant 0 : i32
    %c0_i32_1 = arith.constant 0 : i32
    %c0_i32_2 = arith.constant 0 : i32
    return %c0_i32, %c0_i32_0, %c0_i32_1 : i32, i32, i32
  }
  func.func @transform_27(%arg0: i32) -> (i32, i32, i32) {
    %c0_i32 = arith.constant 0 : i32
    %c0_i32_0 = arith.constant 0 : i32
    %c0_i32_1 = arith.constant 0 : i32
    %c0_i32_2 = arith.constant 0 : i32
    return %c0_i32, %c0_i32_0, %c0_i32_1 : i32, i32, i32
  }
  func.func @transform_28(%arg0: i32) -> (i32, i32) {
    %c0_i32 = arith.constant 0 : i32
    %c0_i32_0 = arith.constant 0 : i32
    %c0_i32_1 = arith.constant 0 : i32
    return %c0_i32, %c0_i32_0 : i32, i32
  }
  func.func @transform_29(%arg0: i32) -> (i32, i32, i32) {
    %c0_i32 = arith.constant 0 : i32
    %c0_i32_0 = arith.constant 0 : i32
    %c0_i32_1 = arith.constant 0 : i32
    return %arg0, %c0_i32, %c0_i32_0 : i32, i32, i32
  }
  func.func @transform_30(%arg0: i32) -> (i32, i32, i32) {
    %c0_i32 = arith.constant 0 : i32
    %c0_i32_0 = arith.constant 0 : i32
    %c0_i32_1 = arith.constant 0 : i32
    return %arg0, %c0_i32, %c0_i32_0 : i32, i32, i32
  }
  func.func @transform_31(%arg0: i32) -> (i32, i32, i32) {
    %c0_i32 = arith.constant 0 : i32
    %c0_i32_0 = arith.constant 0 : i32
    %c0_i32_1 = arith.constant 0 : i32
    return %arg0, %c0_i32, %c0_i32_0 : i32, i32, i32
  }
}

</mosaic_0001>

<sc_bundles>
// kernel: kernel.4.cloned.1.call-start
scs
__scs_entry_jumppad:
0x0: {  	(pc) =	sbr.rel $0x88, $3  }
0x1: {  	(tag) =	ssettag $0x0;
	lr =	simm.s32 $0x1  }
0x2: {  	[smem:$0x3F5C] =	sst lr;
	_ =	strace $0xD0000000  }
0x3: {  	_ = 	snop  }
0x4: {  	_ = 	snop  }
0x5: {  	_ = 	snop  }
0x6: {  	_ = 	snop  }
0x7: {  	_ = 	snop  }
__scs_overlays_trampoline_lowered:
0x8: {  	[smem:$0x3F6B] =	sst s0  }
0x9: {  	[smem:$0x3F6C] =	sst s1  }
0xa: {  	[smem:$0x3F6D] =	sst s2  }
0xb: {  	[smem:$0x3F6E] =	sst s3  }
0xc: {  	[smem:$0x3F6F] =	sst s4  }
0xd: {  	[smem:$0x3F70] =	sst s5  }
0xe: {  	[smem:$0x3F71] =	sst s6  }
0xf: {  	[smem:$0x3F72] =	sst s7  }
0x10: {  	[smem:$0x3F73] =	sst s8  }
0x11: {  	[smem:$0x3F74] =	sst s9;
	s0 =	simm.s32 @!p0 $0x0  }
0x12: {  	s1 =	sld [smem:$0x3F5A];
	s0 =	simm.s32 @p0 $0x1  }
0x13: {  	[smem:$0x3F75] =	sst s0;
	s0 =	simm.s32 @!p1 $0x0  }
0x14: {  	s2 =	sld [smem:$0x3F59];
	s0 =	simm.s32 @p1 $0x1  }
0x15: {  	[smem:$0x3F76] =	sst s0;
	s0 =	simm.s32 @!p2 $0x0  }
0x16: {  	s3 =	sld [smem:$0x3FDB];
	s0 =	simm.s32 @p2 $0x1  }
0x17: {  	s4 =	simm.s32 $0x1BF5;
	[smem:$0x3F78] =	sst s0  }
0x18: {  	s0 =	sld [smem:$0x3F5B];
	_ =	swait.ge [sflag:s4], $0x0  }
0x19: {  	s7 =	sld [smem:$0x3F5C]  }
0x1a: {  	s8 =	sadd.s32 $0xFFFFE003, lr  }
0x1b: {  	s9 =	sadd.s32 $0xFFFFFEF7, lr;
	s5 =	simm.s32 $0xFFFFFFFF;
	p2 =	slt.u32 s8, $0xFFFFF086  }
0x1c: {  	p1 =	slt.u32 s9, $0xF7A;
	s5 =	simm.s32 @!p2 $0x0  }
0x1d: {  	s5 =	simm.s32 @p1 $0x1;
	p0 =	seq.s32 s7, s2  }
0x1e: {  	s7 =	smul.u32 @!p0 $0xF7A, s2;
	p2 =	seq.s32 @!p0 s5, $0x0  }
0x1f: {  	s9 =	smul.u32 $0xF7A, s1;
	s8 =	simm.s32 @!p0 $0x1BF5;
	p2 =	por !p2, p0  }
0x20: {  	[sflag:s8] =	ssyncset.s32 @!p0 $0xFFFFF086;
	s6 =	sadd.s32 @!p0 s3, s7;
	s7 =	simm.s32 @!p0 $0x108  }
0x21: {  	s3 =	sadd.s32 s3, s9;
	s6 =	sadd.s32 @!p0 $0x88, s6;
	s7 =	simm.s32 @p2 $0x1082  }
0x22: {  	[simem:s7], [sflag:s8] =	dma.local @!p0 [hbm:s6], $0xF7A  }
0x23: {  	s9 =	sor.u32 $0xD0000000, s2;
	s6 =	simm.s32 $0x108;
	_ =	swait.ge @!p0 [sflag:s8], $0x0  }
0x24: {  	s3 =	sadd.s32 $0x88, s3;
	s6 =	simm.s32 @!p1 $0x1082;
	[sflag:s4] =	ssyncset.s32 $0xFFFFF086  }
0x25: {  	[simem:s6], [sflag:s4] =	dma.local [hbm:s3], $0xF7A  }
0x26: {  	[smem:$0x3F5C] =	sst s1;
	(tag) =	ssettag s2;
	_ =	strace s9  }
0x27: {  	s1 =	sld [smem:$0x3F6C]  }
0x28: {  	s2 =	sld [smem:$0x3F6D]  }
0x29: {  	s4 =	sld [smem:$0x3F6F]  }
0x2a: {  	p0 =	seq.s32 s5, $0x0;
	s5 =	sld [smem:$0x3F70]  }
0x2b: {  	s6 =	sld [smem:$0x3F71]  }
0x2c: {  	s7 =	sld [smem:$0x3F72]  }
0x2d: {  	s3 =	simm.s32 $0x108;
	s8 =	sld [smem:$0x3F73]  }
0x2e: {  	s3 =	simm.s32 @!p0 $0x1082;
	s9 =	sld [smem:$0x3F74]  }
0x2f: {  	lr =	sadd.s32 s0, s3;
	s0 =	sld [smem:$0x3F6B]  }
0x30: {  	s3 =	sld [smem:$0x3F6E]  }
0x31: {  	[smem:$0x3F77] =	sst s10  }
0x32: {  	s10 =	sld [smem:$0x3F75];
	_ =	sdelay $0x3  }
0x33: {  	p0 =	seq.s32 s10, $0x1;
	s10 =	sld [smem:$0x3F77];
	_ =	sdelay $0x3  }
0x34: {  	[smem:$0x3F77] =	sst s10  }
0x35: {  	s10 =	sld [smem:$0x3F76];
	_ =	sdelay $0x3  }
0x36: {  	p1 =	seq.s32 s10, $0x1;
	s10 =	sld [smem:$0x3F77];
	_ =	sdelay $0x3  }
0x37: {  	[smem:$0x3F77] =	sst s10  }
0x38: {  	s10 =	sld [smem:$0x3F78]  }
0x39: {  	_ = 	snop;
	(pc) =	sbr.ind lr, $3  }
0x3a: {  	_ = 	snop  }
0x3b: {  	_ = 	snop  }
0x3c: {  	p2 =	seq.s32 s10, $0x1;
	s10 =	sld [smem:$0x3F77]  }
0x3d: {  	_ =	shalt  }
0x3e: {  	_ =	shalt  }
0x3f: {  	_ =	shalt  }
0x40: {  	_ =	shalt  }
0x41: {  	_ =	shalt  }
0x42: {  	_ =	shalt  }
0x43: {  	_ =	shalt  }
0x44: {  	_ =	shalt  }
0x45: {  	_ =	shalt  }
0x46: {  	_ =	shalt  }
0x47: {  	_ =	shalt  }
0x48: {  	_ =	shalt  }
0x49: {  	_ =	shalt  }
0x4a: {  	_ =	shalt  }
0x4b: {  	_ =	shalt  }
0x4c: {  	_ =	shalt  }
0x4d: {  	_ =	shalt  }
0x4e: {  	_ =	shalt  }
0x4f: {  	_ =	shalt  }
0x50: {  	_ =	shalt  }
0x51: {  	_ =	shalt  }
0x52: {  	_ =	shalt  }
0x53: {  	_ =	shalt  }
0x54: {  	_ =	shalt  }
0x55: {  	_ =	shalt  }
0x56: {  	_ =	shalt  }
0x57: {  	_ =	shalt  }
0x58: {  	_ =	shalt  }
0x59: {  	_ =	shalt  }
0x5a: {  	_ =	shalt  }
0x5b: {  	_ =	shalt  }
0x5c: {  	_ =	shalt  }
0x5d: {  	_ =	shalt  }
0x5e: {  	_ =	shalt  }
0x5f: {  	_ =	shalt  }
0x60: {  	_ =	shalt  }
0x61: {  	_ =	shalt  }
0x62: {  	_ =	shalt  }
0x63: {  	_ =	shalt  }
0x64: {  	_ =	shalt  }
0x65: {  	_ =	shalt  }
0x66: {  	_ =	shalt  }
0x67: {  	_ =	shalt  }
0x68: {  	_ =	shalt  }
0x69: {  	_ =	shalt  }
0x6a: {  	_ =	shalt  }
0x6b: {  	_ =	shalt  }
0x6c: {  	_ =	shalt  }
0x6d: {  	_ =	shalt  }
0x6e: {  	_ =	shalt  }
0x6f: {  	_ =	shalt  }
0x70: {  	_ =	shalt  }
0x71: {  	_ =	shalt  }
0x72: {  	_ =	shalt  }
0x73: {  	_ =	shalt  }
0x74: {  	_ =	shalt  }
0x75: {  	_ =	shalt  }
0x76: {  	_ =	shalt  }
0x77: {  	_ =	shalt  }
0x78: {  	_ =	shalt  }
0x79: {  	_ =	shalt  }
0x7a: {  	_ =	shalt  }
0x7b: {  	_ =	shalt  }
0x7c: {  	_ =	shalt  }
0x7d: {  	_ =	shalt  }
0x7e: {  	_ =	shalt  }
0x7f: {  	_ =	shalt  }
0x80: {  	_ =	shalt  }
0x81: {  	_ =	shalt  }
0x82: {  	_ =	shalt  }
0x83: {  	_ =	shalt  }
0x84: {  	_ =	shalt  }
0x85: {  	_ =	shalt  }
0x86: {  	_ =	shalt  }
0x87: {  	_ =	shalt  }
.Lfunc_end0:
.L_simem_size_0:
called_computation_lowered:
.L_overlay_start_0:
0x88: {  	s2 =	sld [smem:$0x3FD9]  }
0x89: {  	s3 =	sld [smem:$0x3FFE];
	_ =	sdelay $0x1  }
0x8a: {  	s1 =	srdreg.scid  }
0x8b: {  	s0 =	sand.u32 $0x1, s1  }
0x8c: {  	s16 =	sshll.u32 s0, $0xA;
	s2 =	sadd.s32 s3, s2  }
0x8d: {  	s2 =	sadd.s32 s2, s16  }
0x8e: {  	[smem:$0x3F83] =	sst s2  }
0x8f: {  	_ = 	snop  }
0x90: {  	(tm) =	ssettm $0x1  }
0x91: {  	s17 =	sld [smem:$0x3FFB];
	_ =	sdelay $0x3  }
0x92: {  	_ =	strace s17  }
0x93: {  	s2 =	sld [smem:$0x3FFC];
	_ =	sdelay $0x3  }
0x94: {  	_ =	strace s2  }
0x95: {  	s2 =	sld [smem:$0x3FFD];
	_ =	sdelay $0x3  }
0x96: {  	_ =	strace s2  }
0x97: {  	_ =	strace $0x8FFFFFFF  }
0x98: {  	s18 =	sld [smem:$0x3FDB];
	_ =	sdelay $0x1  }
0x99: {  	s19 =	simm.s32 $_scs_section_size  }
0x9a: {  	s4 =	simm.s32 $_size__tile_overlayer_lowered;
	s5 =	simm.s32 $_tile_overlayer_lowered  }
0x9b: {  	s22 =	simm.s32 $0x1BFF;
	s21 =	sshll.u32 s5, $0x1;
	s2 =	sadd.s32 s19, s18  }
0x9c: {  	s6 =	simm.s32 $0x0;
	s20 =	sshll.u32 s4, $0x1;
	s4 =	sadd.s32 s21, s2  }
0x9d: {  	[timem:s6], [sflag:s22] =	dma.local [hbm:s4], s20  }
0x9e: {  	_ =	swait.ge [sflag:s22], s20  }
0x9f: {  	s3 =	ssub.s32 $0x0, s20;
	[sflag:s22] =	ssyncset.done $0x0  }
0xa0: {  	[sflag:s22] =	ssyncadd.s32 s3;
	_ =	sdelay $0x1  }
0xa1: {  	s23 =	simm.s32 $0x1B8B  }
0xa2: {  	_ =	swait.ge [sflag:s23], $0x1  }
0xa3: {  	[sflag:s23] =	ssyncset.done $0x0  }
0xa4: {  	s25 =	simm.s32 $0x1B8E;
	s24 =	sld [smem:$0x3FFE];
	[sflag:s23] =	ssyncadd.s32 $0xFFFFFFFF  }
0xa5: {  	s26 =	simm.s32 $execute0_lowered;
	[smem:$0x3FD2] =	sst s25  }
0xa6: {  	s4 =	sshll.u32 s26, $0x1;
	_ =	strace $0x80000046;
	[dreg:$0x1] =	wrdreg $0xFFFFFFFF  }
0xa7: {  	s28 =	simm.s32 $_size_execute0_lowered;
	s2 =	sadd.s32 s2, s4;
	[dreg:$0x0] =	wrdreg $0x0  }
0xa8: {  	s4 =	sshll.u32 s28, $0x1;
	[dreg:$0x2] =	wrdreg s2  }
0xa9: {  	[dreg:$0x3] =	wrdreg s4  }
0xaa: {  	[dreg:$0x4] =	wrdreg $0xC0  }
0xab: {  	_ =	task [dreg:s6], $0x5FFFF  }
0xac: {  	[dreg:$0x1] =	wrdreg $0xFFFFFFFF  }
0xad: {  	[dreg:$0x0] =	wrdreg $0x60  }
0xae: {  	[dreg:$0x2] =	wrdreg s24  }
0xaf: {  	[dreg:$0x3] =	wrdreg $0x14800  }
0xb0: {  	[dreg:$0x4] =	wrdreg $0x9  }
0xb1: {  	_ =	task.clear_ibuf [dreg:s6], $0x5FFFF;
	_ =	strace $0x90000046  }
0xb2: {  	s29 =	simm.s32 $0x9;
	_ =	strace $0x80000048  }
0xb3: {  	_ =	swait.ge [sflag:s29], $0x1  }
0xb4: {  	[sflag:s29] =	ssyncadd.s32 $0xFFFFFFFF  }
0xb5: {  	_ =	strace $0x90000048  }
0xb6: {  	_ =	sfence  }
0xb7: {  	s30 =	sld [smem:$0x0];
	_ =	sdelay $0x2  }
0xb8: {  	s31 =	sshll.u32 s1, $0xD;
	s1 =	sshrl.u32 s1, $0x2  }
0xb9: {  	s3 =	sand.u32 $0x4000, s31;
	s1 =	sadd.s32 s1, s30  }
0xba: {  	s0 =	sor.u32 s3, s0;
	s1 =	sshll.u32 s1, $0x11  }
0xbb: {  	s0 =	sor.u32 s1, s0  }
0xbc: {  	s0 =	sadd.s32 $0x8F2B, s0  }
0xbd: {  	[sflag:s0] =	ssyncadd.remote.s32 $0x1  }
0xbe: {  	_ =	sfence.sel $0xFFFF  }
0xbf: {  	[dreg:$0x0] =	wrdreg $0xFFFFFFFF;
	(pc) =	sbr.abs _section_cstart, $3  }
0xc0: {  	[dreg:$0x1] =	wrdreg $0xFFFFFFFF  }
0xc1: {  	_ =	task.clear_ibuf [dreg:s6], $0x2FFFF;
	_ =	strace $0x9FFFFFFF  }
0xc2: {  	(tm) =	ssettm $0x7FFFFFFF  }
0xc3: {  	_ =	shalt  }
tec
execute0_lowered:
.L_overlay_start_1:
0x0: {  	(tag) =	ssettag $0x1  }
0x1: {  	s4 =	rddreg [dreg:$0x0]  }
0x2: {  	s1 =	rddreg [dreg:$0x1]  }
0x3: {  	s0 =	rddreg [dreg:$0x2];
	s3 =	simm.s32 $0x0;
	s5 =	srdreg.scid  }
0x4: {  	s2 =	stileid.u32;
	s11 =	simm.s32 $0xC80;
	s12 =	simm.s32 $0x80  }
0x5: {  	s13 =	simm.s32 $0x800;
	s14 =	simm.s32 $0xC00;
	s15 =	simm.s32 $0x880  }
0x6: {  	s16 =	simm.s32 $0x900;
	s17 =	simm.s32 $0x980;
	s18 =	simm.s32 $0xA00  }
0x7: {  	s19 =	simm.s32 $0xA80;
	s20 =	simm.s32 $0xB00;
	s21 =	simm.s32 $0xB80  }
0x8: {  	s24 =	simm.s32 $0x0;
	[smem:$0x7FF] =	sst s3;
	s6 =	sand.u32 $0x1, s5  }
0x9: {  	s7 =	sshll.u32 s2, $0xB;
	s9 =	sshll.u32 s2, $0x7;
	s23 =	sshll.u32 s2, $0x6  }
0xa: {  	_ =	strace $0x80000047;
	s5 =	sshll.u32 s6, $0xF;
	s8 =	sshll.u32 s6, $0xB  }
0xb: {  	s30 =	ssub.s32 $0x2, s6;
	s22 =	sshll.u32 s6, $0xA;
	s6 =	sadd.s32 s7, s1  }
0xc: {  	s5 =	sor.u32 s7, s5;
	s8 =	sor.u32 s9, s8;
	s31 =	sshrl.u32 s30, $0x1  }
0xd: {  	v0 =	vmov s22;
	s22 =	sor.u32 $0x1C01, s23;
	s23 =	sshrl.u32 s6, $0x3;
	s5 =	sshrl.u32 s5, $0x3  }
0xe: {  	s8 =	sadd.s32 s8, s4;
	s9 =	ssub.s32 s30, s31;
	s10 =	sadd.s32 s5, s4  }
0xf: {  	s4 =	sadd.s32 $0x7C00, s8;
	s5 =	sadd.s32 $0x6C00, s8;
	s8 =	smax.u32 s9, $0x1  }
0x10: {  	v1 =	vimm.f32 $0.0e+00;
	v2 =	vimm.f32 $1.000000000e+00;
	s9 =	simm.s32 $0x1;
	s7 =	sadd.s32 $0x8C00, s10;
	s10 =	simm.s32 $0x400  }
.LBB2_1:
0x11: {  	[tilespmem:s3], [sflag:$0x1] =	stream.linear.gather [hbm4b:s4+s3], $0x400, $0x38;
	[tilespmem:$0x1C80] =	vst v63  }
0x12: {  	_ =	swait.ge [sflag:s9], $0x400  }
0x13: {  	[sflag:s9] =	ssyncset.done $0x0  }
0x14: {  	[sflag:s9] =	ssyncadd.s32 $0xFFFFFC00  }
0x15: {  	[tilespmem:s10], [sflag:$0x1] =	stream.linear.gather [hbm4b:s5+s3], $0x400, $0x38;
	[tilespmem:$0x1C80] =	vst v63  }
0x16: {  	_ =	swait.ge [sflag:s9], $0x400  }
0x17: {  	[sflag:s9] =	ssyncset.done $0x0  }
0x18: {  	s25 =	simm.s32 $0x40;
	s26 =	simm.s32 $0x0;
	[sflag:s9] =	ssyncadd.s32 $0xFFFFFC00  }
.LBB2_2:
0x19: {  	p0 =	sne.s32 s25, $0x1FC0;
	[tilespmem:s26+$0xC80] =	vst v1;
	s26 =	smov.u32 s25;
	s25 =	sadd.s32 $0x40, s25  }
.Ltmp0:
0x1a: {  	(pc) =	sbr.rel @p0 .LBB2_2-.Ltmp0, $2  }
0x1b: {  	_ =	sdelay $0x2  }
0x1c: {  	s26 =	sshra.s32 s26, $0x2  }
0x1d: {  	[tilespmem:s26+$0xC80] =	vst v1  }
0x1e: {  	v3 =	vld [tilespmem:$0x0]  }
0x1f: {  	v5 =	vld [tilespmem:$0x400]  }
0x20: {  	v7 =	vld [tilespmem:$0x10]  }
0x21: {  	v8 =	vld [tilespmem:$0x410]  }
0x22: {  	v9 =	vld [tilespmem:$0x20]  }
0x23: {  	v10 =	vld [tilespmem:$0x420]  }
0x24: {  	v11 =	vld [tilespmem:$0x30]  }
0x25: {  	v12 =	vld [tilespmem:$0x430]  }
0x26: {  	v13 =	vld [tilespmem:$0x40]  }
0x27: {  	v14 =	vld [tilespmem:$0x440]  }
0x28: {  	v15 =	vld [tilespmem:$0x50]  }
0x29: {  	v16 =	vld [tilespmem:$0x450]  }
0x2a: {  	v17 =	vld [tilespmem:$0x60]  }
0x2b: {  	v18 =	vld [tilespmem:$0x460]  }
0x2c: {  	v19 =	vld [tilespmem:$0x70]  }
0x2d: {  	v20 =	vld [tilespmem:$0x470]  }
0x2e: {  	v21 =	vld [tilespmem:$0x80]  }
0x2f: {  	v22 =	vld [tilespmem:$0x480]  }
0x30: {  	v23 =	vld [tilespmem:$0x90]  }
0x31: {  	v24 =	vld [tilespmem:$0x490]  }
0x32: {  	v25 =	vld [tilespmem:$0xA0]  }
0x33: {  	v26 =	vld [tilespmem:$0x4A0]  }
0x34: {  	v27 =	vld [tilespmem:$0xB0]  }
0x35: {  	v28 =	vld [tilespmem:$0x4B0]  }
0x36: {  	v29 =	vld [tilespmem:$0xC0]  }
0x37: {  	v30 =	vld [tilespmem:$0x4C0]  }
0x38: {  	v31 =	vld [tilespmem:$0xD0]  }
0x39: {  	v32 =	vld [tilespmem:$0x4D0]  }
0x3a: {  	v33 =	vld [tilespmem:$0xE0]  }
0x3b: {  	v34 =	vld [tilespmem:$0x4E0]  }
0x3c: {  	v35 =	vld [tilespmem:$0xF0]  }
0x3d: {  	v36 =	vld [tilespmem:$0x4F0]  }
0x3e: {  	v37 =	vld [tilespmem:$0x100]  }
0x3f: {  	v38 =	vld [tilespmem:$0x500]  }
0x40: {  	v39 =	vld [tilespmem:$0x110]  }
0x41: {  	v40 =	vld [tilespmem:$0x510]  }
0x42: {  	v41 =	vld [tilespmem:$0x120]  }
0x43: {  	v42 =	vld [tilespmem:$0x520]  }
0x44: {  	v43 =	vld [tilespmem:$0x130]  }
0x45: {  	v44 =	vld [tilespmem:$0x530]  }
0x46: {  	v45 =	vld [tilespmem:$0x140]  }
0x47: {  	v46 =	vld [tilespmem:$0x540]  }
0x48: {  	v47 =	vld [tilespmem:$0x150]  }
0x49: {  	v48 =	vld [tilespmem:$0x550]  }
0x4a: {  	v4 =	vld [tilespmem:$0x160]  }
0x4b: {  	v49 =	vld [tilespmem:$0x560]  }
0x4c: {  	v6 =	vld [tilespmem:$0x170]  }
0x4d: {  	v50 =	vld [tilespmem:$0x570];
	v5 =	vsub.s32 v5, v0;
	v3 =	vand.u32 $0x1F, v3  }
0x4e: {  	v8 =	vsub.s32 v8, v0;
	v59 =	vsub.s32 v10, v0;
	v7 =	vand.u32 $0x1F, v7;
	v10 =	vld [tilespmem:$0x580]  }
0x4f: {  	v9 =	vand.u32 $0x1F, v9;
	v60 =	vsub.s32 v12, v0;
	v61 =	vand.u32 $0x1F, v11;
	v12 =	vld [tilespmem:$0x590]  }
0x50: {  	v62 =	vsub.s32 v14, v0;
	v53 =	vsub.s32 v16, v0;
	v11 =	vld [tilespmem:$0x1A0];
	v13 =	vand.u32 $0x1F, v13  }
0x51: {  	v15 =	vand.u32 $0x1F, v15;
	v16 =	vld [tilespmem:$0x5A0];
	v54 =	vsub.s32 v18, v0;
	v17 =	vand.u32 $0x1F, v17  }
0x52: {  	v55 =	vsub.s32 v20, v0;
	v20 =	vld [tilespmem:$0x5B0];
	v22 =	vsub.s32 v22, v0;
	v19 =	vand.u32 $0x1F, v19  }
0x53: {  	v21 =	vand.u32 $0x1F, v21;
	v56 =	vsub.s32 v24, v0;
	v57 =	vsub.s32 v26, v0;
	v26 =	vld [tilespmem:$0x5D0]  }
0x54: {  	v23 =	vand.u32 $0x1F, v23;
	v5 =	vshll.u32 v5, $0x5;
	v18 =	vshll.u32 v55, $0x5;
	v55 =	vld [tilespmem:$0x600]  }
0x55: {  	v25 =	vand.u32 $0x1F, v25;
	v22 =	vshll.u32 v22, $0x5;
	v51 =	vor.u32 v3, v5;
	v5 =	vld [tilespmem:$0x180]  }
0x56: {  	v63 =	vshll.u32 v62, $0x5;
	v18 =	vor.u32 v19, v18;
	v19 =	vor.u32 v21, v22;
	v22 =	vld [tilespmem:$0x1D0]  }
0x57: {  	v3 =	vshll.u32 v8, $0x5;
	v8 =	vshll.u32 v59, $0x5;
	v59 =	vsub.s32 v28, v0;
	v28 =	vld [tilespmem:$0x1E0]  }
0x58: {  	v27 =	vand.u32 $0x1F, v27;
	v13 =	vor.u32 v13, v63;
	v63 =	vsub.s32 v34, v0;
	v34 =	vld [tilespmem:$0x200]  }
0x59: {  	v29 =	vand.u32 $0x1F, v29;
	v21 =	vshll.u32 v56, $0x5;
	v56 =	vsub.s32 v38, v0;
	v38 =	vld [tilespmem:$0x610]  }
0x5a: {  	v31 =	vand.u32 $0x1F, v31;
	v33 =	vand.u32 $0x1F, v33;
	v52 =	vor.u32 v7, v3;
	v3 =	vld [tilespmem:$0x190]  }
0x5b: {  	v58 =	vshll.u32 v57, $0x5;
	v9 =	vor.u32 v9, v8;
	v8 =	vshll.u32 v53, $0x5;
	v53 =	vld [tilespmem:$0x5C0]  }
0x5c: {  	v21 =	vor.u32 v23, v21;
	v23 =	vor.u32 v25, v58;
	v58 =	vsub.s32 v40, v0;
	v40 =	vld [tilespmem:$0x220]  }
0x5d: {  	v36 =	vsub.s32 v36, v0;
	v35 =	vand.u32 $0x1F, v35;
	v37 =	vand.u32 $0x1F, v37;
	[tilespmem:$0x800] =	vst v51;
	v51 =	vld [tilespmem:$0x620]  }
0x5e: {  	v39 =	vand.u32 $0x1F, v39;
	v24 =	vshll.u32 v59, $0x5;
	v59 =	vsub.s32 v42, v0;
	v42 =	vld [tilespmem:$0x630]  }
0x5f: {  	v46 =	vsub.s32 v46, v0;
	v57 =	vshll.u32 v56, $0x5;
	v56 =	vand.u32 $0x1F, v45;
	v45 =	vld [tilespmem:$0x650]  }
0x60: {  	v4 =	vand.u32 $0x1F, v4;
	v6 =	vand.u32 $0x1F, v6;
	v7 =	vshll.u32 v60, $0x5;
	[tilespmem:$0x880] =	vst v19;
	v19 =	vld [tilespmem:$0x660]  }
0x61: {  	v60 =	vsub.s32 v30, v0;
	v30 =	vshll.u32 v63, $0x5;
	v15 =	vor.u32 v15, v8;
	v8 =	vld [tilespmem:$0x1B0]  }
0x62: {  	[tilespmem:$0xC00] =	vst v2;
	v14 =	vor.u32 v61, v7;
	v7 =	vshll.u32 v54, $0x5;
	v54 =	vld [tilespmem:$0x5E0];
	v24 =	vor.u32 v27, v24  }
0x63: {  	[tilespmem:$0xC10] =	vst v2;
	v27 =	vld [tilespmem:$0x1F0];
	v25 =	vshll.u32 v60, $0x5;
	v61 =	vsub.s32 v32, v0;
	v30 =	vor.u32 v33, v30  }
0x64: {  	v32 =	vld [tilespmem:$0x5F0];
	[tilespmem:$0x810] =	vst v52;
	v60 =	vshll.u32 v59, $0x5;
	v52 =	vand.u32 $0x1F, v43;
	v59 =	vand.u32 $0x1F, v47  }
0x65: {  	[tilespmem:$0xC20] =	vst v2;
	v33 =	vld [tilespmem:$0x210];
	v17 =	vor.u32 v17, v7;
	v25 =	vor.u32 v29, v25;
	v62 =	vshll.u32 v61, $0x5  }
0x66: {  	v43 =	vld [tilespmem:$0x260];
	[tilespmem:$0x890] =	vst v21;
	v61 =	vand.u32 $0x1F, v41;
	v10 =	vsub.s32 v10, v0;
	v12 =	vsub.s32 v12, v0  }
0x67: {  	v21 =	vld [tilespmem:$0x680];
	[tilespmem:$0x8B0] =	vst v24;
	v24 =	vsub.s32 v16, v0;
	v11 =	vand.u32 $0x1F, v11;
	v47 =	vsub.s32 v26, v0  }
0x68: {  	[tilespmem:$0x8A0] =	vst v23;
	v23 =	vld [tilespmem:$0x690];
	v29 =	vor.u32 v31, v62;
	v31 =	vshll.u32 v36, $0x5;
	v36 =	vshll.u32 v58, $0x5  }
0x69: {  	[tilespmem:$0x820] =	vst v9;
	v7 =	vld [tilespmem:$0x1C0];
	v62 =	vsub.s32 v44, v0;
	v9 =	vor.u32 v61, v60;
	v58 =	vsub.s32 v48, v0  }
0x6a: {  	[tilespmem:$0xC30] =	vst v2;
	v41 =	vld [tilespmem:$0x240];
	v60 =	vsub.s32 v49, v0;
	v10 =	vshll.u32 v10, $0x5;
	v55 =	vsub.s32 v55, v0  }
0x6b: {  	[tilespmem:$0x840] =	vst v13;
	v16 =	vld [tilespmem:$0x280];
	v31 =	vor.u32 v35, v31;
	v35 =	vor.u32 v37, v57;
	v36 =	vor.u32 v39, v36  }
0x6c: {  	[tilespmem:$0x850] =	vst v15;
	v26 =	vld [tilespmem:$0x2C0];
	v63 =	vshll.u32 v62, $0x5;
	v37 =	vshll.u32 v46, $0x5;
	v15 =	vshll.u32 v58, $0x5  }
0x6d: {  	v44 =	vld [tilespmem:$0x640];
	[tilespmem:$0x860] =	vst v17;
	v61 =	vshll.u32 v60, $0x5;
	v62 =	vsub.s32 v50, v0;
	v5 =	vand.u32 $0x1F, v5  }
0x6e: {  	v17 =	vld [tilespmem:$0x270];
	[tilespmem:$0x8D0] =	vst v29;
	v29 =	vsub.s32 v20, v0;
	v20 =	vshll.u32 v47, $0x5;
	v22 =	vand.u32 $0x1F, v22  }
0x6f: {  	[tilespmem:$0x8C0] =	vst v25;
	v25 =	vld [tilespmem:$0x6A0];
	v13 =	vor.u32 v52, v63;
	v57 =	vor.u32 v56, v37;
	v15 =	vor.u32 v59, v15  }
0x70: {  	[tilespmem:$0x870] =	vst v18;
	v39 =	vld [tilespmem:$0x230];
	v18 =	vshll.u32 v62, $0x5;
	v4 =	vor.u32 v4, v61;
	v5 =	vor.u32 v5, v10  }
0x71: {  	[tilespmem:$0xC40] =	vst v2;
	v37 =	vld [tilespmem:$0x250];
	v63 =	vshll.u32 v12, $0x5;
	v3 =	vand.u32 $0x1F, v3;
	v12 =	vshll.u32 v24, $0x5  }
0x72: {  	[tilespmem:$0x8E0] =	vst v30;
	v30 =	vsub.s32 v53, v0;
	v24 =	vld [tilespmem:$0x2A0];
	v48 =	vor.u32 v22, v20;
	v52 =	vand.u32 $0x1F, v28  }
0x73: {  	[tilespmem:$0x900] =	vst v35;
	v22 =	vld [tilespmem:$0x2B0];
	v20 =	vshll.u32 v55, $0x5;
	v59 =	vsub.s32 v38, v0;
	v62 =	vsub.s32 v51, v0  }
0x74: {  	[tilespmem:$0x910] =	vst v36;
	v28 =	vld [tilespmem:$0x6B0];
	v35 =	vsub.s32 v42, v0;
	v36 =	vand.u32 $0x1F, v40;
	v42 =	vsub.s32 v45, v0  }
0x75: {  	[tilespmem:$0xC50] =	vst v2;
	v45 =	vsub.s32 v19, v0;
	v19 =	vld [tilespmem:$0x300];
	v6 =	vor.u32 v6, v18;
	v3 =	vor.u32 v3, v63  }
0x76: {  	[tilespmem:$0x8F0] =	vst v31;
	v31 =	vld [tilespmem:$0x340];
	v10 =	vor.u32 v11, v12;
	v11 =	vshll.u32 v29, $0x5;
	v8 =	vand.u32 $0x1F, v8  }
0x77: {  	[tilespmem:$0xC60] =	vst v2;
	v18 =	vld [tilespmem:$0x670];
	v46 =	vshll.u32 v30, $0x5;
	v49 =	vsub.s32 v54, v0;
	v53 =	vsub.s32 v32, v0  }
0x78: {  	v12 =	vld [tilespmem:$0x290];
	[tilespmem:$0x940] =	vst v57;
	v56 =	vand.u32 $0x1F, v27;
	v57 =	vand.u32 $0x1F, v34;
	v60 =	vshll.u32 v59, $0x5  }
0x79: {  	v29 =	vld [tilespmem:$0x6C0];
	[tilespmem:$0x950] =	vst v15;
	v61 =	vand.u32 $0x1F, v33;
	v63 =	vshll.u32 v62, $0x5;
	v15 =	vshll.u32 v35, $0x5  }
0x7a: {  	[tilespmem:$0x920] =	vst v9;
	v30 =	vld [tilespmem:$0x6D0];
	v47 =	vand.u32 $0x1F, v43;
	v55 =	vsub.s32 v23, v0;
	v8 =	vor.u32 v8, v11  }
0x7b: {  	[tilespmem:$0x960] =	vst v4;
	v27 =	vld [tilespmem:$0x2E0];
	v7 =	vand.u32 $0x1F, v7;
	v50 =	vshll.u32 v49, $0x5;
	v54 =	vshll.u32 v53, $0x5  }
0x7c: {  	v32 =	vld [tilespmem:$0x6E0];
	v58 =	vor.u32 v57, v20;
	v4 =	vor.u32 v61, v60;
	[tilespmem:$0x990] =	vst v3;
	v3 =	vor.u32 v36, v63  }
0x7d: {  	v33 =	vld [tilespmem:$0x6F0];
	[tilespmem:$0x9A0] =	vst v10;
	v41 =	vand.u32 $0x1F, v41;
	v10 =	vshll.u32 v45, $0x5;
	v36 =	vand.u32 $0x1F, v26  }
0x7e: {  	[tilespmem:$0x930] =	vst v13;
	v34 =	vld [tilespmem:$0x700];
	v7 =	vor.u32 v7, v46;
	v9 =	vor.u32 v52, v50;
	v13 =	vor.u32 v56, v54  }
0x7f: {  	[tilespmem:$0x9D0] =	vst v48;
	v43 =	vld [tilespmem:$0x750];
	v40 =	vsub.s32 v44, v0;
	v44 =	vshll.u32 v42, $0x5;
	v48 =	vor.u32 v47, v10  }
0x80: {  	v20 =	vld [tilespmem:$0x2D0];
	[tilespmem:$0x970] =	vst v6;
	v51 =	vand.u32 $0x1F, v17;
	v52 =	vsub.s32 v21, v0;
	v56 =	vand.u32 $0x1F, v16  }
0x81: {  	v11 =	vld [tilespmem:$0x310];
	v60 =	vsub.s32 v25, v0;
	[tilespmem:$0xA20] =	vst v3;
	v38 =	vand.u32 $0x1F, v39;
	v6 =	vshll.u32 v40, $0x5  }
0x82: {  	v53 =	vld [tilespmem:$0x710];
	[tilespmem:$0x9F0] =	vst v13;
	v54 =	vshll.u32 v52, $0x5;
	v13 =	vshll.u32 v55, $0x5;
	v3 =	vshll.u32 v60, $0x5  }
0x83: {  	[tilespmem:$0xC70] =	vst v2;
	v57 =	vld [tilespmem:$0x720];
	v39 =	vor.u32 v38, v15;
	v6 =	vor.u32 v41, v6;
	v46 =	vand.u32 $0x1F, v37  }
0x84: {  	v63 =	vld [tilespmem:$0x730];
	[tilespmem:$0xA00] =	vst v58;
	v58 =	vor.u32 v56, v54;
	v61 =	vand.u32 $0x1F, v24;
	v62 =	vsub.s32 v28, v0  }
0x85: {  	v17 =	vld [tilespmem:$0x320];
	[tilespmem:$0x9C0] =	vst v7;
	v35 =	vand.u32 $0x1F, v22;
	v52 =	vand.u32 $0x1F, v19;
	v7 =	vor.u32 v46, v44  }
0x86: {  	v40 =	vld [tilespmem:$0x350];
	[tilespmem:$0xA60] =	vst v48;
	v49 =	vsub.s32 v18, v0;
	v12 =	vand.u32 $0x1F, v12;
	v3 =	vor.u32 v61, v3  }
0x87: {  	v48 =	vld [tilespmem:$0x760];
	[tilespmem:$0xA30] =	vst v39;
	v28 =	vshll.u32 v62, $0x5;
	v29 =	vsub.s32 v29, v0;
	v39 =	vsub.s32 v30, v0  }
0x88: {  	[tilespmem:$0x980] =	vst v5;
	v60 =	vld [tilespmem:$0x780];
	v42 =	vsub.s32 v32, v0;
	v45 =	vsub.s32 v33, v0;
	v47 =	vand.u32 $0x1F, v27  }
0x89: {  	[tilespmem:$0xA10] =	vst v4;
	v15 =	vld [tilespmem:$0x2F0];
	v50 =	vshll.u32 v49, $0x5;
	v59 =	vor.u32 v12, v13;
	v12 =	vshll.u32 v29, $0x5  }
0x8a: {  	v37 =	vld [tilespmem:$0x740];
	[tilespmem:$0xA50] =	vst v7;
	v5 =	vor.u32 v35, v28;
	v7 =	vshll.u32 v39, $0x5;
	v41 =	vand.u32 $0x1F, v20  }
0x8b: {  	[tilespmem:$0x9E0] =	vst v9;
	v54 =	vld [tilespmem:$0x770];
	v44 =	vshll.u32 v42, $0x5;
	v53 =	vsub.s32 v53, v0;
	v56 =	vsub.s32 v57, v0  }
0x8c: {  	v46 =	vld [tilespmem:$0x360];
	[tilespmem:$0xA80] =	vst v58;
	v58 =	vand.u32 $0x1F, v11;
	v62 =	vsub.s32 v63, v0;
	v29 =	vsub.s32 v43, v0  }
0x8d: {  	v27 =	vld [tilespmem:$0x790];
	[tilespmem:$0xAA0] =	vst v3;
	v9 =	vor.u32 v51, v50;
	v38 =	vor.u32 v36, v12;
	v7 =	vor.u32 v41, v7  }
0x8e: {  	v30 =	vld [tilespmem:$0x3A0];
	[tilespmem:$0xA90] =	vst v59;
	v4 =	vor.u32 v47, v44;
	v50 =	vsub.s32 v34, v0;
	v55 =	vshll.u32 v53, $0x5  }
0x8f: {  	v57 =	vld [tilespmem:$0x380];
	v59 =	vand.u32 $0x1F, v17;
	[tilespmem:$0xA70] =	vst v9;
	v9 =	vshll.u32 v45, $0x5;
	v3 =	vshll.u32 v50, $0x5  }
0x90: {  	v63 =	vld [tilespmem:$0x390];
	[tilespmem:$0xAB0] =	vst v5;
	v5 =	vor.u32 v58, v55;
	v12 =	vand.u32 $0x1F, v40;
	v33 =	vsub.s32 v48, v0  }
0x91: {  	[tilespmem:$0x830] =	vst v14;
	v51 =	vld [tilespmem:$0x370];
	v41 =	vsub.s32 v60, v0;
	v15 =	vand.u32 $0x1F, v15;
	v3 =	vor.u32 v52, v3  }
0x92: {  	v26 =	vsub.s32 v37, v0;
	v37 =	vsub.s32 v54, v0;
	[tilespmem:$0xB00] =	vst v3;
	v3 =	vand.u32 $0x1F, v31;
	v31 =	vld [tilespmem:$0x7A0]  }
0x93: {  	v42 =	vld [tilespmem:$0x3C0];
	[tilespmem:$0xAD0] =	vst v7;
	v7 =	vshll.u32 v41, $0x5;
	v49 =	vor.u32 v15, v9;
	v9 =	vshll.u32 v56, $0x5  }
0x94: {  	[tilespmem:$0x9B0] =	vst v8;
	v44 =	vld [tilespmem:$0x7C0];
	v28 =	vshll.u32 v26, $0x5;
	v36 =	vand.u32 $0x1F, v46;
	v40 =	vshll.u32 v37, $0x5  }
0x95: {  	[tilespmem:$0xA40] =	vst v6;
	v47 =	vld [tilespmem:$0x7D0];
	v46 =	vsub.s32 v27, v0;
	v54 =	vand.u32 $0x1F, v30;
	v3 =	vor.u32 v3, v28  }
0x96: {  	v61 =	vor.u32 v59, v9;
	v48 =	vshll.u32 v46, $0x5;
	[tilespmem:$0xB40] =	vst v3;
	v3 =	vand.u32 $0x1F, v51;
	v51 =	vld [tilespmem:$0x3D0]  }
0x97: {  	[tilespmem:$0xAF0] =	vst v49;
	v49 =	vand.u32 $0x1F, v63;
	v3 =	vor.u32 v3, v40;
	v50 =	vsub.s32 v31, v0  }
0x98: {  	v55 =	vld [tilespmem:$0x7E0];
	v43 =	vand.u32 $0x1F, v57;
	[tilespmem:$0xB70] =	vst v3;
	v3 =	vor.u32 v49, v48;
	v52 =	vshll.u32 v50, $0x5  }
0x99: {  	v58 =	vld [tilespmem:$0x3E0];
	v59 =	vand.u32 $0x1F, v42;
	v57 =	vsub.s32 v44, v0;
	[tilespmem:$0xB90] =	vst v3;
	v3 =	vor.u32 v54, v52  }
0x9a: {  	v45 =	vor.u32 v43, v7;
	v7 =	vsub.s32 v47, v0;
	[tilespmem:$0xBA0] =	vst v3;
	v3 =	vshll.u32 v57, $0x5  }
0x9b: {  	[tilespmem:$0xB20] =	vst v61;
	v60 =	vshll.u32 v7, $0x5;
	v61 =	vand.u32 $0x1F, v51;
	v3 =	vor.u32 v59, v3  }
0x9c: {  	v13 =	vld [tilespmem:$0x330];
	[tilespmem:$0xBC0] =	vst v3;
	v3 =	vor.u32 v61, v60  }
0x9d: {  	v34 =	vld [tilespmem:$0x3B0];
	[tilespmem:$0xBD0] =	vst v3;
	v3 =	vsub.s32 v55, v0  }
0x9e: {  	v21 =	vshll.u32 v62, $0x5;
	[tilespmem:$0xAC0] =	vst v38;
	v38 =	vld [tilespmem:$0x7B0];
	v62 =	vand.u32 $0x1F, v58;
	v3 =	vshll.u32 v3, $0x5  }
0x9f: {  	[tilespmem:$0xAE0] =	vst v4;
	v63 =	vld [tilespmem:$0x7F0];
	v3 =	vor.u32 v62, v3  }
0xa0: {  	v8 =	vshll.u32 v29, $0x5;
	[tilespmem:$0xBE0] =	vst v3;
	v3 =	vld [tilespmem:$0x3F0]  }
0xa1: {  	[tilespmem:$0xB10] =	vst v5;
	v32 =	vor.u32 v12, v8;
	v35 =	vshll.u32 v33, $0x5  }
0xa2: {  	[tilespmem:$0xB50] =	vst v32;
	v25 =	vand.u32 $0x1F, v13;
	v39 =	vor.u32 v36, v35  }
0xa3: {  	v4 =	vor.u32 v25, v21;
	[tilespmem:$0xB60] =	vst v39;
	v53 =	vsub.s32 v38, v0  }
0xa4: {  	v8 =	vand.u32 $0x1F, v34;
	[tilespmem:$0xB30] =	vst v4;
	v6 =	vshll.u32 v53, $0x5;
	v4 =	vsub.s32 v63, v0  }
0xa5: {  	[tilespmem:$0xB80] =	vst v45;
	v56 =	vor.u32 v8, v6;
	v4 =	vshll.u32 v4, $0x5;
	v3 =	vand.u32 $0x1F, v3  }
0xa6: {  	[tilespmem:$0xBB0] =	vst v56;
	v3 =	vor.u32 v3, v4  }
0xa7: {  	[tilespmem:$0xBF0] =	vst v3  }
0xa8: {  	[spmem:s6] =	stream.linear.scatter [tilespmem:s11], [sflag:$0x1], $0x800, $0x38;
	[tilespmem:$0x1C80] =	vst v63  }
0xa9: {  	_ =	swait.ge [sflag:s9], $0x800  }
0xaa: {  	[sflag:s9] =	ssyncset.done $0x0  }
0xab: {  	[sflag:s9] =	ssyncadd.s32 $0xFFFFF800  }
0xac: {  	[bflag:$0x0] =	sbarrier.arrive $0xFFFF  }
0xad: {  	[spmem:s1] =	stream.indirect.scatter.add.f32 [tilespmem:s14], [sflag:$0x1], $0x1, s13, s12, $0xb8;
	[tilespmem:$0x1C80] =	vst v63  }
0xae: {  	_ =	swait.ge [sflag:s9], $0x80  }
0xaf: {  	[sflag:s9] =	ssyncset.done $0x0  }
0xb0: {  	[sflag:s9] =	ssyncadd.s32 $0xFFFFFF80  }
0xb1: {  	[spmem:s1] =	stream.indirect.scatter.add.f32 [tilespmem:s14], [sflag:$0x1], $0x1, s15, s12, $0xb8;
	[tilespmem:$0x1C80] =	vst v63  }
0xb2: {  	_ =	swait.ge [sflag:s9], $0x80  }
0xb3: {  	[sflag:s9] =	ssyncset.done $0x0  }
0xb4: {  	[sflag:s9] =	ssyncadd.s32 $0xFFFFFF80  }
0xb5: {  	[spmem:s1] =	stream.indirect.scatter.add.f32 [tilespmem:s14], [sflag:$0x1], $0x1, s16, s12, $0xb8;
	[tilespmem:$0x1C80] =	vst v63  }
0xb6: {  	_ =	swait.ge [sflag:s9], $0x80  }
0xb7: {  	[sflag:s9] =	ssyncset.done $0x0  }
0xb8: {  	[sflag:s9] =	ssyncadd.s32 $0xFFFFFF80  }
0xb9: {  	[spmem:s1] =	stream.indirect.scatter.add.f32 [tilespmem:s14], [sflag:$0x1], $0x1, s17, s12, $0xb8;
	[tilespmem:$0x1C80] =	vst v63  }
0xba: {  	_ =	swait.ge [sflag:s9], $0x80  }
0xbb: {  	[sflag:s9] =	ssyncset.done $0x0  }
0xbc: {  	[sflag:s9] =	ssyncadd.s32 $0xFFFFFF80  }
0xbd: {  	[spmem:s1] =	stream.indirect.scatter.add.f32 [tilespmem:s14], [sflag:$0x1], $0x1, s18, s12, $0xb8;
	[tilespmem:$0x1C80] =	vst v63  }
0xbe: {  	_ =	swait.ge [sflag:s9], $0x80  }
0xbf: {  	[sflag:s9] =	ssyncset.done $0x0  }
0xc0: {  	[sflag:s9] =	ssyncadd.s32 $0xFFFFFF80  }
0xc1: {  	[spmem:s1] =	stream.indirect.scatter.add.f32 [tilespmem:s14], [sflag:$0x1], $0x1, s19, s12, $0xb8;
	[tilespmem:$0x1C80] =	vst v63  }
0xc2: {  	_ =	swait.ge [sflag:s9], $0x80  }
0xc3: {  	[sflag:s9] =	ssyncset.done $0x0  }
0xc4: {  	[sflag:s9] =	ssyncadd.s32 $0xFFFFFF80  }
0xc5: {  	[spmem:s1] =	stream.indirect.scatter.add.f32 [tilespmem:s14], [sflag:$0x1], $0x1, s20, s12, $0xb8;
	[tilespmem:$0x1C80] =	vst v63  }
0xc6: {  	_ =	swait.ge [sflag:s9], $0x80  }
0xc7: {  	[sflag:s9] =	ssyncset.done $0x0  }
0xc8: {  	[sflag:s9] =	ssyncadd.s32 $0xFFFFFF80  }
0xc9: {  	[spmem:s1] =	stream.indirect.scatter.add.f32 [tilespmem:s14], [sflag:$0x1], $0x1, s21, s12, $0xb8;
	[tilespmem:$0x1C80] =	vst v63  }
0xca: {  	_ =	swait.ge [sflag:s9], $0x80  }
0xcb: {  	s24 =	sadd.s32 $0x1, s24;
	[sflag:s9] =	ssyncset.done $0x0  }
0xcc: {  	p0 =	sne.s32 s24, s8;
	[sflag:s9] =	ssyncadd.s32 $0xFFFFFF80  }
.Ltmp1:
0xcd: {  	[bflag:$0x0] =	sbarrier.arrive $0xFFFF;
	(pc) =	sbr.rel @p0 .LBB2_1-.Ltmp1, $4  }
0xce: {  	[hbm:s7], [sflag:s22] =	dma.local [spmem:s23], $0x100  }
0xcf: {  	_ =	swait.ge [sflag:s9], $0x100  }
0xd0: {  	[sflag:s9] =	ssyncset.done $0x0  }
0xd1: {  	[sflag:s9] =	ssyncadd.s32 $0xFFFFFF00  }
0xd2: {  	_ =	sfence.sel $0x180000  }
0xd3: {  	[bflag:$0x0] =	sbarrier.arrive $0xFFFF  }
0xd4: {  	p0 =	sne.s32 s2, $0x0;
	_ =	strace $0x90000047  }
0xd5: {  	s0 =	sadd.s32 @!p0 $0x100000, s0;
	[bflag:$0x2] =	sbarrier.arrive $0xFFFF  }
0xd6: {  	[sflag:s0] =	ssyncadd.tile.s32 @!p0 $0x1;
	_ =	shalt  }
.Lfunc_end2:
_tile_overlayer_lowered:
.L_overlay_start_2:
0xd7: {  	(tag) =	ssettag $0x2  }
0xd8: {  	s0 =	rddreg [dreg:$0x0];
	s2 =	stileid.u32  }
0xd9: {  	s1 =	rddreg [dreg:$0x1];
	p0 =	sne.s32 s2, $0x0  }
0xda: {  	s3 =	rddreg [dreg:$0x2];
	[bflag:$0x3] =	sbarrier.arrive $0xFFFF;
	s2 =	simm.s32 @!p0 $0x1C01  }
0xdb: {  	[timem:s3], [sflag:s2] =	dma.local @!p0 [hbm:s0], s1  }
0xdc: {  	s0 =	simm.s32 @!p0 $0x1  }
0xdd: {  	_ =	swait.ge @!p0 [sflag:s0], s1  }
0xde: {  	s1 =	ssub.s32 @!p0 $0x0, s1;
	[sflag:s0] =	ssyncset.done @!p0 $0x0  }
0xdf: {  	[sflag:s0] =	ssyncadd.s32 @!p0 s1  }
0xe0: {  	[bflag:$0x3] =	sbarrier.arrive $0xFFFF  }
0xe1: {  	_ =	shalt  }

</sc_bundles>
